<compile_context>
chip_gen: v7x
topology: tpu7x:2x2x1
jax: 0.10.2.dev20260603
libtpu: 0.0.44.dev20260713+nightly
codegen_flags: <defaults>
</compile_context>

<pallas_src>
import functools

import jax
import jax.numpy as jnp
from jax import lax
from jax.experimental import pallas as pl
from jax.experimental.pallas import tpu as pltpu
from jax.experimental.pallas import tpu_sc as plsc

N = 10000
NP = 10240
E = 320000
EP = 327680
D_IN = 128
D_HID = 16
D_OUT = 2
NTILES = 32
EBLK = 2048
F32 = jnp.float32


def _tc1_body(x_ref, w_ref, asv_ref, adv_ref, h_ref, as_ref, ad_ref):
    h = jnp.dot(x_ref[...], w_ref[...], preferred_element_type=F32)
    h_ref[...] = h
    as_ref[...] = jnp.sum(h * asv_ref[...], axis=1, keepdims=True)
    ad_ref[...] = jnp.sum(h * adv_ref[...], axis=1, keepdims=True)


def _tc1(xp, W1, asv, adv):
    blk = 2560
    grid = NP // blk
    return pl.pallas_call(
        _tc1_body,
        grid=(grid,),
        in_specs=[
            pl.BlockSpec((blk, D_IN), lambda i: (i, 0)),
            pl.BlockSpec((D_IN, D_HID), lambda i: (0, 0)),
            pl.BlockSpec((1, D_HID), lambda i: (0, 0)),
            pl.BlockSpec((1, D_HID), lambda i: (0, 0)),
        ],
        out_specs=[
            pl.BlockSpec((blk, D_HID), lambda i: (i, 0)),
            pl.BlockSpec((blk, 1), lambda i: (i, 0)),
            pl.BlockSpec((blk, 1), lambda i: (i, 0)),
        ],
        out_shape=[
            jax.ShapeDtypeStruct((NP, D_HID), F32),
            jax.ShapeDtypeStruct((NP, 1), F32),
            jax.ShapeDtypeStruct((NP, 1), F32),
        ],
    )(xp, W1, asv, adv)


def _make_sc_edge_pass(d_cols, n_cgroups, eblk):
    cpt = d_cols // n_cgroups
    n_eg = NTILES // n_cgroups
    chunk = EP // n_eg
    n_blk = chunk // eblk
    assert n_blk % 2 == 0

    mesh = plsc.VectorSubcoreMesh(core_axis_name="c", subcore_axis_name="s")

    @functools.partial(
        pl.kernel,
        out_type=[
            jax.ShapeDtypeStruct((NTILES, cpt, NP), F32),
            jax.ShapeDtypeStruct((NTILES, NP), F32),
        ],
        mesh=mesh,
        compiler_params=pltpu.CompilerParams(needs_layout_passes=False),
        scratch_types=[
            pltpu.VMEM((NP,), F32),
            pltpu.VMEM((NP,), F32),
            pltpu.VMEM((cpt, NP), F32),
            pltpu.VMEM((cpt, NP), F32),
            pltpu.VMEM((NP,), F32),
            pltpu.VMEM((2, eblk), jnp.int32),
            pltpu.VMEM((2, eblk), jnp.int32),
            pltpu.SemaphoreType.DMA,
            pltpu.SemaphoreType.DMA((2,)),
            pltpu.SemaphoreType.DMA((2,)),
        ],
    )
    def edge_pass(src_hbm, dst_hbm, ht_hbm, as_hbm, ad_hbm,
                  num_out, den_out, as_tab, ad_tab, hc, nacc, dacc,
                  sbuf, dbuf, sem_t, sem_s, sem_d):
        cid = lax.axis_index("c")
        sid = lax.axis_index("s")
        wid = sid * 2 + cid
        eg = wid // n_cgroups
        cg = wid % n_cgroups
        base = eg * chunk

        t1 = pltpu.async_copy(as_hbm, as_tab, sem_t)
        t2 = pltpu.async_copy(ad_hbm, ad_tab, sem_t)
        t3 = pltpu.async_copy(ht_hbm.at[pl.ds(cg * cpt, cpt)], hc, sem_t)
        for k in (0, 1):
            pltpu.async_copy(src_hbm.at[pl.ds(base + k * eblk, eblk)],
                             sbuf.at[k], sem_s.at[k])
            pltpu.async_copy(dst_hbm.at[pl.ds(base + k * eblk, eblk)],
                             dbuf.at[k], sem_d.at[k])

        zero16 = jnp.zeros((16,), F32)

        @plsc.parallel_loop(0, NP // 16, unroll=4)
        def _(i):
            dacc[pl.ds(i * 16, 16)] = zero16
            for j in range(cpt):
                nacc[j, pl.ds(i * 16, 16)] = zero16

        t1.wait()
        t2.wait()
        t3.wait()

        def blk_body(bb, _):
            for k in (0, 1):
                b = bb * 2 + k
                pltpu.make_async_copy(src_hbm.at[pl.ds(base, eblk)],
                                      sbuf.at[k], sem_s.at[k]).wait()
                pltpu.make_async_copy(dst_hbm.at[pl.ds(base, eblk)],
                                      dbuf.at[k], sem_d.at[k]).wait()

                @plsc.parallel_loop(0, eblk // 16, unroll=4)
                def _(i):
                    s16 = sbuf[k, pl.ds(i * 16, 16)]
                    d16 = dbuf[k, pl.ds(i * 16, 16)]
                    av = plsc.load_gather(as_tab, [s16])
                    bv = plsc.load_gather(ad_tab, [d16])
                    e = av + bv
                    e = jnp.where(e > 0, e, 0.2 * e)
                    ex = jnp.exp(e)
                    plsc.addupdate_scatter(dacc, [d16], ex)
                    for j in range(cpt):
                        jv = jnp.full((16,), j, jnp.int32)
                        hv = plsc.load_gather(hc, [jv, s16])
                        plsc.addupdate_scatter(nacc, [jv, d16], hv * ex)

                @pl.when(b + 2 < n_blk)
                def _():
                    off = base + (b + 2) * eblk
                    pltpu.async_copy(src_hbm.at[pl.ds(off, eblk)],
                                     sbuf.at[k], sem_s.at[k])
                    pltpu.async_copy(dst_hbm.at[pl.ds(off, eblk)],
                                     dbuf.at[k], sem_d.at[k])
            return ()

        lax.fori_loop(0, n_blk // 2, blk_body, ())

        pltpu.sync_copy(nacc, num_out.at[wid])
        pltpu.sync_copy(dacc, den_out.at[wid])

    return edge_pass


_sc_pass1 = _make_sc_edge_pass(D_HID, 4, 2048)
_sc_pass2 = _make_sc_edge_pass(D_OUT, 1, 1024)


def _tc2_body(numP_ref, denP_ref, h1t_ref, as_ref, ad_ref, b1_ref, w2_ref,
              asv2_ref, adv2_ref, h2t_ref, as2_ref, ad2_ref):
    rows = []
    for c in range(D_HID):
        cg, j = divmod(c, 4)
        v = numP_ref[cg, j:j + 1, :]
        for eg in range(1, 8):
            v = v + numP_ref[eg * 4 + cg, j:j + 1, :]
        rows.append(v)
    num = jnp.concatenate(rows, axis=0)
    den = denP_ref[0:1, :]
    for eg in range(1, 8):
        den = den + denP_ref[eg * 4:eg * 4 + 1, :]

    a = as_ref[...] + ad_ref[...]
    ex_self = jnp.exp(jnp.where(a > 0, a, 0.2 * a))
    h1t = h1t_ref[...]
    out1 = (num + ex_self * h1t) / (den + ex_self + 1e-16) + b1_ref[...]
    z = jnp.maximum(out1, 0.0)

    h2_rows = []
    for c in range(D_OUT):
        h2_rows.append(jnp.sum(z * w2_ref[:, c:c + 1], axis=0, keepdims=True))
    h2t = jnp.concatenate(h2_rows, axis=0)
    h2t_ref[...] = h2t
    as2_ref[...] = jnp.sum(h2t * asv2_ref[...], axis=0, keepdims=True)
    ad2_ref[...] = jnp.sum(h2t * adv2_ref[...], axis=0, keepdims=True)


def _tc2(numP, denP, h1t, a_s, a_d, b1, W2, asv2, adv2):
    return pl.pallas_call(
        _tc2_body,
        out_shape=[
            jax.ShapeDtypeStruct((D_OUT, NP), F32),
            jax.ShapeDtypeStruct((1, NP), F32),
            jax.ShapeDtypeStruct((1, NP), F32),
        ],
    )(numP, denP, h1t, a_s, a_d, b1, W2, asv2, adv2)


def _tc3_body(numP_ref, denP_ref, h2t_ref, as_ref, ad_ref, b2_ref, out_ref):
    rows = []
    for c in range(D_OUT):
        v = numP_ref[0, c:c + 1, :]
        for w in range(1, NTILES):
            v = v + numP_ref[w, c:c + 1, :]
        rows.append(v)
    num = jnp.concatenate(rows, axis=0)
    den = denP_ref[0:1, :]
    for w in range(1, NTILES):
        den = den + denP_ref[w:w + 1, :]

    a = as_ref[...] + ad_ref[...]
    ex_self = jnp.exp(jnp.where(a > 0, a, 0.2 * a))
    out2 = (num + ex_self * h2t_ref[...]) / (den + ex_self + 1e-16) + b2_ref[...]
    m = jnp.max(out2, axis=0, keepdims=True)
    lse = m + jnp.log(jnp.sum(jnp.exp(out2 - m), axis=0, keepdims=True))
    out_ref[...] = out2 - lse


def _tc3(numP, denP, h2t, as2, ad2, b2):
    return pl.pallas_call(
        _tc3_body,
        out_shape=jax.ShapeDtypeStruct((D_OUT, NP), F32),
    )(numP, denP, h2t, as2, ad2, b2)


def kernel(x, edge_index, W1, att_src1, att_dst1, b1, W2, att_src2, att_dst2,
           b2):
    pad = jnp.full((2, EP - E), N, jnp.int32)
    ei = jnp.concatenate([edge_index.astype(jnp.int32), pad], axis=1)
    src, dst = ei[0], ei[1]

    xp = jnp.concatenate([x, jnp.zeros((NP - N, D_IN), F32)], axis=0)
    h1, a_s1, a_d1 = _tc1(xp, W1, att_src1.reshape(1, D_HID),
                          att_dst1.reshape(1, D_HID))
    h1t = h1.T
    as1_row = a_s1.reshape(1, NP)
    ad1_row = a_d1.reshape(1, NP)

    numP1, denP1 = _sc_pass1(src, dst, h1t, a_s1.reshape(NP),
                             a_d1.reshape(NP))

    h2t, as2_row, ad2_row = _tc2(numP1, denP1, h1t, as1_row, ad1_row,
                                 b1.reshape(D_HID, 1), W2,
                                 att_src2.reshape(D_OUT, 1),
                                 att_dst2.reshape(D_OUT, 1))

    numP2, denP2 = _sc_pass2(src, dst, h2t, as2_row.reshape(NP),
                             ad2_row.reshape(NP))

    outT = _tc3(numP2, denP2, h2t, as2_row, ad2_row, b2.reshape(D_OUT, 1))
    return outT.T[:N]

# --- scband reference (transcript-rebuilt; emitter-appended) ---
"""Pipeline reference for scband-gat-56659208568993 (READ-ONLY COPY).

The authoritative reference and input builder live on the scoring server;
editing this copy changes nothing except your own understanding.
"""

import jax, jax.numpy as jnp
import numpy as np

N_NODES = 10000
N_EDGES = 320000
D_IN = 128
D_HID = 16
D_OUT = 2


def gat_conv(x, edge_index, W, att_src, att_dst, bias):
    # Faithful to PyG GATConv (heads=1, concat=True, negative_slope=0.2, add_self_loops=True)
    N = x.shape[0]
    loops = jnp.arange(N, dtype=edge_index.dtype)
    src = jnp.concatenate([edge_index[0], loops])
    dst = jnp.concatenate([edge_index[1], loops])
    h = x @ W  # [N, out]
    a_s = (h * att_src).sum(-1)  # [N]
    a_d = (h * att_dst).sum(-1)  # [N]
    e = a_s[src] + a_d[dst]  # [E+N]
    e = jnp.where(e > 0, e, 0.2 * e)  # LeakyReLU(0.2)
    m = jax.ops.segment_max(e, dst, num_segments=N)
    m = jax.lax.stop_gradient(m)
    ex = jnp.exp(e - m[dst])
    den = jax.ops.segment_sum(ex, dst, num_segments=N)
    alpha = ex / (den[dst] + 1e-16)  # softmax over incoming edges per dst
    out = jax.ops.segment_sum(h[src] * alpha[:, None], dst, num_segments=N)
    return out + bias


def setup_inputs(seed: int = 0) -> dict:
    key = jax.random.key(seed)
    ks = jax.random.split(key, 12)
    x = jax.random.normal(ks[0], (N_NODES, D_IN), dtype=jnp.float32)
    edge_index = jax.random.randint(ks[1], (2, N_EDGES), 0, N_NODES, dtype=jnp.int32)
    s1 = 1.0 / np.sqrt(D_IN)
    s2 = 1.0 / np.sqrt(D_HID)
    W1 = jax.random.normal(ks[2], (D_IN, D_HID), dtype=jnp.float32) * s1
    att_src1 = jax.random.normal(ks[3], (D_HID,), dtype=jnp.float32) * s2
    att_dst1 = jax.random.normal(ks[4], (D_HID,), dtype=jnp.float32) * s2
    b1 = jnp.zeros((D_HID,), dtype=jnp.float32)
    W2 = jax.random.normal(ks[5], (D_HID, D_OUT), dtype=jnp.float32) * s2
    att_src2 = jax.random.normal(ks[6], (D_OUT,), dtype=jnp.float32)
    att_dst2 = jax.random.normal(ks[7], (D_OUT,), dtype=jnp.float32)
    b2 = jnp.zeros((D_OUT,), dtype=jnp.float32)
    return {"x": x, "edge_index": edge_index, "W1": W1, "att_src1": att_src1,
            "att_dst1": att_dst1, "b1": b1, "W2": W2, "att_src2": att_src2,
            "att_dst2": att_dst2, "b2": b2}


def reference(x, edge_index, W1, att_src1, att_dst1, b1, W2, att_src2, att_dst2, b2):
    h = gat_conv(x, edge_index, W1, att_src1, att_dst1, b1)
    h = jax.nn.relu(h)
    # F.dropout(training=self.training) is identity at inference; omitted
    out = gat_conv(h, edge_index, W2, att_src2, att_dst2, b2)
    return jax.nn.log_softmax(out, axis=1)

if __name__ == "__main__":
    import jax
    _d = setup_inputs()
    print(jax.jit(kernel)(*tuple(_d.values())))

</pallas_src>

<mosaic_0001>
#map = affine_map<(d0, d1) -> (0)>
#map1 = affine_map<(d0, d1) -> (0, 0)>
#map2 = affine_map<(d0, d1) -> (0, 0, 0)>
module attributes {stable_mosaic.version = 14 : i64} {
  func.func @edge_pass(%arg0: i32, %arg1: i32, %arg2: memref<327680xi32, #tpu.memory_space<hbm>>, %arg3: memref<327680xi32, #tpu.memory_space<hbm>>, %arg4: memref<16x10240xf32, #tpu.memory_space<hbm>>, %arg5: memref<10240xf32, #tpu.memory_space<hbm>>, %arg6: memref<10240xf32, #tpu.memory_space<hbm>>, %arg7: memref<32x4x10240xf32, #tpu.memory_space<hbm>>, %arg8: memref<32x10240xf32, #tpu.memory_space<hbm>>, %arg9: memref<10240xf32, #tpu.memory_space<vmem>>, %arg10: memref<10240xf32, #tpu.memory_space<vmem>>, %arg11: memref<4x10240xf32, #tpu.memory_space<vmem>>, %arg12: memref<4x10240xf32, #tpu.memory_space<vmem>>, %arg13: memref<10240xf32, #tpu.memory_space<vmem>>, %arg14: memref<2x2048xi32, #tpu.memory_space<vmem>>, %arg15: memref<2x2048xi32, #tpu.memory_space<vmem>>, %arg16: memref<!tpu.dma_semaphore, #tpu.memory_space<semaphore_mem>>, %arg17: memref<2x!tpu.dma_semaphore, #tpu.memory_space<semaphore_mem>>, %arg18: memref<2x!tpu.dma_semaphore, #tpu.memory_space<semaphore_mem>>) attributes {dimension_semantics = [#tpu.dimension_semantics<core_parallel>, #tpu.dimension_semantics<subcore_parallel>], iteration_bounds = array<i64: 2, 16>, scalar_prefetch = 0 : i64, scratch_operands = 10 : i64, tpu.core_type = #tpu.core_type<sc_vector_subcore>, window_params = [{transform_indices = #map}, {transform_indices = #map}, {transform_indices = #map1}, {transform_indices = #map}, {transform_indices = #map}, {transform_indices = #map2}, {transform_indices = #map1}]} {
    %mul3A = arith.constant 2 : i32
    %mul3A_0 = arith.muli %arg1, %mul3A : i32
    %add3A = arith.addi %mul3A_0, %arg0 : i32
    %jit3A = arith.constant 4 : i32
    %div3A = arith.divsi %add3A, %jit3A : i32
    %sign3A = arith.constant 0 : i32
    %sign3A_1 = arith.cmpi sgt, %add3A, %sign3A : i32
    %sign3A_2 = arith.extui %sign3A_1 : i1 to i32
    %sign3A_3 = arith.constant 0 : i32
    %sign3A_4 = arith.cmpi slt, %add3A, %sign3A_3 : i32
    %sign3A_5 = arith.extui %sign3A_4 : i1 to i32
    %sign3A_6 = arith.subi %sign3A_2, %sign3A_5 : i32
    %sign3A_7 = arith.constant 0 : i32
    %sign3A_8 = arith.cmpi sgt, %jit3A, %sign3A_7 : i32
    %sign3A_9 = arith.extui %sign3A_8 : i1 to i32
    %sign3A_10 = arith.constant 0 : i32
    %sign3A_11 = arith.cmpi slt, %jit3A, %sign3A_10 : i32
    %sign3A_12 = arith.extui %sign3A_11 : i1 to i32
    %sign3A_13 = arith.subi %sign3A_9, %sign3A_12 : i32
    %ne3A = arith.cmpi ne, %sign3A_6, %sign3A_13 : i32
    %rem3A = arith.remsi %add3A, %jit3A : i32
    %ne3A_14 = arith.constant 0 : i32
    %ne3A_15 = arith.cmpi ne, %rem3A, %ne3A_14 : i32
    %and3A = arith.andi %ne3A, %ne3A_15 : i1
    %sub3A = arith.constant 1 : i32
    %sub3A_16 = arith.subi %div3A, %sub3A : i32
    %select_n3A = arith.select %and3A, %sub3A_16, %div3A : i32
    %jit3A_17 = arith.constant 4 : i32
    %eq3A = arith.constant 0 : i32
    %eq3A_18 = arith.cmpi eq, %jit3A_17, %eq3A : i32
    %jit3A_19 = arith.constant 1 : i32
    %select_n3A_20 = arith.select %eq3A_18, %jit3A_19, %jit3A_17 : i32
    %rem3A_21 = arith.remsi %add3A, %select_n3A_20 : i32
    %ne3A_22 = arith.constant 0 : i32
    %ne3A_23 = arith.cmpi ne, %rem3A_21, %ne3A_22 : i32
    %lt3A = arith.constant 0 : i32
    %lt3A_24 = arith.cmpi slt, %rem3A_21, %lt3A : i32
    %lt3A_25 = arith.constant 0 : i32
    %lt3A_26 = arith.cmpi slt, %select_n3A_20, %lt3A_25 : i32
    %ne3A_27 = arith.xori %lt3A_24, %lt3A_26 : i1
    %and3A_28 = arith.andi %ne3A_27, %ne3A_23 : i1
    %add3A_29 = arith.addi %rem3A_21, %select_n3A_20 : i32
    %select_n3A_30 = arith.select %and3A_28, %add3A_29, %rem3A_21 : i32
    %mul3A_31 = arith.constant 40960 : i32
    %mul3A_32 = arith.muli %select_n3A, %mul3A_31 : i32
    tpu.enqueue_dma source(%arg5 : memref<10240xf32, #tpu.memory_space<hbm>>) target(%arg9 : memref<10240xf32, #tpu.memory_space<vmem>>) target_semaphore(%arg16 : memref<!tpu.dma_semaphore, #tpu.memory_space<semaphore_mem>>)
    tpu.enqueue_dma source(%arg6 : memref<10240xf32, #tpu.memory_space<hbm>>) target(%arg10 : memref<10240xf32, #tpu.memory_space<vmem>>) target_semaphore(%arg16 : memref<!tpu.dma_semaphore, #tpu.memory_space<semaphore_mem>>)
    %mul3A_33 = arith.constant 4 : i32
    %mul3A_34 = arith.muli %select_n3A_30, %mul3A_33 : i32
    %dma_start3A = arith.constant 0 : i32
    %dma_start3A_35 = tpu.memref_slice %arg4[%mul3A_34, %dma_start3A] : memref<16x10240xf32, #tpu.memory_space<hbm>> -> memref<4x10240xf32, #tpu.memory_space<hbm>>
    %dma_start3A_36 = arith.constant 0 : i32
    %dma_start3A_37 = tpu.memref_slice %arg4[%mul3A_34, %dma_start3A_36] : memref<16x10240xf32, #tpu.memory_space<hbm>> -> memref<4x10240xf32, #tpu.memory_space<hbm>>
    tpu.enqueue_dma source(%dma_start3A_37 : memref<4x10240xf32, #tpu.memory_space<hbm>>) target(%arg11 : memref<4x10240xf32, #tpu.memory_space<vmem>>) target_semaphore(%arg16 : memref<!tpu.dma_semaphore, #tpu.memory_space<semaphore_mem>>)
    %add3A_38 = arith.constant 0 : i32
    %add3A_39 = arith.addi %mul3A_32, %add3A_38 : i32
    %dma_start3A_40 = arith.constant 0 : i32
    %dma_start3A_41 = arith.constant 0 : i32
    %dma_start3A_42 = arith.constant 0 : i32
    %dma_start3A_43 = tpu.memref_slice %arg14[%dma_start3A_40, %dma_start3A_42] : memref<2x2048xi32, #tpu.memory_space<vmem>> -> memref<1x2048xi32, #tpu.memory_space<vmem>>
    %dma_start3A_44 = tpu.memref_squeeze %dma_start3A_43 : memref<1x2048xi32, #tpu.memory_space<vmem>> -> memref<2048xi32, #tpu.memory_space<vmem>>
    %dma_start3A_45 = tpu.memref_slice %arg2[%add3A_39] : memref<327680xi32, #tpu.memory_space<hbm>> -> memref<2048xi32, #tpu.memory_space<hbm>>
    %dma_start3A_46 = tpu.memref_slice %arg17[%dma_start3A_41] : memref<2x!tpu.dma_semaphore, #tpu.memory_space<semaphore_mem>> -> memref<1x!tpu.dma_semaphore, #tpu.memory_space<semaphore_mem>>
    %dma_start3A_47 = tpu.memref_squeeze %dma_start3A_46 : memref<1x!tpu.dma_semaphore, #tpu.memory_space<semaphore_mem>> -> memref<!tpu.dma_semaphore, #tpu.memory_space<semaphore_mem>>
    %dma_start3A_48 = arith.constant 0 : i32
    %dma_start3A_49 = tpu.memref_slice %arg14[%dma_start3A_40, %dma_start3A_48] : memref<2x2048xi32, #tpu.memory_space<vmem>> -> memref<1x2048xi32, #tpu.memory_space<vmem>>
    %dma_start3A_50 = tpu.memref_squeeze %dma_start3A_49 : memref<1x2048xi32, #tpu.memory_space<vmem>> -> memref<2048xi32, #tpu.memory_space<vmem>>
    %dma_start3A_51 = tpu.memref_slice %arg2[%add3A_39] : memref<327680xi32, #tpu.memory_space<hbm>> -> memref<2048xi32, #tpu.memory_space<hbm>>
    tpu.enqueue_dma source(%dma_start3A_51 : memref<2048xi32, #tpu.memory_space<hbm>>) target(%dma_start3A_50 : memref<2048xi32, #tpu.memory_space<vmem>>) target_semaphore(%dma_start3A_47 : memref<!tpu.dma_semaphore, #tpu.memory_space<semaphore_mem>>)
    %add3A_52 = arith.constant 0 : i32
    %add3A_53 = arith.addi %mul3A_32, %add3A_52 : i32
    %dma_start3A_54 = arith.constant 0 : i32
    %dma_start3A_55 = arith.constant 0 : i32
    %dma_start3A_56 = arith.constant 0 : i32
    %dma_start3A_57 = tpu.memref_slice %arg15[%dma_start3A_54, %dma_start3A_56] : memref<2x2048xi32, #tpu.memory_space<vmem>> -> memref<1x2048xi32, #tpu.memory_space<vmem>>
    %dma_start3A_58 = tpu.memref_squeeze %dma_start3A_57 : memref<1x2048xi32, #tpu.memory_space<vmem>> -> memref<2048xi32, #tpu.memory_space<vmem>>
    %dma_start3A_59 = tpu.memref_slice %arg3[%add3A_53] : memref<327680xi32, #tpu.memory_space<hbm>> -> memref<2048xi32, #tpu.memory_space<hbm>>
    %dma_start3A_60 = tpu.memref_slice %arg18[%dma_start3A_55] : memref<2x!tpu.dma_semaphore, #tpu.memory_space<semaphore_mem>> -> memref<1x!tpu.dma_semaphore, #tpu.memory_space<semaphore_mem>>
    %dma_start3A_61 = tpu.memref_squeeze %dma_start3A_60 : memref<1x!tpu.dma_semaphore, #tpu.memory_space<semaphore_mem>> -> memref<!tpu.dma_semaphore, #tpu.memory_space<semaphore_mem>>
    %dma_start3A_62 = arith.constant 0 : i32
    %dma_start3A_63 = tpu.memref_slice %arg15[%dma_start3A_54, %dma_start3A_62] : memref<2x2048xi32, #tpu.memory_space<vmem>> -> memref<1x2048xi32, #tpu.memory_space<vmem>>
    %dma_start3A_64 = tpu.memref_squeeze %dma_start3A_63 : memref<1x2048xi32, #tpu.memory_space<vmem>> -> memref<2048xi32, #tpu.memory_space<vmem>>
    %dma_start3A_65 = tpu.memref_slice %arg3[%add3A_53] : memref<327680xi32, #tpu.memory_space<hbm>> -> memref<2048xi32, #tpu.memory_space<hbm>>
    tpu.enqueue_dma source(%dma_start3A_65 : memref<2048xi32, #tpu.memory_space<hbm>>) target(%dma_start3A_64 : memref<2048xi32, #tpu.memory_space<vmem>>) target_semaphore(%dma_start3A_61 : memref<!tpu.dma_semaphore, #tpu.memory_space<semaphore_mem>>)
    %add3A_66 = arith.constant 2048 : i32
    %add3A_67 = arith.addi %mul3A_32, %add3A_66 : i32
    %dma_start3A_68 = arith.constant 1 : i32
    %dma_start3A_69 = arith.constant 1 : i32
    %dma_start3A_70 = arith.constant 0 : i32
    %dma_start3A_71 = tpu.memref_slice %arg14[%dma_start3A_68, %dma_start3A_70] : memref<2x2048xi32, #tpu.memory_space<vmem>> -> memref<1x2048xi32, #tpu.memory_space<vmem>>
    %dma_start3A_72 = tpu.memref_squeeze %dma_start3A_71 : memref<1x2048xi32, #tpu.memory_space<vmem>> -> memref<2048xi32, #tpu.memory_space<vmem>>
    %dma_start3A_73 = tpu.memref_slice %arg2[%add3A_67] : memref<327680xi32, #tpu.memory_space<hbm>> -> memref<2048xi32, #tpu.memory_space<hbm>>
    %dma_start3A_74 = tpu.memref_slice %arg17[%dma_start3A_69] : memref<2x!tpu.dma_semaphore, #tpu.memory_space<semaphore_mem>> -> memref<1x!tpu.dma_semaphore, #tpu.memory_space<semaphore_mem>>
    %dma_start3A_75 = tpu.memref_squeeze %dma_start3A_74 : memref<1x!tpu.dma_semaphore, #tpu.memory_space<semaphore_mem>> -> memref<!tpu.dma_semaphore, #tpu.memory_space<semaphore_mem>>
    %dma_start3A_76 = arith.constant 0 : i32
    %dma_start3A_77 = tpu.memref_slice %arg14[%dma_start3A_68, %dma_start3A_76] : memref<2x2048xi32, #tpu.memory_space<vmem>> -> memref<1x2048xi32, #tpu.memory_space<vmem>>
    %dma_start3A_78 = tpu.memref_squeeze %dma_start3A_77 : memref<1x2048xi32, #tpu.memory_space<vmem>> -> memref<2048xi32, #tpu.memory_space<vmem>>
    %dma_start3A_79 = tpu.memref_slice %arg2[%add3A_67] : memref<327680xi32, #tpu.memory_space<hbm>> -> memref<2048xi32, #tpu.memory_space<hbm>>
    tpu.enqueue_dma source(%dma_start3A_79 : memref<2048xi32, #tpu.memory_space<hbm>>) target(%dma_start3A_78 : memref<2048xi32, #tpu.memory_space<vmem>>) target_semaphore(%dma_start3A_75 : memref<!tpu.dma_semaphore, #tpu.memory_space<semaphore_mem>>)
    %add3A_80 = arith.constant 2048 : i32
    %add3A_81 = arith.addi %mul3A_32, %add3A_80 : i32
    %dma_start3A_82 = arith.constant 1 : i32
    %dma_start3A_83 = arith.constant 1 : i32
    %dma_start3A_84 = arith.constant 0 : i32
    %dma_start3A_85 = tpu.memref_slice %arg15[%dma_start3A_82, %dma_start3A_84] : memref<2x2048xi32, #tpu.memory_space<vmem>> -> memref<1x2048xi32, #tpu.memory_space<vmem>>
    %dma_start3A_86 = tpu.memref_squeeze %dma_start3A_85 : memref<1x2048xi32, #tpu.memory_space<vmem>> -> memref<2048xi32, #tpu.memory_space<vmem>>
    %dma_start3A_87 = tpu.memref_slice %arg3[%add3A_81] : memref<327680xi32, #tpu.memory_space<hbm>> -> memref<2048xi32, #tpu.memory_space<hbm>>
    %dma_start3A_88 = tpu.memref_slice %arg18[%dma_start3A_83] : memref<2x!tpu.dma_semaphore, #tpu.memory_space<semaphore_mem>> -> memref<1x!tpu.dma_semaphore, #tpu.memory_space<semaphore_mem>>
    %dma_start3A_89 = tpu.memref_squeeze %dma_start3A_88 : memref<1x!tpu.dma_semaphore, #tpu.memory_space<semaphore_mem>> -> memref<!tpu.dma_semaphore, #tpu.memory_space<semaphore_mem>>
    %dma_start3A_90 = arith.constant 0 : i32
    %dma_start3A_91 = tpu.memref_slice %arg15[%dma_start3A_82, %dma_start3A_90] : memref<2x2048xi32, #tpu.memory_space<vmem>> -> memref<1x2048xi32, #tpu.memory_space<vmem>>
    %dma_start3A_92 = tpu.memref_squeeze %dma_start3A_91 : memref<1x2048xi32, #tpu.memory_space<vmem>> -> memref<2048xi32, #tpu.memory_space<vmem>>
    %dma_start3A_93 = tpu.memref_slice %arg3[%add3A_81] : memref<327680xi32, #tpu.memory_space<hbm>> -> memref<2048xi32, #tpu.memory_space<hbm>>
    tpu.enqueue_dma source(%dma_start3A_93 : memref<2048xi32, #tpu.memory_space<hbm>>) target(%dma_start3A_92 : memref<2048xi32, #tpu.memory_space<vmem>>) target_semaphore(%dma_start3A_89 : memref<!tpu.dma_semaphore, #tpu.memory_space<semaphore_mem>>)
    %broadcast_in_dim3A = arith.constant 0.000000e+00 : f32
    %broadcast_in_dim3A_94 = vector.broadcast %broadcast_in_dim3A : f32 to vector<16xf32>
    %parallel_loop3A = arith.constant 0 : i32
    %parallel_loop3A_95 = arith.constant 640 : i32
    %parallel_loop3A_96 = arith.constant 1 : i32
    scf.for %parallel_loop3A_104 = %parallel_loop3A to %parallel_loop3A_95 step %parallel_loop3A_96  : i32 {
      %parallel_loop3A_105 = arith.constant 16 : i32
      %parallel_loop3A_106 = arith.muli %parallel_loop3A_104, %parallel_loop3A_105 : i32
      %parallel_loop3A_107 = arith.index_cast %parallel_loop3A_106 : i32 to index
      %parallel_loop3A_108 = tpu.vector_load %arg13[%parallel_loop3A_107] {strides = array<i32>} : memref<10240xf32, #tpu.memory_space<vmem>>, vector<16xf32>,
      tpu.vector_store %arg13[%parallel_loop3A_107], %broadcast_in_dim3A_94 {strides = array<i32>} : memref<10240xf32, #tpu.memory_space<vmem>>, vector<16xf32>,
      %parallel_loop3A_109 = arith.constant 16 : i32
      %parallel_loop3A_110 = arith.muli %parallel_loop3A_104, %parallel_loop3A_109 : i32
      %parallel_loop3A_111 = arith.constant 0 : i32
      %parallel_loop3A_112 = arith.index_cast %parallel_loop3A_111 : i32 to index
      %parallel_loop3A_113 = arith.index_cast %parallel_loop3A_110 : i32 to index
      %parallel_loop3A_114 = tpu.vector_load %arg12[%parallel_loop3A_112, %parallel_loop3A_113] {strides = array<i32>} : memref<4x10240xf32, #tpu.memory_space<vmem>>, vector<16xf32>,
      tpu.vector_store %arg12[%parallel_loop3A_112, %parallel_loop3A_113], %broadcast_in_dim3A_94 {strides = array<i32>} : memref<4x10240xf32, #tpu.memory_space<vmem>>, vector<16xf32>,
      %parallel_loop3A_115 = arith.constant 16 : i32
      %parallel_loop3A_116 = arith.muli %parallel_loop3A_104, %parallel_loop3A_115 : i32
      %parallel_loop3A_117 = arith.constant 1 : i32
      %parallel_loop3A_118 = arith.index_cast %parallel_loop3A_117 : i32 to index
      %parallel_loop3A_119 = arith.index_cast %parallel_loop3A_116 : i32 to index
      %parallel_loop3A_120 = tpu.vector_load %arg12[%parallel_loop3A_118, %parallel_loop3A_119] {strides = array<i32>} : memref<4x10240xf32, #tpu.memory_space<vmem>>, vector<16xf32>,
      tpu.vector_store %arg12[%parallel_loop3A_118, %parallel_loop3A_119], %broadcast_in_dim3A_94 {strides = array<i32>} : memref<4x10240xf32, #tpu.memory_space<vmem>>, vector<16xf32>,
      %parallel_loop3A_121 = arith.constant 16 : i32
      %parallel_loop3A_122 = arith.muli %parallel_loop3A_104, %parallel_loop3A_121 : i32
      %parallel_loop3A_123 = arith.constant 2 : i32
      %parallel_loop3A_124 = arith.index_cast %parallel_loop3A_123 : i32 to index
      %parallel_loop3A_125 = arith.index_cast %parallel_loop3A_122 : i32 to index
      %parallel_loop3A_126 = tpu.vector_load %arg12[%parallel_loop3A_124, %parallel_loop3A_125] {strides = array<i32>} : memref<4x10240xf32, #tpu.memory_space<vmem>>, vector<16xf32>,
      tpu.vector_store %arg12[%parallel_loop3A_124, %parallel_loop3A_125], %broadcast_in_dim3A_94 {strides = array<i32>} : memref<4x10240xf32, #tpu.memory_space<vmem>>, vector<16xf32>,
      %parallel_loop3A_127 = arith.constant 16 : i32
      %parallel_loop3A_128 = arith.muli %parallel_loop3A_104, %parallel_loop3A_127 : i32
      %parallel_loop3A_129 = arith.constant 3 : i32
      %parallel_loop3A_130 = arith.index_cast %parallel_loop3A_129 : i32 to index
      %parallel_loop3A_131 = arith.index_cast %parallel_loop3A_128 : i32 to index
      %parallel_loop3A_132 = tpu.vector_load %arg12[%parallel_loop3A_130, %parallel_loop3A_131] {strides = array<i32>} : memref<4x10240xf32, #tpu.memory_space<vmem>>, vector<16xf32>,
      tpu.vector_store %arg12[%parallel_loop3A_130, %parallel_loop3A_131], %broadcast_in_dim3A_94 {strides = array<i32>} : memref<4x10240xf32, #tpu.memory_space<vmem>>, vector<16xf32>,
    } {sc.loop_unroll_factor = 4 : i64, sc.parallel_access}
    tpu.wait_dma2 semaphore(%arg16 : memref<!tpu.dma_semaphore, #tpu.memory_space<semaphore_mem>>) src(%arg5 : memref<10240xf32, #tpu.memory_space<hbm>>) dst(%arg9 : memref<10240xf32, #tpu.memory_space<vmem>>)
    tpu.wait_dma2 semaphore(%arg16 : memref<!tpu.dma_semaphore, #tpu.memory_space<semaphore_mem>>) src(%arg6 : memref<10240xf32, #tpu.memory_space<hbm>>) dst(%arg10 : memref<10240xf32, #tpu.memory_space<vmem>>)
    %dma_wait3A = arith.constant 0 : i32
    %dma_wait3A_97 = tpu.memref_slice %arg4[%mul3A_34, %dma_wait3A] : memref<16x10240xf32, #tpu.memory_space<hbm>> -> memref<4x10240xf32, #tpu.memory_space<hbm>>
    %dma_wait3A_98 = arith.constant 0 : i32
    %dma_wait3A_99 = tpu.memref_slice %arg4[%mul3A_34, %dma_wait3A_98] : memref<16x10240xf32, #tpu.memory_space<hbm>> -> memref<4x10240xf32, #tpu.memory_space<hbm>>
    tpu.wait_dma2 semaphore(%arg16 : memref<!tpu.dma_semaphore, #tpu.memory_space<semaphore_mem>>) src(%dma_wait3A_99 : memref<4x10240xf32, #tpu.memory_space<hbm>>) dst(%arg11 : memref<4x10240xf32, #tpu.memory_space<vmem>>)
    %scan3A = arith.constant 0 : i32
    %scan3A_100 = arith.constant 10 : i32
    %scan3A_101 = arith.addi %scan3A, %scan3A_100 : i32
    %scan3A_102 = arith.constant 1 : i32
    scf.for %scan3A_104 = %scan3A to %scan3A_101 step %scan3A_102  : i32 {
      %mul3A_105 = arith.constant 2 : i32
      %mul3A_106 = arith.muli %scan3A_104, %mul3A_105 : i32
      %add3A_107 = arith.constant 0 : i32
      %add3A_108 = arith.addi %mul3A_106, %add3A_107 : i32
      %dma_wait3A_109 = arith.constant 0 : i32
      %dma_wait3A_110 = arith.constant 0 : i32
      %dma_wait3A_111 = arith.constant 0 : i32
      %dma_wait3A_112 = tpu.memref_slice %arg14[%dma_wait3A_109, %dma_wait3A_111] : memref<2x2048xi32, #tpu.memory_space<vmem>> -> memref<1x2048xi32, #tpu.memory_space<vmem>>
      %dma_wait3A_113 = tpu.memref_squeeze %dma_wait3A_112 : memref<1x2048xi32, #tpu.memory_space<vmem>> -> memref<2048xi32, #tpu.memory_space<vmem>>
      %dma_wait3A_114 = tpu.memref_slice %arg2[%mul3A_32] : memref<327680xi32, #tpu.memory_space<hbm>> -> memref<2048xi32, #tpu.memory_space<hbm>>
      %dma_wait3A_115 = tpu.memref_slice %arg17[%dma_wait3A_110] : memref<2x!tpu.dma_semaphore, #tpu.memory_space<semaphore_mem>> -> memref<1x!tpu.dma_semaphore, #tpu.memory_space<semaphore_mem>>
      %dma_wait3A_116 = tpu.memref_squeeze %dma_wait3A_115 : memref<1x!tpu.dma_semaphore, #tpu.memory_space<semaphore_mem>> -> memref<!tpu.dma_semaphore, #tpu.memory_space<semaphore_mem>>
      %dma_wait3A_117 = arith.constant 0 : i32
      %dma_wait3A_118 = tpu.memref_slice %arg14[%dma_wait3A_109, %dma_wait3A_117] : memref<2x2048xi32, #tpu.memory_space<vmem>> -> memref<1x2048xi32, #tpu.memory_space<vmem>>
      %dma_wait3A_119 = tpu.memref_squeeze %dma_wait3A_118 : memref<1x2048xi32, #tpu.memory_space<vmem>> -> memref<2048xi32, #tpu.memory_space<vmem>>
      %dma_wait3A_120 = tpu.memref_slice %arg2[%mul3A_32] : memref<327680xi32, #tpu.memory_space<hbm>> -> memref<2048xi32, #tpu.memory_space<hbm>>
      tpu.wait_dma2 semaphore(%dma_wait3A_116 : memref<!tpu.dma_semaphore, #tpu.memory_space<semaphore_mem>>) src(%dma_wait3A_120 : memref<2048xi32, #tpu.memory_space<hbm>>) dst(%dma_wait3A_119 : memref<2048xi32, #tpu.memory_space<vmem>>)
      %dma_wait3A_121 = arith.constant 0 : i32
      %dma_wait3A_122 = arith.constant 0 : i32
      %dma_wait3A_123 = arith.constant 0 : i32
      %dma_wait3A_124 = tpu.memref_slice %arg15[%dma_wait3A_121, %dma_wait3A_123] : memref<2x2048xi32, #tpu.memory_space<vmem>> -> memref<1x2048xi32, #tpu.memory_space<vmem>>
      %dma_wait3A_125 = tpu.memref_squeeze %dma_wait3A_124 : memref<1x2048xi32, #tpu.memory_space<vmem>> -> memref<2048xi32, #tpu.memory_space<vmem>>
      %dma_wait3A_126 = tpu.memref_slice %arg3[%mul3A_32] : memref<327680xi32, #tpu.memory_space<hbm>> -> memref<2048xi32, #tpu.memory_space<hbm>>
      %dma_wait3A_127 = tpu.memref_slice %arg18[%dma_wait3A_122] : memref<2x!tpu.dma_semaphore, #tpu.memory_space<semaphore_mem>> -> memref<1x!tpu.dma_semaphore, #tpu.memory_space<semaphore_mem>>
      %dma_wait3A_128 = tpu.memref_squeeze %dma_wait3A_127 : memref<1x!tpu.dma_semaphore, #tpu.memory_space<semaphore_mem>> -> memref<!tpu.dma_semaphore, #tpu.memory_space<semaphore_mem>>
      %dma_wait3A_129 = arith.constant 0 : i32
      %dma_wait3A_130 = tpu.memref_slice %arg15[%dma_wait3A_121, %dma_wait3A_129] : memref<2x2048xi32, #tpu.memory_space<vmem>> -> memref<1x2048xi32, #tpu.memory_space<vmem>>
      %dma_wait3A_131 = tpu.memref_squeeze %dma_wait3A_130 : memref<1x2048xi32, #tpu.memory_space<vmem>> -> memref<2048xi32, #tpu.memory_space<vmem>>
      %dma_wait3A_132 = tpu.memref_slice %arg3[%mul3A_32] : memref<327680xi32, #tpu.memory_space<hbm>> -> memref<2048xi32, #tpu.memory_space<hbm>>
      tpu.wait_dma2 semaphore(%dma_wait3A_128 : memref<!tpu.dma_semaphore, #tpu.memory_space<semaphore_mem>>) src(%dma_wait3A_132 : memref<2048xi32, #tpu.memory_space<hbm>>) dst(%dma_wait3A_131 : memref<2048xi32, #tpu.memory_space<vmem>>)
      %parallel_loop3A_133 = arith.constant 0 : i32
      %parallel_loop3A_134 = arith.constant 128 : i32
      %parallel_loop3A_135 = arith.constant 1 : i32
      scf.for %parallel_loop3A_179 = %parallel_loop3A_133 to %parallel_loop3A_134 step %parallel_loop3A_135  : i32 {
        %parallel_loop3A_180 = arith.constant 16 : i32
        %parallel_loop3A_181 = arith.muli %parallel_loop3A_179, %parallel_loop3A_180 : i32
        %parallel_loop3A_182 = arith.constant 0 : i32
        %parallel_loop3A_183 = arith.index_cast %parallel_loop3A_182 : i32 to index
        %parallel_loop3A_184 = arith.index_cast %parallel_loop3A_181 : i32 to index
        %parallel_loop3A_185 = tpu.vector_load %arg14[%parallel_loop3A_183, %parallel_loop3A_184] {strides = array<i32>} : memref<2x2048xi32, #tpu.memory_space<vmem>>, vector<16xi32>,
        %parallel_loop3A_186 = arith.constant 16 : i32
        %parallel_loop3A_187 = arith.muli %parallel_loop3A_179, %parallel_loop3A_186 : i32
        %parallel_loop3A_188 = arith.constant 0 : i32
        %parallel_loop3A_189 = arith.index_cast %parallel_loop3A_188 : i32 to index
        %parallel_loop3A_190 = arith.index_cast %parallel_loop3A_187 : i32 to index
        %parallel_loop3A_191 = tpu.vector_load %arg15[%parallel_loop3A_189, %parallel_loop3A_190] {strides = array<i32>} : memref<2x2048xi32, #tpu.memory_space<vmem>>, vector<16xi32>,
        %parallel_loop3A_192 = tpu.vector_load_idx %arg9[%parallel_loop3A_185] : memref<10240xf32, #tpu.memory_space<vmem>>[vector<16xi32>], vector<16xf32>,
        %parallel_loop3A_193 = tpu.vector_load_idx %arg10[%parallel_loop3A_191] : memref<10240xf32, #tpu.memory_space<vmem>>[vector<16xi32>], vector<16xf32>,
        %parallel_loop3A_194 = arith.addf %parallel_loop3A_192, %parallel_loop3A_193 : vector<16xf32>
        %parallel_loop3A_195 = arith.constant 0.000000e+00 : f32
        %parallel_loop3A_196 = vector.broadcast %parallel_loop3A_195 : f32 to vector<16xf32>
        %parallel_loop3A_197 = arith.cmpf ogt, %parallel_loop3A_194, %parallel_loop3A_196 : vector<16xf32>
        %parallel_loop3A_198 = arith.constant 2.000000e-01 : f32
        %parallel_loop3A_199 = vector.broadcast %parallel_loop3A_198 : f32 to vector<16xf32>
        %parallel_loop3A_200 = arith.mulf %parallel_loop3A_199, %parallel_loop3A_194 : vector<16xf32>
        %parallel_loop3A_201 = arith.select %parallel_loop3A_197, %parallel_loop3A_194, %parallel_loop3A_200 : vector<16xi1>, vector<16xf32>
        %parallel_loop3A_202 = math.exp %parallel_loop3A_201 : vector<16xf32>
        tpu.vector_store_idx %arg13[%parallel_loop3A_191], %parallel_loop3A_202 {add = true} : memref<10240xf32, #tpu.memory_space<vmem>>[vector<16xi32>], vector<16xf32>,
        %parallel_loop3A_203 = arith.constant 0 : i32
        %parallel_loop3A_204 = vector.broadcast %parallel_loop3A_203 : i32 to vector<16xi32>
        %parallel_loop3A_205 = tpu.vector_load_idx %arg11[%parallel_loop3A_204, %parallel_loop3A_185] : memref<4x10240xf32, #tpu.memory_space<vmem>>[vector<16xi32>, vector<16xi32>], vector<16xf32>,
        %parallel_loop3A_206 = arith.mulf %parallel_loop3A_205, %parallel_loop3A_202 : vector<16xf32>
        tpu.vector_store_idx %arg12[%parallel_loop3A_204, %parallel_loop3A_191], %parallel_loop3A_206 {add = true} : memref<4x10240xf32, #tpu.memory_space<vmem>>[vector<16xi32>, vector<16xi32>], vector<16xf32>,
        %parallel_loop3A_207 = arith.constant 1 : i32
        %parallel_loop3A_208 = vector.broadcast %parallel_loop3A_207 : i32 to vector<16xi32>
        %parallel_loop3A_209 = tpu.vector_load_idx %arg11[%parallel_loop3A_208, %parallel_loop3A_185] : memref<4x10240xf32, #tpu.memory_space<vmem>>[vector<16xi32>, vector<16xi32>], vector<16xf32>,
        %parallel_loop3A_210 = arith.mulf %parallel_loop3A_209, %parallel_loop3A_202 : vector<16xf32>
        tpu.vector_store_idx %arg12[%parallel_loop3A_208, %parallel_loop3A_191], %parallel_loop3A_210 {add = true} : memref<4x10240xf32, #tpu.memory_space<vmem>>[vector<16xi32>, vector<16xi32>], vector<16xf32>,
        %parallel_loop3A_211 = arith.constant 2 : i32
        %parallel_loop3A_212 = vector.broadcast %parallel_loop3A_211 : i32 to vector<16xi32>
        %parallel_loop3A_213 = tpu.vector_load_idx %arg11[%parallel_loop3A_212, %parallel_loop3A_185] : memref<4x10240xf32, #tpu.memory_space<vmem>>[vector<16xi32>, vector<16xi32>], vector<16xf32>,
        %parallel_loop3A_214 = arith.mulf %parallel_loop3A_213, %parallel_loop3A_202 : vector<16xf32>
        tpu.vector_store_idx %arg12[%parallel_loop3A_212, %parallel_loop3A_191], %parallel_loop3A_214 {add = true} : memref<4x10240xf32, #tpu.memory_space<vmem>>[vector<16xi32>, vector<16xi32>], vector<16xf32>,
        %parallel_loop3A_215 = arith.constant 3 : i32
        %parallel_loop3A_216 = vector.broadcast %parallel_loop3A_215 : i32 to vector<16xi32>
        %parallel_loop3A_217 = tpu.vector_load_idx %arg11[%parallel_loop3A_216, %parallel_loop3A_185] : memref<4x10240xf32, #tpu.memory_space<vmem>>[vector<16xi32>, vector<16xi32>], vector<16xf32>,
        %parallel_loop3A_218 = arith.mulf %parallel_loop3A_217, %parallel_loop3A_202 : vector<16xf32>
        tpu.vector_store_idx %arg12[%parallel_loop3A_216, %parallel_loop3A_191], %parallel_loop3A_218 {add = true} : memref<4x10240xf32, #tpu.memory_space<vmem>>[vector<16xi32>, vector<16xi32>], vector<16xf32>,
      } {sc.loop_unroll_factor = 4 : i64, sc.parallel_access}
      %add3A_136 = arith.constant 2 : i32
      %add3A_137 = arith.addi %add3A_108, %add3A_136 : i32
      %lt3A_138 = arith.constant 20 : i32
      %lt3A_139 = arith.cmpi slt, %add3A_137, %lt3A_138 : i32
      %convert_element_type3A = arith.extui %lt3A_139 : i1 to i32
      %cond3A = arith.constant 0 : i32
      %cond3A_140 = arith.cmpi ne, %convert_element_type3A, %cond3A : i32
      scf.if %cond3A_140 {
        %add3A_179 = arith.constant 2 : i32
        %add3A_180 = arith.addi %add3A_108, %add3A_179 : i32
        %mul3A_181 = arith.constant 2048 : i32
        %mul3A_182 = arith.muli %add3A_180, %mul3A_181 : i32
        %add3A_183 = arith.addi %mul3A_32, %mul3A_182 : i32
        %dma_start3A_184 = arith.constant 0 : i32
        %dma_start3A_185 = arith.constant 0 : i32
        %dma_start3A_186 = arith.constant 0 : i32
        %dma_start3A_187 = tpu.memref_slice %arg14[%dma_start3A_184, %dma_start3A_186] : memref<2x2048xi32, #tpu.memory_space<vmem>> -> memref<1x2048xi32, #tpu.memory_space<vmem>>
        %dma_start3A_188 = tpu.memref_squeeze %dma_start3A_187 : memref<1x2048xi32, #tpu.memory_space<vmem>> -> memref<2048xi32, #tpu.memory_space<vmem>>
        %dma_start3A_189 = tpu.memref_slice %arg2[%add3A_183] : memref<327680xi32, #tpu.memory_space<hbm>> -> memref<2048xi32, #tpu.memory_space<hbm>>
        %dma_start3A_190 = tpu.memref_slice %arg17[%dma_start3A_185] : memref<2x!tpu.dma_semaphore, #tpu.memory_space<semaphore_mem>> -> memref<1x!tpu.dma_semaphore, #tpu.memory_space<semaphore_mem>>
        %dma_start3A_191 = tpu.memref_squeeze %dma_start3A_190 : memref<1x!tpu.dma_semaphore, #tpu.memory_space<semaphore_mem>> -> memref<!tpu.dma_semaphore, #tpu.memory_space<semaphore_mem>>
        %dma_start3A_192 = arith.constant 0 : i32
        %dma_start3A_193 = tpu.memref_slice %arg14[%dma_start3A_184, %dma_start3A_192] : memref<2x2048xi32, #tpu.memory_space<vmem>> -> memref<1x2048xi32, #tpu.memory_space<vmem>>
        %dma_start3A_194 = tpu.memref_squeeze %dma_start3A_193 : memref<1x2048xi32, #tpu.memory_space<vmem>> -> memref<2048xi32, #tpu.memory_space<vmem>>
        %dma_start3A_195 = tpu.memref_slice %arg2[%add3A_183] : memref<327680xi32, #tpu.memory_space<hbm>> -> memref<2048xi32, #tpu.memory_space<hbm>>
        tpu.enqueue_dma source(%dma_start3A_195 : memref<2048xi32, #tpu.memory_space<hbm>>) target(%dma_start3A_194 : memref<2048xi32, #tpu.memory_space<vmem>>) target_semaphore(%dma_start3A_191 : memref<!tpu.dma_semaphore, #tpu.memory_space<semaphore_mem>>)
        %dma_start3A_196 = arith.constant 0 : i32
        %dma_start3A_197 = arith.constant 0 : i32
        %dma_start3A_198 = arith.constant 0 : i32
        %dma_start3A_199 = tpu.memref_slice %arg15[%dma_start3A_196, %dma_start3A_198] : memref<2x2048xi32, #tpu.memory_space<vmem>> -> memref<1x2048xi32, #tpu.memory_space<vmem>>
        %dma_start3A_200 = tpu.memref_squeeze %dma_start3A_199 : memref<1x2048xi32, #tpu.memory_space<vmem>> -> memref<2048xi32, #tpu.memory_space<vmem>>
        %dma_start3A_201 = tpu.memref_slice %arg3[%add3A_183] : memref<327680xi32, #tpu.memory_space<hbm>> -> memref<2048xi32, #tpu.memory_space<hbm>>
        %dma_start3A_202 = tpu.memref_slice %arg18[%dma_start3A_197] : memref<2x!tpu.dma_semaphore, #tpu.memory_space<semaphore_mem>> -> memref<1x!tpu.dma_semaphore, #tpu.memory_space<semaphore_mem>>
        %dma_start3A_203 = tpu.memref_squeeze %dma_start3A_202 : memref<1x!tpu.dma_semaphore, #tpu.memory_space<semaphore_mem>> -> memref<!tpu.dma_semaphore, #tpu.memory_space<semaphore_mem>>
        %dma_start3A_204 = arith.constant 0 : i32
        %dma_start3A_205 = tpu.memref_slice %arg15[%dma_start3A_196, %dma_start3A_204] : memref<2x2048xi32, #tpu.memory_space<vmem>> -> memref<1x2048xi32, #tpu.memory_space<vmem>>
        %dma_start3A_206 = tpu.memref_squeeze %dma_start3A_205 : memref<1x2048xi32, #tpu.memory_space<vmem>> -> memref<2048xi32, #tpu.memory_space<vmem>>
        %dma_start3A_207 = tpu.memref_slice %arg3[%add3A_183] : memref<327680xi32, #tpu.memory_space<hbm>> -> memref<2048xi32, #tpu.memory_space<hbm>>
        tpu.enqueue_dma source(%dma_start3A_207 : memref<2048xi32, #tpu.memory_space<hbm>>) target(%dma_start3A_206 : memref<2048xi32, #tpu.memory_space<vmem>>) target_semaphore(%dma_start3A_203 : memref<!tpu.dma_semaphore, #tpu.memory_space<semaphore_mem>>)
      } else {
      }
      %mul3A_141 = arith.constant 2 : i32
      %mul3A_142 = arith.muli %scan3A_104, %mul3A_141 : i32
      %add3A_143 = arith.constant 1 : i32
      %add3A_144 = arith.addi %mul3A_142, %add3A_143 : i32
      %dma_wait3A_145 = arith.constant 1 : i32
      %dma_wait3A_146 = arith.constant 1 : i32
      %dma_wait3A_147 = arith.constant 0 : i32
      %dma_wait3A_148 = tpu.memref_slice %arg14[%dma_wait3A_145, %dma_wait3A_147] : memref<2x2048xi32, #tpu.memory_space<vmem>> -> memref<1x2048xi32, #tpu.memory_space<vmem>>
      %dma_wait3A_149 = tpu.memref_squeeze %dma_wait3A_148 : memref<1x2048xi32, #tpu.memory_space<vmem>> -> memref<2048xi32, #tpu.memory_space<vmem>>
      %dma_wait3A_150 = tpu.memref_slice %arg2[%mul3A_32] : memref<327680xi32, #tpu.memory_space<hbm>> -> memref<2048xi32, #tpu.memory_space<hbm>>
      %dma_wait3A_151 = tpu.memref_slice %arg17[%dma_wait3A_146] : memref<2x!tpu.dma_semaphore, #tpu.memory_space<semaphore_mem>> -> memref<1x!tpu.dma_semaphore, #tpu.memory_space<semaphore_mem>>
      %dma_wait3A_152 = tpu.memref_squeeze %dma_wait3A_151 : memref<1x!tpu.dma_semaphore, #tpu.memory_space<semaphore_mem>> -> memref<!tpu.dma_semaphore, #tpu.memory_space<semaphore_mem>>
      %dma_wait3A_153 = arith.constant 0 : i32
      %dma_wait3A_154 = tpu.memref_slice %arg14[%dma_wait3A_145, %dma_wait3A_153] : memref<2x2048xi32, #tpu.memory_space<vmem>> -> memref<1x2048xi32, #tpu.memory_space<vmem>>
      %dma_wait3A_155 = tpu.memref_squeeze %dma_wait3A_154 : memref<1x2048xi32, #tpu.memory_space<vmem>> -> memref<2048xi32, #tpu.memory_space<vmem>>
      %dma_wait3A_156 = tpu.memref_slice %arg2[%mul3A_32] : memref<327680xi32, #tpu.memory_space<hbm>> -> memref<2048xi32, #tpu.memory_space<hbm>>
      tpu.wait_dma2 semaphore(%dma_wait3A_152 : memref<!tpu.dma_semaphore, #tpu.memory_space<semaphore_mem>>) src(%dma_wait3A_156 : memref<2048xi32, #tpu.memory_space<hbm>>) dst(%dma_wait3A_155 : memref<2048xi32, #tpu.memory_space<vmem>>)
      %dma_wait3A_157 = arith.constant 1 : i32
      %dma_wait3A_158 = arith.constant 1 : i32
      %dma_wait3A_159 = arith.constant 0 : i32
      %dma_wait3A_160 = tpu.memref_slice %arg15[%dma_wait3A_157, %dma_wait3A_159] : memref<2x2048xi32, #tpu.memory_space<vmem>> -> memref<1x2048xi32, #tpu.memory_space<vmem>>
      %dma_wait3A_161 = tpu.memref_squeeze %dma_wait3A_160 : memref<1x2048xi32, #tpu.memory_space<vmem>> -> memref<2048xi32, #tpu.memory_space<vmem>>
      %dma_wait3A_162 = tpu.memref_slice %arg3[%mul3A_32] : memref<327680xi32, #tpu.memory_space<hbm>> -> memref<2048xi32, #tpu.memory_space<hbm>>
      %dma_wait3A_163 = tpu.memref_slice %arg18[%dma_wait3A_158] : memref<2x!tpu.dma_semaphore, #tpu.memory_space<semaphore_mem>> -> memref<1x!tpu.dma_semaphore, #tpu.memory_space<semaphore_mem>>
      %dma_wait3A_164 = tpu.memref_squeeze %dma_wait3A_163 : memref<1x!tpu.dma_semaphore, #tpu.memory_space<semaphore_mem>> -> memref<!tpu.dma_semaphore, #tpu.memory_space<semaphore_mem>>
      %dma_wait3A_165 = arith.constant 0 : i32
      %dma_wait3A_166 = tpu.memref_slice %arg15[%dma_wait3A_157, %dma_wait3A_165] : memref<2x2048xi32, #tpu.memory_space<vmem>> -> memref<1x2048xi32, #tpu.memory_space<vmem>>
      %dma_wait3A_167 = tpu.memref_squeeze %dma_wait3A_166 : memref<1x2048xi32, #tpu.memory_space<vmem>> -> memref<2048xi32, #tpu.memory_space<vmem>>
      %dma_wait3A_168 = tpu.memref_slice %arg3[%mul3A_32] : memref<327680xi32, #tpu.memory_space<hbm>> -> memref<2048xi32, #tpu.memory_space<hbm>>
      tpu.wait_dma2 semaphore(%dma_wait3A_164 : memref<!tpu.dma_semaphore, #tpu.memory_space<semaphore_mem>>) src(%dma_wait3A_168 : memref<2048xi32, #tpu.memory_space<hbm>>) dst(%dma_wait3A_167 : memref<2048xi32, #tpu.memory_space<vmem>>)
      %parallel_loop3A_169 = arith.constant 0 : i32
      %parallel_loop3A_170 = arith.constant 128 : i32
      %parallel_loop3A_171 = arith.constant 1 : i32
      scf.for %parallel_loop3A_179 = %parallel_loop3A_169 to %parallel_loop3A_170 step %parallel_loop3A_171  : i32 {
        %parallel_loop3A_180 = arith.constant 16 : i32
        %parallel_loop3A_181 = arith.muli %parallel_loop3A_179, %parallel_loop3A_180 : i32
        %parallel_loop3A_182 = arith.constant 1 : i32
        %parallel_loop3A_183 = arith.index_cast %parallel_loop3A_182 : i32 to index
        %parallel_loop3A_184 = arith.index_cast %parallel_loop3A_181 : i32 to index
        %parallel_loop3A_185 = tpu.vector_load %arg14[%parallel_loop3A_183, %parallel_loop3A_184] {strides = array<i32>} : memref<2x2048xi32, #tpu.memory_space<vmem>>, vector<16xi32>,
        %parallel_loop3A_186 = arith.constant 16 : i32
        %parallel_loop3A_187 = arith.muli %parallel_loop3A_179, %parallel_loop3A_186 : i32
        %parallel_loop3A_188 = arith.constant 1 : i32
        %parallel_loop3A_189 = arith.index_cast %parallel_loop3A_188 : i32 to index
        %parallel_loop3A_190 = arith.index_cast %parallel_loop3A_187 : i32 to index
        %parallel_loop3A_191 = tpu.vector_load %arg15[%parallel_loop3A_189, %parallel_loop3A_190] {strides = array<i32>} : memref<2x2048xi32, #tpu.memory_space<vmem>>, vector<16xi32>,
        %parallel_loop3A_192 = tpu.vector_load_idx %arg9[%parallel_loop3A_185] : memref<10240xf32, #tpu.memory_space<vmem>>[vector<16xi32>], vector<16xf32>,
        %parallel_loop3A_193 = tpu.vector_load_idx %arg10[%parallel_loop3A_191] : memref<10240xf32, #tpu.memory_space<vmem>>[vector<16xi32>], vector<16xf32>,
        %parallel_loop3A_194 = arith.addf %parallel_loop3A_192, %parallel_loop3A_193 : vector<16xf32>
        %parallel_loop3A_195 = arith.constant 0.000000e+00 : f32
        %parallel_loop3A_196 = vector.broadcast %parallel_loop3A_195 : f32 to vector<16xf32>
        %parallel_loop3A_197 = arith.cmpf ogt, %parallel_loop3A_194, %parallel_loop3A_196 : vector<16xf32>
        %parallel_loop3A_198 = arith.constant 2.000000e-01 : f32
        %parallel_loop3A_199 = vector.broadcast %parallel_loop3A_198 : f32 to vector<16xf32>
        %parallel_loop3A_200 = arith.mulf %parallel_loop3A_199, %parallel_loop3A_194 : vector<16xf32>
        %parallel_loop3A_201 = arith.select %parallel_loop3A_197, %parallel_loop3A_194, %parallel_loop3A_200 : vector<16xi1>, vector<16xf32>
        %parallel_loop3A_202 = math.exp %parallel_loop3A_201 : vector<16xf32>
        tpu.vector_store_idx %arg13[%parallel_loop3A_191], %parallel_loop3A_202 {add = true} : memref<10240xf32, #tpu.memory_space<vmem>>[vector<16xi32>], vector<16xf32>,
        %parallel_loop3A_203 = arith.constant 0 : i32
        %parallel_loop3A_204 = vector.broadcast %parallel_loop3A_203 : i32 to vector<16xi32>
        %parallel_loop3A_205 = tpu.vector_load_idx %arg11[%parallel_loop3A_204, %parallel_loop3A_185] : memref<4x10240xf32, #tpu.memory_space<vmem>>[vector<16xi32>, vector<16xi32>], vector<16xf32>,
        %parallel_loop3A_206 = arith.mulf %parallel_loop3A_205, %parallel_loop3A_202 : vector<16xf32>
        tpu.vector_store_idx %arg12[%parallel_loop3A_204, %parallel_loop3A_191], %parallel_loop3A_206 {add = true} : memref<4x10240xf32, #tpu.memory_space<vmem>>[vector<16xi32>, vector<16xi32>], vector<16xf32>,
        %parallel_loop3A_207 = arith.constant 1 : i32
        %parallel_loop3A_208 = vector.broadcast %parallel_loop3A_207 : i32 to vector<16xi32>
        %parallel_loop3A_209 = tpu.vector_load_idx %arg11[%parallel_loop3A_208, %parallel_loop3A_185] : memref<4x10240xf32, #tpu.memory_space<vmem>>[vector<16xi32>, vector<16xi32>], vector<16xf32>,
        %parallel_loop3A_210 = arith.mulf %parallel_loop3A_209, %parallel_loop3A_202 : vector<16xf32>
        tpu.vector_store_idx %arg12[%parallel_loop3A_208, %parallel_loop3A_191], %parallel_loop3A_210 {add = true} : memref<4x10240xf32, #tpu.memory_space<vmem>>[vector<16xi32>, vector<16xi32>], vector<16xf32>,
        %parallel_loop3A_211 = arith.constant 2 : i32
        %parallel_loop3A_212 = vector.broadcast %parallel_loop3A_211 : i32 to vector<16xi32>
        %parallel_loop3A_213 = tpu.vector_load_idx %arg11[%parallel_loop3A_212, %parallel_loop3A_185] : memref<4x10240xf32, #tpu.memory_space<vmem>>[vector<16xi32>, vector<16xi32>], vector<16xf32>,
        %parallel_loop3A_214 = arith.mulf %parallel_loop3A_213, %parallel_loop3A_202 : vector<16xf32>
        tpu.vector_store_idx %arg12[%parallel_loop3A_212, %parallel_loop3A_191], %parallel_loop3A_214 {add = true} : memref<4x10240xf32, #tpu.memory_space<vmem>>[vector<16xi32>, vector<16xi32>], vector<16xf32>,
        %parallel_loop3A_215 = arith.constant 3 : i32
        %parallel_loop3A_216 = vector.broadcast %parallel_loop3A_215 : i32 to vector<16xi32>
        %parallel_loop3A_217 = tpu.vector_load_idx %arg11[%parallel_loop3A_216, %parallel_loop3A_185] : memref<4x10240xf32, #tpu.memory_space<vmem>>[vector<16xi32>, vector<16xi32>], vector<16xf32>,
        %parallel_loop3A_218 = arith.mulf %parallel_loop3A_217, %parallel_loop3A_202 : vector<16xf32>
        tpu.vector_store_idx %arg12[%parallel_loop3A_216, %parallel_loop3A_191], %parallel_loop3A_218 {add = true} : memref<4x10240xf32, #tpu.memory_space<vmem>>[vector<16xi32>, vector<16xi32>], vector<16xf32>,
      } {sc.loop_unroll_factor = 4 : i64, sc.parallel_access}
      %add3A_172 = arith.constant 2 : i32
      %add3A_173 = arith.addi %add3A_144, %add3A_172 : i32
      %lt3A_174 = arith.constant 20 : i32
      %lt3A_175 = arith.cmpi slt, %add3A_173, %lt3A_174 : i32
      %convert_element_type3A_176 = arith.extui %lt3A_175 : i1 to i32
      %cond3A_177 = arith.constant 0 : i32
      %cond3A_178 = arith.cmpi ne, %convert_element_type3A_176, %cond3A_177 : i32
      scf.if %cond3A_178 {
        %add3A_179 = arith.constant 2 : i32
        %add3A_180 = arith.addi %add3A_144, %add3A_179 : i32
        %mul3A_181 = arith.constant 2048 : i32
        %mul3A_182 = arith.muli %add3A_180, %mul3A_181 : i32
        %add3A_183 = arith.addi %mul3A_32, %mul3A_182 : i32
        %dma_start3A_184 = arith.constant 1 : i32
        %dma_start3A_185 = arith.constant 1 : i32
        %dma_start3A_186 = arith.constant 0 : i32
        %dma_start3A_187 = tpu.memref_slice %arg14[%dma_start3A_184, %dma_start3A_186] : memref<2x2048xi32, #tpu.memory_space<vmem>> -> memref<1x2048xi32, #tpu.memory_space<vmem>>
        %dma_start3A_188 = tpu.memref_squeeze %dma_start3A_187 : memref<1x2048xi32, #tpu.memory_space<vmem>> -> memref<2048xi32, #tpu.memory_space<vmem>>
        %dma_start3A_189 = tpu.memref_slice %arg2[%add3A_183] : memref<327680xi32, #tpu.memory_space<hbm>> -> memref<2048xi32, #tpu.memory_space<hbm>>
        %dma_start3A_190 = tpu.memref_slice %arg17[%dma_start3A_185] : memref<2x!tpu.dma_semaphore, #tpu.memory_space<semaphore_mem>> -> memref<1x!tpu.dma_semaphore, #tpu.memory_space<semaphore_mem>>
        %dma_start3A_191 = tpu.memref_squeeze %dma_start3A_190 : memref<1x!tpu.dma_semaphore, #tpu.memory_space<semaphore_mem>> -> memref<!tpu.dma_semaphore, #tpu.memory_space<semaphore_mem>>
        %dma_start3A_192 = arith.constant 0 : i32
        %dma_start3A_193 = tpu.memref_slice %arg14[%dma_start3A_184, %dma_start3A_192] : memref<2x2048xi32, #tpu.memory_space<vmem>> -> memref<1x2048xi32, #tpu.memory_space<vmem>>
        %dma_start3A_194 = tpu.memref_squeeze %dma_start3A_193 : memref<1x2048xi32, #tpu.memory_space<vmem>> -> memref<2048xi32, #tpu.memory_space<vmem>>
        %dma_start3A_195 = tpu.memref_slice %arg2[%add3A_183] : memref<327680xi32, #tpu.memory_space<hbm>> -> memref<2048xi32, #tpu.memory_space<hbm>>
        tpu.enqueue_dma source(%dma_start3A_195 : memref<2048xi32, #tpu.memory_space<hbm>>) target(%dma_start3A_194 : memref<2048xi32, #tpu.memory_space<vmem>>) target_semaphore(%dma_start3A_191 : memref<!tpu.dma_semaphore, #tpu.memory_space<semaphore_mem>>)
        %dma_start3A_196 = arith.constant 1 : i32
        %dma_start3A_197 = arith.constant 1 : i32
        %dma_start3A_198 = arith.constant 0 : i32
        %dma_start3A_199 = tpu.memref_slice %arg15[%dma_start3A_196, %dma_start3A_198] : memref<2x2048xi32, #tpu.memory_space<vmem>> -> memref<1x2048xi32, #tpu.memory_space<vmem>>
        %dma_start3A_200 = tpu.memref_squeeze %dma_start3A_199 : memref<1x2048xi32, #tpu.memory_space<vmem>> -> memref<2048xi32, #tpu.memory_space<vmem>>
        %dma_start3A_201 = tpu.memref_slice %arg3[%add3A_183] : memref<327680xi32, #tpu.memory_space<hbm>> -> memref<2048xi32, #tpu.memory_space<hbm>>
        %dma_start3A_202 = tpu.memref_slice %arg18[%dma_start3A_197] : memref<2x!tpu.dma_semaphore, #tpu.memory_space<semaphore_mem>> -> memref<1x!tpu.dma_semaphore, #tpu.memory_space<semaphore_mem>>
        %dma_start3A_203 = tpu.memref_squeeze %dma_start3A_202 : memref<1x!tpu.dma_semaphore, #tpu.memory_space<semaphore_mem>> -> memref<!tpu.dma_semaphore, #tpu.memory_space<semaphore_mem>>
        %dma_start3A_204 = arith.constant 0 : i32
        %dma_start3A_205 = tpu.memref_slice %arg15[%dma_start3A_196, %dma_start3A_204] : memref<2x2048xi32, #tpu.memory_space<vmem>> -> memref<1x2048xi32, #tpu.memory_space<vmem>>
        %dma_start3A_206 = tpu.memref_squeeze %dma_start3A_205 : memref<1x2048xi32, #tpu.memory_space<vmem>> -> memref<2048xi32, #tpu.memory_space<vmem>>
        %dma_start3A_207 = tpu.memref_slice %arg3[%add3A_183] : memref<327680xi32, #tpu.memory_space<hbm>> -> memref<2048xi32, #tpu.memory_space<hbm>>
        tpu.enqueue_dma source(%dma_start3A_207 : memref<2048xi32, #tpu.memory_space<hbm>>) target(%dma_start3A_206 : memref<2048xi32, #tpu.memory_space<vmem>>) target_semaphore(%dma_start3A_203 : memref<!tpu.dma_semaphore, #tpu.memory_space<semaphore_mem>>)
      } else {
      }
    }
    %scan3A_103 = arith.constant 10 : i32
    "tpu.region"() ({
      %run_scoped3A = tpu.sem_alloc : memref<!tpu.dma_semaphore, #tpu.memory_space<semaphore_mem>>
      %dma_start3A_104 = arith.constant 0 : i32
      %dma_start3A_105 = arith.constant 0 : i32
      %dma_start3A_106 = tpu.memref_slice %arg7[%add3A, %dma_start3A_104, %dma_start3A_105] : memref<32x4x10240xf32, #tpu.memory_space<hbm>> -> memref<1x4x10240xf32, #tpu.memory_space<hbm>>
      %dma_start3A_107 = tpu.memref_squeeze %dma_start3A_106 : memref<1x4x10240xf32, #tpu.memory_space<hbm>> -> memref<4x10240xf32, #tpu.memory_space<hbm>>
      %dma_start3A_108 = arith.constant 0 : i32
      %dma_start3A_109 = arith.constant 0 : i32
      %dma_start3A_110 = tpu.memref_slice %arg7[%add3A, %dma_start3A_108, %dma_start3A_109] : memref<32x4x10240xf32, #tpu.memory_space<hbm>> -> memref<1x4x10240xf32, #tpu.memory_space<hbm>>
      %dma_start3A_111 = tpu.memref_squeeze %dma_start3A_110 : memref<1x4x10240xf32, #tpu.memory_space<hbm>> -> memref<4x10240xf32, #tpu.memory_space<hbm>>
      tpu.enqueue_dma source(%arg12 : memref<4x10240xf32, #tpu.memory_space<vmem>>) target(%dma_start3A_111 : memref<4x10240xf32, #tpu.memory_space<hbm>>) target_semaphore(%run_scoped3A : memref<!tpu.dma_semaphore, #tpu.memory_space<semaphore_mem>>)
      %dma_wait3A_112 = arith.constant 0 : i32
      %dma_wait3A_113 = arith.constant 0 : i32
      %dma_wait3A_114 = tpu.memref_slice %arg7[%add3A, %dma_wait3A_112, %dma_wait3A_113] : memref<32x4x10240xf32, #tpu.memory_space<hbm>> -> memref<1x4x10240xf32, #tpu.memory_space<hbm>>
      %dma_wait3A_115 = tpu.memref_squeeze %dma_wait3A_114 : memref<1x4x10240xf32, #tpu.memory_space<hbm>> -> memref<4x10240xf32, #tpu.memory_space<hbm>>
      %dma_wait3A_116 = arith.constant 0 : i32
      %dma_wait3A_117 = arith.constant 0 : i32
      %dma_wait3A_118 = tpu.memref_slice %arg7[%add3A, %dma_wait3A_116, %dma_wait3A_117] : memref<32x4x10240xf32, #tpu.memory_space<hbm>> -> memref<1x4x10240xf32, #tpu.memory_space<hbm>>
      %dma_wait3A_119 = tpu.memref_squeeze %dma_wait3A_118 : memref<1x4x10240xf32, #tpu.memory_space<hbm>> -> memref<4x10240xf32, #tpu.memory_space<hbm>>
      tpu.wait_dma2 semaphore(%run_scoped3A : memref<!tpu.dma_semaphore, #tpu.memory_space<semaphore_mem>>) src(%arg12 : memref<4x10240xf32, #tpu.memory_space<vmem>>) dst(%dma_wait3A_119 : memref<4x10240xf32, #tpu.memory_space<hbm>>)
      tpu.yield
    }) : () -> ()
    "tpu.region"() ({
      %run_scoped3A = tpu.sem_alloc : memref<!tpu.dma_semaphore, #tpu.memory_space<semaphore_mem>>
      %dma_start3A_104 = arith.constant 0 : i32
      %dma_start3A_105 = tpu.memref_slice %arg8[%add3A, %dma_start3A_104] : memref<32x10240xf32, #tpu.memory_space<hbm>> -> memref<1x10240xf32, #tpu.memory_space<hbm>>
      %dma_start3A_106 = tpu.memref_squeeze %dma_start3A_105 : memref<1x10240xf32, #tpu.memory_space<hbm>> -> memref<10240xf32, #tpu.memory_space<hbm>>
      %dma_start3A_107 = arith.constant 0 : i32
      %dma_start3A_108 = tpu.memref_slice %arg8[%add3A, %dma_start3A_107] : memref<32x10240xf32, #tpu.memory_space<hbm>> -> memref<1x10240xf32, #tpu.memory_space<hbm>>
      %dma_start3A_109 = tpu.memref_squeeze %dma_start3A_108 : memref<1x10240xf32, #tpu.memory_space<hbm>> -> memref<10240xf32, #tpu.memory_space<hbm>>
      tpu.enqueue_dma source(%arg13 : memref<10240xf32, #tpu.memory_space<vmem>>) target(%dma_start3A_109 : memref<10240xf32, #tpu.memory_space<hbm>>) target_semaphore(%run_scoped3A : memref<!tpu.dma_semaphore, #tpu.memory_space<semaphore_mem>>)
      %dma_wait3A_110 = arith.constant 0 : i32
      %dma_wait3A_111 = tpu.memref_slice %arg8[%add3A, %dma_wait3A_110] : memref<32x10240xf32, #tpu.memory_space<hbm>> -> memref<1x10240xf32, #tpu.memory_space<hbm>>
      %dma_wait3A_112 = tpu.memref_squeeze %dma_wait3A_111 : memref<1x10240xf32, #tpu.memory_space<hbm>> -> memref<10240xf32, #tpu.memory_space<hbm>>
      %dma_wait3A_113 = arith.constant 0 : i32
      %dma_wait3A_114 = tpu.memref_slice %arg8[%add3A, %dma_wait3A_113] : memref<32x10240xf32, #tpu.memory_space<hbm>> -> memref<1x10240xf32, #tpu.memory_space<hbm>>
      %dma_wait3A_115 = tpu.memref_squeeze %dma_wait3A_114 : memref<1x10240xf32, #tpu.memory_space<hbm>> -> memref<10240xf32, #tpu.memory_space<hbm>>
      tpu.wait_dma2 semaphore(%run_scoped3A : memref<!tpu.dma_semaphore, #tpu.memory_space<semaphore_mem>>) src(%arg13 : memref<10240xf32, #tpu.memory_space<vmem>>) dst(%dma_wait3A_115 : memref<10240xf32, #tpu.memory_space<hbm>>)
      tpu.yield
    }) : () -> ()
    return
  }
}

#map = affine_map<(d0, d1) -> (0)>
#map1 = affine_map<(d0, d1) -> (0, 0)>
#map2 = affine_map<(d0, d1) -> (0, 0, 0)>
module attributes {stable_mosaic.version = 14 : i64} {
  func.func @edge_pass(%arg0: i32, %arg1: i32, %arg2: memref<327680xi32, #tpu.memory_space<hbm>>, %arg3: memref<327680xi32, #tpu.memory_space<hbm>>, %arg4: memref<2x10240xf32, #tpu.memory_space<hbm>>, %arg5: memref<10240xf32, #tpu.memory_space<hbm>>, %arg6: memref<10240xf32, #tpu.memory_space<hbm>>, %arg7: memref<32x2x10240xf32, #tpu.memory_space<hbm>>, %arg8: memref<32x10240xf32, #tpu.memory_space<hbm>>, %arg9: memref<10240xf32, #tpu.memory_space<vmem>>, %arg10: memref<10240xf32, #tpu.memory_space<vmem>>, %arg11: memref<2x10240xf32, #tpu.memory_space<vmem>>, %arg12: memref<2x10240xf32, #tpu.memory_space<vmem>>, %arg13: memref<10240xf32, #tpu.memory_space<vmem>>, %arg14: memref<2x1024xi32, #tpu.memory_space<vmem>>, %arg15: memref<2x1024xi32, #tpu.memory_space<vmem>>, %arg16: memref<!tpu.dma_semaphore, #tpu.memory_space<semaphore_mem>>, %arg17: memref<2x!tpu.dma_semaphore, #tpu.memory_space<semaphore_mem>>, %arg18: memref<2x!tpu.dma_semaphore, #tpu.memory_space<semaphore_mem>>) attributes {dimension_semantics = [#tpu.dimension_semantics<core_parallel>, #tpu.dimension_semantics<subcore_parallel>], iteration_bounds = array<i64: 2, 16>, scalar_prefetch = 0 : i64, scratch_operands = 10 : i64, tpu.core_type = #tpu.core_type<sc_vector_subcore>, window_params = [{transform_indices = #map}, {transform_indices = #map}, {transform_indices = #map1}, {transform_indices = #map}, {transform_indices = #map}, {transform_indices = #map2}, {transform_indices = #map1}]} {
    %mul3A = arith.constant 2 : i32
    %mul3A_0 = arith.muli %arg1, %mul3A : i32
    %add3A = arith.addi %mul3A_0, %arg0 : i32
    %jit3A = arith.constant 1 : i32
    %div3A = arith.divsi %add3A, %jit3A : i32
    %sign3A = arith.constant 0 : i32
    %sign3A_1 = arith.cmpi sgt, %add3A, %sign3A : i32
    %sign3A_2 = arith.extui %sign3A_1 : i1 to i32
    %sign3A_3 = arith.constant 0 : i32
    %sign3A_4 = arith.cmpi slt, %add3A, %sign3A_3 : i32
    %sign3A_5 = arith.extui %sign3A_4 : i1 to i32
    %sign3A_6 = arith.subi %sign3A_2, %sign3A_5 : i32
    %sign3A_7 = arith.constant 0 : i32
    %sign3A_8 = arith.cmpi sgt, %jit3A, %sign3A_7 : i32
    %sign3A_9 = arith.extui %sign3A_8 : i1 to i32
    %sign3A_10 = arith.constant 0 : i32
    %sign3A_11 = arith.cmpi slt, %jit3A, %sign3A_10 : i32
    %sign3A_12 = arith.extui %sign3A_11 : i1 to i32
    %sign3A_13 = arith.subi %sign3A_9, %sign3A_12 : i32
    %ne3A = arith.cmpi ne, %sign3A_6, %sign3A_13 : i32
    %rem3A = arith.remsi %add3A, %jit3A : i32
    %ne3A_14 = arith.constant 0 : i32
    %ne3A_15 = arith.cmpi ne, %rem3A, %ne3A_14 : i32
    %and3A = arith.andi %ne3A, %ne3A_15 : i1
    %sub3A = arith.constant 1 : i32
    %sub3A_16 = arith.subi %div3A, %sub3A : i32
    %select_n3A = arith.select %and3A, %sub3A_16, %div3A : i32
    %jit3A_17 = arith.constant 1 : i32
    %eq3A = arith.constant 0 : i32
    %eq3A_18 = arith.cmpi eq, %jit3A_17, %eq3A : i32
    %jit3A_19 = arith.constant 1 : i32
    %select_n3A_20 = arith.select %eq3A_18, %jit3A_19, %jit3A_17 : i32
    %rem3A_21 = arith.remsi %add3A, %select_n3A_20 : i32
    %ne3A_22 = arith.constant 0 : i32
    %ne3A_23 = arith.cmpi ne, %rem3A_21, %ne3A_22 : i32
    %lt3A = arith.constant 0 : i32
    %lt3A_24 = arith.cmpi slt, %rem3A_21, %lt3A : i32
    %lt3A_25 = arith.constant 0 : i32
    %lt3A_26 = arith.cmpi slt, %select_n3A_20, %lt3A_25 : i32
    %ne3A_27 = arith.xori %lt3A_24, %lt3A_26 : i1
    %and3A_28 = arith.andi %ne3A_27, %ne3A_23 : i1
    %add3A_29 = arith.addi %rem3A_21, %select_n3A_20 : i32
    %select_n3A_30 = arith.select %and3A_28, %add3A_29, %rem3A_21 : i32
    %mul3A_31 = arith.constant 10240 : i32
    %mul3A_32 = arith.muli %select_n3A, %mul3A_31 : i32
    tpu.enqueue_dma source(%arg5 : memref<10240xf32, #tpu.memory_space<hbm>>) target(%arg9 : memref<10240xf32, #tpu.memory_space<vmem>>) target_semaphore(%arg16 : memref<!tpu.dma_semaphore, #tpu.memory_space<semaphore_mem>>)
    tpu.enqueue_dma source(%arg6 : memref<10240xf32, #tpu.memory_space<hbm>>) target(%arg10 : memref<10240xf32, #tpu.memory_space<vmem>>) target_semaphore(%arg16 : memref<!tpu.dma_semaphore, #tpu.memory_space<semaphore_mem>>)
    %mul3A_33 = arith.constant 2 : i32
    %mul3A_34 = arith.muli %select_n3A_30, %mul3A_33 : i32
    %dma_start3A = arith.constant 0 : i32
    %dma_start3A_35 = tpu.memref_slice %arg4[%mul3A_34, %dma_start3A] : memref<2x10240xf32, #tpu.memory_space<hbm>> -> memref<2x10240xf32, #tpu.memory_space<hbm>>
    %dma_start3A_36 = arith.constant 0 : i32
    %dma_start3A_37 = tpu.memref_slice %arg4[%mul3A_34, %dma_start3A_36] : memref<2x10240xf32, #tpu.memory_space<hbm>> -> memref<2x10240xf32, #tpu.memory_space<hbm>>
    tpu.enqueue_dma source(%dma_start3A_37 : memref<2x10240xf32, #tpu.memory_space<hbm>>) target(%arg11 : memref<2x10240xf32, #tpu.memory_space<vmem>>) target_semaphore(%arg16 : memref<!tpu.dma_semaphore, #tpu.memory_space<semaphore_mem>>)
    %add3A_38 = arith.constant 0 : i32
    %add3A_39 = arith.addi %mul3A_32, %add3A_38 : i32
    %dma_start3A_40 = arith.constant 0 : i32
    %dma_start3A_41 = arith.constant 0 : i32
    %dma_start3A_42 = arith.constant 0 : i32
    %dma_start3A_43 = tpu.memref_slice %arg14[%dma_start3A_40, %dma_start3A_42] : memref<2x1024xi32, #tpu.memory_space<vmem>> -> memref<1x1024xi32, #tpu.memory_space<vmem>>
    %dma_start3A_44 = tpu.memref_squeeze %dma_start3A_43 : memref<1x1024xi32, #tpu.memory_space<vmem>> -> memref<1024xi32, #tpu.memory_space<vmem>>
    %dma_start3A_45 = tpu.memref_slice %arg2[%add3A_39] : memref<327680xi32, #tpu.memory_space<hbm>> -> memref<1024xi32, #tpu.memory_space<hbm>>
    %dma_start3A_46 = tpu.memref_slice %arg17[%dma_start3A_41] : memref<2x!tpu.dma_semaphore, #tpu.memory_space<semaphore_mem>> -> memref<1x!tpu.dma_semaphore, #tpu.memory_space<semaphore_mem>>
    %dma_start3A_47 = tpu.memref_squeeze %dma_start3A_46 : memref<1x!tpu.dma_semaphore, #tpu.memory_space<semaphore_mem>> -> memref<!tpu.dma_semaphore, #tpu.memory_space<semaphore_mem>>
    %dma_start3A_48 = arith.constant 0 : i32
    %dma_start3A_49 = tpu.memref_slice %arg14[%dma_start3A_40, %dma_start3A_48] : memref<2x1024xi32, #tpu.memory_space<vmem>> -> memref<1x1024xi32, #tpu.memory_space<vmem>>
    %dma_start3A_50 = tpu.memref_squeeze %dma_start3A_49 : memref<1x1024xi32, #tpu.memory_space<vmem>> -> memref<1024xi32, #tpu.memory_space<vmem>>
    %dma_start3A_51 = tpu.memref_slice %arg2[%add3A_39] : memref<327680xi32, #tpu.memory_space<hbm>> -> memref<1024xi32, #tpu.memory_space<hbm>>
    tpu.enqueue_dma source(%dma_start3A_51 : memref<1024xi32, #tpu.memory_space<hbm>>) target(%dma_start3A_50 : memref<1024xi32, #tpu.memory_space<vmem>>) target_semaphore(%dma_start3A_47 : memref<!tpu.dma_semaphore, #tpu.memory_space<semaphore_mem>>)
    %add3A_52 = arith.constant 0 : i32
    %add3A_53 = arith.addi %mul3A_32, %add3A_52 : i32
    %dma_start3A_54 = arith.constant 0 : i32
    %dma_start3A_55 = arith.constant 0 : i32
    %dma_start3A_56 = arith.constant 0 : i32
    %dma_start3A_57 = tpu.memref_slice %arg15[%dma_start3A_54, %dma_start3A_56] : memref<2x1024xi32, #tpu.memory_space<vmem>> -> memref<1x1024xi32, #tpu.memory_space<vmem>>
    %dma_start3A_58 = tpu.memref_squeeze %dma_start3A_57 : memref<1x1024xi32, #tpu.memory_space<vmem>> -> memref<1024xi32, #tpu.memory_space<vmem>>
    %dma_start3A_59 = tpu.memref_slice %arg3[%add3A_53] : memref<327680xi32, #tpu.memory_space<hbm>> -> memref<1024xi32, #tpu.memory_space<hbm>>
    %dma_start3A_60 = tpu.memref_slice %arg18[%dma_start3A_55] : memref<2x!tpu.dma_semaphore, #tpu.memory_space<semaphore_mem>> -> memref<1x!tpu.dma_semaphore, #tpu.memory_space<semaphore_mem>>
    %dma_start3A_61 = tpu.memref_squeeze %dma_start3A_60 : memref<1x!tpu.dma_semaphore, #tpu.memory_space<semaphore_mem>> -> memref<!tpu.dma_semaphore, #tpu.memory_space<semaphore_mem>>
    %dma_start3A_62 = arith.constant 0 : i32
    %dma_start3A_63 = tpu.memref_slice %arg15[%dma_start3A_54, %dma_start3A_62] : memref<2x1024xi32, #tpu.memory_space<vmem>> -> memref<1x1024xi32, #tpu.memory_space<vmem>>
    %dma_start3A_64 = tpu.memref_squeeze %dma_start3A_63 : memref<1x1024xi32, #tpu.memory_space<vmem>> -> memref<1024xi32, #tpu.memory_space<vmem>>
    %dma_start3A_65 = tpu.memref_slice %arg3[%add3A_53] : memref<327680xi32, #tpu.memory_space<hbm>> -> memref<1024xi32, #tpu.memory_space<hbm>>
    tpu.enqueue_dma source(%dma_start3A_65 : memref<1024xi32, #tpu.memory_space<hbm>>) target(%dma_start3A_64 : memref<1024xi32, #tpu.memory_space<vmem>>) target_semaphore(%dma_start3A_61 : memref<!tpu.dma_semaphore, #tpu.memory_space<semaphore_mem>>)
    %add3A_66 = arith.constant 1024 : i32
    %add3A_67 = arith.addi %mul3A_32, %add3A_66 : i32
    %dma_start3A_68 = arith.constant 1 : i32
    %dma_start3A_69 = arith.constant 1 : i32
    %dma_start3A_70 = arith.constant 0 : i32
    %dma_start3A_71 = tpu.memref_slice %arg14[%dma_start3A_68, %dma_start3A_70] : memref<2x1024xi32, #tpu.memory_space<vmem>> -> memref<1x1024xi32, #tpu.memory_space<vmem>>
    %dma_start3A_72 = tpu.memref_squeeze %dma_start3A_71 : memref<1x1024xi32, #tpu.memory_space<vmem>> -> memref<1024xi32, #tpu.memory_space<vmem>>
    %dma_start3A_73 = tpu.memref_slice %arg2[%add3A_67] : memref<327680xi32, #tpu.memory_space<hbm>> -> memref<1024xi32, #tpu.memory_space<hbm>>
    %dma_start3A_74 = tpu.memref_slice %arg17[%dma_start3A_69] : memref<2x!tpu.dma_semaphore, #tpu.memory_space<semaphore_mem>> -> memref<1x!tpu.dma_semaphore, #tpu.memory_space<semaphore_mem>>
    %dma_start3A_75 = tpu.memref_squeeze %dma_start3A_74 : memref<1x!tpu.dma_semaphore, #tpu.memory_space<semaphore_mem>> -> memref<!tpu.dma_semaphore, #tpu.memory_space<semaphore_mem>>
    %dma_start3A_76 = arith.constant 0 : i32
    %dma_start3A_77 = tpu.memref_slice %arg14[%dma_start3A_68, %dma_start3A_76] : memref<2x1024xi32, #tpu.memory_space<vmem>> -> memref<1x1024xi32, #tpu.memory_space<vmem>>
    %dma_start3A_78 = tpu.memref_squeeze %dma_start3A_77 : memref<1x1024xi32, #tpu.memory_space<vmem>> -> memref<1024xi32, #tpu.memory_space<vmem>>
    %dma_start3A_79 = tpu.memref_slice %arg2[%add3A_67] : memref<327680xi32, #tpu.memory_space<hbm>> -> memref<1024xi32, #tpu.memory_space<hbm>>
    tpu.enqueue_dma source(%dma_start3A_79 : memref<1024xi32, #tpu.memory_space<hbm>>) target(%dma_start3A_78 : memref<1024xi32, #tpu.memory_space<vmem>>) target_semaphore(%dma_start3A_75 : memref<!tpu.dma_semaphore, #tpu.memory_space<semaphore_mem>>)
    %add3A_80 = arith.constant 1024 : i32
    %add3A_81 = arith.addi %mul3A_32, %add3A_80 : i32
    %dma_start3A_82 = arith.constant 1 : i32
    %dma_start3A_83 = arith.constant 1 : i32
    %dma_start3A_84 = arith.constant 0 : i32
    %dma_start3A_85 = tpu.memref_slice %arg15[%dma_start3A_82, %dma_start3A_84] : memref<2x1024xi32, #tpu.memory_space<vmem>> -> memref<1x1024xi32, #tpu.memory_space<vmem>>
    %dma_start3A_86 = tpu.memref_squeeze %dma_start3A_85 : memref<1x1024xi32, #tpu.memory_space<vmem>> -> memref<1024xi32, #tpu.memory_space<vmem>>
    %dma_start3A_87 = tpu.memref_slice %arg3[%add3A_81] : memref<327680xi32, #tpu.memory_space<hbm>> -> memref<1024xi32, #tpu.memory_space<hbm>>
    %dma_start3A_88 = tpu.memref_slice %arg18[%dma_start3A_83] : memref<2x!tpu.dma_semaphore, #tpu.memory_space<semaphore_mem>> -> memref<1x!tpu.dma_semaphore, #tpu.memory_space<semaphore_mem>>
    %dma_start3A_89 = tpu.memref_squeeze %dma_start3A_88 : memref<1x!tpu.dma_semaphore, #tpu.memory_space<semaphore_mem>> -> memref<!tpu.dma_semaphore, #tpu.memory_space<semaphore_mem>>
    %dma_start3A_90 = arith.constant 0 : i32
    %dma_start3A_91 = tpu.memref_slice %arg15[%dma_start3A_82, %dma_start3A_90] : memref<2x1024xi32, #tpu.memory_space<vmem>> -> memref<1x1024xi32, #tpu.memory_space<vmem>>
    %dma_start3A_92 = tpu.memref_squeeze %dma_start3A_91 : memref<1x1024xi32, #tpu.memory_space<vmem>> -> memref<1024xi32, #tpu.memory_space<vmem>>
    %dma_start3A_93 = tpu.memref_slice %arg3[%add3A_81] : memref<327680xi32, #tpu.memory_space<hbm>> -> memref<1024xi32, #tpu.memory_space<hbm>>
    tpu.enqueue_dma source(%dma_start3A_93 : memref<1024xi32, #tpu.memory_space<hbm>>) target(%dma_start3A_92 : memref<1024xi32, #tpu.memory_space<vmem>>) target_semaphore(%dma_start3A_89 : memref<!tpu.dma_semaphore, #tpu.memory_space<semaphore_mem>>)
    %broadcast_in_dim3A = arith.constant 0.000000e+00 : f32
    %broadcast_in_dim3A_94 = vector.broadcast %broadcast_in_dim3A : f32 to vector<16xf32>
    %parallel_loop3A = arith.constant 0 : i32
    %parallel_loop3A_95 = arith.constant 640 : i32
    %parallel_loop3A_96 = arith.constant 1 : i32
    scf.for %parallel_loop3A_104 = %parallel_loop3A to %parallel_loop3A_95 step %parallel_loop3A_96  : i32 {
      %parallel_loop3A_105 = arith.constant 16 : i32
      %parallel_loop3A_106 = arith.muli %parallel_loop3A_104, %parallel_loop3A_105 : i32
      %parallel_loop3A_107 = arith.index_cast %parallel_loop3A_106 : i32 to index
      %parallel_loop3A_108 = tpu.vector_load %arg13[%parallel_loop3A_107] {strides = array<i32>} : memref<10240xf32, #tpu.memory_space<vmem>>, vector<16xf32>,
      tpu.vector_store %arg13[%parallel_loop3A_107], %broadcast_in_dim3A_94 {strides = array<i32>} : memref<10240xf32, #tpu.memory_space<vmem>>, vector<16xf32>,
      %parallel_loop3A_109 = arith.constant 16 : i32
      %parallel_loop3A_110 = arith.muli %parallel_loop3A_104, %parallel_loop3A_109 : i32
      %parallel_loop3A_111 = arith.constant 0 : i32
      %parallel_loop3A_112 = arith.index_cast %parallel_loop3A_111 : i32 to index
      %parallel_loop3A_113 = arith.index_cast %parallel_loop3A_110 : i32 to index
      %parallel_loop3A_114 = tpu.vector_load %arg12[%parallel_loop3A_112, %parallel_loop3A_113] {strides = array<i32>} : memref<2x10240xf32, #tpu.memory_space<vmem>>, vector<16xf32>,
      tpu.vector_store %arg12[%parallel_loop3A_112, %parallel_loop3A_113], %broadcast_in_dim3A_94 {strides = array<i32>} : memref<2x10240xf32, #tpu.memory_space<vmem>>, vector<16xf32>,
      %parallel_loop3A_115 = arith.constant 16 : i32
      %parallel_loop3A_116 = arith.muli %parallel_loop3A_104, %parallel_loop3A_115 : i32
      %parallel_loop3A_117 = arith.constant 1 : i32
      %parallel_loop3A_118 = arith.index_cast %parallel_loop3A_117 : i32 to index
      %parallel_loop3A_119 = arith.index_cast %parallel_loop3A_116 : i32 to index
      %parallel_loop3A_120 = tpu.vector_load %arg12[%parallel_loop3A_118, %parallel_loop3A_119] {strides = array<i32>} : memref<2x10240xf32, #tpu.memory_space<vmem>>, vector<16xf32>,
      tpu.vector_store %arg12[%parallel_loop3A_118, %parallel_loop3A_119], %broadcast_in_dim3A_94 {strides = array<i32>} : memref<2x10240xf32, #tpu.memory_space<vmem>>, vector<16xf32>,
    } {sc.loop_unroll_factor = 4 : i64, sc.parallel_access}
    tpu.wait_dma2 semaphore(%arg16 : memref<!tpu.dma_semaphore, #tpu.memory_space<semaphore_mem>>) src(%arg5 : memref<10240xf32, #tpu.memory_space<hbm>>) dst(%arg9 : memref<10240xf32, #tpu.memory_space<vmem>>)
    tpu.wait_dma2 semaphore(%arg16 : memref<!tpu.dma_semaphore, #tpu.memory_space<semaphore_mem>>) src(%arg6 : memref<10240xf32, #tpu.memory_space<hbm>>) dst(%arg10 : memref<10240xf32, #tpu.memory_space<vmem>>)
    %dma_wait3A = arith.constant 0 : i32
    %dma_wait3A_97 = tpu.memref_slice %arg4[%mul3A_34, %dma_wait3A] : memref<2x10240xf32, #tpu.memory_space<hbm>> -> memref<2x10240xf32, #tpu.memory_space<hbm>>
    %dma_wait3A_98 = arith.constant 0 : i32
    %dma_wait3A_99 = tpu.memref_slice %arg4[%mul3A_34, %dma_wait3A_98] : memref<2x10240xf32, #tpu.memory_space<hbm>> -> memref<2x10240xf32, #tpu.memory_space<hbm>>
    tpu.wait_dma2 semaphore(%arg16 : memref<!tpu.dma_semaphore, #tpu.memory_space<semaphore_mem>>) src(%dma_wait3A_99 : memref<2x10240xf32, #tpu.memory_space<hbm>>) dst(%arg11 : memref<2x10240xf32, #tpu.memory_space<vmem>>)
    %scan3A = arith.constant 0 : i32
    %scan3A_100 = arith.constant 5 : i32
    %scan3A_101 = arith.addi %scan3A, %scan3A_100 : i32
    %scan3A_102 = arith.constant 1 : i32
    scf.for %scan3A_104 = %scan3A to %scan3A_101 step %scan3A_102  : i32 {
      %mul3A_105 = arith.constant 2 : i32
      %mul3A_106 = arith.muli %scan3A_104, %mul3A_105 : i32
      %add3A_107 = arith.constant 0 : i32
      %add3A_108 = arith.addi %mul3A_106, %add3A_107 : i32
      %dma_wait3A_109 = arith.constant 0 : i32
      %dma_wait3A_110 = arith.constant 0 : i32
      %dma_wait3A_111 = arith.constant 0 : i32
      %dma_wait3A_112 = tpu.memref_slice %arg14[%dma_wait3A_109, %dma_wait3A_111] : memref<2x1024xi32, #tpu.memory_space<vmem>> -> memref<1x1024xi32, #tpu.memory_space<vmem>>
      %dma_wait3A_113 = tpu.memref_squeeze %dma_wait3A_112 : memref<1x1024xi32, #tpu.memory_space<vmem>> -> memref<1024xi32, #tpu.memory_space<vmem>>
      %dma_wait3A_114 = tpu.memref_slice %arg2[%mul3A_32] : memref<327680xi32, #tpu.memory_space<hbm>> -> memref<1024xi32, #tpu.memory_space<hbm>>
      %dma_wait3A_115 = tpu.memref_slice %arg17[%dma_wait3A_110] : memref<2x!tpu.dma_semaphore, #tpu.memory_space<semaphore_mem>> -> memref<1x!tpu.dma_semaphore, #tpu.memory_space<semaphore_mem>>
      %dma_wait3A_116 = tpu.memref_squeeze %dma_wait3A_115 : memref<1x!tpu.dma_semaphore, #tpu.memory_space<semaphore_mem>> -> memref<!tpu.dma_semaphore, #tpu.memory_space<semaphore_mem>>
      %dma_wait3A_117 = arith.constant 0 : i32
      %dma_wait3A_118 = tpu.memref_slice %arg14[%dma_wait3A_109, %dma_wait3A_117] : memref<2x1024xi32, #tpu.memory_space<vmem>> -> memref<1x1024xi32, #tpu.memory_space<vmem>>
      %dma_wait3A_119 = tpu.memref_squeeze %dma_wait3A_118 : memref<1x1024xi32, #tpu.memory_space<vmem>> -> memref<1024xi32, #tpu.memory_space<vmem>>
      %dma_wait3A_120 = tpu.memref_slice %arg2[%mul3A_32] : memref<327680xi32, #tpu.memory_space<hbm>> -> memref<1024xi32, #tpu.memory_space<hbm>>
      tpu.wait_dma2 semaphore(%dma_wait3A_116 : memref<!tpu.dma_semaphore, #tpu.memory_space<semaphore_mem>>) src(%dma_wait3A_120 : memref<1024xi32, #tpu.memory_space<hbm>>) dst(%dma_wait3A_119 : memref<1024xi32, #tpu.memory_space<vmem>>)
      %dma_wait3A_121 = arith.constant 0 : i32
      %dma_wait3A_122 = arith.constant 0 : i32
      %dma_wait3A_123 = arith.constant 0 : i32
      %dma_wait3A_124 = tpu.memref_slice %arg15[%dma_wait3A_121, %dma_wait3A_123] : memref<2x1024xi32, #tpu.memory_space<vmem>> -> memref<1x1024xi32, #tpu.memory_space<vmem>>
      %dma_wait3A_125 = tpu.memref_squeeze %dma_wait3A_124 : memref<1x1024xi32, #tpu.memory_space<vmem>> -> memref<1024xi32, #tpu.memory_space<vmem>>
      %dma_wait3A_126 = tpu.memref_slice %arg3[%mul3A_32] : memref<327680xi32, #tpu.memory_space<hbm>> -> memref<1024xi32, #tpu.memory_space<hbm>>
      %dma_wait3A_127 = tpu.memref_slice %arg18[%dma_wait3A_122] : memref<2x!tpu.dma_semaphore, #tpu.memory_space<semaphore_mem>> -> memref<1x!tpu.dma_semaphore, #tpu.memory_space<semaphore_mem>>
      %dma_wait3A_128 = tpu.memref_squeeze %dma_wait3A_127 : memref<1x!tpu.dma_semaphore, #tpu.memory_space<semaphore_mem>> -> memref<!tpu.dma_semaphore, #tpu.memory_space<semaphore_mem>>
      %dma_wait3A_129 = arith.constant 0 : i32
      %dma_wait3A_130 = tpu.memref_slice %arg15[%dma_wait3A_121, %dma_wait3A_129] : memref<2x1024xi32, #tpu.memory_space<vmem>> -> memref<1x1024xi32, #tpu.memory_space<vmem>>
      %dma_wait3A_131 = tpu.memref_squeeze %dma_wait3A_130 : memref<1x1024xi32, #tpu.memory_space<vmem>> -> memref<1024xi32, #tpu.memory_space<vmem>>
      %dma_wait3A_132 = tpu.memref_slice %arg3[%mul3A_32] : memref<327680xi32, #tpu.memory_space<hbm>> -> memref<1024xi32, #tpu.memory_space<hbm>>
      tpu.wait_dma2 semaphore(%dma_wait3A_128 : memref<!tpu.dma_semaphore, #tpu.memory_space<semaphore_mem>>) src(%dma_wait3A_132 : memref<1024xi32, #tpu.memory_space<hbm>>) dst(%dma_wait3A_131 : memref<1024xi32, #tpu.memory_space<vmem>>)
      %parallel_loop3A_133 = arith.constant 0 : i32
      %parallel_loop3A_134 = arith.constant 64 : i32
      %parallel_loop3A_135 = arith.constant 1 : i32
      scf.for %parallel_loop3A_179 = %parallel_loop3A_133 to %parallel_loop3A_134 step %parallel_loop3A_135  : i32 {
        %parallel_loop3A_180 = arith.constant 16 : i32
        %parallel_loop3A_181 = arith.muli %parallel_loop3A_179, %parallel_loop3A_180 : i32
        %parallel_loop3A_182 = arith.constant 0 : i32
        %parallel_loop3A_183 = arith.index_cast %parallel_loop3A_182 : i32 to index
        %parallel_loop3A_184 = arith.index_cast %parallel_loop3A_181 : i32 to index
        %parallel_loop3A_185 = tpu.vector_load %arg14[%parallel_loop3A_183, %parallel_loop3A_184] {strides = array<i32>} : memref<2x1024xi32, #tpu.memory_space<vmem>>, vector<16xi32>,
        %parallel_loop3A_186 = arith.constant 16 : i32
        %parallel_loop3A_187 = arith.muli %parallel_loop3A_179, %parallel_loop3A_186 : i32
        %parallel_loop3A_188 = arith.constant 0 : i32
        %parallel_loop3A_189 = arith.index_cast %parallel_loop3A_188 : i32 to index
        %parallel_loop3A_190 = arith.index_cast %parallel_loop3A_187 : i32 to index
        %parallel_loop3A_191 = tpu.vector_load %arg15[%parallel_loop3A_189, %parallel_loop3A_190] {strides = array<i32>} : memref<2x1024xi32, #tpu.memory_space<vmem>>, vector<16xi32>,
        %parallel_loop3A_192 = tpu.vector_load_idx %arg9[%parallel_loop3A_185] : memref<10240xf32, #tpu.memory_space<vmem>>[vector<16xi32>], vector<16xf32>,
        %parallel_loop3A_193 = tpu.vector_load_idx %arg10[%parallel_loop3A_191] : memref<10240xf32, #tpu.memory_space<vmem>>[vector<16xi32>], vector<16xf32>,
        %parallel_loop3A_194 = arith.addf %parallel_loop3A_192, %parallel_loop3A_193 : vector<16xf32>
        %parallel_loop3A_195 = arith.constant 0.000000e+00 : f32
        %parallel_loop3A_196 = vector.broadcast %parallel_loop3A_195 : f32 to vector<16xf32>
        %parallel_loop3A_197 = arith.cmpf ogt, %parallel_loop3A_194, %parallel_loop3A_196 : vector<16xf32>
        %parallel_loop3A_198 = arith.constant 2.000000e-01 : f32
        %parallel_loop3A_199 = vector.broadcast %parallel_loop3A_198 : f32 to vector<16xf32>
        %parallel_loop3A_200 = arith.mulf %parallel_loop3A_199, %parallel_loop3A_194 : vector<16xf32>
        %parallel_loop3A_201 = arith.select %parallel_loop3A_197, %parallel_loop3A_194, %parallel_loop3A_200 : vector<16xi1>, vector<16xf32>
        %parallel_loop3A_202 = math.exp %parallel_loop3A_201 : vector<16xf32>
        tpu.vector_store_idx %arg13[%parallel_loop3A_191], %parallel_loop3A_202 {add = true} : memref<10240xf32, #tpu.memory_space<vmem>>[vector<16xi32>], vector<16xf32>,
        %parallel_loop3A_203 = arith.constant 0 : i32
        %parallel_loop3A_204 = vector.broadcast %parallel_loop3A_203 : i32 to vector<16xi32>
        %parallel_loop3A_205 = tpu.vector_load_idx %arg11[%parallel_loop3A_204, %parallel_loop3A_185] : memref<2x10240xf32, #tpu.memory_space<vmem>>[vector<16xi32>, vector<16xi32>], vector<16xf32>,
        %parallel_loop3A_206 = arith.mulf %parallel_loop3A_205, %parallel_loop3A_202 : vector<16xf32>
        tpu.vector_store_idx %arg12[%parallel_loop3A_204, %parallel_loop3A_191], %parallel_loop3A_206 {add = true} : memref<2x10240xf32, #tpu.memory_space<vmem>>[vector<16xi32>, vector<16xi32>], vector<16xf32>,
        %parallel_loop3A_207 = arith.constant 1 : i32
        %parallel_loop3A_208 = vector.broadcast %parallel_loop3A_207 : i32 to vector<16xi32>
        %parallel_loop3A_209 = tpu.vector_load_idx %arg11[%parallel_loop3A_208, %parallel_loop3A_185] : memref<2x10240xf32, #tpu.memory_space<vmem>>[vector<16xi32>, vector<16xi32>], vector<16xf32>,
        %parallel_loop3A_210 = arith.mulf %parallel_loop3A_209, %parallel_loop3A_202 : vector<16xf32>
        tpu.vector_store_idx %arg12[%parallel_loop3A_208, %parallel_loop3A_191], %parallel_loop3A_210 {add = true} : memref<2x10240xf32, #tpu.memory_space<vmem>>[vector<16xi32>, vector<16xi32>], vector<16xf32>,
      } {sc.loop_unroll_factor = 4 : i64, sc.parallel_access}
      %add3A_136 = arith.constant 2 : i32
      %add3A_137 = arith.addi %add3A_108, %add3A_136 : i32
      %lt3A_138 = arith.constant 10 : i32
      %lt3A_139 = arith.cmpi slt, %add3A_137, %lt3A_138 : i32
      %convert_element_type3A = arith.extui %lt3A_139 : i1 to i32
      %cond3A = arith.constant 0 : i32
      %cond3A_140 = arith.cmpi ne, %convert_element_type3A, %cond3A : i32
      scf.if %cond3A_140 {
        %add3A_179 = arith.constant 2 : i32
        %add3A_180 = arith.addi %add3A_108, %add3A_179 : i32
        %mul3A_181 = arith.constant 1024 : i32
        %mul3A_182 = arith.muli %add3A_180, %mul3A_181 : i32
        %add3A_183 = arith.addi %mul3A_32, %mul3A_182 : i32
        %dma_start3A_184 = arith.constant 0 : i32
        %dma_start3A_185 = arith.constant 0 : i32
        %dma_start3A_186 = arith.constant 0 : i32
        %dma_start3A_187 = tpu.memref_slice %arg14[%dma_start3A_184, %dma_start3A_186] : memref<2x1024xi32, #tpu.memory_space<vmem>> -> memref<1x1024xi32, #tpu.memory_space<vmem>>
        %dma_start3A_188 = tpu.memref_squeeze %dma_start3A_187 : memref<1x1024xi32, #tpu.memory_space<vmem>> -> memref<1024xi32, #tpu.memory_space<vmem>>
        %dma_start3A_189 = tpu.memref_slice %arg2[%add3A_183] : memref<327680xi32, #tpu.memory_space<hbm>> -> memref<1024xi32, #tpu.memory_space<hbm>>
        %dma_start3A_190 = tpu.memref_slice %arg17[%dma_start3A_185] : memref<2x!tpu.dma_semaphore, #tpu.memory_space<semaphore_mem>> -> memref<1x!tpu.dma_semaphore, #tpu.memory_space<semaphore_mem>>
        %dma_start3A_191 = tpu.memref_squeeze %dma_start3A_190 : memref<1x!tpu.dma_semaphore, #tpu.memory_space<semaphore_mem>> -> memref<!tpu.dma_semaphore, #tpu.memory_space<semaphore_mem>>
        %dma_start3A_192 = arith.constant 0 : i32
        %dma_start3A_193 = tpu.memref_slice %arg14[%dma_start3A_184, %dma_start3A_192] : memref<2x1024xi32, #tpu.memory_space<vmem>> -> memref<1x1024xi32, #tpu.memory_space<vmem>>
        %dma_start3A_194 = tpu.memref_squeeze %dma_start3A_193 : memref<1x1024xi32, #tpu.memory_space<vmem>> -> memref<1024xi32, #tpu.memory_space<vmem>>
        %dma_start3A_195 = tpu.memref_slice %arg2[%add3A_183] : memref<327680xi32, #tpu.memory_space<hbm>> -> memref<1024xi32, #tpu.memory_space<hbm>>
        tpu.enqueue_dma source(%dma_start3A_195 : memref<1024xi32, #tpu.memory_space<hbm>>) target(%dma_start3A_194 : memref<1024xi32, #tpu.memory_space<vmem>>) target_semaphore(%dma_start3A_191 : memref<!tpu.dma_semaphore, #tpu.memory_space<semaphore_mem>>)
        %dma_start3A_196 = arith.constant 0 : i32
        %dma_start3A_197 = arith.constant 0 : i32
        %dma_start3A_198 = arith.constant 0 : i32
        %dma_start3A_199 = tpu.memref_slice %arg15[%dma_start3A_196, %dma_start3A_198] : memref<2x1024xi32, #tpu.memory_space<vmem>> -> memref<1x1024xi32, #tpu.memory_space<vmem>>
        %dma_start3A_200 = tpu.memref_squeeze %dma_start3A_199 : memref<1x1024xi32, #tpu.memory_space<vmem>> -> memref<1024xi32, #tpu.memory_space<vmem>>
        %dma_start3A_201 = tpu.memref_slice %arg3[%add3A_183] : memref<327680xi32, #tpu.memory_space<hbm>> -> memref<1024xi32, #tpu.memory_space<hbm>>
        %dma_start3A_202 = tpu.memref_slice %arg18[%dma_start3A_197] : memref<2x!tpu.dma_semaphore, #tpu.memory_space<semaphore_mem>> -> memref<1x!tpu.dma_semaphore, #tpu.memory_space<semaphore_mem>>
        %dma_start3A_203 = tpu.memref_squeeze %dma_start3A_202 : memref<1x!tpu.dma_semaphore, #tpu.memory_space<semaphore_mem>> -> memref<!tpu.dma_semaphore, #tpu.memory_space<semaphore_mem>>
        %dma_start3A_204 = arith.constant 0 : i32
        %dma_start3A_205 = tpu.memref_slice %arg15[%dma_start3A_196, %dma_start3A_204] : memref<2x1024xi32, #tpu.memory_space<vmem>> -> memref<1x1024xi32, #tpu.memory_space<vmem>>
        %dma_start3A_206 = tpu.memref_squeeze %dma_start3A_205 : memref<1x1024xi32, #tpu.memory_space<vmem>> -> memref<1024xi32, #tpu.memory_space<vmem>>
        %dma_start3A_207 = tpu.memref_slice %arg3[%add3A_183] : memref<327680xi32, #tpu.memory_space<hbm>> -> memref<1024xi32, #tpu.memory_space<hbm>>
        tpu.enqueue_dma source(%dma_start3A_207 : memref<1024xi32, #tpu.memory_space<hbm>>) target(%dma_start3A_206 : memref<1024xi32, #tpu.memory_space<vmem>>) target_semaphore(%dma_start3A_203 : memref<!tpu.dma_semaphore, #tpu.memory_space<semaphore_mem>>)
      } else {
      }
      %mul3A_141 = arith.constant 2 : i32
      %mul3A_142 = arith.muli %scan3A_104, %mul3A_141 : i32
      %add3A_143 = arith.constant 1 : i32
      %add3A_144 = arith.addi %mul3A_142, %add3A_143 : i32
      %dma_wait3A_145 = arith.constant 1 : i32
      %dma_wait3A_146 = arith.constant 1 : i32
      %dma_wait3A_147 = arith.constant 0 : i32
      %dma_wait3A_148 = tpu.memref_slice %arg14[%dma_wait3A_145, %dma_wait3A_147] : memref<2x1024xi32, #tpu.memory_space<vmem>> -> memref<1x1024xi32, #tpu.memory_space<vmem>>
      %dma_wait3A_149 = tpu.memref_squeeze %dma_wait3A_148 : memref<1x1024xi32, #tpu.memory_space<vmem>> -> memref<1024xi32, #tpu.memory_space<vmem>>
      %dma_wait3A_150 = tpu.memref_slice %arg2[%mul3A_32] : memref<327680xi32, #tpu.memory_space<hbm>> -> memref<1024xi32, #tpu.memory_space<hbm>>
      %dma_wait3A_151 = tpu.memref_slice %arg17[%dma_wait3A_146] : memref<2x!tpu.dma_semaphore, #tpu.memory_space<semaphore_mem>> -> memref<1x!tpu.dma_semaphore, #tpu.memory_space<semaphore_mem>>
      %dma_wait3A_152 = tpu.memref_squeeze %dma_wait3A_151 : memref<1x!tpu.dma_semaphore, #tpu.memory_space<semaphore_mem>> -> memref<!tpu.dma_semaphore, #tpu.memory_space<semaphore_mem>>
      %dma_wait3A_153 = arith.constant 0 : i32
      %dma_wait3A_154 = tpu.memref_slice %arg14[%dma_wait3A_145, %dma_wait3A_153] : memref<2x1024xi32, #tpu.memory_space<vmem>> -> memref<1x1024xi32, #tpu.memory_space<vmem>>
      %dma_wait3A_155 = tpu.memref_squeeze %dma_wait3A_154 : memref<1x1024xi32, #tpu.memory_space<vmem>> -> memref<1024xi32, #tpu.memory_space<vmem>>
      %dma_wait3A_156 = tpu.memref_slice %arg2[%mul3A_32] : memref<327680xi32, #tpu.memory_space<hbm>> -> memref<1024xi32, #tpu.memory_space<hbm>>
      tpu.wait_dma2 semaphore(%dma_wait3A_152 : memref<!tpu.dma_semaphore, #tpu.memory_space<semaphore_mem>>) src(%dma_wait3A_156 : memref<1024xi32, #tpu.memory_space<hbm>>) dst(%dma_wait3A_155 : memref<1024xi32, #tpu.memory_space<vmem>>)
      %dma_wait3A_157 = arith.constant 1 : i32
      %dma_wait3A_158 = arith.constant 1 : i32
      %dma_wait3A_159 = arith.constant 0 : i32
      %dma_wait3A_160 = tpu.memref_slice %arg15[%dma_wait3A_157, %dma_wait3A_159] : memref<2x1024xi32, #tpu.memory_space<vmem>> -> memref<1x1024xi32, #tpu.memory_space<vmem>>
      %dma_wait3A_161 = tpu.memref_squeeze %dma_wait3A_160 : memref<1x1024xi32, #tpu.memory_space<vmem>> -> memref<1024xi32, #tpu.memory_space<vmem>>
      %dma_wait3A_162 = tpu.memref_slice %arg3[%mul3A_32] : memref<327680xi32, #tpu.memory_space<hbm>> -> memref<1024xi32, #tpu.memory_space<hbm>>
      %dma_wait3A_163 = tpu.memref_slice %arg18[%dma_wait3A_158] : memref<2x!tpu.dma_semaphore, #tpu.memory_space<semaphore_mem>> -> memref<1x!tpu.dma_semaphore, #tpu.memory_space<semaphore_mem>>
      %dma_wait3A_164 = tpu.memref_squeeze %dma_wait3A_163 : memref<1x!tpu.dma_semaphore, #tpu.memory_space<semaphore_mem>> -> memref<!tpu.dma_semaphore, #tpu.memory_space<semaphore_mem>>
      %dma_wait3A_165 = arith.constant 0 : i32
      %dma_wait3A_166 = tpu.memref_slice %arg15[%dma_wait3A_157, %dma_wait3A_165] : memref<2x1024xi32, #tpu.memory_space<vmem>> -> memref<1x1024xi32, #tpu.memory_space<vmem>>
      %dma_wait3A_167 = tpu.memref_squeeze %dma_wait3A_166 : memref<1x1024xi32, #tpu.memory_space<vmem>> -> memref<1024xi32, #tpu.memory_space<vmem>>
      %dma_wait3A_168 = tpu.memref_slice %arg3[%mul3A_32] : memref<327680xi32, #tpu.memory_space<hbm>> -> memref<1024xi32, #tpu.memory_space<hbm>>
      tpu.wait_dma2 semaphore(%dma_wait3A_164 : memref<!tpu.dma_semaphore, #tpu.memory_space<semaphore_mem>>) src(%dma_wait3A_168 : memref<1024xi32, #tpu.memory_space<hbm>>) dst(%dma_wait3A_167 : memref<1024xi32, #tpu.memory_space<vmem>>)
      %parallel_loop3A_169 = arith.constant 0 : i32
      %parallel_loop3A_170 = arith.constant 64 : i32
      %parallel_loop3A_171 = arith.constant 1 : i32
      scf.for %parallel_loop3A_179 = %parallel_loop3A_169 to %parallel_loop3A_170 step %parallel_loop3A_171  : i32 {
        %parallel_loop3A_180 = arith.constant 16 : i32
        %parallel_loop3A_181 = arith.muli %parallel_loop3A_179, %parallel_loop3A_180 : i32
        %parallel_loop3A_182 = arith.constant 1 : i32
        %parallel_loop3A_183 = arith.index_cast %parallel_loop3A_182 : i32 to index
        %parallel_loop3A_184 = arith.index_cast %parallel_loop3A_181 : i32 to index
        %parallel_loop3A_185 = tpu.vector_load %arg14[%parallel_loop3A_183, %parallel_loop3A_184] {strides = array<i32>} : memref<2x1024xi32, #tpu.memory_space<vmem>>, vector<16xi32>,
        %parallel_loop3A_186 = arith.constant 16 : i32
        %parallel_loop3A_187 = arith.muli %parallel_loop3A_179, %parallel_loop3A_186 : i32
        %parallel_loop3A_188 = arith.constant 1 : i32
        %parallel_loop3A_189 = arith.index_cast %parallel_loop3A_188 : i32 to index
        %parallel_loop3A_190 = arith.index_cast %parallel_loop3A_187 : i32 to index
        %parallel_loop3A_191 = tpu.vector_load %arg15[%parallel_loop3A_189, %parallel_loop3A_190] {strides = array<i32>} : memref<2x1024xi32, #tpu.memory_space<vmem>>, vector<16xi32>,
        %parallel_loop3A_192 = tpu.vector_load_idx %arg9[%parallel_loop3A_185] : memref<10240xf32, #tpu.memory_space<vmem>>[vector<16xi32>], vector<16xf32>,
        %parallel_loop3A_193 = tpu.vector_load_idx %arg10[%parallel_loop3A_191] : memref<10240xf32, #tpu.memory_space<vmem>>[vector<16xi32>], vector<16xf32>,
        %parallel_loop3A_194 = arith.addf %parallel_loop3A_192, %parallel_loop3A_193 : vector<16xf32>
        %parallel_loop3A_195 = arith.constant 0.000000e+00 : f32
        %parallel_loop3A_196 = vector.broadcast %parallel_loop3A_195 : f32 to vector<16xf32>
        %parallel_loop3A_197 = arith.cmpf ogt, %parallel_loop3A_194, %parallel_loop3A_196 : vector<16xf32>
        %parallel_loop3A_198 = arith.constant 2.000000e-01 : f32
        %parallel_loop3A_199 = vector.broadcast %parallel_loop3A_198 : f32 to vector<16xf32>
        %parallel_loop3A_200 = arith.mulf %parallel_loop3A_199, %parallel_loop3A_194 : vector<16xf32>
        %parallel_loop3A_201 = arith.select %parallel_loop3A_197, %parallel_loop3A_194, %parallel_loop3A_200 : vector<16xi1>, vector<16xf32>
        %parallel_loop3A_202 = math.exp %parallel_loop3A_201 : vector<16xf32>
        tpu.vector_store_idx %arg13[%parallel_loop3A_191], %parallel_loop3A_202 {add = true} : memref<10240xf32, #tpu.memory_space<vmem>>[vector<16xi32>], vector<16xf32>,
        %parallel_loop3A_203 = arith.constant 0 : i32
        %parallel_loop3A_204 = vector.broadcast %parallel_loop3A_203 : i32 to vector<16xi32>
        %parallel_loop3A_205 = tpu.vector_load_idx %arg11[%parallel_loop3A_204, %parallel_loop3A_185] : memref<2x10240xf32, #tpu.memory_space<vmem>>[vector<16xi32>, vector<16xi32>], vector<16xf32>,
        %parallel_loop3A_206 = arith.mulf %parallel_loop3A_205, %parallel_loop3A_202 : vector<16xf32>
        tpu.vector_store_idx %arg12[%parallel_loop3A_204, %parallel_loop3A_191], %parallel_loop3A_206 {add = true} : memref<2x10240xf32, #tpu.memory_space<vmem>>[vector<16xi32>, vector<16xi32>], vector<16xf32>,
        %parallel_loop3A_207 = arith.constant 1 : i32
        %parallel_loop3A_208 = vector.broadcast %parallel_loop3A_207 : i32 to vector<16xi32>
        %parallel_loop3A_209 = tpu.vector_load_idx %arg11[%parallel_loop3A_208, %parallel_loop3A_185] : memref<2x10240xf32, #tpu.memory_space<vmem>>[vector<16xi32>, vector<16xi32>], vector<16xf32>,
        %parallel_loop3A_210 = arith.mulf %parallel_loop3A_209, %parallel_loop3A_202 : vector<16xf32>
        tpu.vector_store_idx %arg12[%parallel_loop3A_208, %parallel_loop3A_191], %parallel_loop3A_210 {add = true} : memref<2x10240xf32, #tpu.memory_space<vmem>>[vector<16xi32>, vector<16xi32>], vector<16xf32>,
      } {sc.loop_unroll_factor = 4 : i64, sc.parallel_access}
      %add3A_172 = arith.constant 2 : i32
      %add3A_173 = arith.addi %add3A_144, %add3A_172 : i32
      %lt3A_174 = arith.constant 10 : i32
      %lt3A_175 = arith.cmpi slt, %add3A_173, %lt3A_174 : i32
      %convert_element_type3A_176 = arith.extui %lt3A_175 : i1 to i32
      %cond3A_177 = arith.constant 0 : i32
      %cond3A_178 = arith.cmpi ne, %convert_element_type3A_176, %cond3A_177 : i32
      scf.if %cond3A_178 {
        %add3A_179 = arith.constant 2 : i32
        %add3A_180 = arith.addi %add3A_144, %add3A_179 : i32
        %mul3A_181 = arith.constant 1024 : i32
        %mul3A_182 = arith.muli %add3A_180, %mul3A_181 : i32
        %add3A_183 = arith.addi %mul3A_32, %mul3A_182 : i32
        %dma_start3A_184 = arith.constant 1 : i32
        %dma_start3A_185 = arith.constant 1 : i32
        %dma_start3A_186 = arith.constant 0 : i32
        %dma_start3A_187 = tpu.memref_slice %arg14[%dma_start3A_184, %dma_start3A_186] : memref<2x1024xi32, #tpu.memory_space<vmem>> -> memref<1x1024xi32, #tpu.memory_space<vmem>>
        %dma_start3A_188 = tpu.memref_squeeze %dma_start3A_187 : memref<1x1024xi32, #tpu.memory_space<vmem>> -> memref<1024xi32, #tpu.memory_space<vmem>>
        %dma_start3A_189 = tpu.memref_slice %arg2[%add3A_183] : memref<327680xi32, #tpu.memory_space<hbm>> -> memref<1024xi32, #tpu.memory_space<hbm>>
        %dma_start3A_190 = tpu.memref_slice %arg17[%dma_start3A_185] : memref<2x!tpu.dma_semaphore, #tpu.memory_space<semaphore_mem>> -> memref<1x!tpu.dma_semaphore, #tpu.memory_space<semaphore_mem>>
        %dma_start3A_191 = tpu.memref_squeeze %dma_start3A_190 : memref<1x!tpu.dma_semaphore, #tpu.memory_space<semaphore_mem>> -> memref<!tpu.dma_semaphore, #tpu.memory_space<semaphore_mem>>
        %dma_start3A_192 = arith.constant 0 : i32
        %dma_start3A_193 = tpu.memref_slice %arg14[%dma_start3A_184, %dma_start3A_192] : memref<2x1024xi32, #tpu.memory_space<vmem>> -> memref<1x1024xi32, #tpu.memory_space<vmem>>
        %dma_start3A_194 = tpu.memref_squeeze %dma_start3A_193 : memref<1x1024xi32, #tpu.memory_space<vmem>> -> memref<1024xi32, #tpu.memory_space<vmem>>
        %dma_start3A_195 = tpu.memref_slice %arg2[%add3A_183] : memref<327680xi32, #tpu.memory_space<hbm>> -> memref<1024xi32, #tpu.memory_space<hbm>>
        tpu.enqueue_dma source(%dma_start3A_195 : memref<1024xi32, #tpu.memory_space<hbm>>) target(%dma_start3A_194 : memref<1024xi32, #tpu.memory_space<vmem>>) target_semaphore(%dma_start3A_191 : memref<!tpu.dma_semaphore, #tpu.memory_space<semaphore_mem>>)
        %dma_start3A_196 = arith.constant 1 : i32
        %dma_start3A_197 = arith.constant 1 : i32
        %dma_start3A_198 = arith.constant 0 : i32
        %dma_start3A_199 = tpu.memref_slice %arg15[%dma_start3A_196, %dma_start3A_198] : memref<2x1024xi32, #tpu.memory_space<vmem>> -> memref<1x1024xi32, #tpu.memory_space<vmem>>
        %dma_start3A_200 = tpu.memref_squeeze %dma_start3A_199 : memref<1x1024xi32, #tpu.memory_space<vmem>> -> memref<1024xi32, #tpu.memory_space<vmem>>
        %dma_start3A_201 = tpu.memref_slice %arg3[%add3A_183] : memref<327680xi32, #tpu.memory_space<hbm>> -> memref<1024xi32, #tpu.memory_space<hbm>>
        %dma_start3A_202 = tpu.memref_slice %arg18[%dma_start3A_197] : memref<2x!tpu.dma_semaphore, #tpu.memory_space<semaphore_mem>> -> memref<1x!tpu.dma_semaphore, #tpu.memory_space<semaphore_mem>>
        %dma_start3A_203 = tpu.memref_squeeze %dma_start3A_202 : memref<1x!tpu.dma_semaphore, #tpu.memory_space<semaphore_mem>> -> memref<!tpu.dma_semaphore, #tpu.memory_space<semaphore_mem>>
        %dma_start3A_204 = arith.constant 0 : i32
        %dma_start3A_205 = tpu.memref_slice %arg15[%dma_start3A_196, %dma_start3A_204] : memref<2x1024xi32, #tpu.memory_space<vmem>> -> memref<1x1024xi32, #tpu.memory_space<vmem>>
        %dma_start3A_206 = tpu.memref_squeeze %dma_start3A_205 : memref<1x1024xi32, #tpu.memory_space<vmem>> -> memref<1024xi32, #tpu.memory_space<vmem>>
        %dma_start3A_207 = tpu.memref_slice %arg3[%add3A_183] : memref<327680xi32, #tpu.memory_space<hbm>> -> memref<1024xi32, #tpu.memory_space<hbm>>
        tpu.enqueue_dma source(%dma_start3A_207 : memref<1024xi32, #tpu.memory_space<hbm>>) target(%dma_start3A_206 : memref<1024xi32, #tpu.memory_space<vmem>>) target_semaphore(%dma_start3A_203 : memref<!tpu.dma_semaphore, #tpu.memory_space<semaphore_mem>>)
      } else {
      }
    }
    %scan3A_103 = arith.constant 5 : i32
    "tpu.region"() ({
      %run_scoped3A = tpu.sem_alloc : memref<!tpu.dma_semaphore, #tpu.memory_space<semaphore_mem>>
      %dma_start3A_104 = arith.constant 0 : i32
      %dma_start3A_105 = arith.constant 0 : i32
      %dma_start3A_106 = tpu.memref_slice %arg7[%add3A, %dma_start3A_104, %dma_start3A_105] : memref<32x2x10240xf32, #tpu.memory_space<hbm>> -> memref<1x2x10240xf32, #tpu.memory_space<hbm>>
      %dma_start3A_107 = tpu.memref_squeeze %dma_start3A_106 : memref<1x2x10240xf32, #tpu.memory_space<hbm>> -> memref<2x10240xf32, #tpu.memory_space<hbm>>
      %dma_start3A_108 = arith.constant 0 : i32
      %dma_start3A_109 = arith.constant 0 : i32
      %dma_start3A_110 = tpu.memref_slice %arg7[%add3A, %dma_start3A_108, %dma_start3A_109] : memref<32x2x10240xf32, #tpu.memory_space<hbm>> -> memref<1x2x10240xf32, #tpu.memory_space<hbm>>
      %dma_start3A_111 = tpu.memref_squeeze %dma_start3A_110 : memref<1x2x10240xf32, #tpu.memory_space<hbm>> -> memref<2x10240xf32, #tpu.memory_space<hbm>>
      tpu.enqueue_dma source(%arg12 : memref<2x10240xf32, #tpu.memory_space<vmem>>) target(%dma_start3A_111 : memref<2x10240xf32, #tpu.memory_space<hbm>>) target_semaphore(%run_scoped3A : memref<!tpu.dma_semaphore, #tpu.memory_space<semaphore_mem>>)
      %dma_wait3A_112 = arith.constant 0 : i32
      %dma_wait3A_113 = arith.constant 0 : i32
      %dma_wait3A_114 = tpu.memref_slice %arg7[%add3A, %dma_wait3A_112, %dma_wait3A_113] : memref<32x2x10240xf32, #tpu.memory_space<hbm>> -> memref<1x2x10240xf32, #tpu.memory_space<hbm>>
      %dma_wait3A_115 = tpu.memref_squeeze %dma_wait3A_114 : memref<1x2x10240xf32, #tpu.memory_space<hbm>> -> memref<2x10240xf32, #tpu.memory_space<hbm>>
      %dma_wait3A_116 = arith.constant 0 : i32
      %dma_wait3A_117 = arith.constant 0 : i32
      %dma_wait3A_118 = tpu.memref_slice %arg7[%add3A, %dma_wait3A_116, %dma_wait3A_117] : memref<32x2x10240xf32, #tpu.memory_space<hbm>> -> memref<1x2x10240xf32, #tpu.memory_space<hbm>>
      %dma_wait3A_119 = tpu.memref_squeeze %dma_wait3A_118 : memref<1x2x10240xf32, #tpu.memory_space<hbm>> -> memref<2x10240xf32, #tpu.memory_space<hbm>>
      tpu.wait_dma2 semaphore(%run_scoped3A : memref<!tpu.dma_semaphore, #tpu.memory_space<semaphore_mem>>) src(%arg12 : memref<2x10240xf32, #tpu.memory_space<vmem>>) dst(%dma_wait3A_119 : memref<2x10240xf32, #tpu.memory_space<hbm>>)
      tpu.yield
    }) : () -> ()
    "tpu.region"() ({
      %run_scoped3A = tpu.sem_alloc : memref<!tpu.dma_semaphore, #tpu.memory_space<semaphore_mem>>
      %dma_start3A_104 = arith.constant 0 : i32
      %dma_start3A_105 = tpu.memref_slice %arg8[%add3A, %dma_start3A_104] : memref<32x10240xf32, #tpu.memory_space<hbm>> -> memref<1x10240xf32, #tpu.memory_space<hbm>>
      %dma_start3A_106 = tpu.memref_squeeze %dma_start3A_105 : memref<1x10240xf32, #tpu.memory_space<hbm>> -> memref<10240xf32, #tpu.memory_space<hbm>>
      %dma_start3A_107 = arith.constant 0 : i32
      %dma_start3A_108 = tpu.memref_slice %arg8[%add3A, %dma_start3A_107] : memref<32x10240xf32, #tpu.memory_space<hbm>> -> memref<1x10240xf32, #tpu.memory_space<hbm>>
      %dma_start3A_109 = tpu.memref_squeeze %dma_start3A_108 : memref<1x10240xf32, #tpu.memory_space<hbm>> -> memref<10240xf32, #tpu.memory_space<hbm>>
      tpu.enqueue_dma source(%arg13 : memref<10240xf32, #tpu.memory_space<vmem>>) target(%dma_start3A_109 : memref<10240xf32, #tpu.memory_space<hbm>>) target_semaphore(%run_scoped3A : memref<!tpu.dma_semaphore, #tpu.memory_space<semaphore_mem>>)
      %dma_wait3A_110 = arith.constant 0 : i32
      %dma_wait3A_111 = tpu.memref_slice %arg8[%add3A, %dma_wait3A_110] : memref<32x10240xf32, #tpu.memory_space<hbm>> -> memref<1x10240xf32, #tpu.memory_space<hbm>>
      %dma_wait3A_112 = tpu.memref_squeeze %dma_wait3A_111 : memref<1x10240xf32, #tpu.memory_space<hbm>> -> memref<10240xf32, #tpu.memory_space<hbm>>
      %dma_wait3A_113 = arith.constant 0 : i32
      %dma_wait3A_114 = tpu.memref_slice %arg8[%add3A, %dma_wait3A_113] : memref<32x10240xf32, #tpu.memory_space<hbm>> -> memref<1x10240xf32, #tpu.memory_space<hbm>>
      %dma_wait3A_115 = tpu.memref_squeeze %dma_wait3A_114 : memref<1x10240xf32, #tpu.memory_space<hbm>> -> memref<10240xf32, #tpu.memory_space<hbm>>
      tpu.wait_dma2 semaphore(%run_scoped3A : memref<!tpu.dma_semaphore, #tpu.memory_space<semaphore_mem>>) src(%arg13 : memref<10240xf32, #tpu.memory_space<vmem>>) dst(%dma_wait3A_115 : memref<10240xf32, #tpu.memory_space<hbm>>)
      tpu.yield
    }) : () -> ()
    return
  }
}

module attributes {stable_mosaic.version = 14 : i64} {
  func.func @_tc1_body(%arg0: i32, %arg1: memref<2560x128xf32, #tpu.memory_space<vmem>>, %arg2: memref<128x16xf32, #tpu.memory_space<vmem>>, %arg3: memref<1x16xf32, #tpu.memory_space<vmem>>, %arg4: memref<1x16xf32, #tpu.memory_space<vmem>>, %arg5: memref<2560x16xf32, #tpu.memory_space<vmem>>, %arg6: memref<2560x1xf32, #tpu.memory_space<vmem>>, %arg7: memref<2560x1xf32, #tpu.memory_space<vmem>>) attributes {dimension_semantics = [#tpu.dimension_semantics<arbitrary>], iteration_bounds = array<i64: 4>, scalar_prefetch = 0 : i64, scratch_operands = 0 : i64, tpu.core_type = #tpu.core_type<tc>, window_params = [{transform_indices = @transform_0, window_bounds = array<i64: 2560, 128>}, {pipeline_mode = #tpu.pipeline_mode<synchronous>, transform_indices = @transform_1, window_bounds = array<i64: 128, 16>}, {pipeline_mode = #tpu.pipeline_mode<synchronous>, transform_indices = @transform_2, window_bounds = array<i64: 1, 16>}, {pipeline_mode = #tpu.pipeline_mode<synchronous>, transform_indices = @transform_3, window_bounds = array<i64: 1, 16>}, {transform_indices = @transform_4, window_bounds = array<i64: 2560, 16>}, {transform_indices = @transform_5, window_bounds = array<i64: 2560, 1>}, {transform_indices = @transform_6, window_bounds = array<i64: 2560, 1>}]} {
    %get3A = arith.constant 0 : index
    %get3A_0 = arith.constant 0 : index
    %get3A_1 = vector.load %arg1[%get3A, %get3A_0] : memref<2560x128xf32, #tpu.memory_space<vmem>>, vector<2560x128xf32>
    %get3A_2 = arith.constant 0 : index
    %get3A_3 = arith.constant 0 : index
    %get3A_4 = vector.load %arg2[%get3A_2, %get3A_3] : memref<128x16xf32, #tpu.memory_space<vmem>>, vector<128x16xf32>
    %dot_general3A = arith.constant dense<0.000000e+00> : vector<2560x16xf32>
    %dot_general3A_5 = tpu.matmul %get3A_1, %get3A_4, %dot_general3A {dimension_numbers = #tpu.dot_dimension_numbers<[1], [0], [0], [1], [0, 0, 1, 1], [], []>, transpose_lhs_hint = false} : vector<2560x128xf32>, vector<128x16xf32>, vector<2560x16xf32> -> vector<2560x16xf32>
    %swap3A = arith.constant 0 : index
    %swap3A_6 = arith.constant 0 : index
    %swap3A_7 = vector.load %arg5[%swap3A, %swap3A_6] : memref<2560x16xf32, #tpu.memory_space<vmem>>, vector<2560x16xf32>
    tpu.vector_store %arg5[%swap3A, %swap3A_6], %dot_general3A_5 {strides = array<i32>} : memref<2560x16xf32, #tpu.memory_space<vmem>>, vector<2560x16xf32>,
    %get3A_8 = arith.constant 0 : index
    %get3A_9 = arith.constant 0 : index
    %get3A_10 = vector.load %arg3[%get3A_8, %get3A_9] : memref<1x16xf32, #tpu.memory_space<vmem>>, vector<1x16xf32>
    %mul3A = vector.broadcast %get3A_10 : vector<1x16xf32> to vector<2560x16xf32>
    %mul3A_11 = arith.mulf %dot_general3A_5, %mul3A : vector<2560x16xf32>
    %reduce_sum3A = arith.constant dense<0.000000e+00> : vector<2560xf32>
    %reduce_sum3A_12 = vector.multi_reduction <add>, %mul3A_11, %reduce_sum3A [1] : vector<2560x16xf32> to vector<2560xf32>
    %broadcast_in_dim3A = vector.shape_cast %reduce_sum3A_12 : vector<2560xf32> to vector<2560x1xf32>
    %swap3A_13 = arith.constant 0 : index
    %swap3A_14 = arith.constant 0 : index
    %swap3A_15 = vector.load %arg6[%swap3A_13, %swap3A_14] : memref<2560x1xf32, #tpu.memory_space<vmem>>, vector<2560x1xf32>
    tpu.vector_store %arg6[%swap3A_13, %swap3A_14], %broadcast_in_dim3A {strides = array<i32>} : memref<2560x1xf32, #tpu.memory_space<vmem>>, vector<2560x1xf32>,
    %get3A_16 = arith.constant 0 : index
    %get3A_17 = arith.constant 0 : index
    %get3A_18 = vector.load %arg4[%get3A_16, %get3A_17] : memref<1x16xf32, #tpu.memory_space<vmem>>, vector<1x16xf32>
    %mul3A_19 = vector.broadcast %get3A_18 : vector<1x16xf32> to vector<2560x16xf32>
    %mul3A_20 = arith.mulf %dot_general3A_5, %mul3A_19 : vector<2560x16xf32>
    %reduce_sum3A_21 = arith.constant dense<0.000000e+00> : vector<2560xf32>
    %reduce_sum3A_22 = vector.multi_reduction <add>, %mul3A_20, %reduce_sum3A_21 [1] : vector<2560x16xf32> to vector<2560xf32>
    %broadcast_in_dim3A_23 = vector.shape_cast %reduce_sum3A_22 : vector<2560xf32> to vector<2560x1xf32>
    %swap3A_24 = arith.constant 0 : index
    %swap3A_25 = arith.constant 0 : index
    %swap3A_26 = vector.load %arg7[%swap3A_24, %swap3A_25] : memref<2560x1xf32, #tpu.memory_space<vmem>>, vector<2560x1xf32>
    tpu.vector_store %arg7[%swap3A_24, %swap3A_25], %broadcast_in_dim3A_23 {strides = array<i32>} : memref<2560x1xf32, #tpu.memory_space<vmem>>, vector<2560x1xf32>,
    return
  }
  func.func @transform_0(%arg0: i32) -> (i32, i32) {
    %c0_i32 = arith.constant 0 : i32
    %c0_i32_0 = arith.constant 0 : i32
    return %arg0, %c0_i32 : i32, i32
  }
  func.func @transform_1(%arg0: i32) -> (i32, i32) {
    %c0_i32 = arith.constant 0 : i32
    %c0_i32_0 = arith.constant 0 : i32
    %c0_i32_1 = arith.constant 0 : i32
    return %c0_i32, %c0_i32_0 : i32, i32
  }
  func.func @transform_2(%arg0: i32) -> (i32, i32) {
    %c0_i32 = arith.constant 0 : i32
    %c0_i32_0 = arith.constant 0 : i32
    %c0_i32_1 = arith.constant 0 : i32
    return %c0_i32, %c0_i32_0 : i32, i32
  }
  func.func @transform_3(%arg0: i32) -> (i32, i32) {
    %c0_i32 = arith.constant 0 : i32
    %c0_i32_0 = arith.constant 0 : i32
    %c0_i32_1 = arith.constant 0 : i32
    return %c0_i32, %c0_i32_0 : i32, i32
  }
  func.func @transform_4(%arg0: i32) -> (i32, i32) {
    %c0_i32 = arith.constant 0 : i32
    %c0_i32_0 = arith.constant 0 : i32
    return %arg0, %c0_i32 : i32, i32
  }
  func.func @transform_5(%arg0: i32) -> (i32, i32) {
    %c0_i32 = arith.constant 0 : i32
    %c0_i32_0 = arith.constant 0 : i32
    return %arg0, %c0_i32 : i32, i32
  }
  func.func @transform_6(%arg0: i32) -> (i32, i32) {
    %c0_i32 = arith.constant 0 : i32
    %c0_i32_0 = arith.constant 0 : i32
    return %arg0, %c0_i32 : i32, i32
  }
}

module attributes {stable_mosaic.version = 14 : i64} {
  func.func @_tc2_body(%arg0: memref<32x4x10240xf32, #tpu.memory_space<vmem>>, %arg1: memref<32x10240xf32, #tpu.memory_space<vmem>>, %arg2: memref<16x10240xf32, #tpu.memory_space<vmem>>, %arg3: memref<1x10240xf32, #tpu.memory_space<vmem>>, %arg4: memref<1x10240xf32, #tpu.memory_space<vmem>>, %arg5: memref<16x1xf32, #tpu.memory_space<vmem>>, %arg6: memref<16x2xf32, #tpu.memory_space<vmem>>, %arg7: memref<2x1xf32, #tpu.memory_space<vmem>>, %arg8: memref<2x1xf32, #tpu.memory_space<vmem>>, %arg9: memref<2x10240xf32, #tpu.memory_space<vmem>>, %arg10: memref<1x10240xf32, #tpu.memory_space<vmem>>, %arg11: memref<1x10240xf32, #tpu.memory_space<vmem>>) attributes {dimension_semantics = [], scalar_prefetch = 0 : i64, scratch_operands = 0 : i64, tpu.core_type = #tpu.core_type<tc>} {
    %get3A = arith.constant 0 : index
    %get3A_0 = arith.constant 0 : index
    %get3A_1 = arith.constant 0 : index
    %get3A_2 = vector.load %arg0[%get3A, %get3A_0, %get3A_1] : memref<32x4x10240xf32, #tpu.memory_space<vmem>>, vector<1x1x10240xf32>
    %get3A_3 = vector.shape_cast %get3A_2 : vector<1x1x10240xf32> to vector<1x10240xf32>
    %get3A_4 = arith.constant 4 : index
    %get3A_5 = arith.constant 0 : index
    %get3A_6 = arith.constant 0 : index
    %get3A_7 = vector.load %arg0[%get3A_4, %get3A_5, %get3A_6] : memref<32x4x10240xf32, #tpu.memory_space<vmem>>, vector<1x1x10240xf32>
    %get3A_8 = vector.shape_cast %get3A_7 : vector<1x1x10240xf32> to vector<1x10240xf32>
    %add3A = arith.addf %get3A_3, %get3A_8 : vector<1x10240xf32>
    %get3A_9 = arith.constant 8 : index
    %get3A_10 = arith.constant 0 : index
    %get3A_11 = arith.constant 0 : index
    %get3A_12 = vector.load %arg0[%get3A_9, %get3A_10, %get3A_11] : memref<32x4x10240xf32, #tpu.memory_space<vmem>>, vector<1x1x10240xf32>
    %get3A_13 = vector.shape_cast %get3A_12 : vector<1x1x10240xf32> to vector<1x10240xf32>
    %add3A_14 = arith.addf %add3A, %get3A_13 : vector<1x10240xf32>
    %get3A_15 = arith.constant 12 : index
    %get3A_16 = arith.constant 0 : index
    %get3A_17 = arith.constant 0 : index
    %get3A_18 = vector.load %arg0[%get3A_15, %get3A_16, %get3A_17] : memref<32x4x10240xf32, #tpu.memory_space<vmem>>, vector<1x1x10240xf32>
    %get3A_19 = vector.shape_cast %get3A_18 : vector<1x1x10240xf32> to vector<1x10240xf32>
    %add3A_20 = arith.addf %add3A_14, %get3A_19 : vector<1x10240xf32>
    %get3A_21 = arith.constant 16 : index
    %get3A_22 = arith.constant 0 : index
    %get3A_23 = arith.constant 0 : index
    %get3A_24 = vector.load %arg0[%get3A_21, %get3A_22, %get3A_23] : memref<32x4x10240xf32, #tpu.memory_space<vmem>>, vector<1x1x10240xf32>
    %get3A_25 = vector.shape_cast %get3A_24 : vector<1x1x10240xf32> to vector<1x10240xf32>
    %add3A_26 = arith.addf %add3A_20, %get3A_25 : vector<1x10240xf32>
    %get3A_27 = arith.constant 20 : index
    %get3A_28 = arith.constant 0 : index
    %get3A_29 = arith.constant 0 : index
    %get3A_30 = vector.load %arg0[%get3A_27, %get3A_28, %get3A_29] : memref<32x4x10240xf32, #tpu.memory_space<vmem>>, vector<1x1x10240xf32>
    %get3A_31 = vector.shape_cast %get3A_30 : vector<1x1x10240xf32> to vector<1x10240xf32>
    %add3A_32 = arith.addf %add3A_26, %get3A_31 : vector<1x10240xf32>
    %get3A_33 = arith.constant 24 : index
    %get3A_34 = arith.constant 0 : index
    %get3A_35 = arith.constant 0 : index
    %get3A_36 = vector.load %arg0[%get3A_33, %get3A_34, %get3A_35] : memref<32x4x10240xf32, #tpu.memory_space<vmem>>, vector<1x1x10240xf32>
    %get3A_37 = vector.shape_cast %get3A_36 : vector<1x1x10240xf32> to vector<1x10240xf32>
    %add3A_38 = arith.addf %add3A_32, %get3A_37 : vector<1x10240xf32>
    %get3A_39 = arith.constant 28 : index
    %get3A_40 = arith.constant 0 : index
    %get3A_41 = arith.constant 0 : index
    %get3A_42 = vector.load %arg0[%get3A_39, %get3A_40, %get3A_41] : memref<32x4x10240xf32, #tpu.memory_space<vmem>>, vector<1x1x10240xf32>
    %get3A_43 = vector.shape_cast %get3A_42 : vector<1x1x10240xf32> to vector<1x10240xf32>
    %add3A_44 = arith.addf %add3A_38, %get3A_43 : vector<1x10240xf32>
    %get3A_45 = arith.constant 0 : index
    %get3A_46 = arith.constant 1 : index
    %get3A_47 = arith.constant 0 : index
    %get3A_48 = vector.load %arg0[%get3A_45, %get3A_46, %get3A_47] : memref<32x4x10240xf32, #tpu.memory_space<vmem>>, vector<1x1x10240xf32>
    %get3A_49 = vector.shape_cast %get3A_48 : vector<1x1x10240xf32> to vector<1x10240xf32>
    %get3A_50 = arith.constant 4 : index
    %get3A_51 = arith.constant 1 : index
    %get3A_52 = arith.constant 0 : index
    %get3A_53 = vector.load %arg0[%get3A_50, %get3A_51, %get3A_52] : memref<32x4x10240xf32, #tpu.memory_space<vmem>>, vector<1x1x10240xf32>
    %get3A_54 = vector.shape_cast %get3A_53 : vector<1x1x10240xf32> to vector<1x10240xf32>
    %add3A_55 = arith.addf %get3A_49, %get3A_54 : vector<1x10240xf32>
    %get3A_56 = arith.constant 8 : index
    %get3A_57 = arith.constant 1 : index
    %get3A_58 = arith.constant 0 : index
    %get3A_59 = vector.load %arg0[%get3A_56, %get3A_57, %get3A_58] : memref<32x4x10240xf32, #tpu.memory_space<vmem>>, vector<1x1x10240xf32>
    %get3A_60 = vector.shape_cast %get3A_59 : vector<1x1x10240xf32> to vector<1x10240xf32>
    %add3A_61 = arith.addf %add3A_55, %get3A_60 : vector<1x10240xf32>
    %get3A_62 = arith.constant 12 : index
    %get3A_63 = arith.constant 1 : index
    %get3A_64 = arith.constant 0 : index
    %get3A_65 = vector.load %arg0[%get3A_62, %get3A_63, %get3A_64] : memref<32x4x10240xf32, #tpu.memory_space<vmem>>, vector<1x1x10240xf32>
    %get3A_66 = vector.shape_cast %get3A_65 : vector<1x1x10240xf32> to vector<1x10240xf32>
    %add3A_67 = arith.addf %add3A_61, %get3A_66 : vector<1x10240xf32>
    %get3A_68 = arith.constant 16 : index
    %get3A_69 = arith.constant 1 : index
    %get3A_70 = arith.constant 0 : index
    %get3A_71 = vector.load %arg0[%get3A_68, %get3A_69, %get3A_70] : memref<32x4x10240xf32, #tpu.memory_space<vmem>>, vector<1x1x10240xf32>
    %get3A_72 = vector.shape_cast %get3A_71 : vector<1x1x10240xf32> to vector<1x10240xf32>
    %add3A_73 = arith.addf %add3A_67, %get3A_72 : vector<1x10240xf32>
    %get3A_74 = arith.constant 20 : index
    %get3A_75 = arith.constant 1 : index
    %get3A_76 = arith.constant 0 : index
    %get3A_77 = vector.load %arg0[%get3A_74, %get3A_75, %get3A_76] : memref<32x4x10240xf32, #tpu.memory_space<vmem>>, vector<1x1x10240xf32>
    %get3A_78 = vector.shape_cast %get3A_77 : vector<1x1x10240xf32> to vector<1x10240xf32>
    %add3A_79 = arith.addf %add3A_73, %get3A_78 : vector<1x10240xf32>
    %get3A_80 = arith.constant 24 : index
    %get3A_81 = arith.constant 1 : index
    %get3A_82 = arith.constant 0 : index
    %get3A_83 = vector.load %arg0[%get3A_80, %get3A_81, %get3A_82] : memref<32x4x10240xf32, #tpu.memory_space<vmem>>, vector<1x1x10240xf32>
    %get3A_84 = vector.shape_cast %get3A_83 : vector<1x1x10240xf32> to vector<1x10240xf32>
    %add3A_85 = arith.addf %add3A_79, %get3A_84 : vector<1x10240xf32>
    %get3A_86 = arith.constant 28 : index
    %get3A_87 = arith.constant 1 : index
    %get3A_88 = arith.constant 0 : index
    %get3A_89 = vector.load %arg0[%get3A_86, %get3A_87, %get3A_88] : memref<32x4x10240xf32, #tpu.memory_space<vmem>>, vector<1x1x10240xf32>
    %get3A_90 = vector.shape_cast %get3A_89 : vector<1x1x10240xf32> to vector<1x10240xf32>
    %add3A_91 = arith.addf %add3A_85, %get3A_90 : vector<1x10240xf32>
    %get3A_92 = arith.constant 0 : index
    %get3A_93 = arith.constant 2 : index
    %get3A_94 = arith.constant 0 : index
    %get3A_95 = vector.load %arg0[%get3A_92, %get3A_93, %get3A_94] : memref<32x4x10240xf32, #tpu.memory_space<vmem>>, vector<1x1x10240xf32>
    %get3A_96 = vector.shape_cast %get3A_95 : vector<1x1x10240xf32> to vector<1x10240xf32>
    %get3A_97 = arith.constant 4 : index
    %get3A_98 = arith.constant 2 : index
    %get3A_99 = arith.constant 0 : index
    %get3A_100 = vector.load %arg0[%get3A_97, %get3A_98, %get3A_99] : memref<32x4x10240xf32, #tpu.memory_space<vmem>>, vector<1x1x10240xf32>
    %get3A_101 = vector.shape_cast %get3A_100 : vector<1x1x10240xf32> to vector<1x10240xf32>
    %add3A_102 = arith.addf %get3A_96, %get3A_101 : vector<1x10240xf32>
    %get3A_103 = arith.constant 8 : index
    %get3A_104 = arith.constant 2 : index
    %get3A_105 = arith.constant 0 : index
    %get3A_106 = vector.load %arg0[%get3A_103, %get3A_104, %get3A_105] : memref<32x4x10240xf32, #tpu.memory_space<vmem>>, vector<1x1x10240xf32>
    %get3A_107 = vector.shape_cast %get3A_106 : vector<1x1x10240xf32> to vector<1x10240xf32>
    %add3A_108 = arith.addf %add3A_102, %get3A_107 : vector<1x10240xf32>
    %get3A_109 = arith.constant 12 : index
    %get3A_110 = arith.constant 2 : index
    %get3A_111 = arith.constant 0 : index
    %get3A_112 = vector.load %arg0[%get3A_109, %get3A_110, %get3A_111] : memref<32x4x10240xf32, #tpu.memory_space<vmem>>, vector<1x1x10240xf32>
    %get3A_113 = vector.shape_cast %get3A_112 : vector<1x1x10240xf32> to vector<1x10240xf32>
    %add3A_114 = arith.addf %add3A_108, %get3A_113 : vector<1x10240xf32>
    %get3A_115 = arith.constant 16 : index
    %get3A_116 = arith.constant 2 : index
    %get3A_117 = arith.constant 0 : index
    %get3A_118 = vector.load %arg0[%get3A_115, %get3A_116, %get3A_117] : memref<32x4x10240xf32, #tpu.memory_space<vmem>>, vector<1x1x10240xf32>
    %get3A_119 = vector.shape_cast %get3A_118 : vector<1x1x10240xf32> to vector<1x10240xf32>
    %add3A_120 = arith.addf %add3A_114, %get3A_119 : vector<1x10240xf32>
    %get3A_121 = arith.constant 20 : index
    %get3A_122 = arith.constant 2 : index
    %get3A_123 = arith.constant 0 : index
    %get3A_124 = vector.load %arg0[%get3A_121, %get3A_122, %get3A_123] : memref<32x4x10240xf32, #tpu.memory_space<vmem>>, vector<1x1x10240xf32>
    %get3A_125 = vector.shape_cast %get3A_124 : vector<1x1x10240xf32> to vector<1x10240xf32>
    %add3A_126 = arith.addf %add3A_120, %get3A_125 : vector<1x10240xf32>
    %get3A_127 = arith.constant 24 : index
    %get3A_128 = arith.constant 2 : index
    %get3A_129 = arith.constant 0 : index
    %get3A_130 = vector.load %arg0[%get3A_127, %get3A_128, %get3A_129] : memref<32x4x10240xf32, #tpu.memory_space<vmem>>, vector<1x1x10240xf32>
    %get3A_131 = vector.shape_cast %get3A_130 : vector<1x1x10240xf32> to vector<1x10240xf32>
    %add3A_132 = arith.addf %add3A_126, %get3A_131 : vector<1x10240xf32>
    %get3A_133 = arith.constant 28 : index
    %get3A_134 = arith.constant 2 : index
    %get3A_135 = arith.constant 0 : index
    %get3A_136 = vector.load %arg0[%get3A_133, %get3A_134, %get3A_135] : memref<32x4x10240xf32, #tpu.memory_space<vmem>>, vector<1x1x10240xf32>
    %get3A_137 = vector.shape_cast %get3A_136 : vector<1x1x10240xf32> to vector<1x10240xf32>
    %add3A_138 = arith.addf %add3A_132, %get3A_137 : vector<1x10240xf32>
    %get3A_139 = arith.constant 0 : index
    %get3A_140 = arith.constant 3 : index
    %get3A_141 = arith.constant 0 : index
    %get3A_142 = vector.load %arg0[%get3A_139, %get3A_140, %get3A_141] : memref<32x4x10240xf32, #tpu.memory_space<vmem>>, vector<1x1x10240xf32>
    %get3A_143 = vector.shape_cast %get3A_142 : vector<1x1x10240xf32> to vector<1x10240xf32>
    %get3A_144 = arith.constant 4 : index
    %get3A_145 = arith.constant 3 : index
    %get3A_146 = arith.constant 0 : index
    %get3A_147 = vector.load %arg0[%get3A_144, %get3A_145, %get3A_146] : memref<32x4x10240xf32, #tpu.memory_space<vmem>>, vector<1x1x10240xf32>
    %get3A_148 = vector.shape_cast %get3A_147 : vector<1x1x10240xf32> to vector<1x10240xf32>
    %add3A_149 = arith.addf %get3A_143, %get3A_148 : vector<1x10240xf32>
    %get3A_150 = arith.constant 8 : index
    %get3A_151 = arith.constant 3 : index
    %get3A_152 = arith.constant 0 : index
    %get3A_153 = vector.load %arg0[%get3A_150, %get3A_151, %get3A_152] : memref<32x4x10240xf32, #tpu.memory_space<vmem>>, vector<1x1x10240xf32>
    %get3A_154 = vector.shape_cast %get3A_153 : vector<1x1x10240xf32> to vector<1x10240xf32>
    %add3A_155 = arith.addf %add3A_149, %get3A_154 : vector<1x10240xf32>
    %get3A_156 = arith.constant 12 : index
    %get3A_157 = arith.constant 3 : index
    %get3A_158 = arith.constant 0 : index
    %get3A_159 = vector.load %arg0[%get3A_156, %get3A_157, %get3A_158] : memref<32x4x10240xf32, #tpu.memory_space<vmem>>, vector<1x1x10240xf32>
    %get3A_160 = vector.shape_cast %get3A_159 : vector<1x1x10240xf32> to vector<1x10240xf32>
    %add3A_161 = arith.addf %add3A_155, %get3A_160 : vector<1x10240xf32>
    %get3A_162 = arith.constant 16 : index
    %get3A_163 = arith.constant 3 : index
    %get3A_164 = arith.constant 0 : index
    %get3A_165 = vector.load %arg0[%get3A_162, %get3A_163, %get3A_164] : memref<32x4x10240xf32, #tpu.memory_space<vmem>>, vector<1x1x10240xf32>
    %get3A_166 = vector.shape_cast %get3A_165 : vector<1x1x10240xf32> to vector<1x10240xf32>
    %add3A_167 = arith.addf %add3A_161, %get3A_166 : vector<1x10240xf32>
    %get3A_168 = arith.constant 20 : index
    %get3A_169 = arith.constant 3 : index
    %get3A_170 = arith.constant 0 : index
    %get3A_171 = vector.load %arg0[%get3A_168, %get3A_169, %get3A_170] : memref<32x4x10240xf32, #tpu.memory_space<vmem>>, vector<1x1x10240xf32>
    %get3A_172 = vector.shape_cast %get3A_171 : vector<1x1x10240xf32> to vector<1x10240xf32>
    %add3A_173 = arith.addf %add3A_167, %get3A_172 : vector<1x10240xf32>
    %get3A_174 = arith.constant 24 : index
    %get3A_175 = arith.constant 3 : index
    %get3A_176 = arith.constant 0 : index
    %get3A_177 = vector.load %arg0[%get3A_174, %get3A_175, %get3A_176] : memref<32x4x10240xf32, #tpu.memory_space<vmem>>, vector<1x1x10240xf32>
    %get3A_178 = vector.shape_cast %get3A_177 : vector<1x1x10240xf32> to vector<1x10240xf32>
    %add3A_179 = arith.addf %add3A_173, %get3A_178 : vector<1x10240xf32>
    %get3A_180 = arith.constant 28 : index
    %get3A_181 = arith.constant 3 : index
    %get3A_182 = arith.constant 0 : index
    %get3A_183 = vector.load %arg0[%get3A_180, %get3A_181, %get3A_182] : memref<32x4x10240xf32, #tpu.memory_space<vmem>>, vector<1x1x10240xf32>
    %get3A_184 = vector.shape_cast %get3A_183 : vector<1x1x10240xf32> to vector<1x10240xf32>
    %add3A_185 = arith.addf %add3A_179, %get3A_184 : vector<1x10240xf32>
    %get3A_186 = arith.constant 1 : index
    %get3A_187 = arith.constant 0 : index
    %get3A_188 = arith.constant 0 : index
    %get3A_189 = vector.load %arg0[%get3A_186, %get3A_187, %get3A_188] : memref<32x4x10240xf32, #tpu.memory_space<vmem>>, vector<1x1x10240xf32>
    %get3A_190 = vector.shape_cast %get3A_189 : vector<1x1x10240xf32> to vector<1x10240xf32>
    %get3A_191 = arith.constant 5 : index
    %get3A_192 = arith.constant 0 : index
    %get3A_193 = arith.constant 0 : index
    %get3A_194 = vector.load %arg0[%get3A_191, %get3A_192, %get3A_193] : memref<32x4x10240xf32, #tpu.memory_space<vmem>>, vector<1x1x10240xf32>
    %get3A_195 = vector.shape_cast %get3A_194 : vector<1x1x10240xf32> to vector<1x10240xf32>
    %add3A_196 = arith.addf %get3A_190, %get3A_195 : vector<1x10240xf32>
    %get3A_197 = arith.constant 9 : index
    %get3A_198 = arith.constant 0 : index
    %get3A_199 = arith.constant 0 : index
    %get3A_200 = vector.load %arg0[%get3A_197, %get3A_198, %get3A_199] : memref<32x4x10240xf32, #tpu.memory_space<vmem>>, vector<1x1x10240xf32>
    %get3A_201 = vector.shape_cast %get3A_200 : vector<1x1x10240xf32> to vector<1x10240xf32>
    %add3A_202 = arith.addf %add3A_196, %get3A_201 : vector<1x10240xf32>
    %get3A_203 = arith.constant 13 : index
    %get3A_204 = arith.constant 0 : index
    %get3A_205 = arith.constant 0 : index
    %get3A_206 = vector.load %arg0[%get3A_203, %get3A_204, %get3A_205] : memref<32x4x10240xf32, #tpu.memory_space<vmem>>, vector<1x1x10240xf32>
    %get3A_207 = vector.shape_cast %get3A_206 : vector<1x1x10240xf32> to vector<1x10240xf32>
    %add3A_208 = arith.addf %add3A_202, %get3A_207 : vector<1x10240xf32>
    %get3A_209 = arith.constant 17 : index
    %get3A_210 = arith.constant 0 : index
    %get3A_211 = arith.constant 0 : index
    %get3A_212 = vector.load %arg0[%get3A_209, %get3A_210, %get3A_211] : memref<32x4x10240xf32, #tpu.memory_space<vmem>>, vector<1x1x10240xf32>
    %get3A_213 = vector.shape_cast %get3A_212 : vector<1x1x10240xf32> to vector<1x10240xf32>
    %add3A_214 = arith.addf %add3A_208, %get3A_213 : vector<1x10240xf32>
    %get3A_215 = arith.constant 21 : index
    %get3A_216 = arith.constant 0 : index
    %get3A_217 = arith.constant 0 : index
    %get3A_218 = vector.load %arg0[%get3A_215, %get3A_216, %get3A_217] : memref<32x4x10240xf32, #tpu.memory_space<vmem>>, vector<1x1x10240xf32>
    %get3A_219 = vector.shape_cast %get3A_218 : vector<1x1x10240xf32> to vector<1x10240xf32>
    %add3A_220 = arith.addf %add3A_214, %get3A_219 : vector<1x10240xf32>
    %get3A_221 = arith.constant 25 : index
    %get3A_222 = arith.constant 0 : index
    %get3A_223 = arith.constant 0 : index
    %get3A_224 = vector.load %arg0[%get3A_221, %get3A_222, %get3A_223] : memref<32x4x10240xf32, #tpu.memory_space<vmem>>, vector<1x1x10240xf32>
    %get3A_225 = vector.shape_cast %get3A_224 : vector<1x1x10240xf32> to vector<1x10240xf32>
    %add3A_226 = arith.addf %add3A_220, %get3A_225 : vector<1x10240xf32>
    %get3A_227 = arith.constant 29 : index
    %get3A_228 = arith.constant 0 : index
    %get3A_229 = arith.constant 0 : index
    %get3A_230 = vector.load %arg0[%get3A_227, %get3A_228, %get3A_229] : memref<32x4x10240xf32, #tpu.memory_space<vmem>>, vector<1x1x10240xf32>
    %get3A_231 = vector.shape_cast %get3A_230 : vector<1x1x10240xf32> to vector<1x10240xf32>
    %add3A_232 = arith.addf %add3A_226, %get3A_231 : vector<1x10240xf32>
    %get3A_233 = arith.constant 1 : index
    %get3A_234 = arith.constant 1 : index
    %get3A_235 = arith.constant 0 : index
    %get3A_236 = vector.load %arg0[%get3A_233, %get3A_234, %get3A_235] : memref<32x4x10240xf32, #tpu.memory_space<vmem>>, vector<1x1x10240xf32>
    %get3A_237 = vector.shape_cast %get3A_236 : vector<1x1x10240xf32> to vector<1x10240xf32>
    %get3A_238 = arith.constant 5 : index
    %get3A_239 = arith.constant 1 : index
    %get3A_240 = arith.constant 0 : index
    %get3A_241 = vector.load %arg0[%get3A_238, %get3A_239, %get3A_240] : memref<32x4x10240xf32, #tpu.memory_space<vmem>>, vector<1x1x10240xf32>
    %get3A_242 = vector.shape_cast %get3A_241 : vector<1x1x10240xf32> to vector<1x10240xf32>
    %add3A_243 = arith.addf %get3A_237, %get3A_242 : vector<1x10240xf32>
    %get3A_244 = arith.constant 9 : index
    %get3A_245 = arith.constant 1 : index
    %get3A_246 = arith.constant 0 : index
    %get3A_247 = vector.load %arg0[%get3A_244, %get3A_245, %get3A_246] : memref<32x4x10240xf32, #tpu.memory_space<vmem>>, vector<1x1x10240xf32>
    %get3A_248 = vector.shape_cast %get3A_247 : vector<1x1x10240xf32> to vector<1x10240xf32>
    %add3A_249 = arith.addf %add3A_243, %get3A_248 : vector<1x10240xf32>
    %get3A_250 = arith.constant 13 : index
    %get3A_251 = arith.constant 1 : index
    %get3A_252 = arith.constant 0 : index
    %get3A_253 = vector.load %arg0[%get3A_250, %get3A_251, %get3A_252] : memref<32x4x10240xf32, #tpu.memory_space<vmem>>, vector<1x1x10240xf32>
    %get3A_254 = vector.shape_cast %get3A_253 : vector<1x1x10240xf32> to vector<1x10240xf32>
    %add3A_255 = arith.addf %add3A_249, %get3A_254 : vector<1x10240xf32>
    %get3A_256 = arith.constant 17 : index
    %get3A_257 = arith.constant 1 : index
    %get3A_258 = arith.constant 0 : index
    %get3A_259 = vector.load %arg0[%get3A_256, %get3A_257, %get3A_258] : memref<32x4x10240xf32, #tpu.memory_space<vmem>>, vector<1x1x10240xf32>
    %get3A_260 = vector.shape_cast %get3A_259 : vector<1x1x10240xf32> to vector<1x10240xf32>
    %add3A_261 = arith.addf %add3A_255, %get3A_260 : vector<1x10240xf32>
    %get3A_262 = arith.constant 21 : index
    %get3A_263 = arith.constant 1 : index
    %get3A_264 = arith.constant 0 : index
    %get3A_265 = vector.load %arg0[%get3A_262, %get3A_263, %get3A_264] : memref<32x4x10240xf32, #tpu.memory_space<vmem>>, vector<1x1x10240xf32>
    %get3A_266 = vector.shape_cast %get3A_265 : vector<1x1x10240xf32> to vector<1x10240xf32>
    %add3A_267 = arith.addf %add3A_261, %get3A_266 : vector<1x10240xf32>
    %get3A_268 = arith.constant 25 : index
    %get3A_269 = arith.constant 1 : index
    %get3A_270 = arith.constant 0 : index
    %get3A_271 = vector.load %arg0[%get3A_268, %get3A_269, %get3A_270] : memref<32x4x10240xf32, #tpu.memory_space<vmem>>, vector<1x1x10240xf32>
    %get3A_272 = vector.shape_cast %get3A_271 : vector<1x1x10240xf32> to vector<1x10240xf32>
    %add3A_273 = arith.addf %add3A_267, %get3A_272 : vector<1x10240xf32>
    %get3A_274 = arith.constant 29 : index
    %get3A_275 = arith.constant 1 : index
    %get3A_276 = arith.constant 0 : index
    %get3A_277 = vector.load %arg0[%get3A_274, %get3A_275, %get3A_276] : memref<32x4x10240xf32, #tpu.memory_space<vmem>>, vector<1x1x10240xf32>
    %get3A_278 = vector.shape_cast %get3A_277 : vector<1x1x10240xf32> to vector<1x10240xf32>
    %add3A_279 = arith.addf %add3A_273, %get3A_278 : vector<1x10240xf32>
    %get3A_280 = arith.constant 1 : index
    %get3A_281 = arith.constant 2 : index
    %get3A_282 = arith.constant 0 : index
    %get3A_283 = vector.load %arg0[%get3A_280, %get3A_281, %get3A_282] : memref<32x4x10240xf32, #tpu.memory_space<vmem>>, vector<1x1x10240xf32>
    %get3A_284 = vector.shape_cast %get3A_283 : vector<1x1x10240xf32> to vector<1x10240xf32>
    %get3A_285 = arith.constant 5 : index
    %get3A_286 = arith.constant 2 : index
    %get3A_287 = arith.constant 0 : index
    %get3A_288 = vector.load %arg0[%get3A_285, %get3A_286, %get3A_287] : memref<32x4x10240xf32, #tpu.memory_space<vmem>>, vector<1x1x10240xf32>
    %get3A_289 = vector.shape_cast %get3A_288 : vector<1x1x10240xf32> to vector<1x10240xf32>
    %add3A_290 = arith.addf %get3A_284, %get3A_289 : vector<1x10240xf32>
    %get3A_291 = arith.constant 9 : index
    %get3A_292 = arith.constant 2 : index
    %get3A_293 = arith.constant 0 : index
    %get3A_294 = vector.load %arg0[%get3A_291, %get3A_292, %get3A_293] : memref<32x4x10240xf32, #tpu.memory_space<vmem>>, vector<1x1x10240xf32>
    %get3A_295 = vector.shape_cast %get3A_294 : vector<1x1x10240xf32> to vector<1x10240xf32>
    %add3A_296 = arith.addf %add3A_290, %get3A_295 : vector<1x10240xf32>
    %get3A_297 = arith.constant 13 : index
    %get3A_298 = arith.constant 2 : index
    %get3A_299 = arith.constant 0 : index
    %get3A_300 = vector.load %arg0[%get3A_297, %get3A_298, %get3A_299] : memref<32x4x10240xf32, #tpu.memory_space<vmem>>, vector<1x1x10240xf32>
    %get3A_301 = vector.shape_cast %get3A_300 : vector<1x1x10240xf32> to vector<1x10240xf32>
    %add3A_302 = arith.addf %add3A_296, %get3A_301 : vector<1x10240xf32>
    %get3A_303 = arith.constant 17 : index
    %get3A_304 = arith.constant 2 : index
    %get3A_305 = arith.constant 0 : index
    %get3A_306 = vector.load %arg0[%get3A_303, %get3A_304, %get3A_305] : memref<32x4x10240xf32, #tpu.memory_space<vmem>>, vector<1x1x10240xf32>
    %get3A_307 = vector.shape_cast %get3A_306 : vector<1x1x10240xf32> to vector<1x10240xf32>
    %add3A_308 = arith.addf %add3A_302, %get3A_307 : vector<1x10240xf32>
    %get3A_309 = arith.constant 21 : index
    %get3A_310 = arith.constant 2 : index
    %get3A_311 = arith.constant 0 : index
    %get3A_312 = vector.load %arg0[%get3A_309, %get3A_310, %get3A_311] : memref<32x4x10240xf32, #tpu.memory_space<vmem>>, vector<1x1x10240xf32>
    %get3A_313 = vector.shape_cast %get3A_312 : vector<1x1x10240xf32> to vector<1x10240xf32>
    %add3A_314 = arith.addf %add3A_308, %get3A_313 : vector<1x10240xf32>
    %get3A_315 = arith.constant 25 : index
    %get3A_316 = arith.constant 2 : index
    %get3A_317 = arith.constant 0 : index
    %get3A_318 = vector.load %arg0[%get3A_315, %get3A_316, %get3A_317] : memref<32x4x10240xf32, #tpu.memory_space<vmem>>, vector<1x1x10240xf32>
    %get3A_319 = vector.shape_cast %get3A_318 : vector<1x1x10240xf32> to vector<1x10240xf32>
    %add3A_320 = arith.addf %add3A_314, %get3A_319 : vector<1x10240xf32>
    %get3A_321 = arith.constant 29 : index
    %get3A_322 = arith.constant 2 : index
    %get3A_323 = arith.constant 0 : index
    %get3A_324 = vector.load %arg0[%get3A_321, %get3A_322, %get3A_323] : memref<32x4x10240xf32, #tpu.memory_space<vmem>>, vector<1x1x10240xf32>
    %get3A_325 = vector.shape_cast %get3A_324 : vector<1x1x10240xf32> to vector<1x10240xf32>
    %add3A_326 = arith.addf %add3A_320, %get3A_325 : vector<1x10240xf32>
    %get3A_327 = arith.constant 1 : index
    %get3A_328 = arith.constant 3 : index
    %get3A_329 = arith.constant 0 : index
    %get3A_330 = vector.load %arg0[%get3A_327, %get3A_328, %get3A_329] : memref<32x4x10240xf32, #tpu.memory_space<vmem>>, vector<1x1x10240xf32>
    %get3A_331 = vector.shape_cast %get3A_330 : vector<1x1x10240xf32> to vector<1x10240xf32>
    %get3A_332 = arith.constant 5 : index
    %get3A_333 = arith.constant 3 : index
    %get3A_334 = arith.constant 0 : index
    %get3A_335 = vector.load %arg0[%get3A_332, %get3A_333, %get3A_334] : memref<32x4x10240xf32, #tpu.memory_space<vmem>>, vector<1x1x10240xf32>
    %get3A_336 = vector.shape_cast %get3A_335 : vector<1x1x10240xf32> to vector<1x10240xf32>
    %add3A_337 = arith.addf %get3A_331, %get3A_336 : vector<1x10240xf32>
    %get3A_338 = arith.constant 9 : index
    %get3A_339 = arith.constant 3 : index
    %get3A_340 = arith.constant 0 : index
    %get3A_341 = vector.load %arg0[%get3A_338, %get3A_339, %get3A_340] : memref<32x4x10240xf32, #tpu.memory_space<vmem>>, vector<1x1x10240xf32>
    %get3A_342 = vector.shape_cast %get3A_341 : vector<1x1x10240xf32> to vector<1x10240xf32>
    %add3A_343 = arith.addf %add3A_337, %get3A_342 : vector<1x10240xf32>
    %get3A_344 = arith.constant 13 : index
    %get3A_345 = arith.constant 3 : index
    %get3A_346 = arith.constant 0 : index
    %get3A_347 = vector.load %arg0[%get3A_344, %get3A_345, %get3A_346] : memref<32x4x10240xf32, #tpu.memory_space<vmem>>, vector<1x1x10240xf32>
    %get3A_348 = vector.shape_cast %get3A_347 : vector<1x1x10240xf32> to vector<1x10240xf32>
    %add3A_349 = arith.addf %add3A_343, %get3A_348 : vector<1x10240xf32>
    %get3A_350 = arith.constant 17 : index
    %get3A_351 = arith.constant 3 : index
    %get3A_352 = arith.constant 0 : index
    %get3A_353 = vector.load %arg0[%get3A_350, %get3A_351, %get3A_352] : memref<32x4x10240xf32, #tpu.memory_space<vmem>>, vector<1x1x10240xf32>
    %get3A_354 = vector.shape_cast %get3A_353 : vector<1x1x10240xf32> to vector<1x10240xf32>
    %add3A_355 = arith.addf %add3A_349, %get3A_354 : vector<1x10240xf32>
    %get3A_356 = arith.constant 21 : index
    %get3A_357 = arith.constant 3 : index
    %get3A_358 = arith.constant 0 : index
    %get3A_359 = vector.load %arg0[%get3A_356, %get3A_357, %get3A_358] : memref<32x4x10240xf32, #tpu.memory_space<vmem>>, vector<1x1x10240xf32>
    %get3A_360 = vector.shape_cast %get3A_359 : vector<1x1x10240xf32> to vector<1x10240xf32>
    %add3A_361 = arith.addf %add3A_355, %get3A_360 : vector<1x10240xf32>
    %get3A_362 = arith.constant 25 : index
    %get3A_363 = arith.constant 3 : index
    %get3A_364 = arith.constant 0 : index
    %get3A_365 = vector.load %arg0[%get3A_362, %get3A_363, %get3A_364] : memref<32x4x10240xf32, #tpu.memory_space<vmem>>, vector<1x1x10240xf32>
    %get3A_366 = vector.shape_cast %get3A_365 : vector<1x1x10240xf32> to vector<1x10240xf32>
    %add3A_367 = arith.addf %add3A_361, %get3A_366 : vector<1x10240xf32>
    %get3A_368 = arith.constant 29 : index
    %get3A_369 = arith.constant 3 : index
    %get3A_370 = arith.constant 0 : index
    %get3A_371 = vector.load %arg0[%get3A_368, %get3A_369, %get3A_370] : memref<32x4x10240xf32, #tpu.memory_space<vmem>>, vector<1x1x10240xf32>
    %get3A_372 = vector.shape_cast %get3A_371 : vector<1x1x10240xf32> to vector<1x10240xf32>
    %add3A_373 = arith.addf %add3A_367, %get3A_372 : vector<1x10240xf32>
    %get3A_374 = arith.constant 2 : index
    %get3A_375 = arith.constant 0 : index
    %get3A_376 = arith.constant 0 : index
    %get3A_377 = vector.load %arg0[%get3A_374, %get3A_375, %get3A_376] : memref<32x4x10240xf32, #tpu.memory_space<vmem>>, vector<1x1x10240xf32>
    %get3A_378 = vector.shape_cast %get3A_377 : vector<1x1x10240xf32> to vector<1x10240xf32>
    %get3A_379 = arith.constant 6 : index
    %get3A_380 = arith.constant 0 : index
    %get3A_381 = arith.constant 0 : index
    %get3A_382 = vector.load %arg0[%get3A_379, %get3A_380, %get3A_381] : memref<32x4x10240xf32, #tpu.memory_space<vmem>>, vector<1x1x10240xf32>
    %get3A_383 = vector.shape_cast %get3A_382 : vector<1x1x10240xf32> to vector<1x10240xf32>
    %add3A_384 = arith.addf %get3A_378, %get3A_383 : vector<1x10240xf32>
    %get3A_385 = arith.constant 10 : index
    %get3A_386 = arith.constant 0 : index
    %get3A_387 = arith.constant 0 : index
    %get3A_388 = vector.load %arg0[%get3A_385, %get3A_386, %get3A_387] : memref<32x4x10240xf32, #tpu.memory_space<vmem>>, vector<1x1x10240xf32>
    %get3A_389 = vector.shape_cast %get3A_388 : vector<1x1x10240xf32> to vector<1x10240xf32>
    %add3A_390 = arith.addf %add3A_384, %get3A_389 : vector<1x10240xf32>
    %get3A_391 = arith.constant 14 : index
    %get3A_392 = arith.constant 0 : index
    %get3A_393 = arith.constant 0 : index
    %get3A_394 = vector.load %arg0[%get3A_391, %get3A_392, %get3A_393] : memref<32x4x10240xf32, #tpu.memory_space<vmem>>, vector<1x1x10240xf32>
    %get3A_395 = vector.shape_cast %get3A_394 : vector<1x1x10240xf32> to vector<1x10240xf32>
    %add3A_396 = arith.addf %add3A_390, %get3A_395 : vector<1x10240xf32>
    %get3A_397 = arith.constant 18 : index
    %get3A_398 = arith.constant 0 : index
    %get3A_399 = arith.constant 0 : index
    %get3A_400 = vector.load %arg0[%get3A_397, %get3A_398, %get3A_399] : memref<32x4x10240xf32, #tpu.memory_space<vmem>>, vector<1x1x10240xf32>
    %get3A_401 = vector.shape_cast %get3A_400 : vector<1x1x10240xf32> to vector<1x10240xf32>
    %add3A_402 = arith.addf %add3A_396, %get3A_401 : vector<1x10240xf32>
    %get3A_403 = arith.constant 22 : index
    %get3A_404 = arith.constant 0 : index
    %get3A_405 = arith.constant 0 : index
    %get3A_406 = vector.load %arg0[%get3A_403, %get3A_404, %get3A_405] : memref<32x4x10240xf32, #tpu.memory_space<vmem>>, vector<1x1x10240xf32>
    %get3A_407 = vector.shape_cast %get3A_406 : vector<1x1x10240xf32> to vector<1x10240xf32>
    %add3A_408 = arith.addf %add3A_402, %get3A_407 : vector<1x10240xf32>
    %get3A_409 = arith.constant 26 : index
    %get3A_410 = arith.constant 0 : index
    %get3A_411 = arith.constant 0 : index
    %get3A_412 = vector.load %arg0[%get3A_409, %get3A_410, %get3A_411] : memref<32x4x10240xf32, #tpu.memory_space<vmem>>, vector<1x1x10240xf32>
    %get3A_413 = vector.shape_cast %get3A_412 : vector<1x1x10240xf32> to vector<1x10240xf32>
    %add3A_414 = arith.addf %add3A_408, %get3A_413 : vector<1x10240xf32>
    %get3A_415 = arith.constant 30 : index
    %get3A_416 = arith.constant 0 : index
    %get3A_417 = arith.constant 0 : index
    %get3A_418 = vector.load %arg0[%get3A_415, %get3A_416, %get3A_417] : memref<32x4x10240xf32, #tpu.memory_space<vmem>>, vector<1x1x10240xf32>
    %get3A_419 = vector.shape_cast %get3A_418 : vector<1x1x10240xf32> to vector<1x10240xf32>
    %add3A_420 = arith.addf %add3A_414, %get3A_419 : vector<1x10240xf32>
    %get3A_421 = arith.constant 2 : index
    %get3A_422 = arith.constant 1 : index
    %get3A_423 = arith.constant 0 : index
    %get3A_424 = vector.load %arg0[%get3A_421, %get3A_422, %get3A_423] : memref<32x4x10240xf32, #tpu.memory_space<vmem>>, vector<1x1x10240xf32>
    %get3A_425 = vector.shape_cast %get3A_424 : vector<1x1x10240xf32> to vector<1x10240xf32>
    %get3A_426 = arith.constant 6 : index
    %get3A_427 = arith.constant 1 : index
    %get3A_428 = arith.constant 0 : index
    %get3A_429 = vector.load %arg0[%get3A_426, %get3A_427, %get3A_428] : memref<32x4x10240xf32, #tpu.memory_space<vmem>>, vector<1x1x10240xf32>
    %get3A_430 = vector.shape_cast %get3A_429 : vector<1x1x10240xf32> to vector<1x10240xf32>
    %add3A_431 = arith.addf %get3A_425, %get3A_430 : vector<1x10240xf32>
    %get3A_432 = arith.constant 10 : index
    %get3A_433 = arith.constant 1 : index
    %get3A_434 = arith.constant 0 : index
    %get3A_435 = vector.load %arg0[%get3A_432, %get3A_433, %get3A_434] : memref<32x4x10240xf32, #tpu.memory_space<vmem>>, vector<1x1x10240xf32>
    %get3A_436 = vector.shape_cast %get3A_435 : vector<1x1x10240xf32> to vector<1x10240xf32>
    %add3A_437 = arith.addf %add3A_431, %get3A_436 : vector<1x10240xf32>
    %get3A_438 = arith.constant 14 : index
    %get3A_439 = arith.constant 1 : index
    %get3A_440 = arith.constant 0 : index
    %get3A_441 = vector.load %arg0[%get3A_438, %get3A_439, %get3A_440] : memref<32x4x10240xf32, #tpu.memory_space<vmem>>, vector<1x1x10240xf32>
    %get3A_442 = vector.shape_cast %get3A_441 : vector<1x1x10240xf32> to vector<1x10240xf32>
    %add3A_443 = arith.addf %add3A_437, %get3A_442 : vector<1x10240xf32>
    %get3A_444 = arith.constant 18 : index
    %get3A_445 = arith.constant 1 : index
    %get3A_446 = arith.constant 0 : index
    %get3A_447 = vector.load %arg0[%get3A_444, %get3A_445, %get3A_446] : memref<32x4x10240xf32, #tpu.memory_space<vmem>>, vector<1x1x10240xf32>
    %get3A_448 = vector.shape_cast %get3A_447 : vector<1x1x10240xf32> to vector<1x10240xf32>
    %add3A_449 = arith.addf %add3A_443, %get3A_448 : vector<1x10240xf32>
    %get3A_450 = arith.constant 22 : index
    %get3A_451 = arith.constant 1 : index
    %get3A_452 = arith.constant 0 : index
    %get3A_453 = vector.load %arg0[%get3A_450, %get3A_451, %get3A_452] : memref<32x4x10240xf32, #tpu.memory_space<vmem>>, vector<1x1x10240xf32>
    %get3A_454 = vector.shape_cast %get3A_453 : vector<1x1x10240xf32> to vector<1x10240xf32>
    %add3A_455 = arith.addf %add3A_449, %get3A_454 : vector<1x10240xf32>
    %get3A_456 = arith.constant 26 : index
    %get3A_457 = arith.constant 1 : index
    %get3A_458 = arith.constant 0 : index
    %get3A_459 = vector.load %arg0[%get3A_456, %get3A_457, %get3A_458] : memref<32x4x10240xf32, #tpu.memory_space<vmem>>, vector<1x1x10240xf32>
    %get3A_460 = vector.shape_cast %get3A_459 : vector<1x1x10240xf32> to vector<1x10240xf32>
    %add3A_461 = arith.addf %add3A_455, %get3A_460 : vector<1x10240xf32>
    %get3A_462 = arith.constant 30 : index
    %get3A_463 = arith.constant 1 : index
    %get3A_464 = arith.constant 0 : index
    %get3A_465 = vector.load %arg0[%get3A_462, %get3A_463, %get3A_464] : memref<32x4x10240xf32, #tpu.memory_space<vmem>>, vector<1x1x10240xf32>
    %get3A_466 = vector.shape_cast %get3A_465 : vector<1x1x10240xf32> to vector<1x10240xf32>
    %add3A_467 = arith.addf %add3A_461, %get3A_466 : vector<1x10240xf32>
    %get3A_468 = arith.constant 2 : index
    %get3A_469 = arith.constant 2 : index
    %get3A_470 = arith.constant 0 : index
    %get3A_471 = vector.load %arg0[%get3A_468, %get3A_469, %get3A_470] : memref<32x4x10240xf32, #tpu.memory_space<vmem>>, vector<1x1x10240xf32>
    %get3A_472 = vector.shape_cast %get3A_471 : vector<1x1x10240xf32> to vector<1x10240xf32>
    %get3A_473 = arith.constant 6 : index
    %get3A_474 = arith.constant 2 : index
    %get3A_475 = arith.constant 0 : index
    %get3A_476 = vector.load %arg0[%get3A_473, %get3A_474, %get3A_475] : memref<32x4x10240xf32, #tpu.memory_space<vmem>>, vector<1x1x10240xf32>
    %get3A_477 = vector.shape_cast %get3A_476 : vector<1x1x10240xf32> to vector<1x10240xf32>
    %add3A_478 = arith.addf %get3A_472, %get3A_477 : vector<1x10240xf32>
    %get3A_479 = arith.constant 10 : index
    %get3A_480 = arith.constant 2 : index
    %get3A_481 = arith.constant 0 : index
    %get3A_482 = vector.load %arg0[%get3A_479, %get3A_480, %get3A_481] : memref<32x4x10240xf32, #tpu.memory_space<vmem>>, vector<1x1x10240xf32>
    %get3A_483 = vector.shape_cast %get3A_482 : vector<1x1x10240xf32> to vector<1x10240xf32>
    %add3A_484 = arith.addf %add3A_478, %get3A_483 : vector<1x10240xf32>
    %get3A_485 = arith.constant 14 : index
    %get3A_486 = arith.constant 2 : index
    %get3A_487 = arith.constant 0 : index
    %get3A_488 = vector.load %arg0[%get3A_485, %get3A_486, %get3A_487] : memref<32x4x10240xf32, #tpu.memory_space<vmem>>, vector<1x1x10240xf32>
    %get3A_489 = vector.shape_cast %get3A_488 : vector<1x1x10240xf32> to vector<1x10240xf32>
    %add3A_490 = arith.addf %add3A_484, %get3A_489 : vector<1x10240xf32>
    %get3A_491 = arith.constant 18 : index
    %get3A_492 = arith.constant 2 : index
    %get3A_493 = arith.constant 0 : index
    %get3A_494 = vector.load %arg0[%get3A_491, %get3A_492, %get3A_493] : memref<32x4x10240xf32, #tpu.memory_space<vmem>>, vector<1x1x10240xf32>
    %get3A_495 = vector.shape_cast %get3A_494 : vector<1x1x10240xf32> to vector<1x10240xf32>
    %add3A_496 = arith.addf %add3A_490, %get3A_495 : vector<1x10240xf32>
    %get3A_497 = arith.constant 22 : index
    %get3A_498 = arith.constant 2 : index
    %get3A_499 = arith.constant 0 : index
    %get3A_500 = vector.load %arg0[%get3A_497, %get3A_498, %get3A_499] : memref<32x4x10240xf32, #tpu.memory_space<vmem>>, vector<1x1x10240xf32>
    %get3A_501 = vector.shape_cast %get3A_500 : vector<1x1x10240xf32> to vector<1x10240xf32>
    %add3A_502 = arith.addf %add3A_496, %get3A_501 : vector<1x10240xf32>
    %get3A_503 = arith.constant 26 : index
    %get3A_504 = arith.constant 2 : index
    %get3A_505 = arith.constant 0 : index
    %get3A_506 = vector.load %arg0[%get3A_503, %get3A_504, %get3A_505] : memref<32x4x10240xf32, #tpu.memory_space<vmem>>, vector<1x1x10240xf32>
    %get3A_507 = vector.shape_cast %get3A_506 : vector<1x1x10240xf32> to vector<1x10240xf32>
    %add3A_508 = arith.addf %add3A_502, %get3A_507 : vector<1x10240xf32>
    %get3A_509 = arith.constant 30 : index
    %get3A_510 = arith.constant 2 : index
    %get3A_511 = arith.constant 0 : index
    %get3A_512 = vector.load %arg0[%get3A_509, %get3A_510, %get3A_511] : memref<32x4x10240xf32, #tpu.memory_space<vmem>>, vector<1x1x10240xf32>
    %get3A_513 = vector.shape_cast %get3A_512 : vector<1x1x10240xf32> to vector<1x10240xf32>
    %add3A_514 = arith.addf %add3A_508, %get3A_513 : vector<1x10240xf32>
    %get3A_515 = arith.constant 2 : index
    %get3A_516 = arith.constant 3 : index
    %get3A_517 = arith.constant 0 : index
    %get3A_518 = vector.load %arg0[%get3A_515, %get3A_516, %get3A_517] : memref<32x4x10240xf32, #tpu.memory_space<vmem>>, vector<1x1x10240xf32>
    %get3A_519 = vector.shape_cast %get3A_518 : vector<1x1x10240xf32> to vector<1x10240xf32>
    %get3A_520 = arith.constant 6 : index
    %get3A_521 = arith.constant 3 : index
    %get3A_522 = arith.constant 0 : index
    %get3A_523 = vector.load %arg0[%get3A_520, %get3A_521, %get3A_522] : memref<32x4x10240xf32, #tpu.memory_space<vmem>>, vector<1x1x10240xf32>
    %get3A_524 = vector.shape_cast %get3A_523 : vector<1x1x10240xf32> to vector<1x10240xf32>
    %add3A_525 = arith.addf %get3A_519, %get3A_524 : vector<1x10240xf32>
    %get3A_526 = arith.constant 10 : index
    %get3A_527 = arith.constant 3 : index
    %get3A_528 = arith.constant 0 : index
    %get3A_529 = vector.load %arg0[%get3A_526, %get3A_527, %get3A_528] : memref<32x4x10240xf32, #tpu.memory_space<vmem>>, vector<1x1x10240xf32>
    %get3A_530 = vector.shape_cast %get3A_529 : vector<1x1x10240xf32> to vector<1x10240xf32>
    %add3A_531 = arith.addf %add3A_525, %get3A_530 : vector<1x10240xf32>
    %get3A_532 = arith.constant 14 : index
    %get3A_533 = arith.constant 3 : index
    %get3A_534 = arith.constant 0 : index
    %get3A_535 = vector.load %arg0[%get3A_532, %get3A_533, %get3A_534] : memref<32x4x10240xf32, #tpu.memory_space<vmem>>, vector<1x1x10240xf32>
    %get3A_536 = vector.shape_cast %get3A_535 : vector<1x1x10240xf32> to vector<1x10240xf32>
    %add3A_537 = arith.addf %add3A_531, %get3A_536 : vector<1x10240xf32>
    %get3A_538 = arith.constant 18 : index
    %get3A_539 = arith.constant 3 : index
    %get3A_540 = arith.constant 0 : index
    %get3A_541 = vector.load %arg0[%get3A_538, %get3A_539, %get3A_540] : memref<32x4x10240xf32, #tpu.memory_space<vmem>>, vector<1x1x10240xf32>
    %get3A_542 = vector.shape_cast %get3A_541 : vector<1x1x10240xf32> to vector<1x10240xf32>
    %add3A_543 = arith.addf %add3A_537, %get3A_542 : vector<1x10240xf32>
    %get3A_544 = arith.constant 22 : index
    %get3A_545 = arith.constant 3 : index
    %get3A_546 = arith.constant 0 : index
    %get3A_547 = vector.load %arg0[%get3A_544, %get3A_545, %get3A_546] : memref<32x4x10240xf32, #tpu.memory_space<vmem>>, vector<1x1x10240xf32>
    %get3A_548 = vector.shape_cast %get3A_547 : vector<1x1x10240xf32> to vector<1x10240xf32>
    %add3A_549 = arith.addf %add3A_543, %get3A_548 : vector<1x10240xf32>
    %get3A_550 = arith.constant 26 : index
    %get3A_551 = arith.constant 3 : index
    %get3A_552 = arith.constant 0 : index
    %get3A_553 = vector.load %arg0[%get3A_550, %get3A_551, %get3A_552] : memref<32x4x10240xf32, #tpu.memory_space<vmem>>, vector<1x1x10240xf32>
    %get3A_554 = vector.shape_cast %get3A_553 : vector<1x1x10240xf32> to vector<1x10240xf32>
    %add3A_555 = arith.addf %add3A_549, %get3A_554 : vector<1x10240xf32>
    %get3A_556 = arith.constant 30 : index
    %get3A_557 = arith.constant 3 : index
    %get3A_558 = arith.constant 0 : index
    %get3A_559 = vector.load %arg0[%get3A_556, %get3A_557, %get3A_558] : memref<32x4x10240xf32, #tpu.memory_space<vmem>>, vector<1x1x10240xf32>
    %get3A_560 = vector.shape_cast %get3A_559 : vector<1x1x10240xf32> to vector<1x10240xf32>
    %add3A_561 = arith.addf %add3A_555, %get3A_560 : vector<1x10240xf32>
    %get3A_562 = arith.constant 3 : index
    %get3A_563 = arith.constant 0 : index
    %get3A_564 = arith.constant 0 : index
    %get3A_565 = vector.load %arg0[%get3A_562, %get3A_563, %get3A_564] : memref<32x4x10240xf32, #tpu.memory_space<vmem>>, vector<1x1x10240xf32>
    %get3A_566 = vector.shape_cast %get3A_565 : vector<1x1x10240xf32> to vector<1x10240xf32>
    %get3A_567 = arith.constant 7 : index
    %get3A_568 = arith.constant 0 : index
    %get3A_569 = arith.constant 0 : index
    %get3A_570 = vector.load %arg0[%get3A_567, %get3A_568, %get3A_569] : memref<32x4x10240xf32, #tpu.memory_space<vmem>>, vector<1x1x10240xf32>
    %get3A_571 = vector.shape_cast %get3A_570 : vector<1x1x10240xf32> to vector<1x10240xf32>
    %add3A_572 = arith.addf %get3A_566, %get3A_571 : vector<1x10240xf32>
    %get3A_573 = arith.constant 11 : index
    %get3A_574 = arith.constant 0 : index
    %get3A_575 = arith.constant 0 : index
    %get3A_576 = vector.load %arg0[%get3A_573, %get3A_574, %get3A_575] : memref<32x4x10240xf32, #tpu.memory_space<vmem>>, vector<1x1x10240xf32>
    %get3A_577 = vector.shape_cast %get3A_576 : vector<1x1x10240xf32> to vector<1x10240xf32>
    %add3A_578 = arith.addf %add3A_572, %get3A_577 : vector<1x10240xf32>
    %get3A_579 = arith.constant 15 : index
    %get3A_580 = arith.constant 0 : index
    %get3A_581 = arith.constant 0 : index
    %get3A_582 = vector.load %arg0[%get3A_579, %get3A_580, %get3A_581] : memref<32x4x10240xf32, #tpu.memory_space<vmem>>, vector<1x1x10240xf32>
    %get3A_583 = vector.shape_cast %get3A_582 : vector<1x1x10240xf32> to vector<1x10240xf32>
    %add3A_584 = arith.addf %add3A_578, %get3A_583 : vector<1x10240xf32>
    %get3A_585 = arith.constant 19 : index
    %get3A_586 = arith.constant 0 : index
    %get3A_587 = arith.constant 0 : index
    %get3A_588 = vector.load %arg0[%get3A_585, %get3A_586, %get3A_587] : memref<32x4x10240xf32, #tpu.memory_space<vmem>>, vector<1x1x10240xf32>
    %get3A_589 = vector.shape_cast %get3A_588 : vector<1x1x10240xf32> to vector<1x10240xf32>
    %add3A_590 = arith.addf %add3A_584, %get3A_589 : vector<1x10240xf32>
    %get3A_591 = arith.constant 23 : index
    %get3A_592 = arith.constant 0 : index
    %get3A_593 = arith.constant 0 : index
    %get3A_594 = vector.load %arg0[%get3A_591, %get3A_592, %get3A_593] : memref<32x4x10240xf32, #tpu.memory_space<vmem>>, vector<1x1x10240xf32>
    %get3A_595 = vector.shape_cast %get3A_594 : vector<1x1x10240xf32> to vector<1x10240xf32>
    %add3A_596 = arith.addf %add3A_590, %get3A_595 : vector<1x10240xf32>
    %get3A_597 = arith.constant 27 : index
    %get3A_598 = arith.constant 0 : index
    %get3A_599 = arith.constant 0 : index
    %get3A_600 = vector.load %arg0[%get3A_597, %get3A_598, %get3A_599] : memref<32x4x10240xf32, #tpu.memory_space<vmem>>, vector<1x1x10240xf32>
    %get3A_601 = vector.shape_cast %get3A_600 : vector<1x1x10240xf32> to vector<1x10240xf32>
    %add3A_602 = arith.addf %add3A_596, %get3A_601 : vector<1x10240xf32>
    %get3A_603 = arith.constant 31 : index
    %get3A_604 = arith.constant 0 : index
    %get3A_605 = arith.constant 0 : index
    %get3A_606 = vector.load %arg0[%get3A_603, %get3A_604, %get3A_605] : memref<32x4x10240xf32, #tpu.memory_space<vmem>>, vector<1x1x10240xf32>
    %get3A_607 = vector.shape_cast %get3A_606 : vector<1x1x10240xf32> to vector<1x10240xf32>
    %add3A_608 = arith.addf %add3A_602, %get3A_607 : vector<1x10240xf32>
    %get3A_609 = arith.constant 3 : index
    %get3A_610 = arith.constant 1 : index
    %get3A_611 = arith.constant 0 : index
    %get3A_612 = vector.load %arg0[%get3A_609, %get3A_610, %get3A_611] : memref<32x4x10240xf32, #tpu.memory_space<vmem>>, vector<1x1x10240xf32>
    %get3A_613 = vector.shape_cast %get3A_612 : vector<1x1x10240xf32> to vector<1x10240xf32>
    %get3A_614 = arith.constant 7 : index
    %get3A_615 = arith.constant 1 : index
    %get3A_616 = arith.constant 0 : index
    %get3A_617 = vector.load %arg0[%get3A_614, %get3A_615, %get3A_616] : memref<32x4x10240xf32, #tpu.memory_space<vmem>>, vector<1x1x10240xf32>
    %get3A_618 = vector.shape_cast %get3A_617 : vector<1x1x10240xf32> to vector<1x10240xf32>
    %add3A_619 = arith.addf %get3A_613, %get3A_618 : vector<1x10240xf32>
    %get3A_620 = arith.constant 11 : index
    %get3A_621 = arith.constant 1 : index
    %get3A_622 = arith.constant 0 : index
    %get3A_623 = vector.load %arg0[%get3A_620, %get3A_621, %get3A_622] : memref<32x4x10240xf32, #tpu.memory_space<vmem>>, vector<1x1x10240xf32>
    %get3A_624 = vector.shape_cast %get3A_623 : vector<1x1x10240xf32> to vector<1x10240xf32>
    %add3A_625 = arith.addf %add3A_619, %get3A_624 : vector<1x10240xf32>
    %get3A_626 = arith.constant 15 : index
    %get3A_627 = arith.constant 1 : index
    %get3A_628 = arith.constant 0 : index
    %get3A_629 = vector.load %arg0[%get3A_626, %get3A_627, %get3A_628] : memref<32x4x10240xf32, #tpu.memory_space<vmem>>, vector<1x1x10240xf32>
    %get3A_630 = vector.shape_cast %get3A_629 : vector<1x1x10240xf32> to vector<1x10240xf32>
    %add3A_631 = arith.addf %add3A_625, %get3A_630 : vector<1x10240xf32>
    %get3A_632 = arith.constant 19 : index
    %get3A_633 = arith.constant 1 : index
    %get3A_634 = arith.constant 0 : index
    %get3A_635 = vector.load %arg0[%get3A_632, %get3A_633, %get3A_634] : memref<32x4x10240xf32, #tpu.memory_space<vmem>>, vector<1x1x10240xf32>
    %get3A_636 = vector.shape_cast %get3A_635 : vector<1x1x10240xf32> to vector<1x10240xf32>
    %add3A_637 = arith.addf %add3A_631, %get3A_636 : vector<1x10240xf32>
    %get3A_638 = arith.constant 23 : index
    %get3A_639 = arith.constant 1 : index
    %get3A_640 = arith.constant 0 : index
    %get3A_641 = vector.load %arg0[%get3A_638, %get3A_639, %get3A_640] : memref<32x4x10240xf32, #tpu.memory_space<vmem>>, vector<1x1x10240xf32>
    %get3A_642 = vector.shape_cast %get3A_641 : vector<1x1x10240xf32> to vector<1x10240xf32>
    %add3A_643 = arith.addf %add3A_637, %get3A_642 : vector<1x10240xf32>
    %get3A_644 = arith.constant 27 : index
    %get3A_645 = arith.constant 1 : index
    %get3A_646 = arith.constant 0 : index
    %get3A_647 = vector.load %arg0[%get3A_644, %get3A_645, %get3A_646] : memref<32x4x10240xf32, #tpu.memory_space<vmem>>, vector<1x1x10240xf32>
    %get3A_648 = vector.shape_cast %get3A_647 : vector<1x1x10240xf32> to vector<1x10240xf32>
    %add3A_649 = arith.addf %add3A_643, %get3A_648 : vector<1x10240xf32>
    %get3A_650 = arith.constant 31 : index
    %get3A_651 = arith.constant 1 : index
    %get3A_652 = arith.constant 0 : index
    %get3A_653 = vector.load %arg0[%get3A_650, %get3A_651, %get3A_652] : memref<32x4x10240xf32, #tpu.memory_space<vmem>>, vector<1x1x10240xf32>
    %get3A_654 = vector.shape_cast %get3A_653 : vector<1x1x10240xf32> to vector<1x10240xf32>
    %add3A_655 = arith.addf %add3A_649, %get3A_654 : vector<1x10240xf32>
    %get3A_656 = arith.constant 3 : index
    %get3A_657 = arith.constant 2 : index
    %get3A_658 = arith.constant 0 : index
    %get3A_659 = vector.load %arg0[%get3A_656, %get3A_657, %get3A_658] : memref<32x4x10240xf32, #tpu.memory_space<vmem>>, vector<1x1x10240xf32>
    %get3A_660 = vector.shape_cast %get3A_659 : vector<1x1x10240xf32> to vector<1x10240xf32>
    %get3A_661 = arith.constant 7 : index
    %get3A_662 = arith.constant 2 : index
    %get3A_663 = arith.constant 0 : index
    %get3A_664 = vector.load %arg0[%get3A_661, %get3A_662, %get3A_663] : memref<32x4x10240xf32, #tpu.memory_space<vmem>>, vector<1x1x10240xf32>
    %get3A_665 = vector.shape_cast %get3A_664 : vector<1x1x10240xf32> to vector<1x10240xf32>
    %add3A_666 = arith.addf %get3A_660, %get3A_665 : vector<1x10240xf32>
    %get3A_667 = arith.constant 11 : index
    %get3A_668 = arith.constant 2 : index
    %get3A_669 = arith.constant 0 : index
    %get3A_670 = vector.load %arg0[%get3A_667, %get3A_668, %get3A_669] : memref<32x4x10240xf32, #tpu.memory_space<vmem>>, vector<1x1x10240xf32>
    %get3A_671 = vector.shape_cast %get3A_670 : vector<1x1x10240xf32> to vector<1x10240xf32>
    %add3A_672 = arith.addf %add3A_666, %get3A_671 : vector<1x10240xf32>
    %get3A_673 = arith.constant 15 : index
    %get3A_674 = arith.constant 2 : index
    %get3A_675 = arith.constant 0 : index
    %get3A_676 = vector.load %arg0[%get3A_673, %get3A_674, %get3A_675] : memref<32x4x10240xf32, #tpu.memory_space<vmem>>, vector<1x1x10240xf32>
    %get3A_677 = vector.shape_cast %get3A_676 : vector<1x1x10240xf32> to vector<1x10240xf32>
    %add3A_678 = arith.addf %add3A_672, %get3A_677 : vector<1x10240xf32>
    %get3A_679 = arith.constant 19 : index
    %get3A_680 = arith.constant 2 : index
    %get3A_681 = arith.constant 0 : index
    %get3A_682 = vector.load %arg0[%get3A_679, %get3A_680, %get3A_681] : memref<32x4x10240xf32, #tpu.memory_space<vmem>>, vector<1x1x10240xf32>
    %get3A_683 = vector.shape_cast %get3A_682 : vector<1x1x10240xf32> to vector<1x10240xf32>
    %add3A_684 = arith.addf %add3A_678, %get3A_683 : vector<1x10240xf32>
    %get3A_685 = arith.constant 23 : index
    %get3A_686 = arith.constant 2 : index
    %get3A_687 = arith.constant 0 : index
    %get3A_688 = vector.load %arg0[%get3A_685, %get3A_686, %get3A_687] : memref<32x4x10240xf32, #tpu.memory_space<vmem>>, vector<1x1x10240xf32>
    %get3A_689 = vector.shape_cast %get3A_688 : vector<1x1x10240xf32> to vector<1x10240xf32>
    %add3A_690 = arith.addf %add3A_684, %get3A_689 : vector<1x10240xf32>
    %get3A_691 = arith.constant 27 : index
    %get3A_692 = arith.constant 2 : index
    %get3A_693 = arith.constant 0 : index
    %get3A_694 = vector.load %arg0[%get3A_691, %get3A_692, %get3A_693] : memref<32x4x10240xf32, #tpu.memory_space<vmem>>, vector<1x1x10240xf32>
    %get3A_695 = vector.shape_cast %get3A_694 : vector<1x1x10240xf32> to vector<1x10240xf32>
    %add3A_696 = arith.addf %add3A_690, %get3A_695 : vector<1x10240xf32>
    %get3A_697 = arith.constant 31 : index
    %get3A_698 = arith.constant 2 : index
    %get3A_699 = arith.constant 0 : index
    %get3A_700 = vector.load %arg0[%get3A_697, %get3A_698, %get3A_699] : memref<32x4x10240xf32, #tpu.memory_space<vmem>>, vector<1x1x10240xf32>
    %get3A_701 = vector.shape_cast %get3A_700 : vector<1x1x10240xf32> to vector<1x10240xf32>
    %add3A_702 = arith.addf %add3A_696, %get3A_701 : vector<1x10240xf32>
    %get3A_703 = arith.constant 3 : index
    %get3A_704 = arith.constant 3 : index
    %get3A_705 = arith.constant 0 : index
    %get3A_706 = vector.load %arg0[%get3A_703, %get3A_704, %get3A_705] : memref<32x4x10240xf32, #tpu.memory_space<vmem>>, vector<1x1x10240xf32>
    %get3A_707 = vector.shape_cast %get3A_706 : vector<1x1x10240xf32> to vector<1x10240xf32>
    %get3A_708 = arith.constant 7 : index
    %get3A_709 = arith.constant 3 : index
    %get3A_710 = arith.constant 0 : index
    %get3A_711 = vector.load %arg0[%get3A_708, %get3A_709, %get3A_710] : memref<32x4x10240xf32, #tpu.memory_space<vmem>>, vector<1x1x10240xf32>
    %get3A_712 = vector.shape_cast %get3A_711 : vector<1x1x10240xf32> to vector<1x10240xf32>
    %add3A_713 = arith.addf %get3A_707, %get3A_712 : vector<1x10240xf32>
    %get3A_714 = arith.constant 11 : index
    %get3A_715 = arith.constant 3 : index
    %get3A_716 = arith.constant 0 : index
    %get3A_717 = vector.load %arg0[%get3A_714, %get3A_715, %get3A_716] : memref<32x4x10240xf32, #tpu.memory_space<vmem>>, vector<1x1x10240xf32>
    %get3A_718 = vector.shape_cast %get3A_717 : vector<1x1x10240xf32> to vector<1x10240xf32>
    %add3A_719 = arith.addf %add3A_713, %get3A_718 : vector<1x10240xf32>
    %get3A_720 = arith.constant 15 : index
    %get3A_721 = arith.constant 3 : index
    %get3A_722 = arith.constant 0 : index
    %get3A_723 = vector.load %arg0[%get3A_720, %get3A_721, %get3A_722] : memref<32x4x10240xf32, #tpu.memory_space<vmem>>, vector<1x1x10240xf32>
    %get3A_724 = vector.shape_cast %get3A_723 : vector<1x1x10240xf32> to vector<1x10240xf32>
    %add3A_725 = arith.addf %add3A_719, %get3A_724 : vector<1x10240xf32>
    %get3A_726 = arith.constant 19 : index
    %get3A_727 = arith.constant 3 : index
    %get3A_728 = arith.constant 0 : index
    %get3A_729 = vector.load %arg0[%get3A_726, %get3A_727, %get3A_728] : memref<32x4x10240xf32, #tpu.memory_space<vmem>>, vector<1x1x10240xf32>
    %get3A_730 = vector.shape_cast %get3A_729 : vector<1x1x10240xf32> to vector<1x10240xf32>
    %add3A_731 = arith.addf %add3A_725, %get3A_730 : vector<1x10240xf32>
    %get3A_732 = arith.constant 23 : index
    %get3A_733 = arith.constant 3 : index
    %get3A_734 = arith.constant 0 : index
    %get3A_735 = vector.load %arg0[%get3A_732, %get3A_733, %get3A_734] : memref<32x4x10240xf32, #tpu.memory_space<vmem>>, vector<1x1x10240xf32>
    %get3A_736 = vector.shape_cast %get3A_735 : vector<1x1x10240xf32> to vector<1x10240xf32>
    %add3A_737 = arith.addf %add3A_731, %get3A_736 : vector<1x10240xf32>
    %get3A_738 = arith.constant 27 : index
    %get3A_739 = arith.constant 3 : index
    %get3A_740 = arith.constant 0 : index
    %get3A_741 = vector.load %arg0[%get3A_738, %get3A_739, %get3A_740] : memref<32x4x10240xf32, #tpu.memory_space<vmem>>, vector<1x1x10240xf32>
    %get3A_742 = vector.shape_cast %get3A_741 : vector<1x1x10240xf32> to vector<1x10240xf32>
    %add3A_743 = arith.addf %add3A_737, %get3A_742 : vector<1x10240xf32>
    %get3A_744 = arith.constant 31 : index
    %get3A_745 = arith.constant 3 : index
    %get3A_746 = arith.constant 0 : index
    %get3A_747 = vector.load %arg0[%get3A_744, %get3A_745, %get3A_746] : memref<32x4x10240xf32, #tpu.memory_space<vmem>>, vector<1x1x10240xf32>
    %get3A_748 = vector.shape_cast %get3A_747 : vector<1x1x10240xf32> to vector<1x10240xf32>
    %add3A_749 = arith.addf %add3A_743, %get3A_748 : vector<1x10240xf32>
    %concatenate3A = tpu.concatenate %add3A_44, %add3A_91, %add3A_138, %add3A_185, %add3A_232, %add3A_279, %add3A_326, %add3A_373, %add3A_420, %add3A_467, %add3A_514, %add3A_561, %add3A_608, %add3A_655, %add3A_702, %add3A_749 in 0 : vector<1x10240xf32>, vector<1x10240xf32>, vector<1x10240xf32>, vector<1x10240xf32>, vector<1x10240xf32>, vector<1x10240xf32>, vector<1x10240xf32>, vector<1x10240xf32>, vector<1x10240xf32>, vector<1x10240xf32>, vector<1x10240xf32>, vector<1x10240xf32>, vector<1x10240xf32>, vector<1x10240xf32>, vector<1x10240xf32>, vector<1x10240xf32> -> vector<16x10240xf32>
    %get3A_750 = arith.constant 0 : index
    %get3A_751 = arith.constant 0 : index
    %get3A_752 = vector.load %arg1[%get3A_750, %get3A_751] : memref<32x10240xf32, #tpu.memory_space<vmem>>, vector<1x10240xf32>
    %get3A_753 = arith.constant 4 : index
    %get3A_754 = arith.constant 0 : index
    %get3A_755 = vector.load %arg1[%get3A_753, %get3A_754] : memref<32x10240xf32, #tpu.memory_space<vmem>>, vector<1x10240xf32>
    %add3A_756 = arith.addf %get3A_752, %get3A_755 : vector<1x10240xf32>
    %get3A_757 = arith.constant 8 : index
    %get3A_758 = arith.constant 0 : index
    %get3A_759 = vector.load %arg1[%get3A_757, %get3A_758] : memref<32x10240xf32, #tpu.memory_space<vmem>>, vector<1x10240xf32>
    %add3A_760 = arith.addf %add3A_756, %get3A_759 : vector<1x10240xf32>
    %get3A_761 = arith.constant 12 : index
    %get3A_762 = arith.constant 0 : index
    %get3A_763 = vector.load %arg1[%get3A_761, %get3A_762] : memref<32x10240xf32, #tpu.memory_space<vmem>>, vector<1x10240xf32>
    %add3A_764 = arith.addf %add3A_760, %get3A_763 : vector<1x10240xf32>
    %get3A_765 = arith.constant 16 : index
    %get3A_766 = arith.constant 0 : index
    %get3A_767 = vector.load %arg1[%get3A_765, %get3A_766] : memref<32x10240xf32, #tpu.memory_space<vmem>>, vector<1x10240xf32>
    %add3A_768 = arith.addf %add3A_764, %get3A_767 : vector<1x10240xf32>
    %get3A_769 = arith.constant 20 : index
    %get3A_770 = arith.constant 0 : index
    %get3A_771 = vector.load %arg1[%get3A_769, %get3A_770] : memref<32x10240xf32, #tpu.memory_space<vmem>>, vector<1x10240xf32>
    %add3A_772 = arith.addf %add3A_768, %get3A_771 : vector<1x10240xf32>
    %get3A_773 = arith.constant 24 : index
    %get3A_774 = arith.constant 0 : index
    %get3A_775 = vector.load %arg1[%get3A_773, %get3A_774] : memref<32x10240xf32, #tpu.memory_space<vmem>>, vector<1x10240xf32>
    %add3A_776 = arith.addf %add3A_772, %get3A_775 : vector<1x10240xf32>
    %get3A_777 = arith.constant 28 : index
    %get3A_778 = arith.constant 0 : index
    %get3A_779 = vector.load %arg1[%get3A_777, %get3A_778] : memref<32x10240xf32, #tpu.memory_space<vmem>>, vector<1x10240xf32>
    %add3A_780 = arith.addf %add3A_776, %get3A_779 : vector<1x10240xf32>
    %get3A_781 = arith.constant 0 : index
    %get3A_782 = arith.constant 0 : index
    %get3A_783 = vector.load %arg3[%get3A_781, %get3A_782] : memref<1x10240xf32, #tpu.memory_space<vmem>>, vector<1x10240xf32>
    %get3A_784 = arith.constant 0 : index
    %get3A_785 = arith.constant 0 : index
    %get3A_786 = vector.load %arg4[%get3A_784, %get3A_785] : memref<1x10240xf32, #tpu.memory_space<vmem>>, vector<1x10240xf32>
    %add3A_787 = arith.addf %get3A_783, %get3A_786 : vector<1x10240xf32>
    %gt3A = arith.constant 0.000000e+00 : f32
    %gt3A_788 = vector.broadcast %gt3A : f32 to vector<1x10240xf32>
    %gt3A_789 = arith.cmpf ogt, %add3A_787, %gt3A_788 : vector<1x10240xf32>
    %mul3A = arith.constant 2.000000e-01 : f32
    %mul3A_790 = vector.broadcast %mul3A : f32 to vector<1x10240xf32>
    %mul3A_791 = arith.mulf %mul3A_790, %add3A_787 : vector<1x10240xf32>
    %select_n3A = arith.select %gt3A_789, %add3A_787, %mul3A_791 : vector<1x10240xi1>, vector<1x10240xf32>
    %exp3A = math.exp %select_n3A : vector<1x10240xf32>
    %get3A_792 = arith.constant 0 : index
    %get3A_793 = arith.constant 0 : index
    %get3A_794 = vector.load %arg2[%get3A_792, %get3A_793] : memref<16x10240xf32, #tpu.memory_space<vmem>>, vector<16x10240xf32>
    %mul3A_795 = vector.broadcast %exp3A : vector<1x10240xf32> to vector<16x10240xf32>
    %mul3A_796 = arith.mulf %mul3A_795, %get3A_794 : vector<16x10240xf32>
    %add3A_797 = arith.addf %concatenate3A, %mul3A_796 : vector<16x10240xf32>
    %add3A_798 = arith.addf %add3A_780, %exp3A : vector<1x10240xf32>
    %add3A_799 = arith.constant 1.000000e-16 : f32
    %add3A_800 = vector.broadcast %add3A_799 : f32 to vector<1x10240xf32>
    %add3A_801 = arith.addf %add3A_798, %add3A_800 : vector<1x10240xf32>
    %div3A = vector.broadcast %add3A_801 : vector<1x10240xf32> to vector<16x10240xf32>
    %div3A_802 = arith.divf %add3A_797, %div3A : vector<16x10240xf32>
    %get3A_803 = arith.constant 0 : index
    %get3A_804 = arith.constant 0 : index
    %get3A_805 = vector.load %arg5[%get3A_803, %get3A_804] : memref<16x1xf32, #tpu.memory_space<vmem>>, vector<16x1xf32>
    %add3A_806 = vector.broadcast %get3A_805 : vector<16x1xf32> to vector<16x10240xf32>
    %add3A_807 = arith.addf %div3A_802, %add3A_806 : vector<16x10240xf32>
    %max3A = arith.constant 0.000000e+00 : f32
    %max3A_808 = vector.broadcast %max3A : f32 to vector<16x10240xf32>
    %max3A_809 = arith.maximumf %add3A_807, %max3A_808 : vector<16x10240xf32>
    %get3A_810 = arith.constant 0 : index
    %get3A_811 = arith.constant 0 : index
    %get3A_812 = vector.load %arg6[%get3A_810, %get3A_811] : memref<16x2xf32, #tpu.memory_space<vmem>>, vector<16x1xf32>
    %mul3A_813 = vector.broadcast %get3A_812 : vector<16x1xf32> to vector<16x10240xf32>
    %mul3A_814 = arith.mulf %max3A_809, %mul3A_813 : vector<16x10240xf32>
    %reduce_sum3A = arith.constant dense<0.000000e+00> : vector<10240xf32>
    %reduce_sum3A_815 = vector.multi_reduction <add>, %mul3A_814, %reduce_sum3A [0] : vector<16x10240xf32> to vector<10240xf32>
    %broadcast_in_dim3A = vector.shape_cast %reduce_sum3A_815 : vector<10240xf32> to vector<1x10240xf32>
    %get3A_816 = arith.constant 0 : index
    %get3A_817 = arith.constant 1 : index
    %get3A_818 = vector.load %arg6[%get3A_816, %get3A_817] : memref<16x2xf32, #tpu.memory_space<vmem>>, vector<16x1xf32>
    %mul3A_819 = vector.broadcast %get3A_818 : vector<16x1xf32> to vector<16x10240xf32>
    %mul3A_820 = arith.mulf %max3A_809, %mul3A_819 : vector<16x10240xf32>
    %reduce_sum3A_821 = arith.constant dense<0.000000e+00> : vector<10240xf32>
    %reduce_sum3A_822 = vector.multi_reduction <add>, %mul3A_820, %reduce_sum3A_821 [0] : vector<16x10240xf32> to vector<10240xf32>
    %broadcast_in_dim3A_823 = vector.shape_cast %reduce_sum3A_822 : vector<10240xf32> to vector<1x10240xf32>
    %concatenate3A_824 = tpu.concatenate %broadcast_in_dim3A, %broadcast_in_dim3A_823 in 0 : vector<1x10240xf32>, vector<1x10240xf32> -> vector<2x10240xf32>
    %swap3A = arith.constant 0 : index
    %swap3A_825 = arith.constant 0 : index
    %swap3A_826 = vector.load %arg9[%swap3A, %swap3A_825] : memref<2x10240xf32, #tpu.memory_space<vmem>>, vector<2x10240xf32>
    tpu.vector_store %arg9[%swap3A, %swap3A_825], %concatenate3A_824 {strides = array<i32>} : memref<2x10240xf32, #tpu.memory_space<vmem>>, vector<2x10240xf32>,
    %get3A_827 = arith.constant 0 : index
    %get3A_828 = arith.constant 0 : index
    %get3A_829 = vector.load %arg7[%get3A_827, %get3A_828] : memref<2x1xf32, #tpu.memory_space<vmem>>, vector<2x1xf32>
    %mul3A_830 = vector.broadcast %get3A_829 : vector<2x1xf32> to vector<2x10240xf32>
    %mul3A_831 = arith.mulf %concatenate3A_824, %mul3A_830 : vector<2x10240xf32>
    %reduce_sum3A_832 = arith.constant dense<0.000000e+00> : vector<10240xf32>
    %reduce_sum3A_833 = vector.multi_reduction <add>, %mul3A_831, %reduce_sum3A_832 [0] : vector<2x10240xf32> to vector<10240xf32>
    %broadcast_in_dim3A_834 = vector.shape_cast %reduce_sum3A_833 : vector<10240xf32> to vector<1x10240xf32>
    %swap3A_835 = arith.constant 0 : index
    %swap3A_836 = arith.constant 0 : index
    %swap3A_837 = vector.load %arg10[%swap3A_835, %swap3A_836] : memref<1x10240xf32, #tpu.memory_space<vmem>>, vector<1x10240xf32>
    tpu.vector_store %arg10[%swap3A_835, %swap3A_836], %broadcast_in_dim3A_834 {strides = array<i32>} : memref<1x10240xf32, #tpu.memory_space<vmem>>, vector<1x10240xf32>,
    %get3A_838 = arith.constant 0 : index
    %get3A_839 = arith.constant 0 : index
    %get3A_840 = vector.load %arg8[%get3A_838, %get3A_839] : memref<2x1xf32, #tpu.memory_space<vmem>>, vector<2x1xf32>
    %mul3A_841 = vector.broadcast %get3A_840 : vector<2x1xf32> to vector<2x10240xf32>
    %mul3A_842 = arith.mulf %concatenate3A_824, %mul3A_841 : vector<2x10240xf32>
    %reduce_sum3A_843 = arith.constant dense<0.000000e+00> : vector<10240xf32>
    %reduce_sum3A_844 = vector.multi_reduction <add>, %mul3A_842, %reduce_sum3A_843 [0] : vector<2x10240xf32> to vector<10240xf32>
    %broadcast_in_dim3A_845 = vector.shape_cast %reduce_sum3A_844 : vector<10240xf32> to vector<1x10240xf32>
    %swap3A_846 = arith.constant 0 : index
    %swap3A_847 = arith.constant 0 : index
    %swap3A_848 = vector.load %arg11[%swap3A_846, %swap3A_847] : memref<1x10240xf32, #tpu.memory_space<vmem>>, vector<1x10240xf32>
    tpu.vector_store %arg11[%swap3A_846, %swap3A_847], %broadcast_in_dim3A_845 {strides = array<i32>} : memref<1x10240xf32, #tpu.memory_space<vmem>>, vector<1x10240xf32>,
    return
  }
}

module attributes {stable_mosaic.version = 14 : i64} {
  func.func @_tc3_body(%arg0: memref<32x2x10240xf32, #tpu.memory_space<vmem>>, %arg1: memref<32x10240xf32, #tpu.memory_space<vmem>>, %arg2: memref<2x10240xf32, #tpu.memory_space<vmem>>, %arg3: memref<1x10240xf32, #tpu.memory_space<vmem>>, %arg4: memref<1x10240xf32, #tpu.memory_space<vmem>>, %arg5: memref<2x1xf32, #tpu.memory_space<vmem>>, %arg6: memref<2x10240xf32, #tpu.memory_space<vmem>>) attributes {dimension_semantics = [], scalar_prefetch = 0 : i64, scratch_operands = 0 : i64, tpu.core_type = #tpu.core_type<tc>} {
    %get3A = arith.constant 0 : index
    %get3A_0 = arith.constant 0 : index
    %get3A_1 = arith.constant 0 : index
    %get3A_2 = vector.load %arg0[%get3A, %get3A_0, %get3A_1] : memref<32x2x10240xf32, #tpu.memory_space<vmem>>, vector<1x1x10240xf32>
    %get3A_3 = vector.shape_cast %get3A_2 : vector<1x1x10240xf32> to vector<1x10240xf32>
    %get3A_4 = arith.constant 1 : index
    %get3A_5 = arith.constant 0 : index
    %get3A_6 = arith.constant 0 : index
    %get3A_7 = vector.load %arg0[%get3A_4, %get3A_5, %get3A_6] : memref<32x2x10240xf32, #tpu.memory_space<vmem>>, vector<1x1x10240xf32>
    %get3A_8 = vector.shape_cast %get3A_7 : vector<1x1x10240xf32> to vector<1x10240xf32>
    %add3A = arith.addf %get3A_3, %get3A_8 : vector<1x10240xf32>
    %get3A_9 = arith.constant 2 : index
    %get3A_10 = arith.constant 0 : index
    %get3A_11 = arith.constant 0 : index
    %get3A_12 = vector.load %arg0[%get3A_9, %get3A_10, %get3A_11] : memref<32x2x10240xf32, #tpu.memory_space<vmem>>, vector<1x1x10240xf32>
    %get3A_13 = vector.shape_cast %get3A_12 : vector<1x1x10240xf32> to vector<1x10240xf32>
    %add3A_14 = arith.addf %add3A, %get3A_13 : vector<1x10240xf32>
    %get3A_15 = arith.constant 3 : index
    %get3A_16 = arith.constant 0 : index
    %get3A_17 = arith.constant 0 : index
    %get3A_18 = vector.load %arg0[%get3A_15, %get3A_16, %get3A_17] : memref<32x2x10240xf32, #tpu.memory_space<vmem>>, vector<1x1x10240xf32>
    %get3A_19 = vector.shape_cast %get3A_18 : vector<1x1x10240xf32> to vector<1x10240xf32>
    %add3A_20 = arith.addf %add3A_14, %get3A_19 : vector<1x10240xf32>
    %get3A_21 = arith.constant 4 : index
    %get3A_22 = arith.constant 0 : index
    %get3A_23 = arith.constant 0 : index
    %get3A_24 = vector.load %arg0[%get3A_21, %get3A_22, %get3A_23] : memref<32x2x10240xf32, #tpu.memory_space<vmem>>, vector<1x1x10240xf32>
    %get3A_25 = vector.shape_cast %get3A_24 : vector<1x1x10240xf32> to vector<1x10240xf32>
    %add3A_26 = arith.addf %add3A_20, %get3A_25 : vector<1x10240xf32>
    %get3A_27 = arith.constant 5 : index
    %get3A_28 = arith.constant 0 : index
    %get3A_29 = arith.constant 0 : index
    %get3A_30 = vector.load %arg0[%get3A_27, %get3A_28, %get3A_29] : memref<32x2x10240xf32, #tpu.memory_space<vmem>>, vector<1x1x10240xf32>
    %get3A_31 = vector.shape_cast %get3A_30 : vector<1x1x10240xf32> to vector<1x10240xf32>
    %add3A_32 = arith.addf %add3A_26, %get3A_31 : vector<1x10240xf32>
    %get3A_33 = arith.constant 6 : index
    %get3A_34 = arith.constant 0 : index
    %get3A_35 = arith.constant 0 : index
    %get3A_36 = vector.load %arg0[%get3A_33, %get3A_34, %get3A_35] : memref<32x2x10240xf32, #tpu.memory_space<vmem>>, vector<1x1x10240xf32>
    %get3A_37 = vector.shape_cast %get3A_36 : vector<1x1x10240xf32> to vector<1x10240xf32>
    %add3A_38 = arith.addf %add3A_32, %get3A_37 : vector<1x10240xf32>
    %get3A_39 = arith.constant 7 : index
    %get3A_40 = arith.constant 0 : index
    %get3A_41 = arith.constant 0 : index
    %get3A_42 = vector.load %arg0[%get3A_39, %get3A_40, %get3A_41] : memref<32x2x10240xf32, #tpu.memory_space<vmem>>, vector<1x1x10240xf32>
    %get3A_43 = vector.shape_cast %get3A_42 : vector<1x1x10240xf32> to vector<1x10240xf32>
    %add3A_44 = arith.addf %add3A_38, %get3A_43 : vector<1x10240xf32>
    %get3A_45 = arith.constant 8 : index
    %get3A_46 = arith.constant 0 : index
    %get3A_47 = arith.constant 0 : index
    %get3A_48 = vector.load %arg0[%get3A_45, %get3A_46, %get3A_47] : memref<32x2x10240xf32, #tpu.memory_space<vmem>>, vector<1x1x10240xf32>
    %get3A_49 = vector.shape_cast %get3A_48 : vector<1x1x10240xf32> to vector<1x10240xf32>
    %add3A_50 = arith.addf %add3A_44, %get3A_49 : vector<1x10240xf32>
    %get3A_51 = arith.constant 9 : index
    %get3A_52 = arith.constant 0 : index
    %get3A_53 = arith.constant 0 : index
    %get3A_54 = vector.load %arg0[%get3A_51, %get3A_52, %get3A_53] : memref<32x2x10240xf32, #tpu.memory_space<vmem>>, vector<1x1x10240xf32>
    %get3A_55 = vector.shape_cast %get3A_54 : vector<1x1x10240xf32> to vector<1x10240xf32>
    %add3A_56 = arith.addf %add3A_50, %get3A_55 : vector<1x10240xf32>
    %get3A_57 = arith.constant 10 : index
    %get3A_58 = arith.constant 0 : index
    %get3A_59 = arith.constant 0 : index
    %get3A_60 = vector.load %arg0[%get3A_57, %get3A_58, %get3A_59] : memref<32x2x10240xf32, #tpu.memory_space<vmem>>, vector<1x1x10240xf32>
    %get3A_61 = vector.shape_cast %get3A_60 : vector<1x1x10240xf32> to vector<1x10240xf32>
    %add3A_62 = arith.addf %add3A_56, %get3A_61 : vector<1x10240xf32>
    %get3A_63 = arith.constant 11 : index
    %get3A_64 = arith.constant 0 : index
    %get3A_65 = arith.constant 0 : index
    %get3A_66 = vector.load %arg0[%get3A_63, %get3A_64, %get3A_65] : memref<32x2x10240xf32, #tpu.memory_space<vmem>>, vector<1x1x10240xf32>
    %get3A_67 = vector.shape_cast %get3A_66 : vector<1x1x10240xf32> to vector<1x10240xf32>
    %add3A_68 = arith.addf %add3A_62, %get3A_67 : vector<1x10240xf32>
    %get3A_69 = arith.constant 12 : index
    %get3A_70 = arith.constant 0 : index
    %get3A_71 = arith.constant 0 : index
    %get3A_72 = vector.load %arg0[%get3A_69, %get3A_70, %get3A_71] : memref<32x2x10240xf32, #tpu.memory_space<vmem>>, vector<1x1x10240xf32>
    %get3A_73 = vector.shape_cast %get3A_72 : vector<1x1x10240xf32> to vector<1x10240xf32>
    %add3A_74 = arith.addf %add3A_68, %get3A_73 : vector<1x10240xf32>
    %get3A_75 = arith.constant 13 : index
    %get3A_76 = arith.constant 0 : index
    %get3A_77 = arith.constant 0 : index
    %get3A_78 = vector.load %arg0[%get3A_75, %get3A_76, %get3A_77] : memref<32x2x10240xf32, #tpu.memory_space<vmem>>, vector<1x1x10240xf32>
    %get3A_79 = vector.shape_cast %get3A_78 : vector<1x1x10240xf32> to vector<1x10240xf32>
    %add3A_80 = arith.addf %add3A_74, %get3A_79 : vector<1x10240xf32>
    %get3A_81 = arith.constant 14 : index
    %get3A_82 = arith.constant 0 : index
    %get3A_83 = arith.constant 0 : index
    %get3A_84 = vector.load %arg0[%get3A_81, %get3A_82, %get3A_83] : memref<32x2x10240xf32, #tpu.memory_space<vmem>>, vector<1x1x10240xf32>
    %get3A_85 = vector.shape_cast %get3A_84 : vector<1x1x10240xf32> to vector<1x10240xf32>
    %add3A_86 = arith.addf %add3A_80, %get3A_85 : vector<1x10240xf32>
    %get3A_87 = arith.constant 15 : index
    %get3A_88 = arith.constant 0 : index
    %get3A_89 = arith.constant 0 : index
    %get3A_90 = vector.load %arg0[%get3A_87, %get3A_88, %get3A_89] : memref<32x2x10240xf32, #tpu.memory_space<vmem>>, vector<1x1x10240xf32>
    %get3A_91 = vector.shape_cast %get3A_90 : vector<1x1x10240xf32> to vector<1x10240xf32>
    %add3A_92 = arith.addf %add3A_86, %get3A_91 : vector<1x10240xf32>
    %get3A_93 = arith.constant 16 : index
    %get3A_94 = arith.constant 0 : index
    %get3A_95 = arith.constant 0 : index
    %get3A_96 = vector.load %arg0[%get3A_93, %get3A_94, %get3A_95] : memref<32x2x10240xf32, #tpu.memory_space<vmem>>, vector<1x1x10240xf32>
    %get3A_97 = vector.shape_cast %get3A_96 : vector<1x1x10240xf32> to vector<1x10240xf32>
    %add3A_98 = arith.addf %add3A_92, %get3A_97 : vector<1x10240xf32>
    %get3A_99 = arith.constant 17 : index
    %get3A_100 = arith.constant 0 : index
    %get3A_101 = arith.constant 0 : index
    %get3A_102 = vector.load %arg0[%get3A_99, %get3A_100, %get3A_101] : memref<32x2x10240xf32, #tpu.memory_space<vmem>>, vector<1x1x10240xf32>
    %get3A_103 = vector.shape_cast %get3A_102 : vector<1x1x10240xf32> to vector<1x10240xf32>
    %add3A_104 = arith.addf %add3A_98, %get3A_103 : vector<1x10240xf32>
    %get3A_105 = arith.constant 18 : index
    %get3A_106 = arith.constant 0 : index
    %get3A_107 = arith.constant 0 : index
    %get3A_108 = vector.load %arg0[%get3A_105, %get3A_106, %get3A_107] : memref<32x2x10240xf32, #tpu.memory_space<vmem>>, vector<1x1x10240xf32>
    %get3A_109 = vector.shape_cast %get3A_108 : vector<1x1x10240xf32> to vector<1x10240xf32>
    %add3A_110 = arith.addf %add3A_104, %get3A_109 : vector<1x10240xf32>
    %get3A_111 = arith.constant 19 : index
    %get3A_112 = arith.constant 0 : index
    %get3A_113 = arith.constant 0 : index
    %get3A_114 = vector.load %arg0[%get3A_111, %get3A_112, %get3A_113] : memref<32x2x10240xf32, #tpu.memory_space<vmem>>, vector<1x1x10240xf32>
    %get3A_115 = vector.shape_cast %get3A_114 : vector<1x1x10240xf32> to vector<1x10240xf32>
    %add3A_116 = arith.addf %add3A_110, %get3A_115 : vector<1x10240xf32>
    %get3A_117 = arith.constant 20 : index
    %get3A_118 = arith.constant 0 : index
    %get3A_119 = arith.constant 0 : index
    %get3A_120 = vector.load %arg0[%get3A_117, %get3A_118, %get3A_119] : memref<32x2x10240xf32, #tpu.memory_space<vmem>>, vector<1x1x10240xf32>
    %get3A_121 = vector.shape_cast %get3A_120 : vector<1x1x10240xf32> to vector<1x10240xf32>
    %add3A_122 = arith.addf %add3A_116, %get3A_121 : vector<1x10240xf32>
    %get3A_123 = arith.constant 21 : index
    %get3A_124 = arith.constant 0 : index
    %get3A_125 = arith.constant 0 : index
    %get3A_126 = vector.load %arg0[%get3A_123, %get3A_124, %get3A_125] : memref<32x2x10240xf32, #tpu.memory_space<vmem>>, vector<1x1x10240xf32>
    %get3A_127 = vector.shape_cast %get3A_126 : vector<1x1x10240xf32> to vector<1x10240xf32>
    %add3A_128 = arith.addf %add3A_122, %get3A_127 : vector<1x10240xf32>
    %get3A_129 = arith.constant 22 : index
    %get3A_130 = arith.constant 0 : index
    %get3A_131 = arith.constant 0 : index
    %get3A_132 = vector.load %arg0[%get3A_129, %get3A_130, %get3A_131] : memref<32x2x10240xf32, #tpu.memory_space<vmem>>, vector<1x1x10240xf32>
    %get3A_133 = vector.shape_cast %get3A_132 : vector<1x1x10240xf32> to vector<1x10240xf32>
    %add3A_134 = arith.addf %add3A_128, %get3A_133 : vector<1x10240xf32>
    %get3A_135 = arith.constant 23 : index
    %get3A_136 = arith.constant 0 : index
    %get3A_137 = arith.constant 0 : index
    %get3A_138 = vector.load %arg0[%get3A_135, %get3A_136, %get3A_137] : memref<32x2x10240xf32, #tpu.memory_space<vmem>>, vector<1x1x10240xf32>
    %get3A_139 = vector.shape_cast %get3A_138 : vector<1x1x10240xf32> to vector<1x10240xf32>
    %add3A_140 = arith.addf %add3A_134, %get3A_139 : vector<1x10240xf32>
    %get3A_141 = arith.constant 24 : index
    %get3A_142 = arith.constant 0 : index
    %get3A_143 = arith.constant 0 : index
    %get3A_144 = vector.load %arg0[%get3A_141, %get3A_142, %get3A_143] : memref<32x2x10240xf32, #tpu.memory_space<vmem>>, vector<1x1x10240xf32>
    %get3A_145 = vector.shape_cast %get3A_144 : vector<1x1x10240xf32> to vector<1x10240xf32>
    %add3A_146 = arith.addf %add3A_140, %get3A_145 : vector<1x10240xf32>
    %get3A_147 = arith.constant 25 : index
    %get3A_148 = arith.constant 0 : index
    %get3A_149 = arith.constant 0 : index
    %get3A_150 = vector.load %arg0[%get3A_147, %get3A_148, %get3A_149] : memref<32x2x10240xf32, #tpu.memory_space<vmem>>, vector<1x1x10240xf32>
    %get3A_151 = vector.shape_cast %get3A_150 : vector<1x1x10240xf32> to vector<1x10240xf32>
    %add3A_152 = arith.addf %add3A_146, %get3A_151 : vector<1x10240xf32>
    %get3A_153 = arith.constant 26 : index
    %get3A_154 = arith.constant 0 : index
    %get3A_155 = arith.constant 0 : index
    %get3A_156 = vector.load %arg0[%get3A_153, %get3A_154, %get3A_155] : memref<32x2x10240xf32, #tpu.memory_space<vmem>>, vector<1x1x10240xf32>
    %get3A_157 = vector.shape_cast %get3A_156 : vector<1x1x10240xf32> to vector<1x10240xf32>
    %add3A_158 = arith.addf %add3A_152, %get3A_157 : vector<1x10240xf32>
    %get3A_159 = arith.constant 27 : index
    %get3A_160 = arith.constant 0 : index
    %get3A_161 = arith.constant 0 : index
    %get3A_162 = vector.load %arg0[%get3A_159, %get3A_160, %get3A_161] : memref<32x2x10240xf32, #tpu.memory_space<vmem>>, vector<1x1x10240xf32>
    %get3A_163 = vector.shape_cast %get3A_162 : vector<1x1x10240xf32> to vector<1x10240xf32>
    %add3A_164 = arith.addf %add3A_158, %get3A_163 : vector<1x10240xf32>
    %get3A_165 = arith.constant 28 : index
    %get3A_166 = arith.constant 0 : index
    %get3A_167 = arith.constant 0 : index
    %get3A_168 = vector.load %arg0[%get3A_165, %get3A_166, %get3A_167] : memref<32x2x10240xf32, #tpu.memory_space<vmem>>, vector<1x1x10240xf32>
    %get3A_169 = vector.shape_cast %get3A_168 : vector<1x1x10240xf32> to vector<1x10240xf32>
    %add3A_170 = arith.addf %add3A_164, %get3A_169 : vector<1x10240xf32>
    %get3A_171 = arith.constant 29 : index
    %get3A_172 = arith.constant 0 : index
    %get3A_173 = arith.constant 0 : index
    %get3A_174 = vector.load %arg0[%get3A_171, %get3A_172, %get3A_173] : memref<32x2x10240xf32, #tpu.memory_space<vmem>>, vector<1x1x10240xf32>
    %get3A_175 = vector.shape_cast %get3A_174 : vector<1x1x10240xf32> to vector<1x10240xf32>
    %add3A_176 = arith.addf %add3A_170, %get3A_175 : vector<1x10240xf32>
    %get3A_177 = arith.constant 30 : index
    %get3A_178 = arith.constant 0 : index
    %get3A_179 = arith.constant 0 : index
    %get3A_180 = vector.load %arg0[%get3A_177, %get3A_178, %get3A_179] : memref<32x2x10240xf32, #tpu.memory_space<vmem>>, vector<1x1x10240xf32>
    %get3A_181 = vector.shape_cast %get3A_180 : vector<1x1x10240xf32> to vector<1x10240xf32>
    %add3A_182 = arith.addf %add3A_176, %get3A_181 : vector<1x10240xf32>
    %get3A_183 = arith.constant 31 : index
    %get3A_184 = arith.constant 0 : index
    %get3A_185 = arith.constant 0 : index
    %get3A_186 = vector.load %arg0[%get3A_183, %get3A_184, %get3A_185] : memref<32x2x10240xf32, #tpu.memory_space<vmem>>, vector<1x1x10240xf32>
    %get3A_187 = vector.shape_cast %get3A_186 : vector<1x1x10240xf32> to vector<1x10240xf32>
    %add3A_188 = arith.addf %add3A_182, %get3A_187 : vector<1x10240xf32>
    %get3A_189 = arith.constant 0 : index
    %get3A_190 = arith.constant 1 : index
    %get3A_191 = arith.constant 0 : index
    %get3A_192 = vector.load %arg0[%get3A_189, %get3A_190, %get3A_191] : memref<32x2x10240xf32, #tpu.memory_space<vmem>>, vector<1x1x10240xf32>
    %get3A_193 = vector.shape_cast %get3A_192 : vector<1x1x10240xf32> to vector<1x10240xf32>
    %get3A_194 = arith.constant 1 : index
    %get3A_195 = arith.constant 1 : index
    %get3A_196 = arith.constant 0 : index
    %get3A_197 = vector.load %arg0[%get3A_194, %get3A_195, %get3A_196] : memref<32x2x10240xf32, #tpu.memory_space<vmem>>, vector<1x1x10240xf32>
    %get3A_198 = vector.shape_cast %get3A_197 : vector<1x1x10240xf32> to vector<1x10240xf32>
    %add3A_199 = arith.addf %get3A_193, %get3A_198 : vector<1x10240xf32>
    %get3A_200 = arith.constant 2 : index
    %get3A_201 = arith.constant 1 : index
    %get3A_202 = arith.constant 0 : index
    %get3A_203 = vector.load %arg0[%get3A_200, %get3A_201, %get3A_202] : memref<32x2x10240xf32, #tpu.memory_space<vmem>>, vector<1x1x10240xf32>
    %get3A_204 = vector.shape_cast %get3A_203 : vector<1x1x10240xf32> to vector<1x10240xf32>
    %add3A_205 = arith.addf %add3A_199, %get3A_204 : vector<1x10240xf32>
    %get3A_206 = arith.constant 3 : index
    %get3A_207 = arith.constant 1 : index
    %get3A_208 = arith.constant 0 : index
    %get3A_209 = vector.load %arg0[%get3A_206, %get3A_207, %get3A_208] : memref<32x2x10240xf32, #tpu.memory_space<vmem>>, vector<1x1x10240xf32>
    %get3A_210 = vector.shape_cast %get3A_209 : vector<1x1x10240xf32> to vector<1x10240xf32>
    %add3A_211 = arith.addf %add3A_205, %get3A_210 : vector<1x10240xf32>
    %get3A_212 = arith.constant 4 : index
    %get3A_213 = arith.constant 1 : index
    %get3A_214 = arith.constant 0 : index
    %get3A_215 = vector.load %arg0[%get3A_212, %get3A_213, %get3A_214] : memref<32x2x10240xf32, #tpu.memory_space<vmem>>, vector<1x1x10240xf32>
    %get3A_216 = vector.shape_cast %get3A_215 : vector<1x1x10240xf32> to vector<1x10240xf32>
    %add3A_217 = arith.addf %add3A_211, %get3A_216 : vector<1x10240xf32>
    %get3A_218 = arith.constant 5 : index
    %get3A_219 = arith.constant 1 : index
    %get3A_220 = arith.constant 0 : index
    %get3A_221 = vector.load %arg0[%get3A_218, %get3A_219, %get3A_220] : memref<32x2x10240xf32, #tpu.memory_space<vmem>>, vector<1x1x10240xf32>
    %get3A_222 = vector.shape_cast %get3A_221 : vector<1x1x10240xf32> to vector<1x10240xf32>
    %add3A_223 = arith.addf %add3A_217, %get3A_222 : vector<1x10240xf32>
    %get3A_224 = arith.constant 6 : index
    %get3A_225 = arith.constant 1 : index
    %get3A_226 = arith.constant 0 : index
    %get3A_227 = vector.load %arg0[%get3A_224, %get3A_225, %get3A_226] : memref<32x2x10240xf32, #tpu.memory_space<vmem>>, vector<1x1x10240xf32>
    %get3A_228 = vector.shape_cast %get3A_227 : vector<1x1x10240xf32> to vector<1x10240xf32>
    %add3A_229 = arith.addf %add3A_223, %get3A_228 : vector<1x10240xf32>
    %get3A_230 = arith.constant 7 : index
    %get3A_231 = arith.constant 1 : index
    %get3A_232 = arith.constant 0 : index
    %get3A_233 = vector.load %arg0[%get3A_230, %get3A_231, %get3A_232] : memref<32x2x10240xf32, #tpu.memory_space<vmem>>, vector<1x1x10240xf32>
    %get3A_234 = vector.shape_cast %get3A_233 : vector<1x1x10240xf32> to vector<1x10240xf32>
    %add3A_235 = arith.addf %add3A_229, %get3A_234 : vector<1x10240xf32>
    %get3A_236 = arith.constant 8 : index
    %get3A_237 = arith.constant 1 : index
    %get3A_238 = arith.constant 0 : index
    %get3A_239 = vector.load %arg0[%get3A_236, %get3A_237, %get3A_238] : memref<32x2x10240xf32, #tpu.memory_space<vmem>>, vector<1x1x10240xf32>
    %get3A_240 = vector.shape_cast %get3A_239 : vector<1x1x10240xf32> to vector<1x10240xf32>
    %add3A_241 = arith.addf %add3A_235, %get3A_240 : vector<1x10240xf32>
    %get3A_242 = arith.constant 9 : index
    %get3A_243 = arith.constant 1 : index
    %get3A_244 = arith.constant 0 : index
    %get3A_245 = vector.load %arg0[%get3A_242, %get3A_243, %get3A_244] : memref<32x2x10240xf32, #tpu.memory_space<vmem>>, vector<1x1x10240xf32>
    %get3A_246 = vector.shape_cast %get3A_245 : vector<1x1x10240xf32> to vector<1x10240xf32>
    %add3A_247 = arith.addf %add3A_241, %get3A_246 : vector<1x10240xf32>
    %get3A_248 = arith.constant 10 : index
    %get3A_249 = arith.constant 1 : index
    %get3A_250 = arith.constant 0 : index
    %get3A_251 = vector.load %arg0[%get3A_248, %get3A_249, %get3A_250] : memref<32x2x10240xf32, #tpu.memory_space<vmem>>, vector<1x1x10240xf32>
    %get3A_252 = vector.shape_cast %get3A_251 : vector<1x1x10240xf32> to vector<1x10240xf32>
    %add3A_253 = arith.addf %add3A_247, %get3A_252 : vector<1x10240xf32>
    %get3A_254 = arith.constant 11 : index
    %get3A_255 = arith.constant 1 : index
    %get3A_256 = arith.constant 0 : index
    %get3A_257 = vector.load %arg0[%get3A_254, %get3A_255, %get3A_256] : memref<32x2x10240xf32, #tpu.memory_space<vmem>>, vector<1x1x10240xf32>
    %get3A_258 = vector.shape_cast %get3A_257 : vector<1x1x10240xf32> to vector<1x10240xf32>
    %add3A_259 = arith.addf %add3A_253, %get3A_258 : vector<1x10240xf32>
    %get3A_260 = arith.constant 12 : index
    %get3A_261 = arith.constant 1 : index
    %get3A_262 = arith.constant 0 : index
    %get3A_263 = vector.load %arg0[%get3A_260, %get3A_261, %get3A_262] : memref<32x2x10240xf32, #tpu.memory_space<vmem>>, vector<1x1x10240xf32>
    %get3A_264 = vector.shape_cast %get3A_263 : vector<1x1x10240xf32> to vector<1x10240xf32>
    %add3A_265 = arith.addf %add3A_259, %get3A_264 : vector<1x10240xf32>
    %get3A_266 = arith.constant 13 : index
    %get3A_267 = arith.constant 1 : index
    %get3A_268 = arith.constant 0 : index
    %get3A_269 = vector.load %arg0[%get3A_266, %get3A_267, %get3A_268] : memref<32x2x10240xf32, #tpu.memory_space<vmem>>, vector<1x1x10240xf32>
    %get3A_270 = vector.shape_cast %get3A_269 : vector<1x1x10240xf32> to vector<1x10240xf32>
    %add3A_271 = arith.addf %add3A_265, %get3A_270 : vector<1x10240xf32>
    %get3A_272 = arith.constant 14 : index
    %get3A_273 = arith.constant 1 : index
    %get3A_274 = arith.constant 0 : index
    %get3A_275 = vector.load %arg0[%get3A_272, %get3A_273, %get3A_274] : memref<32x2x10240xf32, #tpu.memory_space<vmem>>, vector<1x1x10240xf32>
    %get3A_276 = vector.shape_cast %get3A_275 : vector<1x1x10240xf32> to vector<1x10240xf32>
    %add3A_277 = arith.addf %add3A_271, %get3A_276 : vector<1x10240xf32>
    %get3A_278 = arith.constant 15 : index
    %get3A_279 = arith.constant 1 : index
    %get3A_280 = arith.constant 0 : index
    %get3A_281 = vector.load %arg0[%get3A_278, %get3A_279, %get3A_280] : memref<32x2x10240xf32, #tpu.memory_space<vmem>>, vector<1x1x10240xf32>
    %get3A_282 = vector.shape_cast %get3A_281 : vector<1x1x10240xf32> to vector<1x10240xf32>
    %add3A_283 = arith.addf %add3A_277, %get3A_282 : vector<1x10240xf32>
    %get3A_284 = arith.constant 16 : index
    %get3A_285 = arith.constant 1 : index
    %get3A_286 = arith.constant 0 : index
    %get3A_287 = vector.load %arg0[%get3A_284, %get3A_285, %get3A_286] : memref<32x2x10240xf32, #tpu.memory_space<vmem>>, vector<1x1x10240xf32>
    %get3A_288 = vector.shape_cast %get3A_287 : vector<1x1x10240xf32> to vector<1x10240xf32>
    %add3A_289 = arith.addf %add3A_283, %get3A_288 : vector<1x10240xf32>
    %get3A_290 = arith.constant 17 : index
    %get3A_291 = arith.constant 1 : index
    %get3A_292 = arith.constant 0 : index
    %get3A_293 = vector.load %arg0[%get3A_290, %get3A_291, %get3A_292] : memref<32x2x10240xf32, #tpu.memory_space<vmem>>, vector<1x1x10240xf32>
    %get3A_294 = vector.shape_cast %get3A_293 : vector<1x1x10240xf32> to vector<1x10240xf32>
    %add3A_295 = arith.addf %add3A_289, %get3A_294 : vector<1x10240xf32>
    %get3A_296 = arith.constant 18 : index
    %get3A_297 = arith.constant 1 : index
    %get3A_298 = arith.constant 0 : index
    %get3A_299 = vector.load %arg0[%get3A_296, %get3A_297, %get3A_298] : memref<32x2x10240xf32, #tpu.memory_space<vmem>>, vector<1x1x10240xf32>
    %get3A_300 = vector.shape_cast %get3A_299 : vector<1x1x10240xf32> to vector<1x10240xf32>
    %add3A_301 = arith.addf %add3A_295, %get3A_300 : vector<1x10240xf32>
    %get3A_302 = arith.constant 19 : index
    %get3A_303 = arith.constant 1 : index
    %get3A_304 = arith.constant 0 : index
    %get3A_305 = vector.load %arg0[%get3A_302, %get3A_303, %get3A_304] : memref<32x2x10240xf32, #tpu.memory_space<vmem>>, vector<1x1x10240xf32>
    %get3A_306 = vector.shape_cast %get3A_305 : vector<1x1x10240xf32> to vector<1x10240xf32>
    %add3A_307 = arith.addf %add3A_301, %get3A_306 : vector<1x10240xf32>
    %get3A_308 = arith.constant 20 : index
    %get3A_309 = arith.constant 1 : index
    %get3A_310 = arith.constant 0 : index
    %get3A_311 = vector.load %arg0[%get3A_308, %get3A_309, %get3A_310] : memref<32x2x10240xf32, #tpu.memory_space<vmem>>, vector<1x1x10240xf32>
    %get3A_312 = vector.shape_cast %get3A_311 : vector<1x1x10240xf32> to vector<1x10240xf32>
    %add3A_313 = arith.addf %add3A_307, %get3A_312 : vector<1x10240xf32>
    %get3A_314 = arith.constant 21 : index
    %get3A_315 = arith.constant 1 : index
    %get3A_316 = arith.constant 0 : index
    %get3A_317 = vector.load %arg0[%get3A_314, %get3A_315, %get3A_316] : memref<32x2x10240xf32, #tpu.memory_space<vmem>>, vector<1x1x10240xf32>
    %get3A_318 = vector.shape_cast %get3A_317 : vector<1x1x10240xf32> to vector<1x10240xf32>
    %add3A_319 = arith.addf %add3A_313, %get3A_318 : vector<1x10240xf32>
    %get3A_320 = arith.constant 22 : index
    %get3A_321 = arith.constant 1 : index
    %get3A_322 = arith.constant 0 : index
    %get3A_323 = vector.load %arg0[%get3A_320, %get3A_321, %get3A_322] : memref<32x2x10240xf32, #tpu.memory_space<vmem>>, vector<1x1x10240xf32>
    %get3A_324 = vector.shape_cast %get3A_323 : vector<1x1x10240xf32> to vector<1x10240xf32>
    %add3A_325 = arith.addf %add3A_319, %get3A_324 : vector<1x10240xf32>
    %get3A_326 = arith.constant 23 : index
    %get3A_327 = arith.constant 1 : index
    %get3A_328 = arith.constant 0 : index
    %get3A_329 = vector.load %arg0[%get3A_326, %get3A_327, %get3A_328] : memref<32x2x10240xf32, #tpu.memory_space<vmem>>, vector<1x1x10240xf32>
    %get3A_330 = vector.shape_cast %get3A_329 : vector<1x1x10240xf32> to vector<1x10240xf32>
    %add3A_331 = arith.addf %add3A_325, %get3A_330 : vector<1x10240xf32>
    %get3A_332 = arith.constant 24 : index
    %get3A_333 = arith.constant 1 : index
    %get3A_334 = arith.constant 0 : index
    %get3A_335 = vector.load %arg0[%get3A_332, %get3A_333, %get3A_334] : memref<32x2x10240xf32, #tpu.memory_space<vmem>>, vector<1x1x10240xf32>
    %get3A_336 = vector.shape_cast %get3A_335 : vector<1x1x10240xf32> to vector<1x10240xf32>
    %add3A_337 = arith.addf %add3A_331, %get3A_336 : vector<1x10240xf32>
    %get3A_338 = arith.constant 25 : index
    %get3A_339 = arith.constant 1 : index
    %get3A_340 = arith.constant 0 : index
    %get3A_341 = vector.load %arg0[%get3A_338, %get3A_339, %get3A_340] : memref<32x2x10240xf32, #tpu.memory_space<vmem>>, vector<1x1x10240xf32>
    %get3A_342 = vector.shape_cast %get3A_341 : vector<1x1x10240xf32> to vector<1x10240xf32>
    %add3A_343 = arith.addf %add3A_337, %get3A_342 : vector<1x10240xf32>
    %get3A_344 = arith.constant 26 : index
    %get3A_345 = arith.constant 1 : index
    %get3A_346 = arith.constant 0 : index
    %get3A_347 = vector.load %arg0[%get3A_344, %get3A_345, %get3A_346] : memref<32x2x10240xf32, #tpu.memory_space<vmem>>, vector<1x1x10240xf32>
    %get3A_348 = vector.shape_cast %get3A_347 : vector<1x1x10240xf32> to vector<1x10240xf32>
    %add3A_349 = arith.addf %add3A_343, %get3A_348 : vector<1x10240xf32>
    %get3A_350 = arith.constant 27 : index
    %get3A_351 = arith.constant 1 : index
    %get3A_352 = arith.constant 0 : index
    %get3A_353 = vector.load %arg0[%get3A_350, %get3A_351, %get3A_352] : memref<32x2x10240xf32, #tpu.memory_space<vmem>>, vector<1x1x10240xf32>
    %get3A_354 = vector.shape_cast %get3A_353 : vector<1x1x10240xf32> to vector<1x10240xf32>
    %add3A_355 = arith.addf %add3A_349, %get3A_354 : vector<1x10240xf32>
    %get3A_356 = arith.constant 28 : index
    %get3A_357 = arith.constant 1 : index
    %get3A_358 = arith.constant 0 : index
    %get3A_359 = vector.load %arg0[%get3A_356, %get3A_357, %get3A_358] : memref<32x2x10240xf32, #tpu.memory_space<vmem>>, vector<1x1x10240xf32>
    %get3A_360 = vector.shape_cast %get3A_359 : vector<1x1x10240xf32> to vector<1x10240xf32>
    %add3A_361 = arith.addf %add3A_355, %get3A_360 : vector<1x10240xf32>
    %get3A_362 = arith.constant 29 : index
    %get3A_363 = arith.constant 1 : index
    %get3A_364 = arith.constant 0 : index
    %get3A_365 = vector.load %arg0[%get3A_362, %get3A_363, %get3A_364] : memref<32x2x10240xf32, #tpu.memory_space<vmem>>, vector<1x1x10240xf32>
    %get3A_366 = vector.shape_cast %get3A_365 : vector<1x1x10240xf32> to vector<1x10240xf32>
    %add3A_367 = arith.addf %add3A_361, %get3A_366 : vector<1x10240xf32>
    %get3A_368 = arith.constant 30 : index
    %get3A_369 = arith.constant 1 : index
    %get3A_370 = arith.constant 0 : index
    %get3A_371 = vector.load %arg0[%get3A_368, %get3A_369, %get3A_370] : memref<32x2x10240xf32, #tpu.memory_space<vmem>>, vector<1x1x10240xf32>
    %get3A_372 = vector.shape_cast %get3A_371 : vector<1x1x10240xf32> to vector<1x10240xf32>
    %add3A_373 = arith.addf %add3A_367, %get3A_372 : vector<1x10240xf32>
    %get3A_374 = arith.constant 31 : index
    %get3A_375 = arith.constant 1 : index
    %get3A_376 = arith.constant 0 : index
    %get3A_377 = vector.load %arg0[%get3A_374, %get3A_375, %get3A_376] : memref<32x2x10240xf32, #tpu.memory_space<vmem>>, vector<1x1x10240xf32>
    %get3A_378 = vector.shape_cast %get3A_377 : vector<1x1x10240xf32> to vector<1x10240xf32>
    %add3A_379 = arith.addf %add3A_373, %get3A_378 : vector<1x10240xf32>
    %concatenate3A = tpu.concatenate %add3A_188, %add3A_379 in 0 : vector<1x10240xf32>, vector<1x10240xf32> -> vector<2x10240xf32>
    %get3A_380 = arith.constant 0 : index
    %get3A_381 = arith.constant 0 : index
    %get3A_382 = vector.load %arg1[%get3A_380, %get3A_381] : memref<32x10240xf32, #tpu.memory_space<vmem>>, vector<1x10240xf32>
    %get3A_383 = arith.constant 1 : index
    %get3A_384 = arith.constant 0 : index
    %get3A_385 = vector.load %arg1[%get3A_383, %get3A_384] : memref<32x10240xf32, #tpu.memory_space<vmem>>, vector<1x10240xf32>
    %add3A_386 = arith.addf %get3A_382, %get3A_385 : vector<1x10240xf32>
    %get3A_387 = arith.constant 2 : index
    %get3A_388 = arith.constant 0 : index
    %get3A_389 = vector.load %arg1[%get3A_387, %get3A_388] : memref<32x10240xf32, #tpu.memory_space<vmem>>, vector<1x10240xf32>
    %add3A_390 = arith.addf %add3A_386, %get3A_389 : vector<1x10240xf32>
    %get3A_391 = arith.constant 3 : index
    %get3A_392 = arith.constant 0 : index
    %get3A_393 = vector.load %arg1[%get3A_391, %get3A_392] : memref<32x10240xf32, #tpu.memory_space<vmem>>, vector<1x10240xf32>
    %add3A_394 = arith.addf %add3A_390, %get3A_393 : vector<1x10240xf32>
    %get3A_395 = arith.constant 4 : index
    %get3A_396 = arith.constant 0 : index
    %get3A_397 = vector.load %arg1[%get3A_395, %get3A_396] : memref<32x10240xf32, #tpu.memory_space<vmem>>, vector<1x10240xf32>
    %add3A_398 = arith.addf %add3A_394, %get3A_397 : vector<1x10240xf32>
    %get3A_399 = arith.constant 5 : index
    %get3A_400 = arith.constant 0 : index
    %get3A_401 = vector.load %arg1[%get3A_399, %get3A_400] : memref<32x10240xf32, #tpu.memory_space<vmem>>, vector<1x10240xf32>
    %add3A_402 = arith.addf %add3A_398, %get3A_401 : vector<1x10240xf32>
    %get3A_403 = arith.constant 6 : index
    %get3A_404 = arith.constant 0 : index
    %get3A_405 = vector.load %arg1[%get3A_403, %get3A_404] : memref<32x10240xf32, #tpu.memory_space<vmem>>, vector<1x10240xf32>
    %add3A_406 = arith.addf %add3A_402, %get3A_405 : vector<1x10240xf32>
    %get3A_407 = arith.constant 7 : index
    %get3A_408 = arith.constant 0 : index
    %get3A_409 = vector.load %arg1[%get3A_407, %get3A_408] : memref<32x10240xf32, #tpu.memory_space<vmem>>, vector<1x10240xf32>
    %add3A_410 = arith.addf %add3A_406, %get3A_409 : vector<1x10240xf32>
    %get3A_411 = arith.constant 8 : index
    %get3A_412 = arith.constant 0 : index
    %get3A_413 = vector.load %arg1[%get3A_411, %get3A_412] : memref<32x10240xf32, #tpu.memory_space<vmem>>, vector<1x10240xf32>
    %add3A_414 = arith.addf %add3A_410, %get3A_413 : vector<1x10240xf32>
    %get3A_415 = arith.constant 9 : index
    %get3A_416 = arith.constant 0 : index
    %get3A_417 = vector.load %arg1[%get3A_415, %get3A_416] : memref<32x10240xf32, #tpu.memory_space<vmem>>, vector<1x10240xf32>
    %add3A_418 = arith.addf %add3A_414, %get3A_417 : vector<1x10240xf32>
    %get3A_419 = arith.constant 10 : index
    %get3A_420 = arith.constant 0 : index
    %get3A_421 = vector.load %arg1[%get3A_419, %get3A_420] : memref<32x10240xf32, #tpu.memory_space<vmem>>, vector<1x10240xf32>
    %add3A_422 = arith.addf %add3A_418, %get3A_421 : vector<1x10240xf32>
    %get3A_423 = arith.constant 11 : index
    %get3A_424 = arith.constant 0 : index
    %get3A_425 = vector.load %arg1[%get3A_423, %get3A_424] : memref<32x10240xf32, #tpu.memory_space<vmem>>, vector<1x10240xf32>
    %add3A_426 = arith.addf %add3A_422, %get3A_425 : vector<1x10240xf32>
    %get3A_427 = arith.constant 12 : index
    %get3A_428 = arith.constant 0 : index
    %get3A_429 = vector.load %arg1[%get3A_427, %get3A_428] : memref<32x10240xf32, #tpu.memory_space<vmem>>, vector<1x10240xf32>
    %add3A_430 = arith.addf %add3A_426, %get3A_429 : vector<1x10240xf32>
    %get3A_431 = arith.constant 13 : index
    %get3A_432 = arith.constant 0 : index
    %get3A_433 = vector.load %arg1[%get3A_431, %get3A_432] : memref<32x10240xf32, #tpu.memory_space<vmem>>, vector<1x10240xf32>
    %add3A_434 = arith.addf %add3A_430, %get3A_433 : vector<1x10240xf32>
    %get3A_435 = arith.constant 14 : index
    %get3A_436 = arith.constant 0 : index
    %get3A_437 = vector.load %arg1[%get3A_435, %get3A_436] : memref<32x10240xf32, #tpu.memory_space<vmem>>, vector<1x10240xf32>
    %add3A_438 = arith.addf %add3A_434, %get3A_437 : vector<1x10240xf32>
    %get3A_439 = arith.constant 15 : index
    %get3A_440 = arith.constant 0 : index
    %get3A_441 = vector.load %arg1[%get3A_439, %get3A_440] : memref<32x10240xf32, #tpu.memory_space<vmem>>, vector<1x10240xf32>
    %add3A_442 = arith.addf %add3A_438, %get3A_441 : vector<1x10240xf32>
    %get3A_443 = arith.constant 16 : index
    %get3A_444 = arith.constant 0 : index
    %get3A_445 = vector.load %arg1[%get3A_443, %get3A_444] : memref<32x10240xf32, #tpu.memory_space<vmem>>, vector<1x10240xf32>
    %add3A_446 = arith.addf %add3A_442, %get3A_445 : vector<1x10240xf32>
    %get3A_447 = arith.constant 17 : index
    %get3A_448 = arith.constant 0 : index
    %get3A_449 = vector.load %arg1[%get3A_447, %get3A_448] : memref<32x10240xf32, #tpu.memory_space<vmem>>, vector<1x10240xf32>
    %add3A_450 = arith.addf %add3A_446, %get3A_449 : vector<1x10240xf32>
    %get3A_451 = arith.constant 18 : index
    %get3A_452 = arith.constant 0 : index
    %get3A_453 = vector.load %arg1[%get3A_451, %get3A_452] : memref<32x10240xf32, #tpu.memory_space<vmem>>, vector<1x10240xf32>
    %add3A_454 = arith.addf %add3A_450, %get3A_453 : vector<1x10240xf32>
    %get3A_455 = arith.constant 19 : index
    %get3A_456 = arith.constant 0 : index
    %get3A_457 = vector.load %arg1[%get3A_455, %get3A_456] : memref<32x10240xf32, #tpu.memory_space<vmem>>, vector<1x10240xf32>
    %add3A_458 = arith.addf %add3A_454, %get3A_457 : vector<1x10240xf32>
    %get3A_459 = arith.constant 20 : index
    %get3A_460 = arith.constant 0 : index
    %get3A_461 = vector.load %arg1[%get3A_459, %get3A_460] : memref<32x10240xf32, #tpu.memory_space<vmem>>, vector<1x10240xf32>
    %add3A_462 = arith.addf %add3A_458, %get3A_461 : vector<1x10240xf32>
    %get3A_463 = arith.constant 21 : index
    %get3A_464 = arith.constant 0 : index
    %get3A_465 = vector.load %arg1[%get3A_463, %get3A_464] : memref<32x10240xf32, #tpu.memory_space<vmem>>, vector<1x10240xf32>
    %add3A_466 = arith.addf %add3A_462, %get3A_465 : vector<1x10240xf32>
    %get3A_467 = arith.constant 22 : index
    %get3A_468 = arith.constant 0 : index
    %get3A_469 = vector.load %arg1[%get3A_467, %get3A_468] : memref<32x10240xf32, #tpu.memory_space<vmem>>, vector<1x10240xf32>
    %add3A_470 = arith.addf %add3A_466, %get3A_469 : vector<1x10240xf32>
    %get3A_471 = arith.constant 23 : index
    %get3A_472 = arith.constant 0 : index
    %get3A_473 = vector.load %arg1[%get3A_471, %get3A_472] : memref<32x10240xf32, #tpu.memory_space<vmem>>, vector<1x10240xf32>
    %add3A_474 = arith.addf %add3A_470, %get3A_473 : vector<1x10240xf32>
    %get3A_475 = arith.constant 24 : index
    %get3A_476 = arith.constant 0 : index
    %get3A_477 = vector.load %arg1[%get3A_475, %get3A_476] : memref<32x10240xf32, #tpu.memory_space<vmem>>, vector<1x10240xf32>
    %add3A_478 = arith.addf %add3A_474, %get3A_477 : vector<1x10240xf32>
    %get3A_479 = arith.constant 25 : index
    %get3A_480 = arith.constant 0 : index
    %get3A_481 = vector.load %arg1[%get3A_479, %get3A_480] : memref<32x10240xf32, #tpu.memory_space<vmem>>, vector<1x10240xf32>
    %add3A_482 = arith.addf %add3A_478, %get3A_481 : vector<1x10240xf32>
    %get3A_483 = arith.constant 26 : index
    %get3A_484 = arith.constant 0 : index
    %get3A_485 = vector.load %arg1[%get3A_483, %get3A_484] : memref<32x10240xf32, #tpu.memory_space<vmem>>, vector<1x10240xf32>
    %add3A_486 = arith.addf %add3A_482, %get3A_485 : vector<1x10240xf32>
    %get3A_487 = arith.constant 27 : index
    %get3A_488 = arith.constant 0 : index
    %get3A_489 = vector.load %arg1[%get3A_487, %get3A_488] : memref<32x10240xf32, #tpu.memory_space<vmem>>, vector<1x10240xf32>
    %add3A_490 = arith.addf %add3A_486, %get3A_489 : vector<1x10240xf32>
    %get3A_491 = arith.constant 28 : index
    %get3A_492 = arith.constant 0 : index
    %get3A_493 = vector.load %arg1[%get3A_491, %get3A_492] : memref<32x10240xf32, #tpu.memory_space<vmem>>, vector<1x10240xf32>
    %add3A_494 = arith.addf %add3A_490, %get3A_493 : vector<1x10240xf32>
    %get3A_495 = arith.constant 29 : index
    %get3A_496 = arith.constant 0 : index
    %get3A_497 = vector.load %arg1[%get3A_495, %get3A_496] : memref<32x10240xf32, #tpu.memory_space<vmem>>, vector<1x10240xf32>
    %add3A_498 = arith.addf %add3A_494, %get3A_497 : vector<1x10240xf32>
    %get3A_499 = arith.constant 30 : index
    %get3A_500 = arith.constant 0 : index
    %get3A_501 = vector.load %arg1[%get3A_499, %get3A_500] : memref<32x10240xf32, #tpu.memory_space<vmem>>, vector<1x10240xf32>
    %add3A_502 = arith.addf %add3A_498, %get3A_501 : vector<1x10240xf32>
    %get3A_503 = arith.constant 31 : index
    %get3A_504 = arith.constant 0 : index
    %get3A_505 = vector.load %arg1[%get3A_503, %get3A_504] : memref<32x10240xf32, #tpu.memory_space<vmem>>, vector<1x10240xf32>
    %add3A_506 = arith.addf %add3A_502, %get3A_505 : vector<1x10240xf32>
    %get3A_507 = arith.constant 0 : index
    %get3A_508 = arith.constant 0 : index
    %get3A_509 = vector.load %arg3[%get3A_507, %get3A_508] : memref<1x10240xf32, #tpu.memory_space<vmem>>, vector<1x10240xf32>
    %get3A_510 = arith.constant 0 : index
    %get3A_511 = arith.constant 0 : index
    %get3A_512 = vector.load %arg4[%get3A_510, %get3A_511] : memref<1x10240xf32, #tpu.memory_space<vmem>>, vector<1x10240xf32>
    %add3A_513 = arith.addf %get3A_509, %get3A_512 : vector<1x10240xf32>
    %gt3A = arith.constant 0.000000e+00 : f32
    %gt3A_514 = vector.broadcast %gt3A : f32 to vector<1x10240xf32>
    %gt3A_515 = arith.cmpf ogt, %add3A_513, %gt3A_514 : vector<1x10240xf32>
    %mul3A = arith.constant 2.000000e-01 : f32
    %mul3A_516 = vector.broadcast %mul3A : f32 to vector<1x10240xf32>
    %mul3A_517 = arith.mulf %mul3A_516, %add3A_513 : vector<1x10240xf32>
    %select_n3A = arith.select %gt3A_515, %add3A_513, %mul3A_517 : vector<1x10240xi1>, vector<1x10240xf32>
    %exp3A = math.exp %select_n3A : vector<1x10240xf32>
    %get3A_518 = arith.constant 0 : index
    %get3A_519 = arith.constant 0 : index
    %get3A_520 = vector.load %arg2[%get3A_518, %get3A_519] : memref<2x10240xf32, #tpu.memory_space<vmem>>, vector<2x10240xf32>
    %mul3A_521 = vector.broadcast %exp3A : vector<1x10240xf32> to vector<2x10240xf32>
    %mul3A_522 = arith.mulf %mul3A_521, %get3A_520 : vector<2x10240xf32>
    %add3A_523 = arith.addf %concatenate3A, %mul3A_522 : vector<2x10240xf32>
    %add3A_524 = arith.addf %add3A_506, %exp3A : vector<1x10240xf32>
    %add3A_525 = arith.constant 1.000000e-16 : f32
    %add3A_526 = vector.broadcast %add3A_525 : f32 to vector<1x10240xf32>
    %add3A_527 = arith.addf %add3A_524, %add3A_526 : vector<1x10240xf32>
    %div3A = vector.broadcast %add3A_527 : vector<1x10240xf32> to vector<2x10240xf32>
    %div3A_528 = arith.divf %add3A_523, %div3A : vector<2x10240xf32>
    %get3A_529 = arith.constant 0 : index
    %get3A_530 = arith.constant 0 : index
    %get3A_531 = vector.load %arg5[%get3A_529, %get3A_530] : memref<2x1xf32, #tpu.memory_space<vmem>>, vector<2x1xf32>
    %add3A_532 = vector.broadcast %get3A_531 : vector<2x1xf32> to vector<2x10240xf32>
    %add3A_533 = arith.addf %div3A_528, %add3A_532 : vector<2x10240xf32>
    %reduce_max3A = arith.constant dense<0xFF800000> : vector<10240xf32>
    %reduce_max3A_534 = vector.multi_reduction <maximumf>, %add3A_533, %reduce_max3A [0] : vector<2x10240xf32> to vector<10240xf32>
    %broadcast_in_dim3A = vector.shape_cast %reduce_max3A_534 : vector<10240xf32> to vector<1x10240xf32>
    %sub3A = vector.broadcast %broadcast_in_dim3A : vector<1x10240xf32> to vector<2x10240xf32>
    %sub3A_535 = arith.subf %add3A_533, %sub3A : vector<2x10240xf32>
    %exp3A_536 = math.exp %sub3A_535 : vector<2x10240xf32>
    %reduce_sum3A = arith.constant dense<0.000000e+00> : vector<10240xf32>
    %reduce_sum3A_537 = vector.multi_reduction <add>, %exp3A_536, %reduce_sum3A [0] : vector<2x10240xf32> to vector<10240xf32>
    %broadcast_in_dim3A_538 = vector.shape_cast %reduce_sum3A_537 : vector<10240xf32> to vector<1x10240xf32>
    %log3A = math.log %broadcast_in_dim3A_538 : vector<1x10240xf32>
    %add3A_539 = arith.addf %broadcast_in_dim3A, %log3A : vector<1x10240xf32>
    %sub3A_540 = vector.broadcast %add3A_539 : vector<1x10240xf32> to vector<2x10240xf32>
    %sub3A_541 = arith.subf %add3A_533, %sub3A_540 : vector<2x10240xf32>
    %swap3A = arith.constant 0 : index
    %swap3A_542 = arith.constant 0 : index
    %swap3A_543 = vector.load %arg6[%swap3A, %swap3A_542] : memref<2x10240xf32, #tpu.memory_space<vmem>>, vector<2x10240xf32>
    tpu.vector_store %arg6[%swap3A, %swap3A_542], %sub3A_541 {strides = array<i32>} : memref<2x10240xf32, #tpu.memory_space<vmem>>, vector<2x10240xf32>,
    return
  }
}

</mosaic_0001>

<sc_bundles>
// kernel: kernel.10.cloned.1.call-start
scs
__scs_entry_jumppad:
0x0: {  	(pc) =	sbr.rel $0x88, $3  }
0x1: {  	(tag) =	ssettag $0x0;
	lr =	simm.s32 $0x1  }
0x2: {  	[smem:$0x3F97] =	sst lr;
	_ =	strace $0xD0000000  }
0x3: {  	_ = 	snop  }
0x4: {  	_ = 	snop  }
0x5: {  	_ = 	snop  }
0x6: {  	_ = 	snop  }
0x7: {  	_ = 	snop  }
__scs_overlays_trampoline_lowered:
0x8: {  	[smem:$0x3FA6] =	sst s0  }
0x9: {  	[smem:$0x3FA7] =	sst s1  }
0xa: {  	[smem:$0x3FA8] =	sst s2  }
0xb: {  	[smem:$0x3FA9] =	sst s3  }
0xc: {  	[smem:$0x3FAA] =	sst s4  }
0xd: {  	[smem:$0x3FAB] =	sst s5  }
0xe: {  	[smem:$0x3FAC] =	sst s6  }
0xf: {  	[smem:$0x3FAD] =	sst s7  }
0x10: {  	[smem:$0x3FAE] =	sst s8  }
0x11: {  	[smem:$0x3FAF] =	sst s9;
	s0 =	simm.s32 @!p0 $0x0  }
0x12: {  	s1 =	sld [smem:$0x3F95];
	s0 =	simm.s32 @p0 $0x1  }
0x13: {  	[smem:$0x3FB0] =	sst s0;
	s0 =	simm.s32 @!p1 $0x0  }
0x14: {  	s2 =	sld [smem:$0x3F94];
	s0 =	simm.s32 @p1 $0x1  }
0x15: {  	[smem:$0x3FB1] =	sst s0;
	s0 =	simm.s32 @!p2 $0x0  }
0x16: {  	s3 =	sld [smem:$0x3FDB];
	s0 =	simm.s32 @p2 $0x1  }
0x17: {  	s4 =	simm.s32 $0x1BF5;
	[smem:$0x3FB3] =	sst s0  }
0x18: {  	s0 =	sld [smem:$0x3F96];
	_ =	swait.ge [sflag:s4], $0x0  }
0x19: {  	s7 =	sld [smem:$0x3F97]  }
0x1a: {  	s8 =	sadd.s32 $0xFFFFE003, lr  }
0x1b: {  	s9 =	sadd.s32 $0xFFFFFEF7, lr;
	s5 =	simm.s32 $0xFFFFFFFF;
	p2 =	slt.u32 s8, $0xFFFFF086  }
0x1c: {  	p1 =	slt.u32 s9, $0xF7A;
	s5 =	simm.s32 @!p2 $0x0  }
0x1d: {  	s5 =	simm.s32 @p1 $0x1;
	p0 =	seq.s32 s7, s2  }
0x1e: {  	s7 =	smul.u32 @!p0 $0xF7A, s2;
	p2 =	seq.s32 @!p0 s5, $0x0  }
0x1f: {  	s9 =	smul.u32 $0xF7A, s1;
	s8 =	simm.s32 @!p0 $0x1BF5;
	p2 =	por !p2, p0  }
0x20: {  	[sflag:s8] =	ssyncset.s32 @!p0 $0xFFFFF086;
	s6 =	sadd.s32 @!p0 s3, s7;
	s7 =	simm.s32 @!p0 $0x108  }
0x21: {  	s3 =	sadd.s32 s3, s9;
	s6 =	sadd.s32 @!p0 $0x88, s6;
	s7 =	simm.s32 @p2 $0x1082  }
0x22: {  	[simem:s7], [sflag:s8] =	dma.local @!p0 [hbm:s6], $0xF7A  }
0x23: {  	s9 =	sor.u32 $0xD0000000, s2;
	s6 =	simm.s32 $0x108;
	_ =	swait.ge @!p0 [sflag:s8], $0x0  }
0x24: {  	s3 =	sadd.s32 $0x88, s3;
	s6 =	simm.s32 @!p1 $0x1082;
	[sflag:s4] =	ssyncset.s32 $0xFFFFF086  }
0x25: {  	[simem:s6], [sflag:s4] =	dma.local [hbm:s3], $0xF7A  }
0x26: {  	[smem:$0x3F97] =	sst s1;
	(tag) =	ssettag s2;
	_ =	strace s9  }
0x27: {  	s1 =	sld [smem:$0x3FA7]  }
0x28: {  	s2 =	sld [smem:$0x3FA8]  }
0x29: {  	s4 =	sld [smem:$0x3FAA]  }
0x2a: {  	p0 =	seq.s32 s5, $0x0;
	s5 =	sld [smem:$0x3FAB]  }
0x2b: {  	s6 =	sld [smem:$0x3FAC]  }
0x2c: {  	s7 =	sld [smem:$0x3FAD]  }
0x2d: {  	s3 =	simm.s32 $0x108;
	s8 =	sld [smem:$0x3FAE]  }
0x2e: {  	s3 =	simm.s32 @!p0 $0x1082;
	s9 =	sld [smem:$0x3FAF]  }
0x2f: {  	lr =	sadd.s32 s0, s3;
	s0 =	sld [smem:$0x3FA6]  }
0x30: {  	s3 =	sld [smem:$0x3FA9]  }
0x31: {  	[smem:$0x3FB2] =	sst s10  }
0x32: {  	s10 =	sld [smem:$0x3FB0];
	_ =	sdelay $0x3  }
0x33: {  	p0 =	seq.s32 s10, $0x1;
	s10 =	sld [smem:$0x3FB2];
	_ =	sdelay $0x3  }
0x34: {  	[smem:$0x3FB2] =	sst s10  }
0x35: {  	s10 =	sld [smem:$0x3FB1];
	_ =	sdelay $0x3  }
0x36: {  	p1 =	seq.s32 s10, $0x1;
	s10 =	sld [smem:$0x3FB2];
	_ =	sdelay $0x3  }
0x37: {  	[smem:$0x3FB2] =	sst s10  }
0x38: {  	s10 =	sld [smem:$0x3FB3]  }
0x39: {  	_ = 	snop;
	(pc) =	sbr.ind lr, $3  }
0x3a: {  	_ = 	snop  }
0x3b: {  	_ = 	snop  }
0x3c: {  	p2 =	seq.s32 s10, $0x1;
	s10 =	sld [smem:$0x3FB2]  }
0x3d: {  	_ =	shalt  }
0x3e: {  	_ =	shalt  }
0x3f: {  	_ =	shalt  }
0x40: {  	_ =	shalt  }
0x41: {  	_ =	shalt  }
0x42: {  	_ =	shalt  }
0x43: {  	_ =	shalt  }
0x44: {  	_ =	shalt  }
0x45: {  	_ =	shalt  }
0x46: {  	_ =	shalt  }
0x47: {  	_ =	shalt  }
0x48: {  	_ =	shalt  }
0x49: {  	_ =	shalt  }
0x4a: {  	_ =	shalt  }
0x4b: {  	_ =	shalt  }
0x4c: {  	_ =	shalt  }
0x4d: {  	_ =	shalt  }
0x4e: {  	_ =	shalt  }
0x4f: {  	_ =	shalt  }
0x50: {  	_ =	shalt  }
0x51: {  	_ =	shalt  }
0x52: {  	_ =	shalt  }
0x53: {  	_ =	shalt  }
0x54: {  	_ =	shalt  }
0x55: {  	_ =	shalt  }
0x56: {  	_ =	shalt  }
0x57: {  	_ =	shalt  }
0x58: {  	_ =	shalt  }
0x59: {  	_ =	shalt  }
0x5a: {  	_ =	shalt  }
0x5b: {  	_ =	shalt  }
0x5c: {  	_ =	shalt  }
0x5d: {  	_ =	shalt  }
0x5e: {  	_ =	shalt  }
0x5f: {  	_ =	shalt  }
0x60: {  	_ =	shalt  }
0x61: {  	_ =	shalt  }
0x62: {  	_ =	shalt  }
0x63: {  	_ =	shalt  }
0x64: {  	_ =	shalt  }
0x65: {  	_ =	shalt  }
0x66: {  	_ =	shalt  }
0x67: {  	_ =	shalt  }
0x68: {  	_ =	shalt  }
0x69: {  	_ =	shalt  }
0x6a: {  	_ =	shalt  }
0x6b: {  	_ =	shalt  }
0x6c: {  	_ =	shalt  }
0x6d: {  	_ =	shalt  }
0x6e: {  	_ =	shalt  }
0x6f: {  	_ =	shalt  }
0x70: {  	_ =	shalt  }
0x71: {  	_ =	shalt  }
0x72: {  	_ =	shalt  }
0x73: {  	_ =	shalt  }
0x74: {  	_ =	shalt  }
0x75: {  	_ =	shalt  }
0x76: {  	_ =	shalt  }
0x77: {  	_ =	shalt  }
0x78: {  	_ =	shalt  }
0x79: {  	_ =	shalt  }
0x7a: {  	_ =	shalt  }
0x7b: {  	_ =	shalt  }
0x7c: {  	_ =	shalt  }
0x7d: {  	_ =	shalt  }
0x7e: {  	_ =	shalt  }
0x7f: {  	_ =	shalt  }
0x80: {  	_ =	shalt  }
0x81: {  	_ =	shalt  }
0x82: {  	_ =	shalt  }
0x83: {  	_ =	shalt  }
0x84: {  	_ =	shalt  }
0x85: {  	_ =	shalt  }
0x86: {  	_ =	shalt  }
0x87: {  	_ =	shalt  }
.Lfunc_end0:
.L_simem_size_0:
called_computation.1_lowered:
.L_overlay_start_0:
0x88: {  	s2 =	sld [smem:$0x3FD9]  }
0x89: {  	s3 =	sld [smem:$0x3FFE];
	_ =	sdelay $0x1  }
0x8a: {  	s1 =	srdreg.scid  }
0x8b: {  	s0 =	sand.u32 $0x1, s1  }
0x8c: {  	s17 =	sshll.u32 s0, $0xA;
	s2 =	sadd.s32 s3, s2  }
0x8d: {  	s2 =	sadd.s32 s2, s17  }
0x8e: {  	[smem:$0x3FBE] =	sst s2  }
0x8f: {  	_ = 	snop  }
0x90: {  	s2 =	sld [smem:$0x3FD0];
	(tm) =	ssettm $0x1  }
0x91: {  	s18 =	sld [smem:$0x3FFB];
	_ =	sdelay $0x3  }
0x92: {  	_ =	strace s18  }
0x93: {  	s3 =	sld [smem:$0x3FFC];
	_ =	sdelay $0x3  }
0x94: {  	_ =	strace s3  }
0x95: {  	s3 =	sld [smem:$0x3FFD];
	_ =	sdelay $0x3  }
0x96: {  	_ =	strace s3  }
0x97: {  	_ =	strace $0x8FFFFFFF  }
0x98: {  	s19 =	sld [smem:$0x3FDB];
	_ =	sdelay $0x1  }
0x99: {  	s4 =	simm.s32 $_scs_section_size  }
0x9a: {  	s5 =	simm.s32 $_size__tile_overlayer_lowered;
	s6 =	simm.s32 $_tile_overlayer_lowered  }
0x9b: {  	s22 =	simm.s32 $0x1BFF;
	s21 =	sshll.u32 s6, $0x1;
	s3 =	sadd.s32 s4, s19  }
0x9c: {  	s7 =	simm.s32 $0x0;
	s20 =	sshll.u32 s5, $0x1;
	s5 =	sadd.s32 s21, s3  }
0x9d: {  	[timem:s7], [sflag:s22] =	dma.local [hbm:s5], s20  }
0x9e: {  	_ =	swait.ge [sflag:s22], s20  }
0x9f: {  	s4 =	ssub.s32 $0x0, s20;
	[sflag:s22] =	ssyncset.done $0x0  }
0xa0: {  	[sflag:s22] =	ssyncadd.s32 s4;
	_ =	sdelay $0x1  }
0xa1: {  	s23 =	simm.s32 $0x1B8B  }
0xa2: {  	_ =	swait.ge [sflag:s23], $0x1  }
0xa3: {  	[sflag:s23] =	ssyncset.done $0x0  }
0xa4: {  	s25 =	simm.s32 $0x1B8E;
	s24 =	sld [smem:$0x3FFE];
	[sflag:s23] =	ssyncadd.s32 $0xFFFFFFFF  }
0xa5: {  	s26 =	simm.s32 $execute0_lowered;
	[smem:$0x3FD2] =	sst s25  }
0xa6: {  	s5 =	sshll.u32 s26, $0x1;
	_ =	strace $0x80000049;
	[dreg:$0x1] =	wrdreg $0xFFFFFFFF  }
0xa7: {  	s28 =	simm.s32 $_size_execute0_lowered;
	s3 =	sadd.s32 s3, s5;
	[dreg:$0x0] =	wrdreg $0x0  }
0xa8: {  	s5 =	sshll.u32 s28, $0x1;
	[dreg:$0x2] =	wrdreg s3  }
0xa9: {  	[dreg:$0x3] =	wrdreg s5  }
0xaa: {  	[dreg:$0x4] =	wrdreg $0xC0  }
0xab: {  	_ =	task [dreg:s7], $0x5FFFF  }
0xac: {  	[dreg:$0x1] =	wrdreg $0xFFFFFFFF  }
0xad: {  	[dreg:$0x0] =	wrdreg $0x60  }
0xae: {  	[dreg:$0x2] =	wrdreg s24  }
0xaf: {  	[dreg:$0x3] =	wrdreg s2  }
0xb0: {  	[dreg:$0x4] =	wrdreg $0x9  }
0xb1: {  	_ =	task.clear_ibuf [dreg:s7], $0x5FFFF;
	_ =	strace $0x90000049  }
0xb2: {  	s29 =	simm.s32 $0x9;
	_ =	strace $0x8000004B  }
0xb3: {  	_ =	swait.ge [sflag:s29], $0x1  }
0xb4: {  	[sflag:s29] =	ssyncadd.s32 $0xFFFFFFFF  }
0xb5: {  	_ =	strace $0x9000004B  }
0xb6: {  	_ =	sfence  }
0xb7: {  	s30 =	sld [smem:$0x0];
	_ =	sdelay $0x2  }
0xb8: {  	s31 =	sshll.u32 s1, $0xD;
	s1 =	sshrl.u32 s1, $0x2  }
0xb9: {  	s3 =	sand.u32 $0x4000, s31;
	s1 =	sadd.s32 s1, s30  }
0xba: {  	s0 =	sor.u32 s3, s0;
	s1 =	sshll.u32 s1, $0x11  }
0xbb: {  	s0 =	sor.u32 s1, s0  }
0xbc: {  	s0 =	sadd.s32 $0x8F2B, s0  }
0xbd: {  	[sflag:s0] =	ssyncadd.remote.s32 $0x1  }
0xbe: {  	_ =	sfence.sel $0xFFFF  }
0xbf: {  	[dreg:$0x0] =	wrdreg $0xFFFFFFFF;
	(pc) =	sbr.abs _section_cstart, $3  }
0xc0: {  	[dreg:$0x1] =	wrdreg $0xFFFFFFFF  }
0xc1: {  	_ =	task.clear_ibuf [dreg:s7], $0x2FFFF;
	_ =	strace $0x9FFFFFFF  }
0xc2: {  	(tm) =	ssettm $0x7FFFFFFF  }
0xc3: {  	_ =	shalt  }
tec
execute0_lowered:
.L_overlay_start_1:
0x0: {  	(tag) =	ssettag $0x1  }
0x1: {  	s0 =	rddreg [dreg:$0x0];
	s3 =	simm.s32 $0x0;
	s1 =	srdreg.scid  }
0x2: {  	s5 =	stileid.u32;
	[smem:$0x7FF] =	sst s3  }
0x3: {  	s1 =	sand.u32 $0x1, s1;
	s2 =	sshll.u32 s5, $0x1;
	s4 =	sadd.s32 $0x12C00, s0  }
0x4: {  	s6 =	sshrl.u32 s5, $0x2;
	s8 =	sadd.s32 $0x3600, s0;
	s9 =	sadd.s32 $0x4000, s0  }
0x5: {  	_ =	strace $0x8000004A;
	s2 =	sor.u32 s1, s2;
	s1 =	ssub.s32 $0x2, s1  }
0x6: {  	[dreg:$0x3] =	wrdreg s8;
	s13 =	smul.u32 $0xA00, s2;
	s15 =	sshrl.u32 s1, $0x1  }
0x7: {  	s7 =	sshll.u32 s2, $0x7;
	s2 =	smul.u32 $0x2800, s2;
	s1 =	ssub.s32 s1, s15  }
0x8: {  	[dreg:$0x4] =	wrdreg s9;
	s14 =	sadd.s32 s13, s0;
	s20 =	smax.u32 s1, $0x1  }
0x9: {  	s16 =	sshrl.u32 s2, $0x3;
	s19 =	sadd.s32 $0x1CC00, s14;
	[dreg:$0xb] =	wrdreg s20  }
0xa: {  	s5 =	sadd.s32 $0x8C00, s0;
	s17 =	sadd.s32 s4, s16;
	[dreg:$0x9] =	wrdreg s19  }
0xb: {  	s8 =	sadd.s32 s5, s16;
	[dreg:$0x5] =	wrdreg s17  }
0xc: {  	s21 =	sadd.s32 $0x10, s17;
	[dreg:$0x6] =	wrdreg s8  }
0xd: {  	s22 =	sadd.s32 $0x20, s17;
	[dreg:$0xc] =	wrdreg s21  }
0xe: {  	s23 =	sadd.s32 $0x30, s17;
	[dreg:$0xd] =	wrdreg s22  }
0xf: {  	s24 =	sadd.s32 $0x40, s17;
	[dreg:$0xe] =	wrdreg s23  }
0x10: {  	s25 =	sadd.s32 $0x50, s17;
	[dreg:$0xf] =	wrdreg s24  }
0x11: {  	s26 =	sadd.s32 $0x60, s17;
	[dreg:$0x10] =	wrdreg s25  }
0x12: {  	s6 =	smul.u32 $0x14000, s6;
	s28 =	sadd.s32 $0x70, s17;
	[dreg:$0x11] =	wrdreg s26  }
0x13: {  	s7 =	sand.u32 $0x380, s7;
	s29 =	sadd.s32 $0x10, s8;
	[dreg:$0x12] =	wrdreg s28  }
0x14: {  	s12 =	sadd.s32 $0x800, s2;
	s1 =	sadd.s32 $0x20, s8;
	[dreg:$0x13] =	wrdreg s29  }
0x15: {  	s13 =	sadd.s32 $0xC00, s2;
	s2 =	sadd.s32 $0x30, s8;
	[dreg:$0x14] =	wrdreg s1  }
0x16: {  	s6 =	sor.u32 s6, s7;
	s7 =	sadd.s32 $0x40, s8;
	[dreg:$0x15] =	wrdreg s2  }
0x17: {  	s9 =	sadd.s32 $0x50, s8;
	[dreg:$0x16] =	wrdreg s7  }
0x18: {  	s11 =	sadd.s32 $0x60, s8;
	[dreg:$0x17] =	wrdreg s9  }
0x19: {  	s18 =	sor.u32 $0x80, s16;
	s14 =	sadd.s32 $0x70, s8;
	[dreg:$0x18] =	wrdreg s11  }
0x1a: {  	s6 =	sshrl.u32 s6, $0x3;
	s10 =	sadd.s32 s4, s18;
	[dreg:$0x19] =	wrdreg s14  }
0x1b: {  	s0 =	sadd.s32 s6, s0;
	s6 =	sadd.s32 s5, s18;
	[dreg:$0x7] =	wrdreg s10  }
0x1c: {  	s0 =	sadd.s32 $0x30C00, s0;
	[dreg:$0x8] =	wrdreg s6  }
0x1d: {  	s15 =	sadd.s32 $0x10, s10;
	[dreg:$0xa] =	wrdreg s0  }
0x1e: {  	s16 =	sadd.s32 $0x20, s10;
	[dreg:$0x1a] =	wrdreg s15  }
0x1f: {  	s17 =	sadd.s32 $0x30, s10;
	[dreg:$0x1b] =	wrdreg s16  }
0x20: {  	s18 =	sadd.s32 $0x40, s10;
	[dreg:$0x1c] =	wrdreg s17  }
0x21: {  	s19 =	sadd.s32 $0x50, s10;
	[dreg:$0x1d] =	wrdreg s18  }
0x22: {  	s20 =	sadd.s32 $0x60, s10;
	[dreg:$0x1e] =	wrdreg s19  }
0x23: {  	s21 =	sadd.s32 $0x70, s10;
	[dreg:$0x1f] =	wrdreg s20  }
0x24: {  	s22 =	sadd.s32 $0x10, s6;
	[smem:$0x7F6] =	sst s21  }
0x25: {  	s30 =	simm.s32 $0x11980;
	s23 =	sadd.s32 $0x20, s6;
	[smem:$0x7F7] =	sst s22  }
0x26: {  	s31 =	simm.s32 $0x11A80;
	s24 =	sadd.s32 $0x30, s6;
	[smem:$0x7F8] =	sst s23  }
0x27: {  	s8 =	simm.s32 $0xA000;
	s25 =	sadd.s32 $0x40, s6;
	[smem:$0x7F9] =	sst s24  }
0x28: {  	s26 =	sadd.s32 $0x50, s6;
	s28 =	sadd.s32 $0x60, s6;
	[smem:$0x7FA] =	sst s25  }
0x29: {  	s29 =	sadd.s32 $0x70, s6;
	s14 =	simm.s32 $0x11880;
	[smem:$0x7FB] =	sst s26  }
.Ltmp0:
0x2a: {  	s9 =	simm.s32 $0x3;
	[smem:$0x7FC] =	sst s28;
	(pc) =	sbr.rel .LBB2_1-.Ltmp0, $4  }
0x2b: {  	s10 =	simm.s32 $0x5;
	s2 =	simm.s32 $0x0;
	[smem:$0x7FD] =	sst s29  }
0x2c: {  	s23 =	simm.s32 $0x2800;
	s24 =	simm.s32 $0x5000;
	s15 =	simm.s32 $0x12480  }
0x2d: {  	s16 =	simm.s32 $0x12580;
	s17 =	simm.s32 $0x12680;
	s18 =	simm.s32 $0x12780  }
0x2e: {  	v0 =	vimm.f32 $0.0e+00;
	s20 =	simm.s32 $0x2;
	s21 =	simm.s32 $0x4;
	s22 =	simm.s32 $0xF000  }
.LBB2_10:
0x2f: {  	s0 =	rddreg [dreg:$0x9];
	s1 =	simm.s32 $0x6  }
0x30: {  	[hbm4b:s0+s3] =	stream.linear.scatter [tilespmem:s8], [sflag:$0x6], $0x5000, $0x38;
	[tilespmem:$0x12800] =	vst v63  }
0x31: {  	_ =	swait.ge [sflag:s1], $0x5000  }
0x32: {  	s2 =	simm.s32 $0x80;
	[sflag:s1] =	ssyncset.done $0x0  }
0x33: {  	s6 =	simm.s32 $0x400;
	s26 =	rddreg [dreg:$0xa];
	[sflag:s1] =	ssyncadd.s32 $0xFFFFB000  }
0x34: {  	[hbm4b:s26+s2] =	stream.strided.scatter [tilespmem:s22], [sflag:$0x6], $0x2800, s6, s2, $0x38;
	[tilespmem:$0x12800] =	vst v63  }
0x35: {  	_ =	swait.ge [sflag:s1], $0x2800  }
0x36: {  	s28 =	sld [smem:$0x7F5];
	_ =	sdelay $0x2  }
0x37: {  	s29 =	rddreg [dreg:$0xb];
	s2 =	sadd.s32 $0x1, s28  }
0x38: {  	p0 =	sne.s32 s2, s29  }
.Ltmp1:
0x39: {  	_ = 	snop;
	(pc) =	sbr.rel @!p0 .LBB2_11-.Ltmp1, $3  }
0x3a: {  	_ =	sdelay $0x1  }
0x3b: {  	[sflag:s1] =	ssyncset.done $0x0  }
0x3c: {  	[sflag:s1] =	ssyncadd.s32 $0xFFFFD800  }
.LBB2_1:
0x3d: {  	[smem:$0x7F5] =	sst s2  }
0x3e: {  	s0 =	rddreg [dreg:$0x1]  }
0x3f: {  	s7 =	rddreg [dreg:$0x4]  }
0x40: {  	s11 =	rddreg [dreg:$0x3]  }
0x41: {  	[tilespmem:s3], [sflag:$0x1] =	stream.linear.gather [hbm4b:s0+s3], $0x2800, $0x38;
	[tilespmem:$0x12800] =	vst v63  }
0x42: {  	s19 =	rddreg [dreg:$0x5]  }
0x43: {  	[tilespmem:s23], [sflag:$0x1] =	stream.linear.gather [hbm4b:s7+s3], $0x2800, $0x38;
	[tilespmem:$0x12800] =	vst v63  }
0x44: {  	s25 =	rddreg [dreg:$0xc]  }
0x45: {  	[tilespmem:s24], [sflag:$0x1] =	stream.linear.gather [hbm4b:s11+s3], $0x5000, $0x38;
	[tilespmem:$0x12800] =	vst v63  }
0x46: {  	s1 =	simm.s32 $0x11800;
	s6 =	rddreg [dreg:$0xe]  }
0x47: {  	[tilespmem:s1], [sflag:$0x2] =	stream.linear.gather [hbm4b:s19+s3], $0x80, $0x38;
	[tilespmem:$0x12800] =	vst v63  }
0x48: {  	s26 =	simm.s32 $0x11900;
	s11 =	rddreg [dreg:$0xf]  }
0x49: {  	[tilespmem:s26], [sflag:$0x2] =	stream.linear.gather [hbm4b:s25+s3], $0x80, $0x38;
	[tilespmem:$0x12800] =	vst v63  }
0x4a: {  	s2 =	simm.s32 $0x11A00;
	s1 =	rddreg [dreg:$0xd]  }
0x4b: {  	[tilespmem:s2], [sflag:$0x2] =	stream.linear.gather [hbm4b:s1+s3], $0x80, $0x38;
	[tilespmem:$0x12800] =	vst v63  }
0x4c: {  	s7 =	simm.s32 $0x11B00;
	s25 =	rddreg [dreg:$0x10]  }
0x4d: {  	[tilespmem:s7], [sflag:$0x2] =	stream.linear.gather [hbm4b:s6+s3], $0x80, $0x38;
	[tilespmem:$0x12800] =	vst v63  }
0x4e: {  	s19 =	simm.s32 $0x11C00;
	s1 =	rddreg [dreg:$0x11]  }
0x4f: {  	[tilespmem:s19], [sflag:$0x2] =	stream.linear.gather [hbm4b:s11+s3], $0x80, $0x38;
	[tilespmem:$0x12800] =	vst v63  }
0x50: {  	s26 =	simm.s32 $0x11D00;
	s6 =	rddreg [dreg:$0x12]  }
0x51: {  	[tilespmem:s26], [sflag:$0x2] =	stream.linear.gather [hbm4b:s25+s3], $0x80, $0x38;
	[tilespmem:$0x12800] =	vst v63  }
0x52: {  	s2 =	simm.s32 $0x11E00;
	s11 =	rddreg [dreg:$0x6]  }
0x53: {  	[tilespmem:s2], [sflag:$0x2] =	stream.linear.gather [hbm4b:s1+s3], $0x80, $0x38;
	[tilespmem:$0x12800] =	vst v63  }
0x54: {  	s7 =	simm.s32 $0x11F00;
	s25 =	rddreg [dreg:$0x13]  }
0x55: {  	[tilespmem:s7], [sflag:$0x2] =	stream.linear.gather [hbm4b:s6+s3], $0x80, $0x38;
	[tilespmem:$0x12800] =	vst v63  }
0x56: {  	s19 =	simm.s32 $0x12000;
	s1 =	rddreg [dreg:$0x14]  }
0x57: {  	[tilespmem:s19], [sflag:$0x4] =	stream.linear.gather [hbm4b:s11+s3], $0x80, $0x38;
	[tilespmem:$0x12800] =	vst v63  }
0x58: {  	s26 =	simm.s32 $0x12100;
	s6 =	rddreg [dreg:$0x15]  }
0x59: {  	[tilespmem:s26], [sflag:$0x4] =	stream.linear.gather [hbm4b:s25+s3], $0x80, $0x38;
	[tilespmem:$0x12800] =	vst v63  }
0x5a: {  	s2 =	simm.s32 $0x12200;
	s11 =	rddreg [dreg:$0x16]  }
0x5b: {  	[tilespmem:s2], [sflag:$0x4] =	stream.linear.gather [hbm4b:s1+s3], $0x80, $0x38;
	[tilespmem:$0x12800] =	vst v63  }
0x5c: {  	s7 =	simm.s32 $0x12300;
	s25 =	rddreg [dreg:$0x17]  }
0x5d: {  	[tilespmem:s7], [sflag:$0x4] =	stream.linear.gather [hbm4b:s6+s3], $0x80, $0x38;
	[tilespmem:$0x12800] =	vst v63  }
0x5e: {  	s19 =	simm.s32 $0x12400;
	s2 =	rddreg [dreg:$0x18]  }
0x5f: {  	[tilespmem:s19], [sflag:$0x4] =	stream.linear.gather [hbm4b:s11+s3], $0x80, $0x38;
	[tilespmem:$0x12800] =	vst v63  }
0x60: {  	s26 =	simm.s32 $0x12500;
	s7 =	rddreg [dreg:$0x19]  }
0x61: {  	[tilespmem:s26], [sflag:$0x4] =	stream.linear.gather [hbm4b:s25+s3], $0x80, $0x38;
	[tilespmem:$0x12800] =	vst v63  }
0x62: {  	s6 =	simm.s32 $0x12600;
	s19 =	rddreg [dreg:$0x7]  }
0x63: {  	[tilespmem:s6], [sflag:$0x4] =	stream.linear.gather [hbm4b:s2+s3], $0x80, $0x38;
	[tilespmem:$0x12800] =	vst v63  }
0x64: {  	s11 =	simm.s32 $0x12700;
	s25 =	rddreg [dreg:$0x1a]  }
0x65: {  	[tilespmem:s11], [sflag:$0x4] =	stream.linear.gather [hbm4b:s7+s3], $0x80, $0x38;
	[tilespmem:$0x12800] =	vst v63  }
0x66: {  	s26 =	rddreg [dreg:$0x1b]  }
0x67: {  	[tilespmem:s14], [sflag:$0x3] =	stream.linear.gather [hbm4b:s19+s3], $0x80, $0x38;
	[tilespmem:$0x12800] =	vst v63  }
0x68: {  	s2 =	rddreg [dreg:$0x1d]  }
0x69: {  	[tilespmem:s30], [sflag:$0x3] =	stream.linear.gather [hbm4b:s25+s3], $0x80, $0x38;
	[tilespmem:$0x12800] =	vst v63  }
0x6a: {  	s7 =	rddreg [dreg:$0x1e]  }
0x6b: {  	[tilespmem:s31], [sflag:$0x3] =	stream.linear.gather [hbm4b:s26+s3], $0x80, $0x38;
	[tilespmem:$0x12800] =	vst v63  }
0x6c: {  	s30 =	rddreg [dreg:$0x1c];
	s31 =	simm.s32 $0x11B80  }
0x6d: {  	[tilespmem:s31], [sflag:$0x3] =	stream.linear.gather [hbm4b:s30+s3], $0x80, $0x38;
	[tilespmem:$0x12800] =	vst v63  }
0x6e: {  	s6 =	simm.s32 $0x11C80;
	s14 =	rddreg [dreg:$0x1f]  }
0x6f: {  	[tilespmem:s6], [sflag:$0x3] =	stream.linear.gather [hbm4b:s2+s3], $0x80, $0x38;
	[tilespmem:$0x12800] =	vst v63  }
0x70: {  	s11 =	simm.s32 $0x11D80;
	s25 =	sld [smem:$0x7F6]  }
0x71: {  	[tilespmem:s11], [sflag:$0x3] =	stream.linear.gather [hbm4b:s7+s3], $0x80, $0x38;
	[tilespmem:$0x12800] =	vst v63  }
0x72: {  	s19 =	simm.s32 $0x11E80;
	s30 =	rddreg [dreg:$0x8]  }
0x73: {  	[tilespmem:s19], [sflag:$0x3] =	stream.linear.gather [hbm4b:s14+s3], $0x80, $0x38;
	[tilespmem:$0x12800] =	vst v63  }
0x74: {  	s26 =	simm.s32 $0x11F80;
	s2 =	sld [smem:$0x7F7]  }
0x75: {  	[tilespmem:s26], [sflag:$0x3] =	stream.linear.gather [hbm4b:s25+s3], $0x80, $0x38;
	[tilespmem:$0x12800] =	vst v63  }
0x76: {  	s31 =	simm.s32 $0x12080;
	s7 =	sld [smem:$0x7F8]  }
0x77: {  	[tilespmem:s31], [sflag:$0x5] =	stream.linear.gather [hbm4b:s30+s3], $0x80, $0x38;
	[tilespmem:$0x12800] =	vst v63  }
0x78: {  	p0 =	por $0x0, $0x0;
	s6 =	simm.s32 $0x12180;
	s14 =	sld [smem:$0x7F9]  }
0x79: {  	[tilespmem:s6], [sflag:$0x5] =	stream.linear.gather [hbm4b:s2+s3], $0x80, $0x38;
	[tilespmem:$0x12800] =	vst v63  }
0x7a: {  	s29 =	sand.u32 $0x7F00, s3;
	s11 =	simm.s32 $0x12280;
	s25 =	sld [smem:$0x7FA]  }
0x7b: {  	[tilespmem:s11], [sflag:$0x5] =	stream.linear.gather [hbm4b:s7+s3], $0x80, $0x38;
	[tilespmem:$0x12800] =	vst v63  }
0x7c: {  	s19 =	simm.s32 $0x12380;
	s26 =	sld [smem:$0x7FB];
	s11 =	simm.s32 $0x1  }
0x7d: {  	[tilespmem:s19], [sflag:$0x5] =	stream.linear.gather [hbm4b:s14+s3], $0x80, $0x38;
	[tilespmem:$0x12800] =	vst v63  }
0x7e: {  	s29 =	sadd.s32 $0xA000, s29;
	s30 =	sld [smem:$0x7FC];
	s11 =	simm.s32 @!p0 $0x0  }
0x7f: {  	[tilespmem:s15], [sflag:$0x5] =	stream.linear.gather [hbm4b:s25+s3], $0x80, $0x38;
	[tilespmem:$0x12800] =	vst v63  }
0x80: {  	s31 =	sld [smem:$0x7FD];
	s19 =	sand.u32 $0x40, s3;
	s11 =	sshll.u32 s11, $0x6  }
0x81: {  	[tilespmem:s16], [sflag:$0x5] =	stream.linear.gather [hbm4b:s26+s3], $0x80, $0x38;
	[tilespmem:$0x12800] =	vst v63  }
0x82: {  	s28 =	sor.u32 $0x10, s19;
	s2 =	sadd.s32 $0x0, s11;
	s25 =	sand.u32 $0x3F80, s3  }
0x83: {  	[tilespmem:s17], [sflag:$0x5] =	stream.linear.gather [hbm4b:s30+s3], $0x80, $0x38;
	[tilespmem:$0x12800] =	vst v63  }
0x84: {  	s6 =	sor.u32 s28, s29;
	s25 =	sadd.s32 $0xF000, s25;
	s26 =	sor.u32 $0x20, s19  }
0x85: {  	[tilespmem:s18], [sflag:$0x5] =	stream.linear.gather [hbm4b:s31+s3], $0x80, $0x38;
	[tilespmem:$0x12800] =	vst v63  }
0x86: {  	s1 =	sor.u32 s28, s25;
	s28 =	sadd.s32 $0x20, s2;
	s0 =	sor.u32 s26, s25;
	[tilespmem:s22+$0x0] =	vst v0  }
0x87: {  	s7 =	sor.u32 $0x80, s28;
	s28 =	sor.u32 $0x30, s19;
	[tilespmem:s0+$0x0] =	vst v0  }
0x88: {  	s25 =	sor.u32 s28, s25;
	[tilespmem:s1+$0x0] =	vst v0  }
0x89: {  	[tilespmem:s25+$0x0] =	vst v0  }
0x8a: {  	s26 =	sor.u32 s26, s29;
	[tilespmem:s6+$0x0] =	vst v0  }
0x8b: {  	s19 =	sor.u32 s19, s29;
	[tilespmem:s26+$0x0] =	vst v0  }
0x8c: {  	p0 =	por !p0, !p0;
	s28 =	sor.u32 s28, s29;
	[tilespmem:s19+$0x0] =	vst v0  }
0x8d: {  	s11 =	simm.s32 $0x0;
	s14 =	sadd.s32 $0x10, s2;
	s29 =	sadd.s32 $0x30, s2;
	[tilespmem:s28+$0x0] =	vst v0  }
0x8e: {  	s29 =	sor.u32 $0x80, s29;
	s31 =	sor.u32 $0x80, s2;
	s25 =	simm.s32 $0x40;
	[tilespmem:s7+$0xA000] =	vst v0  }
0x8f: {  	s19 =	simm.s32 $0x80;
	s26 =	simm.s32 $0xF040;
	s28 =	sor.u32 $0x80, s14;
	[tilespmem:s31+$0xA000] =	vst v0  }
.LBB2_2:
0x90: {  	s30 =	simm.s32 $0x1;
	s31 =	sand.u32 $0x40, s25  }
0x91: {  	s0 =	sand.u32 $0x3F80, s25;
	[tilespmem:s29+$0xA000] =	vst v0;
	s11 =	sadd.s32 $0x4, s11;
	s30 =	simm.s32 @!p0 $0x0  }
0x92: {  	s0 =	sadd.s32 $0xF000, s0;
	s29 =	sshll.u32 s30, $0x6;
	s30 =	sor.u32 $0x10, s31;
	[tilespmem:s28+$0xA000] =	vst v0  }
0x93: {  	s2 =	sor.u32 $0x20, s31;
	s28 =	sadd.s32 s29, s19;
	[tilespmem:s26+$0x0] =	vst v0;
	s29 =	sand.u32 $0x7F00, s19  }
0x94: {  	s1 =	sor.u32 s2, s0;
	s29 =	sadd.s32 $0xA000, s29;
	s6 =	sadd.s32 $0x20, s28  }
0x95: {  	s14 =	sor.u32 s30, s0;
	s7 =	sor.u32 s31, s29;
	[tilespmem:s1+$0x0] =	vst v0;
	s1 =	sor.u32 s2, s29  }
0x96: {  	s2 =	sor.u32 s30, s29;
	s6 =	sor.u32 $0x80, s6;
	[tilespmem:s14+$0x0] =	vst v0;
	s14 =	sor.u32 $0x30, s31  }
0x97: {  	[tilespmem:s2+$0x0] =	vst v0;
	s2 =	sadd.s32 $0x10, s28;
	s0 =	sor.u32 s14, s0;
	s14 =	sor.u32 s14, s29  }
0x98: {  	p1 =	slt.u32 s11, $0x27C;
	[tilespmem:s1+$0x0] =	vst v0;
	s1 =	sadd.s32 $0x30, s28  }
.Ltmp2:
0x99: {  	[tilespmem:s6+$0xA000] =	vst v0;
	(pc) =	sbr.rel @p1 .LBB2_2-.Ltmp2, $4  }
0x9a: {  	[tilespmem:s0+$0x0] =	vst v0  }
0x9b: {  	s0 =	sor.u32 $0x80, s28;
	[tilespmem:s7+$0x0] =	vst v0  }
0x9c: {  	s25 =	sadd.s32 $0x40, s25;
	s19 =	sadd.s32 $0x80, s19;
	s26 =	sadd.s32 $0x40, s26;
	[tilespmem:s0+$0xA000] =	vst v0  }
0x9d: {  	p0 =	por !p0, !p0;
	s29 =	sor.u32 $0x80, s1;
	s28 =	sor.u32 $0x80, s2;
	[tilespmem:s14+$0x0] =	vst v0  }
0x9e: {  	[tilespmem:s29+$0xA000] =	vst v0  }
0x9f: {  	[tilespmem:s28+$0xA000] =	vst v0;
	s0 =	simm.s32 $0x1  }
0xa0: {  	_ =	swait.ge [sflag:s0], $0x2800  }
0xa1: {  	[sflag:s0] =	ssyncset.done $0x0  }
0xa2: {  	[sflag:s0] =	ssyncadd.s32 $0xFFFFD800  }
0xa3: {  	_ =	swait.ge [sflag:s0], $0x2800  }
0xa4: {  	[sflag:s0] =	ssyncset.done $0x0  }
0xa5: {  	[sflag:s0] =	ssyncadd.s32 $0xFFFFD800  }
0xa6: {  	s19 =	simm.s32 $0x0;
	_ =	swait.ge [sflag:s0], $0x5000  }
0xa7: {  	s11 =	simm.s32 $0x0;
	s14 =	simm.s32 $0x11880;
	[sflag:s0] =	ssyncset.done $0x0  }
0xa8: {  	s30 =	simm.s32 $0x11980;
	s31 =	simm.s32 $0x11A80;
	[sflag:s0] =	ssyncadd.s32 $0xFFFFB000  }
.LBB2_4:
0xa9: {  	_ =	swait.ge [sflag:s20], $0x400  }
0xaa: {  	[sflag:s20] =	ssyncset.done $0x0  }
0xab: {  	[sflag:s20] =	ssyncadd.s32 $0xFFFFFC00  }
0xac: {  	_ =	swait.ge [sflag:s21], $0x400  }
0xad: {  	s0 =	sand.u32 $0x40, s19;
	s1 =	sand.u32 $0x700, s19;
	[sflag:s21] =	ssyncset.done $0x0  }
0xae: {  	s0 =	sor.u32 s0, s1;
	[sflag:s21] =	ssyncadd.s32 $0xFFFFFC00  }
0xaf: {  	v5 =	vld [tilespmem:s0+$0x11820]  }
0xb0: {  	v8 =	vld [tilespmem:s0+$0x12020]  }
0xb1: {  	v4 =	vld [tilespmem:s0+$0x11830]  }
0xb2: {  	v9 =	vld [tilespmem:s0+$0x12030];
	_ =	sdelay $0x2  }
0xb3: {  	v10 =	vld [tilespmem:s0+$0x12010]  }
0xb4: {  	v11 =	vld [tilespmem:s0+$0x11810]  }
0xb5: {  	v1 =	vld.idx.msk [tilespmem:v5+s3+$0x0], $0xffff  }
0xb6: {  	v2 =	vld.idx.msk [tilespmem:v8+s23+$0x0], $0xffff  }
0xb7: {  	v3 =	vld.idx.msk [tilespmem:v4+s3+$0x0], $0xffff  }
0xb8: {  	v6 =	vld.idx.msk [tilespmem:v9+s23+$0x0], $0xffff;
	_ =	sdelay $0x2  }
0xb9: {  	s26 =	simm.s32 $0x80;
	s29 =	simm.s32 $0x40;
	v12 =	vld [tilespmem:s0+$0x11800];
	v17 =	vshll.u32 v5, $0x1;
	v1 =	vadd.f32 v2, v1  }
0xba: {  	s1 =	sand.u32 $0x40, s29;
	v13 =	vld [tilespmem:s0+$0x12000];
	s0 =	sand.u32 $0x700, s26;
	v17 =	vand.u32 $0xFFFFFF00, v17  }
0xbb: {  	s25 =	sor.u32 s1, s0;
	v7 =	vld.idx.msk [tilespmem:v10+s23+$0x0], $0xffff;
	v5 =	vand.u32 $0x7F, v5;
	v2 =	vadd.f32 v6, v3;
	v3 =	vmul.f32 $2.000000030e-01, v1  }
0xbc: {  	v17 =	vor.u32 v5, v17;
	v5 =	vld [tilespmem:s25+$0x12030];
	vm0 =	vgt.f32 v1, $0.0e+00  }
0xbd: {  	v1 =	vsel vm0, v1, v3;
	v3 =	vld.idx.msk [tilespmem:v11+s3+$0x0], $0xffff  }
0xbe: {  	v6 =	vmul.f32 $2.000000030e-01, v2;
	v1 =	vmul.f32 $1.442695020e+00, v1  }
0xbf: {  	vm11 =	vgt.f32 v2, $0.0e+00  }
0xc0: {  	v2 =	vsel vm11, v2, v6;
	(erf) = vpow2.f32 v1  }
0xc1: {  	v2 =	vmul.f32 $1.442695020e+00, v2  }
0xc2: {  	v6 =	vadd.f32 v7, v3  }
0xc3: {  	v14 =	vld.idx.msk [tilespmem:v12+s3+$0x0], $0xffff;
	(erf) = vpow2.f32 v2  }
0xc4: {  	v7 =	vld.idx.msk [tilespmem:v13+s23+$0x0], $0xffff;
	v15 =	vmul.f32 $2.000000030e-01, v6  }
0xc5: {  	v26 =	vld.idx.msk [tilespmem:v5+s23+$0x0], $0xffff;
	vm12 =	vgt.f32 v6, $0.0e+00  }
0xc6: {  	v1 =	vld [tilespmem:s25+$0x12010];
	v15 =	vsel vm12, v6, v15  }
0xc7: {  	v2 =	vld [tilespmem:s25+$0x11800];
	v3 =	vshll.u32 v4, $0x1;
	v15 =	vmul.f32 $1.442695020e+00, v15  }
0xc8: {  	v4 =	vand.u32 $0x7F, v4;
	v16 =	vand.u32 $0xFFFFFF00, v3;
	v6 =	vld [tilespmem:s25+$0x11820]  }
0xc9: {  	v16 =	vor.u32 v4, v16;
	v4 =	vld [tilespmem:s25+$0x12020];
	v14 =	vadd.f32 v7, v14;
	v19 =	vpop (erf);
	(erf) = vpow2.f32 v15  }
0xca: {  	v7 =	vld [tilespmem:s25+$0x11830]  }
0xcb: {  	v3 =	vld [tilespmem:s25+$0x11810];
	v18 =	vmul.f32 $2.000000030e-01, v14  }
0xcc: {  	v20 =	vshll.u32 v11, $0x1;
	v21 =	vshll.u32 v9, $0x1;
	vm13 =	vgt.f32 v14, $0.0e+00;
	[tilespmem:v8+s22+$0x0] =	vst.idx.add.f32.msk $0xffff, v19;
	v15 =	vpop (erf)  }
0xcd: {  	v22 =	vshll.u32 v8, $0x1;
	v20 =	vand.u32 $0xFFFFFF00, v20;
	v14 =	vsel vm13, v14, v18;
	[tilespmem:v9+s22+$0x0] =	vst.idx.add.f32.msk $0xffff, v15  }
0xce: {  	v21 =	vand.u32 $0xFFFFFF00, v21;
	v11 =	vand.u32 $0x7F, v11;
	v14 =	vmul.f32 $1.442695020e+00, v14;
	v18 =	vld.idx.msk [tilespmem:v16+s24+$0x0], $0xffff  }
0xcf: {  	v11 =	vor.u32 v11, v20;
	v8 =	vand.u32 $0x7F, v8;
	v23 =	vld.idx.msk [tilespmem:v17+s24+$0x0], $0xffff;
	v9 =	vand.u32 $0x7F, v9  }
0xd0: {  	v21 =	vor.u32 v9, v21;
	v20 =	vld.idx.msk [tilespmem:v6+s3+$0x0], $0xffff;
	(erf) = vpow2.f32 v14;
	v14 =	vand.u32 $0xFFFFFF00, v22  }
0xd1: {  	v22 =	vld.idx.msk [tilespmem:v4+s23+$0x0], $0xffff;
	v25 =	vor.u32 v8, v14  }
0xd2: {  	v24 =	vld.idx.msk [tilespmem:v7+s3+$0x0], $0xffff;
	v8 =	vor.u32 $0x80, v17;
	v28 =	vpop (erf)  }
0xd3: {  	v16 =	vor.u32 $0x80, v16;
	v14 =	vmul.f32 v15, v18;
	[tilespmem:v10+s22+$0x0] =	vst.idx.add.f32.msk $0xffff, v28  }
0xd4: {  	v9 =	vshll.u32 v12, $0x1;
	v18 =	vmul.f32 v19, v23;
	v17 =	vld.idx.msk [tilespmem:v11+s24+$0x0], $0xffff  }
0xd5: {  	v12 =	vand.u32 $0x7F, v12;
	v9 =	vand.u32 $0xFFFFFF00, v9;
	v23 =	vshll.u32 v10, $0x1;
	[tilespmem:v21+s8+$0x0] =	vst.idx.add.f32.msk $0xffff, v14  }
0xd6: {  	v27 =	vor.u32 v12, v9;
	v9 =	vand.u32 $0xFFFFFF00, v23;
	v10 =	vand.u32 $0x7F, v10;
	[tilespmem:v25+s8+$0x0] =	vst.idx.add.f32.msk $0xffff, v18  }
0xd7: {  	v12 =	vshll.u32 v13, $0x1;
	v20 =	vadd.f32 v22, v20;
	v29 =	vor.u32 v10, v9;
	v30 =	vld.idx.msk [tilespmem:v8+s24+$0x0], $0xffff  }
0xd8: {  	v18 =	vand.u32 $0xFFFFFF00, v12;
	v12 =	vshll.u32 v1, $0x1;
	v8 =	vshll.u32 v2, $0x1;
	v31 =	vld.idx.msk [tilespmem:v16+s24+$0x0], $0xffff  }
0xd9: {  	v9 =	vand.u32 $0xFFFFFF00, v8;
	v8 =	vand.u32 $0xFFFFFF00, v12;
	v12 =	vld [tilespmem:s25+$0x12000];
	v16 =	vpop (erf)  }
0xda: {  	v23 =	vor.u32 $0x80, v11;
	v62 =	vmul.f32 $2.000000030e-01, v20;
	[tilespmem:v13+s22+$0x0] =	vst.idx.add.f32.msk $0xffff, v16;
	v17 =	vmul.f32 v28, v17  }
0xdb: {  	v24 =	vadd.f32 v26, v24;
	vm14 =	vgt.f32 v20, $0.0e+00;
	v22 =	vld.idx.msk [tilespmem:v27+s24+$0x0], $0xffff  }
0xdc: {  	v63 =	vor.u32 $0x80, v27;
	v13 =	vand.u32 $0x7F, v13;
	[tilespmem:v29+s8+$0x0] =	vst.idx.add.f32.msk $0xffff, v17;
	v17 =	vsel vm14, v20, v62  }
0xdd: {  	v18 =	vor.u32 v13, v18;
	v20 =	vmul.f32 $2.000000030e-01, v24;
	v27 =	vmul.f32 $1.442695020e+00, v17  }
0xde: {  	v35 =	vshll.u32 v5, $0x1;
	v33 =	vor.u32 $0x80, v25;
	v25 =	vld.idx.msk [tilespmem:v1+s23+$0x0], $0xffff;
	vm15 =	vgt.f32 v24, $0.0e+00  }
0xdf: {  	v32 =	vshll.u32 v4, $0x1;
	v34 =	vld.idx.msk [tilespmem:v23+s24+$0x0], $0xffff;
	v20 =	vsel vm15, v24, v20;
	(erf) = vpow2.f32 v27  }
0xe0: {  	v10 =	vshll.u32 v3, $0x1;
	v26 =	vld.idx.msk [tilespmem:v3+s3+$0x0], $0xffff;
	v22 =	vmul.f32 v16, v22;
	v24 =	vmul.f32 $1.442695020e+00, v20  }
0xe1: {  	v11 =	vand.u32 $0xFFFFFF00, v10;
	v19 =	vmul.f32 v19, v30;
	v23 =	vld.idx.msk [tilespmem:v2+s3+$0x0], $0xffff;
	v20 =	vor.u32 $0x80, v29  }
0xe2: {  	v10 =	vshll.u32 v6, $0x1;
	[tilespmem:v18+s8+$0x0] =	vst.idx.add.f32.msk $0xffff, v22;
	(erf) = vpow2.f32 v24;
	v22 =	vor.u32 $0x80, v21  }
0xe3: {  	v14 =	vand.u32 $0xFFFFFF00, v10;
	v13 =	vshll.u32 v7, $0x1;
	[tilespmem:v33+s8+$0x0] =	vst.idx.add.f32.msk $0xffff, v19;
	v27 =	vshll.u32 v12, $0x1  }
0xe4: {  	v19 =	vmul.f32 v15, v31;
	v15 =	vand.u32 $0xFFFFFF00, v27;
	v27 =	vld.idx.msk [tilespmem:v12+s23+$0x0], $0xffff;
	v24 =	vmul.f32 v28, v34  }
0xe5: {  	s28 =	simm.s32 $0x80;
	s26 =	simm.s32 $0x100;
	v10 =	vand.u32 $0xFFFFFF00, v32;
	s25 =	simm.s32 $0x4;
	v17 =	vand.u32 $0xFFFFFF00, v13;
	v13 =	vand.u32 $0xFFFFFF00, v35;
	v21 =	vld.idx.msk [tilespmem:v63+s24+$0x0], $0xffff  }
.LBB2_5:
0xe6: {  	s0 =	sand.u32 $0x40, s28;
	s1 =	sand.u32 $0x700, s26;
	s25 =	sadd.s32 $0x4, s25;
	[tilespmem:v20+s8+$0x0] =	vst.idx.add.f32.msk $0xffff, v24  }
0xe7: {  	v20 =	vadd.f32 v25, v26;
	v18 =	vor.u32 $0x80, v18;
	s29 =	sor.u32 s0, s1;
	p0 =	slt.u32 s25, $0x3C;
	[tilespmem:v22+s8+$0x0] =	vst.idx.add.f32.msk $0xffff, v19  }
0xe8: {  	v19 =	vld [tilespmem:s29+$0x12010];
	v22 =	vpop (erf)  }
0xe9: {  	v25 =	vmul.f32 $2.000000030e-01, v20;
	v24 =	vld [tilespmem:s29+$0x11800]  }
0xea: {  	vm0 =	vgt.f32 v20, $0.0e+00;
	v23 =	vadd.f32 v27, v23;
	v26 =	vld [tilespmem:s29+$0x11810]  }
0xeb: {  	v7 =	vand.u32 $0x7F, v7;
	v20 =	vsel vm0, v20, v25;
	v16 =	vmul.f32 v16, v21;
	v27 =	vld [tilespmem:s29+$0x11820];
	v28 =	vpop (erf)  }
0xec: {  	v29 =	vor.u32 v7, v17;
	v25 =	vmul.f32 $2.000000030e-01, v23;
	v20 =	vmul.f32 $1.442695020e+00, v20;
	v21 =	vld [tilespmem:s29+$0x12020]  }
0xed: {  	v6 =	vand.u32 $0x7F, v6;
	vm0 =	vgt.f32 v23, $0.0e+00;
	v17 =	vshll.u32 v19, $0x1;
	[tilespmem:v18+s8+$0x0] =	vst.idx.add.f32.msk $0xffff, v16  }
0xee: {  	v16 =	vsel vm0, v23, v25;
	v18 =	vor.u32 v6, v14;
	v7 =	vld [tilespmem:s29+$0x11830];
	(erf) = vpow2.f32 v20  }
0xef: {  	v30 =	vshll.u32 v24, $0x1;
	v16 =	vmul.f32 $1.442695020e+00, v16;
	v14 =	vshll.u32 v26, $0x1;
	v20 =	vld [tilespmem:s29+$0x12030]  }
0xf0: {  	v23 =	vand.u32 $0xFFFFFF00, v30;
	v25 =	vand.u32 $0xFFFFFF00, v14;
	v14 =	vshll.u32 v27, $0x1;
	[tilespmem:v5+s22+$0x0] =	vst.idx.add.f32.msk $0xffff, v28;
	v6 =	vmovc v27  }
0xf1: {  	v30 =	vand.u32 $0xFFFFFF00, v17;
	v14 =	vand.u32 $0xFFFFFF00, v14;
	v17 =	vshll.u32 v21, $0x1;
	v31 =	vld.idx.msk [tilespmem:v29+s24+$0x0], $0xffff  }
0xf2: {  	v32 =	vand.u32 $0xFFFFFF00, v17;
	v17 =	vand.u32 $0x7F, v3;
	[tilespmem:v4+s22+$0x0] =	vst.idx.add.f32.msk $0xffff, v22;
	v3 =	vmov v26  }
0xf3: {  	v35 =	vand.u32 $0x7F, v5;
	v26 =	vshll.u32 v7, $0x1;
	v33 =	vor.u32 v17, v11;
	v34 =	vld.idx.msk [tilespmem:v18+s24+$0x0], $0xffff;
	v11 =	vmovc v25  }
0xf4: {  	v25 =	vld.idx.msk [tilespmem:v27+s3+$0x0], $0xffff;
	v17 =	vand.u32 $0xFFFFFF00, v26;
	v26 =	vshll.u32 v20, $0x1;
	(erf) = vpow2.f32 v16;
	v5 =	vmovc v20  }
0xf5: {  	v35 =	vor.u32 v35, v13;
	v27 =	vand.u32 $0x7F, v4;
	v4 =	vmovc v21;
	v16 =	vld.idx.msk [tilespmem:v21+s23+$0x0], $0xffff;
	v13 =	vand.u32 $0xFFFFFF00, v26  }
0xf6: {  	v26 =	vor.u32 v27, v10;
	v10 =	vmov v32;
	v21 =	vld.idx.msk [tilespmem:v7+s3+$0x0], $0xffff  }
0xf7: {  	v18 =	vor.u32 $0x80, v18;
	v20 =	vld.idx.msk [tilespmem:v20+s23+$0x0], $0xffff;
	v32 =	vpop (erf)  }
0xf8: {  	v29 =	vor.u32 $0x80, v29;
	v27 =	vmul.f32 v28, v31;
	[tilespmem:v1+s22+$0x0] =	vst.idx.add.f32.msk $0xffff, v32  }
0xf9: {  	v31 =	vand.u32 $0x7F, v2;
	v2 =	vmov v24;
	v34 =	vmul.f32 v22, v34;
	v36 =	vld.idx.msk [tilespmem:v33+s24+$0x0], $0xffff  }
0xfa: {  	v24 =	vor.u32 v31, v9;
	v9 =	vmov v23;
	[tilespmem:v35+s8+$0x0] =	vst.idx.add.f32.msk $0xffff, v27  }
0xfb: {  	v31 =	vand.u32 $0x7F, v1;
	v1 =	vmov v19;
	v23 =	vadd.f32 v16, v25;
	[tilespmem:v26+s8+$0x0] =	vst.idx.add.f32.msk $0xffff, v34  }
0xfc: {  	v19 =	vor.u32 v31, v8;
	v8 =	vmov v30;
	v25 =	vld.idx.msk [tilespmem:v18+s24+$0x0], $0xffff  }
0xfd: {  	v18 =	vmul.f32 $2.000000030e-01, v23;
	v20 =	vadd.f32 v20, v21;
	v21 =	vor.u32 $0x80, v33;
	v27 =	vld.idx.msk [tilespmem:v29+s24+$0x0], $0xffff;
	v16 =	vpop (erf)  }
0xfe: {  	vm0 =	vgt.f32 v23, $0.0e+00;
	[tilespmem:v12+s22+$0x0] =	vst.idx.add.f32.msk $0xffff, v16  }
0xff: {  	v18 =	vsel vm0, v23, v18;
	vm0 =	vgt.f32 v20, $0.0e+00;
	v23 =	vmul.f32 v32, v36;
	v29 =	vld.idx.msk [tilespmem:v24+s24+$0x0], $0xffff  }
0x100: {  	v31 =	vmul.f32 $1.442695020e+00, v18;
	v18 =	vmul.f32 $2.000000030e-01, v20;
	v30 =	vld [tilespmem:s29+$0x12000]  }
0x101: {  	v33 =	vor.u32 $0x80, v26;
	v12 =	vand.u32 $0x7F, v12;
	[tilespmem:v19+s8+$0x0] =	vst.idx.add.f32.msk $0xffff, v23  }
0x102: {  	v20 =	vsel vm0, v20, v18;
	v18 =	vor.u32 v12, v15;
	v21 =	vld.idx.msk [tilespmem:v21+s24+$0x0], $0xffff  }
0x103: {  	v22 =	vmul.f32 v22, v25;
	v23 =	vld.idx.msk [tilespmem:v2+s3+$0x0], $0xffff;
	(erf) = vpow2.f32 v31;
	v31 =	vor.u32 $0x80, v24  }
0x104: {  	v24 =	vmul.f32 $1.442695020e+00, v20;
	v20 =	vor.u32 $0x80, v19;
	v25 =	vld.idx.msk [tilespmem:v1+s23+$0x0], $0xffff  }
.Ltmp3:
0x105: {  	v19 =	vmul.f32 v28, v27;
	v29 =	vmul.f32 v16, v29;
	v15 =	vshll.u32 v30, $0x1;
	v26 =	vld.idx.msk [tilespmem:v3+s3+$0x0], $0xffff;
	v12 =	vmovc v30;
	(pc) =	sbr.rel @p0 .LBB2_5-.Ltmp3, $4  }
0x106: {  	v15 =	vand.u32 $0xFFFFFF00, v15;
	(erf) = vpow2.f32 v24;
	[tilespmem:v33+s8+$0x0] =	vst.idx.add.f32.msk $0xffff, v22;
	v22 =	vor.u32 $0x80, v35  }
0x107: {  	[tilespmem:v18+s8+$0x0] =	vst.idx.add.f32.msk $0xffff, v29  }
0x108: {  	v24 =	vmul.f32 v32, v21;
	v27 =	vld.idx.msk [tilespmem:v30+s23+$0x0], $0xffff  }
0x109: {  	s26 =	sadd.s32 $0x80, s26;
	s28 =	sadd.s32 $0x40, s28;
	v21 =	vld.idx.msk [tilespmem:v31+s24+$0x0], $0xffff  }
0x10a: {  	_ = 	snop  }
0x10b: {  	v25 =	vadd.f32 v25, v26;
	_ =	sdelay $0x1  }
0x10c: {  	v26 =	vmul.f32 $2.000000030e-01, v25;
	v23 =	vadd.f32 v27, v23  }
0x10d: {  	vm0 =	vgt.f32 v25, $0.0e+00  }
0x10e: {  	v25 =	vsel vm0, v25, v26;
	v26 =	vmul.f32 $2.000000030e-01, v23  }
0x10f: {  	v25 =	vmul.f32 $1.442695020e+00, v25;
	vm0 =	vgt.f32 v23, $0.0e+00  }
0x110: {  	v23 =	vsel vm0, v23, v26  }
0x111: {  	(erf) = vpow2.f32 v25;
	v23 =	vmul.f32 $1.442695020e+00, v23  }
0x112: {  	v6 =	vand.u32 $0x7F, v6  }
0x113: {  	v6 =	vor.u32 v6, v14;
	(erf) = vpow2.f32 v23  }
0x114: {  	v7 =	vand.u32 $0x7F, v7  }
0x115: {  	v7 =	vor.u32 v7, v17  }
0x116: {  	v3 =	vand.u32 $0x7F, v3;
	v17 =	vpop (erf)  }
0x117: {  	v3 =	vor.u32 v3, v11;
	[tilespmem:v4+s22+$0x0] =	vst.idx.add.f32.msk $0xffff, v17  }
0x118: {  	v2 =	vand.u32 $0x7F, v2;
	v14 =	vpop (erf);
	v11 =	vld.idx.msk [tilespmem:v6+s24+$0x0], $0xffff  }
0x119: {  	v2 =	vor.u32 v2, v9;
	v4 =	vand.u32 $0x7F, v4;
	[tilespmem:v5+s22+$0x0] =	vst.idx.add.f32.msk $0xffff, v14  }
0x11a: {  	v4 =	vor.u32 v4, v10;
	v23 =	vld.idx.msk [tilespmem:v7+s24+$0x0], $0xffff;
	v9 =	vpop (erf)  }
0x11b: {  	v5 =	vand.u32 $0x7F, v5;
	v6 =	vor.u32 $0x80, v6;
	[tilespmem:v1+s22+$0x0] =	vst.idx.add.f32.msk $0xffff, v9  }
0x11c: {  	v5 =	vor.u32 v5, v13;
	v10 =	vld.idx.msk [tilespmem:v3+s24+$0x0], $0xffff;
	v13 =	vpop (erf)  }
0x11d: {  	v7 =	vor.u32 $0x80, v7;
	v11 =	vmul.f32 v17, v11;
	v1 =	vand.u32 $0x7F, v1;
	[tilespmem:v12+s22+$0x0] =	vst.idx.add.f32.msk $0xffff, v13  }
0x11e: {  	v1 =	vor.u32 v1, v8;
	v8 =	vld.idx.msk [tilespmem:v2+s24+$0x0], $0xffff  }
0x11f: {  	[tilespmem:v4+s8+$0x0] =	vst.idx.add.f32.msk $0xffff, v11;
	v23 =	vmul.f32 v14, v23;
	v3 =	vor.u32 $0x80, v3;
	v12 =	vand.u32 $0x7F, v12  }
0x120: {  	v6 =	vld.idx.msk [tilespmem:v6+s24+$0x0], $0xffff;
	v11 =	vor.u32 v12, v15  }
0x121: {  	[tilespmem:v5+s8+$0x0] =	vst.idx.add.f32.msk $0xffff, v23;
	v2 =	vor.u32 $0x80, v2;
	v10 =	vmul.f32 v9, v10  }
0x122: {  	v7 =	vld.idx.msk [tilespmem:v7+s24+$0x0], $0xffff  }
0x123: {  	[tilespmem:v1+s8+$0x0] =	vst.idx.add.f32.msk $0xffff, v10;
	v8 =	vmul.f32 v13, v8  }
0x124: {  	v4 =	vor.u32 $0x80, v4;
	v3 =	vld.idx.msk [tilespmem:v3+s24+$0x0], $0xffff  }
0x125: {  	v5 =	vor.u32 $0x80, v5;
	[tilespmem:v11+s8+$0x0] =	vst.idx.add.f32.msk $0xffff, v8  }
0x126: {  	v1 =	vor.u32 $0x80, v1;
	v2 =	vld.idx.msk [tilespmem:v2+s24+$0x0], $0xffff  }
0x127: {  	[tilespmem:v20+s8+$0x0] =	vst.idx.add.f32.msk $0xffff, v24;
	v6 =	vmul.f32 v17, v6;
	v10 =	vor.u32 $0x80, v18  }
0x128: {  	[tilespmem:v22+s8+$0x0] =	vst.idx.add.f32.msk $0xffff, v19;
	v7 =	vmul.f32 v14, v7;
	v11 =	vor.u32 $0x80, v11  }
0x129: {  	[tilespmem:v4+s8+$0x0] =	vst.idx.add.f32.msk $0xffff, v6;
	v3 =	vmul.f32 v9, v3  }
0x12a: {  	s25 =	sshll.u32 s11, $0xB;
	p0 =	seq.s32 s11, $0x4;
	[tilespmem:v5+s8+$0x0] =	vst.idx.add.f32.msk $0xffff, v7;
	v8 =	vmul.f32 v16, v21  }
0x12b: {  	s0 =	sadd.s32 @!p0 s25, s12;
	[tilespmem:v1+s8+$0x0] =	vst.idx.add.f32.msk $0xffff, v3;
	v1 =	vmul.f32 v13, v2  }
0x12c: {  	s0 =	sshrl.u32 @!p0 s0, $0x3;
	[tilespmem:v10+s8+$0x0] =	vst.idx.add.f32.msk $0xffff, v8  }
0x12d: {  	s2 =	simm.s32 @!p0 $0x0;
	s6 =	simm.s32 @!p0 $0x11800;
	s1 =	sadd.s32 @!p0 s4, s0;
	[tilespmem:v11+s8+$0x0] =	vst.idx.add.f32.msk $0xffff, v1  }
0x12e: {  	[tilespmem:s6], [sflag:$0x2] =	stream.linear.gather @!p0 [hbm4b:s1+s2], $0x80, $0x38;
	[tilespmem:$0x12800] =	vst v63  }
0x12f: {  	s7 =	simm.s32 @!p0 $0x11900;
	s6 =	sadd.s32 @!p0 $0x10, s1  }
0x130: {  	[tilespmem:s7], [sflag:$0x2] =	stream.linear.gather @!p0 [hbm4b:s6+s2], $0x80, $0x38;
	[tilespmem:$0x12800] =	vst v63  }
0x131: {  	s6 =	sadd.s32 @!p0 $0x20, s1;
	s7 =	simm.s32 @!p0 $0x11A00  }
0x132: {  	[tilespmem:s7], [sflag:$0x2] =	stream.linear.gather @!p0 [hbm4b:s6+s2], $0x80, $0x38;
	[tilespmem:$0x12800] =	vst v63  }
0x133: {  	s6 =	sadd.s32 @!p0 $0x30, s1;
	s7 =	simm.s32 @!p0 $0x11B00  }
0x134: {  	[tilespmem:s7], [sflag:$0x2] =	stream.linear.gather @!p0 [hbm4b:s6+s2], $0x80, $0x38;
	[tilespmem:$0x12800] =	vst v63  }
0x135: {  	s6 =	sadd.s32 @!p0 $0x40, s1;
	s7 =	simm.s32 @!p0 $0x11C00  }
0x136: {  	[tilespmem:s7], [sflag:$0x2] =	stream.linear.gather @!p0 [hbm4b:s6+s2], $0x80, $0x38;
	[tilespmem:$0x12800] =	vst v63  }
0x137: {  	s6 =	sadd.s32 @!p0 $0x50, s1;
	s7 =	simm.s32 @!p0 $0x11D00  }
0x138: {  	[tilespmem:s7], [sflag:$0x2] =	stream.linear.gather @!p0 [hbm4b:s6+s2], $0x80, $0x38;
	[tilespmem:$0x12800] =	vst v63  }
0x139: {  	s6 =	sadd.s32 @!p0 $0x60, s1;
	s7 =	simm.s32 @!p0 $0x11E00  }
0x13a: {  	[tilespmem:s7], [sflag:$0x2] =	stream.linear.gather @!p0 [hbm4b:s6+s2], $0x80, $0x38;
	[tilespmem:$0x12800] =	vst v63  }
0x13b: {  	s1 =	sadd.s32 @!p0 $0x70, s1;
	s6 =	simm.s32 @!p0 $0x11F00  }
0x13c: {  	[tilespmem:s6], [sflag:$0x2] =	stream.linear.gather @!p0 [hbm4b:s1+s2], $0x80, $0x38;
	[tilespmem:$0x12800] =	vst v63  }
0x13d: {  	s0 =	sadd.s32 @!p0 s5, s0;
	s1 =	simm.s32 @!p0 $0x12000  }
0x13e: {  	[tilespmem:s1], [sflag:$0x4] =	stream.linear.gather @!p0 [hbm4b:s0+s2], $0x80, $0x38;
	[tilespmem:$0x12800] =	vst v63  }
0x13f: {  	s6 =	simm.s32 @!p0 $0x12100;
	s1 =	sadd.s32 @!p0 $0x10, s0  }
0x140: {  	[tilespmem:s6], [sflag:$0x4] =	stream.linear.gather @!p0 [hbm4b:s1+s2], $0x80, $0x38;
	[tilespmem:$0x12800] =	vst v63  }
0x141: {  	s1 =	sadd.s32 @!p0 $0x20, s0;
	s6 =	simm.s32 @!p0 $0x12200  }
0x142: {  	[tilespmem:s6], [sflag:$0x4] =	stream.linear.gather @!p0 [hbm4b:s1+s2], $0x80, $0x38;
	[tilespmem:$0x12800] =	vst v63  }
0x143: {  	s1 =	sadd.s32 @!p0 $0x30, s0;
	s6 =	simm.s32 @!p0 $0x12300  }
0x144: {  	[tilespmem:s6], [sflag:$0x4] =	stream.linear.gather @!p0 [hbm4b:s1+s2], $0x80, $0x38;
	[tilespmem:$0x12800] =	vst v63  }
0x145: {  	s1 =	sadd.s32 @!p0 $0x40, s0;
	s6 =	simm.s32 @!p0 $0x12400  }
0x146: {  	[tilespmem:s6], [sflag:$0x4] =	stream.linear.gather @!p0 [hbm4b:s1+s2], $0x80, $0x38;
	[tilespmem:$0x12800] =	vst v63  }
0x147: {  	s1 =	sadd.s32 @!p0 $0x50, s0;
	s6 =	simm.s32 @!p0 $0x12500  }
0x148: {  	[tilespmem:s6], [sflag:$0x4] =	stream.linear.gather @!p0 [hbm4b:s1+s2], $0x80, $0x38;
	[tilespmem:$0x12800] =	vst v63  }
0x149: {  	s1 =	sadd.s32 @!p0 $0x60, s0;
	s6 =	simm.s32 @!p0 $0x12600  }
0x14a: {  	[tilespmem:s6], [sflag:$0x4] =	stream.linear.gather @!p0 [hbm4b:s1+s2], $0x80, $0x38;
	[tilespmem:$0x12800] =	vst v63  }
0x14b: {  	s0 =	sadd.s32 @!p0 $0x70, s0;
	s1 =	simm.s32 @!p0 $0x12700  }
0x14c: {  	[tilespmem:s1], [sflag:$0x4] =	stream.linear.gather @!p0 [hbm4b:s0+s2], $0x80, $0x38;
	[tilespmem:$0x12800] =	vst v63  }
0x14d: {  	_ =	swait.ge [sflag:s9], $0x400  }
0x14e: {  	p1 =	por $0x0, $0x0;
	s0 =	simm.s32 $0x1;
	[sflag:s9] =	ssyncset.done $0x0  }
0x14f: {  	s0 =	simm.s32 @!p1 $0x0;
	[sflag:s9] =	ssyncadd.s32 $0xFFFFFC00  }
0x150: {  	s0 =	sshll.u32 s0, $0x6;
	_ =	swait.ge [sflag:s10], $0x400  }
0x151: {  	s0 =	sadd.s32 $0x0, s0;
	[sflag:s10] =	ssyncset.done $0x0  }
0x152: {  	s29 =	sor.u32 $0xA0, s0;
	[sflag:s10] =	ssyncadd.s32 $0xFFFFFC00  }
0x153: {  	v8 =	vld [tilespmem:s29+$0x12000]  }
0x154: {  	s2 =	sor.u32 $0x80, s0;
	v3 =	vld [tilespmem:s29+$0x11800]  }
0x155: {  	v7 =	vld [tilespmem:s2+$0x11800]  }
0x156: {  	s6 =	sor.u32 $0x90, s0;
	v10 =	vld [tilespmem:s2+$0x12000]  }
0x157: {  	v11 =	vld [tilespmem:s6+$0x11800]  }
0x158: {  	s0 =	sor.u32 $0xB0, s0;
	v23 =	vld [tilespmem:s6+$0x12000]  }
0x159: {  	v25 =	vld [tilespmem:s0+$0x12000]  }
0x15a: {  	v12 =	vld [tilespmem:s0+$0x11800]  }
0x15b: {  	v1 =	vld.idx.msk [tilespmem:v8+s23+$0x0], $0xffff  }
0x15c: {  	v2 =	vld.idx.msk [tilespmem:v3+s3+$0x0], $0xffff  }
0x15d: {  	v4 =	vld.idx.msk [tilespmem:v7+s3+$0x0], $0xffff  }
0x15e: {  	v5 =	vld.idx.msk [tilespmem:v10+s23+$0x0], $0xffff;
	_ =	sdelay $0x1  }
0x15f: {  	v6 =	vld.idx.msk [tilespmem:v11+s3+$0x0], $0xffff  }
0x160: {  	v9 =	vld.idx.msk [tilespmem:v23+s23+$0x0], $0xffff  }
0x161: {  	v13 =	vld.idx.msk [tilespmem:v25+s23+$0x0], $0xffff;
	v1 =	vadd.f32 v1, v2  }
0x162: {  	v4 =	vadd.f32 v5, v4;
	v5 =	vld.idx.msk [tilespmem:v12+s3+$0x0], $0xffff  }
0x163: {  	p1 =	por !p1, !p1;
	s0 =	simm.s32 $0x1;
	v2 =	vmul.f32 $2.000000030e-01, v1  }
0x164: {  	s0 =	simm.s32 @!p1 $0x0;
	vm0 =	vgt.f32 v1, $0.0e+00  }
0x165: {  	s0 =	sshll.u32 s0, $0x6;
	v6 =	vadd.f32 v9, v6;
	v1 =	vsel vm0, v1, v2;
	v2 =	vmul.f32 $2.000000030e-01, v4  }
0x166: {  	s0 =	sadd.s32 $0x80, s0;
	vm0 =	vgt.f32 v4, $0.0e+00;
	v1 =	vmul.f32 $1.442695020e+00, v1  }
0x167: {  	s7 =	sor.u32 $0x80, s0;
	v5 =	vadd.f32 v13, v5;
	v2 =	vsel vm0, v4, v2;
	v4 =	vmul.f32 $2.000000030e-01, v6  }
0x168: {  	vm0 =	vgt.f32 v6, $0.0e+00;
	(erf) = vpow2.f32 v1;
	v2 =	vmul.f32 $1.442695020e+00, v2;
	v1 =	vld [tilespmem:s7+$0x12000]  }
0x169: {  	s26 =	sor.u32 $0xB0, s0;
	v13 =	vmul.f32 $2.000000030e-01, v5;
	v4 =	vsel vm0, v6, v4;
	v6 =	vld [tilespmem:s7+$0x11800]  }
0x16a: {  	s29 =	sor.u32 $0x90, s0;
	vm0 =	vgt.f32 v5, $0.0e+00;
	v9 =	vmul.f32 $1.442695020e+00, v4;
	(erf) = vpow2.f32 v2;
	v4 =	vld [tilespmem:s26+$0x11800]  }
0x16b: {  	s0 =	sor.u32 $0xA0, s0;
	v2 =	vshll.u32 v3, $0x1;
	v5 =	vsel vm0, v5, v13;
	v13 =	vand.u32 $0x7F, v3;
	v3 =	vld [tilespmem:s29+$0x12000]  }
0x16c: {  	v15 =	vmul.f32 $1.442695020e+00, v5;
	v5 =	vld [tilespmem:s0+$0x12000]  }
0x16d: {  	v14 =	vshll.u32 v7, $0x1;
	(erf) = vpow2.f32 v9;
	v9 =	vand.u32 $0xFFFFFF00, v2;
	v2 =	vld [tilespmem:s26+$0x12000]  }
0x16e: {  	v13 =	vor.u32 v13, v9;
	v9 =	vand.u32 $0xFFFFFF00, v14;
	v14 =	vand.u32 $0x7F, v7;
	v7 =	vld [tilespmem:s29+$0x11800]  }
0x16f: {  	v18 =	vor.u32 v14, v9;
	v14 =	vld [tilespmem:s0+$0x11800]  }
0x170: {  	v16 =	vshll.u32 v8, $0x1;
	v29 =	vld.idx.msk [tilespmem:v1+s23+$0x0], $0xffff  }
0x171: {  	v17 =	vshll.u32 v12, $0x1;
	v20 =	vand.u32 $0x7F, v8;
	v16 =	vand.u32 $0xFFFFFF00, v16;
	v19 =	vpop (erf);
	v24 =	vld.idx.msk [tilespmem:v6+s3+$0x0], $0xffff  }
0x172: {  	v22 =	vand.u32 $0xFFFFFF00, v17;
	v17 =	vshll.u32 v10, $0x1;
	v30 =	vor.u32 v20, v16;
	[tilespmem:v8+s22+$0x0] =	vst.idx.add.f32.msk $0xffff, v19  }
0x173: {  	v20 =	vand.u32 $0xFFFFFF00, v17;
	v17 =	vshll.u32 v11, $0x1;
	(erf) = vpow2.f32 v15;
	v15 =	vld.idx.msk [tilespmem:v13+s24+$0x0], $0xffff  }
0x174: {  	v17 =	vand.u32 $0xFFFFFF00, v17;
	v11 =	vand.u32 $0x7F, v11;
	v9 =	vpop (erf);
	v32 =	vld.idx.msk [tilespmem:v5+s23+$0x0], $0xffff  }
0x175: {  	v33 =	vor.u32 v11, v17;
	[tilespmem:v10+s22+$0x0] =	vst.idx.add.f32.msk $0xffff, v9  }
0x176: {  	v27 =	vshll.u32 v23, $0x1;
	v21 =	vld.idx.msk [tilespmem:v2+s23+$0x0], $0xffff  }
0x177: {  	v27 =	vand.u32 $0xFFFFFF00, v27;
	v16 =	vshll.u32 v25, $0x1;
	v12 =	vand.u32 $0x7F, v12;
	v26 =	vld.idx.msk [tilespmem:v18+s24+$0x0], $0xffff;
	v8 =	vpop (erf)  }
0x178: {  	v36 =	vand.u32 $0xFFFFFF00, v16;
	v37 =	vor.u32 v12, v22;
	v12 =	vshll.u32 v4, $0x1;
	[tilespmem:v23+s22+$0x0] =	vst.idx.add.f32.msk $0xffff, v8  }
0x179: {  	v28 =	vor.u32 $0x80, v13;
	v41 =	vor.u32 $0x80, v18;
	v12 =	vand.u32 $0xFFFFFF00, v12;
	v34 =	vld.idx.msk [tilespmem:v14+s3+$0x0], $0xffff  }
0x17a: {  	v31 =	vshll.u32 v5, $0x1;
	v23 =	vand.u32 $0x7F, v23;
	v39 =	vld.idx.msk [tilespmem:v33+s24+$0x0], $0xffff;
	v11 =	vmul.f32 v19, v15  }
0x17b: {  	v10 =	vand.u32 $0x7F, v10;
	v23 =	vor.u32 v23, v27;
	v27 =	vor.u32 $0x80, v33;
	v33 =	vld.idx.msk [tilespmem:v4+s3+$0x0], $0xffff  }
0x17c: {  	v13 =	vshll.u32 v2, $0x1;
	v22 =	vor.u32 v10, v20;
	v20 =	vshll.u32 v7, $0x1;
	v17 =	vpop (erf);
	[tilespmem:v30+s8+$0x0] =	vst.idx.add.f32.msk $0xffff, v11  }
0x17d: {  	v10 =	vand.u32 $0xFFFFFF00, v13;
	v18 =	vand.u32 $0xFFFFFF00, v20;
	v15 =	vshll.u32 v6, $0x1;
	[tilespmem:v25+s22+$0x0] =	vst.idx.add.f32.msk $0xffff, v17  }
0x17e: {  	v16 =	vand.u32 $0xFFFFFF00, v15;
	v15 =	vshll.u32 v3, $0x1;
	v11 =	vshll.u32 v1, $0x1;
	v40 =	vld.idx.msk [tilespmem:v37+s24+$0x0], $0xffff  }
0x17f: {  	v13 =	vand.u32 $0xFFFFFF00, v15;
	v15 =	vand.u32 $0xFFFFFF00, v31;
	v31 =	vshll.u32 v14, $0x1;
	v28 =	vld.idx.msk [tilespmem:v28+s24+$0x0], $0xffff  }
0x180: {  	v26 =	vmul.f32 v9, v26;
	v20 =	vand.u32 $0xFFFFFF00, v31;
	v31 =	vld.idx.msk [tilespmem:v7+s3+$0x0], $0xffff;
	v25 =	vand.u32 $0x7F, v25  }
0x181: {  	v30 =	vor.u32 $0x80, v30;
	v35 =	vadd.f32 v32, v34;
	v34 =	vld.idx.msk [tilespmem:v3+s23+$0x0], $0xffff;
	v25 =	vor.u32 v25, v36  }
0x182: {  	v11 =	vand.u32 $0xFFFFFF00, v11;
	v32 =	vor.u32 $0x80, v37;
	[tilespmem:v22+s8+$0x0] =	vst.idx.add.f32.msk $0xffff, v26;
	v37 =	vmul.f32 v8, v39  }
0x183: {  	s28 =	simm.s32 $0x80;
	p1 =	por !p1, !p1;
	s26 =	simm.s32 $0x4;
	v38 =	vmul.f32 $2.000000030e-01, v35;
	vm0 =	vgt.f32 v35, $0.0e+00;
	v26 =	vld.idx.msk [tilespmem:v41+s24+$0x0], $0xffff;
	v36 =	vmul.f32 v17, v40  }
.LBB2_7:
0x184: {  	s0 =	simm.s32 $0x1  }
0x185: {  	s26 =	sadd.s32 $0x4, s26;
	v24 =	vadd.f32 v29, v24;
	[tilespmem:v23+s8+$0x0] =	vst.idx.add.f32.msk $0xffff, v37;
	v19 =	vmul.f32 v19, v28;
	s0 =	simm.s32 @!p1 $0x0  }
0x186: {  	v28 =	vsel vm0, v35, v38;
	s28 =	sadd.s32 $0x80, s28;
	p2 =	slt.u32 s26, $0x3C;
	s0 =	sshll.u32 s0, $0x6;
	[tilespmem:v25+s8+$0x0] =	vst.idx.add.f32.msk $0xffff, v36  }
0x187: {  	v31 =	vadd.f32 v34, v31;
	v28 =	vmul.f32 $1.442695020e+00, v28;
	v29 =	vmul.f32 $2.000000030e-01, v24;
	s0 =	sadd.s32 s0, s28;
	v32 =	vld.idx.msk [tilespmem:v32+s24+$0x0], $0xffff  }
0x188: {  	v22 =	vor.u32 $0x80, v22;
	vm0 =	vgt.f32 v24, $0.0e+00;
	s1 =	sor.u32 $0x80, s0;
	s2 =	sor.u32 $0xB0, s0;
	[tilespmem:v30+s8+$0x0] =	vst.idx.add.f32.msk $0xffff, v19;
	v19 =	vor.u32 $0x80, v25  }
0x189: {  	v24 =	vsel vm0, v24, v29;
	v25 =	vmul.f32 $2.000000030e-01, v31;
	(erf) = vpow2.f32 v28;
	v27 =	vld.idx.msk [tilespmem:v27+s24+$0x0], $0xffff  }
0x18a: {  	s6 =	sor.u32 $0x90, s0;
	vm0 =	vgt.f32 v31, $0.0e+00;
	v9 =	vmul.f32 v9, v26;
	v24 =	vmul.f32 $1.442695020e+00, v24;
	v28 =	vld [tilespmem:s1+$0x12000]  }
0x18b: {  	v21 =	vadd.f32 v21, v33;
	v25 =	vsel vm0, v31, v25;
	v26 =	vld [tilespmem:s2+$0x11800]  }
0x18c: {  	v23 =	vor.u32 $0x80, v23;
	s0 =	sor.u32 $0xA0, s0;
	v25 =	vmul.f32 $1.442695020e+00, v25;
	v29 =	vld [tilespmem:s1+$0x11800];
	(erf) = vpow2.f32 v24  }
0x18d: {  	v24 =	vmul.f32 $2.000000030e-01, v21;
	[tilespmem:v22+s8+$0x0] =	vst.idx.add.f32.msk $0xffff, v9;
	v9 =	vmul.f32 v17, v32  }
0x18e: {  	vm0 =	vgt.f32 v21, $0.0e+00;
	v30 =	vld [tilespmem:s2+$0x12000]  }
0x18f: {  	v17 =	vsel vm0, v21, v24;
	v8 =	vmul.f32 v8, v27;
	(erf) = vpow2.f32 v25;
	[tilespmem:v19+s8+$0x0] =	vst.idx.add.f32.msk $0xffff, v9  }
0x190: {  	v14 =	vand.u32 $0x7F, v14;
	v17 =	vmul.f32 $1.442695020e+00, v17;
	v25 =	vld [tilespmem:s6+$0x12000];
	v9 =	vshll.u32 v26, $0x1  }
0x191: {  	v31 =	vor.u32 v14, v20;
	v21 =	vshll.u32 v29, $0x1;
	v22 =	vld [tilespmem:s0+$0x12000];
	v27 =	vand.u32 $0xFFFFFF00, v9  }
0x192: {  	v20 =	vand.u32 $0x7F, v6;
	v14 =	vshll.u32 v28, $0x1;
	v9 =	vand.u32 $0xFFFFFF00, v21;
	v19 =	vpop (erf);
	[tilespmem:v23+s8+$0x0] =	vst.idx.add.f32.msk $0xffff, v8  }
0x193: {  	v33 =	vor.u32 v20, v16;
	v6 =	vmovc v29;
	v23 =	vand.u32 $0xFFFFFF00, v14;
	v32 =	vld [tilespmem:s6+$0x11800];
	(erf) = vpow2.f32 v17;
	v16 =	vmovc v9  }
0x194: {  	v8 =	vshll.u32 v30, $0x1;
	[tilespmem:v5+s22+$0x0] =	vst.idx.add.f32.msk $0xffff, v19  }
0x195: {  	v36 =	vand.u32 $0xFFFFFF00, v8;
	v17 =	vshll.u32 v25, $0x1;
	v14 =	vld [tilespmem:s0+$0x11800];
	v9 =	vpop (erf)  }
0x196: {  	v37 =	vand.u32 $0xFFFFFF00, v17;
	v29 =	vshll.u32 v22, $0x1;
	v17 =	vld.idx.msk [tilespmem:v31+s24+$0x0], $0xffff  }
0x197: {  	v20 =	vand.u32 $0xFFFFFF00, v29;
	[tilespmem:v1+s22+$0x0] =	vst.idx.add.f32.msk $0xffff, v9  }
0x198: {  	v24 =	vand.u32 $0x7F, v5;
	v5 =	vmov v22;
	v21 =	vshll.u32 v32, $0x1;
	v34 =	vld.idx.msk [tilespmem:v33+s24+$0x0], $0xffff;
	v8 =	vpop (erf)  }
0x199: {  	v38 =	vor.u32 v24, v15;
	v15 =	vmov v20;
	v29 =	vand.u32 $0xFFFFFF00, v21;
	[tilespmem:v3+s22+$0x0] =	vst.idx.add.f32.msk $0xffff, v8  }
0x19a: {  	v24 =	vld.idx.msk [tilespmem:v6+s3+$0x0], $0xffff;
	v20 =	vshll.u32 v14, $0x1  }
0x19b: {  	v35 =	vand.u32 $0x7F, v7;
	v7 =	vmov v32;
	v20 =	vand.u32 $0xFFFFFF00, v20;
	v21 =	vld.idx.msk [tilespmem:v30+s23+$0x0], $0xffff  }
0x19c: {  	v39 =	vor.u32 v35, v18;
	v35 =	vand.u32 $0x7F, v4;
	v32 =	vld.idx.msk [tilespmem:v22+s23+$0x0], $0xffff;
	v22 =	vmul.f32 v19, v17;
	v17 =	vpop (erf)  }
0x19d: {  	v40 =	vor.u32 v35, v12;
	v4 =	vmovc v26;
	v12 =	vmov v27;
	v18 =	vmov v29;
	[tilespmem:v2+s22+$0x0] =	vst.idx.add.f32.msk $0xffff, v17  }
0x19e: {  	v26 =	vor.u32 $0x80, v31;
	[tilespmem:v38+s8+$0x0] =	vst.idx.add.f32.msk $0xffff, v22  }
0x19f: {  	v27 =	vld.idx.msk [tilespmem:v14+s3+$0x0], $0xffff  }
0x1a0: {  	v22 =	vand.u32 $0x7F, v1;
	v1 =	vmov v28;
	v29 =	vld.idx.msk [tilespmem:v28+s23+$0x0], $0xffff  }
0x1a1: {  	v22 =	vor.u32 v22, v11;
	v11 =	vmov v23;
	v41 =	vld.idx.msk [tilespmem:v39+s24+$0x0], $0xffff  }
0x1a2: {  	v42 =	vld.idx.msk [tilespmem:v40+s24+$0x0], $0xffff  }
0x1a3: {  	v43 =	vor.u32 $0x80, v33;
	v23 =	vand.u32 $0x7F, v3;
	v3 =	vmov v25;
	v28 =	vld.idx.msk [tilespmem:v26+s24+$0x0], $0xffff  }
.Ltmp4:
0x1a4: {  	v33 =	vand.u32 $0x7F, v2;
	v2 =	vmovc v30;
	v23 =	vor.u32 v23, v13;
	v26 =	vmul.f32 v9, v34;
	v31 =	vld.idx.msk [tilespmem:v7+s3+$0x0], $0xffff;
	(pc) =	sbr.rel @p2 .LBB2_7-.Ltmp4, $4  }
0x1a5: {  	v13 =	vmovc v37;
	v35 =	vadd.f32 v32, v27;
	v34 =	vld.idx.msk [tilespmem:v25+s23+$0x0], $0xffff;
	v25 =	vor.u32 v33, v10;
	v10 =	vmov v36  }
0x1a6: {  	v30 =	vor.u32 $0x80, v38;
	v27 =	vor.u32 $0x80, v39;
	v32 =	vor.u32 $0x80, v40;
	[tilespmem:v22+s8+$0x0] =	vst.idx.add.f32.msk $0xffff, v26  }
0x1a7: {  	vm0 =	vgt.f32 v35, $0.0e+00;
	v38 =	vmul.f32 $2.000000030e-01, v35;
	v37 =	vmul.f32 v8, v41;
	v33 =	vld.idx.msk [tilespmem:v4+s3+$0x0], $0xffff  }
0x1a8: {  	p1 =	por !p1, !p1;
	v36 =	vmul.f32 v17, v42;
	v26 =	vld.idx.msk [tilespmem:v43+s24+$0x0], $0xffff  }
0x1a9: {  	v24 =	vadd.f32 v29, v24;
	_ =	sdelay $0x1  }
0x1aa: {  	v43 =	vsel vm0, v35, v38;
	v31 =	vadd.f32 v34, v31;
	v44 =	vmul.f32 $2.000000030e-01, v24  }
0x1ab: {  	v29 =	vmul.f32 $1.442695020e+00, v43;
	vm13 =	vgt.f32 v24, $0.0e+00  }
0x1ac: {  	v21 =	vadd.f32 v21, v33;
	v45 =	vmul.f32 $2.000000030e-01, v31;
	v24 =	vsel vm13, v24, v44  }
0x1ad: {  	(erf) = vpow2.f32 v29;
	vm14 =	vgt.f32 v31, $0.0e+00;
	v24 =	vmul.f32 $1.442695020e+00, v24  }
0x1ae: {  	v46 =	vmul.f32 $2.000000030e-01, v21;
	v31 =	vsel vm14, v31, v45  }
0x1af: {  	vm15 =	vgt.f32 v21, $0.0e+00;
	v31 =	vmul.f32 $1.442695020e+00, v31;
	(erf) = vpow2.f32 v24  }
0x1b0: {  	v21 =	vsel vm15, v21, v46  }
0x1b1: {  	v21 =	vmul.f32 $1.442695020e+00, v21;
	(erf) = vpow2.f32 v31  }
0x1b2: {  	v14 =	vand.u32 $0x7F, v14;
	[tilespmem:v23+s8+$0x0] =	vst.idx.add.f32.msk $0xffff, v37  }
0x1b3: {  	v14 =	vor.u32 v14, v20;
	[tilespmem:v25+s8+$0x0] =	vst.idx.add.f32.msk $0xffff, v36;
	(erf) = vpow2.f32 v21  }
0x1b4: {  	v19 =	vmul.f32 v19, v28;
	v6 =	vand.u32 $0x7F, v6;
	v27 =	vld.idx.msk [tilespmem:v27+s24+$0x0], $0xffff  }
0x1b5: {  	v6 =	vor.u32 v6, v16;
	v47 =	vld.idx.msk [tilespmem:v32+s24+$0x0], $0xffff  }
0x1b6: {  	v7 =	vand.u32 $0x7F, v7;
	[tilespmem:v30+s8+$0x0] =	vst.idx.add.f32.msk $0xffff, v19;
	v48 =	vpop (erf)  }
0x1b7: {  	v7 =	vor.u32 v7, v18;
	[tilespmem:v5+s22+$0x0] =	vst.idx.add.f32.msk $0xffff, v48  }
0x1b8: {  	v4 =	vand.u32 $0x7F, v4;
	v50 =	vld.idx.msk [tilespmem:v14+s24+$0x0], $0xffff;
	v49 =	vpop (erf)  }
0x1b9: {  	v52 =	vand.u32 $0x7F, v5;
	v4 =	vor.u32 v4, v12;
	[tilespmem:v1+s22+$0x0] =	vst.idx.add.f32.msk $0xffff, v49  }
0x1ba: {  	v5 =	vor.u32 v52, v15;
	v53 =	vpop (erf);
	v51 =	vld.idx.msk [tilespmem:v6+s24+$0x0], $0xffff  }
0x1bb: {  	v14 =	vor.u32 $0x80, v14;
	v1 =	vand.u32 $0x7F, v1;
	[tilespmem:v3+s22+$0x0] =	vst.idx.add.f32.msk $0xffff, v53  }
0x1bc: {  	v1 =	vor.u32 v1, v11;
	v54 =	vpop (erf);
	v55 =	vld.idx.msk [tilespmem:v7+s24+$0x0], $0xffff  }
0x1bd: {  	v6 =	vor.u32 $0x80, v6;
	v3 =	vand.u32 $0x7F, v3;
	v21 =	vmul.f32 v48, v50;
	[tilespmem:v2+s22+$0x0] =	vst.idx.add.f32.msk $0xffff, v54  }
0x1be: {  	v3 =	vor.u32 v3, v13;
	v56 =	vld.idx.msk [tilespmem:v4+s24+$0x0], $0xffff  }
0x1bf: {  	v7 =	vor.u32 $0x80, v7;
	v2 =	vand.u32 $0x7F, v2;
	[tilespmem:v5+s8+$0x0] =	vst.idx.add.f32.msk $0xffff, v21;
	v12 =	vmul.f32 v49, v51  }
0x1c0: {  	v2 =	vor.u32 v2, v10;
	v57 =	vld.idx.msk [tilespmem:v14+s24+$0x0], $0xffff  }
0x1c1: {  	v4 =	vor.u32 $0x80, v4;
	v11 =	vmul.f32 v53, v55;
	[tilespmem:v1+s8+$0x0] =	vst.idx.add.f32.msk $0xffff, v12  }
0x1c2: {  	v58 =	vor.u32 $0x80, v22;
	v6 =	vld.idx.msk [tilespmem:v6+s24+$0x0], $0xffff  }
0x1c3: {  	v61 =	vor.u32 $0x80, v23;
	v59 =	vmul.f32 v54, v56;
	[tilespmem:v3+s8+$0x0] =	vst.idx.add.f32.msk $0xffff, v11  }
0x1c4: {  	v60 =	vor.u32 $0x80, v25;
	v7 =	vld.idx.msk [tilespmem:v7+s24+$0x0], $0xffff  }
0x1c5: {  	v9 =	vmul.f32 v9, v26;
	v1 =	vor.u32 $0x80, v1;
	[tilespmem:v2+s8+$0x0] =	vst.idx.add.f32.msk $0xffff, v59  }
0x1c6: {  	v8 =	vmul.f32 v8, v27;
	v5 =	vor.u32 $0x80, v5;
	v4 =	vld.idx.msk [tilespmem:v4+s24+$0x0], $0xffff  }
0x1c7: {  	[tilespmem:v58+s8+$0x0] =	vst.idx.add.f32.msk $0xffff, v9;
	v62 =	vmul.f32 v17, v47;
	v3 =	vor.u32 $0x80, v3  }
0x1c8: {  	[tilespmem:v61+s8+$0x0] =	vst.idx.add.f32.msk $0xffff, v8;
	v2 =	vor.u32 $0x80, v2;
	v6 =	vmul.f32 v49, v6  }
.Ltmp5:
0x1c9: {  	[tilespmem:v60+s8+$0x0] =	vst.idx.add.f32.msk $0xffff, v62;
	v63 =	vmul.f32 v48, v57;
	(pc) =	sbr.rel @p0 .LBB2_10-.Ltmp5, $4  }
0x1ca: {  	[tilespmem:v1+s8+$0x0] =	vst.idx.add.f32.msk $0xffff, v6;
	v1 =	vmul.f32 v53, v7  }
0x1cb: {  	[tilespmem:v5+s8+$0x0] =	vst.idx.add.f32.msk $0xffff, v63;
	v4 =	vmul.f32 v54, v4  }
0x1cc: {  	[tilespmem:v3+s8+$0x0] =	vst.idx.add.f32.msk $0xffff, v1  }
0x1cd: {  	[tilespmem:v2+s8+$0x0] =	vst.idx.add.f32.msk $0xffff, v4  }
0x1ce: {  	s0 =	sadd.s32 s25, s13  }
0x1cf: {  	s0 =	sshrl.u32 s0, $0x3  }
0x1d0: {  	s1 =	sadd.s32 s4, s0  }
0x1d1: {  	[tilespmem:s14], [sflag:$0x3] =	stream.linear.gather [hbm4b:s1+s3], $0x80, $0x38;
	[tilespmem:$0x12800] =	vst v63  }
0x1d2: {  	s2 =	sadd.s32 $0x10, s1  }
0x1d3: {  	[tilespmem:s30], [sflag:$0x3] =	stream.linear.gather [hbm4b:s2+s3], $0x80, $0x38;
	[tilespmem:$0x12800] =	vst v63  }
0x1d4: {  	s6 =	sadd.s32 $0x20, s1  }
0x1d5: {  	[tilespmem:s31], [sflag:$0x3] =	stream.linear.gather [hbm4b:s6+s3], $0x80, $0x38;
	[tilespmem:$0x12800] =	vst v63  }
0x1d6: {  	s7 =	sadd.s32 $0x30, s1;
	s6 =	simm.s32 $0x11B80  }
0x1d7: {  	[tilespmem:s6], [sflag:$0x3] =	stream.linear.gather [hbm4b:s7+s3], $0x80, $0x38;
	[tilespmem:$0x12800] =	vst v63  }
0x1d8: {  	s26 =	simm.s32 $0x11C80;
	s25 =	sadd.s32 $0x40, s1  }
0x1d9: {  	[tilespmem:s26], [sflag:$0x3] =	stream.linear.gather [hbm4b:s25+s3], $0x80, $0x38;
	[tilespmem:$0x12800] =	vst v63  }
0x1da: {  	s29 =	simm.s32 $0x11D80;
	s28 =	sadd.s32 $0x50, s1  }
0x1db: {  	[tilespmem:s29], [sflag:$0x3] =	stream.linear.gather [hbm4b:s28+s3], $0x80, $0x38;
	[tilespmem:$0x12800] =	vst v63  }
0x1dc: {  	s6 =	sadd.s32 $0x60, s1;
	s7 =	simm.s32 $0x11E80  }
0x1dd: {  	[tilespmem:s7], [sflag:$0x3] =	stream.linear.gather [hbm4b:s6+s3], $0x80, $0x38;
	[tilespmem:$0x12800] =	vst v63  }
0x1de: {  	s1 =	sadd.s32 $0x70, s1;
	s25 =	simm.s32 $0x11F80  }
0x1df: {  	[tilespmem:s25], [sflag:$0x3] =	stream.linear.gather [hbm4b:s1+s3], $0x80, $0x38;
	[tilespmem:$0x12800] =	vst v63  }
0x1e0: {  	s0 =	sadd.s32 s5, s0;
	s26 =	simm.s32 $0x12080  }
0x1e1: {  	[tilespmem:s26], [sflag:$0x5] =	stream.linear.gather [hbm4b:s0+s3], $0x80, $0x38;
	[tilespmem:$0x12800] =	vst v63  }
0x1e2: {  	s28 =	sadd.s32 $0x10, s0;
	s29 =	simm.s32 $0x12180  }
0x1e3: {  	[tilespmem:s29], [sflag:$0x5] =	stream.linear.gather [hbm4b:s28+s3], $0x80, $0x38;
	[tilespmem:$0x12800] =	vst v63  }
0x1e4: {  	s2 =	sadd.s32 $0x20, s0;
	s6 =	simm.s32 $0x12280  }
0x1e5: {  	[tilespmem:s6], [sflag:$0x5] =	stream.linear.gather [hbm4b:s2+s3], $0x80, $0x38;
	[tilespmem:$0x12800] =	vst v63  }
0x1e6: {  	s7 =	sadd.s32 $0x30, s0;
	s25 =	simm.s32 $0x12380  }
0x1e7: {  	[tilespmem:s25], [sflag:$0x5] =	stream.linear.gather [hbm4b:s7+s3], $0x80, $0x38;
	[tilespmem:$0x12800] =	vst v63  }
0x1e8: {  	s26 =	sadd.s32 $0x40, s0  }
0x1e9: {  	[tilespmem:s15], [sflag:$0x5] =	stream.linear.gather [hbm4b:s26+s3], $0x80, $0x38;
	[tilespmem:$0x12800] =	vst v63  }
0x1ea: {  	s28 =	sadd.s32 $0x50, s0  }
0x1eb: {  	[tilespmem:s16], [sflag:$0x5] =	stream.linear.gather [hbm4b:s28+s3], $0x80, $0x38;
	[tilespmem:$0x12800] =	vst v63  }
.Ltmp6:
0x1ec: {  	_ = 	snop;
	(pc) =	sbr.rel .LBB2_4-.Ltmp6, $4  }
0x1ed: {  	s29 =	sadd.s32 $0x60, s0  }
0x1ee: {  	[tilespmem:s17], [sflag:$0x5] =	stream.linear.gather [hbm4b:s29+s3], $0x80, $0x38;
	[tilespmem:$0x12800] =	vst v63  }
0x1ef: {  	s11 =	sadd.s32 $0x1, s11;
	s0 =	sadd.s32 $0x70, s0  }
0x1f0: {  	[tilespmem:s18], [sflag:$0x5] =	stream.linear.gather [hbm4b:s0+s3], $0x80, $0x38;
	[tilespmem:$0x12800] =	vst v63  }
.LBB2_11:
0x1f1: {  	_ =	sfence.sel $0x180000  }
0x1f2: {  	[bflag:$0x0] =	sbarrier.arrive $0xFFFF  }
0x1f3: {  	_ =	strace $0x9000004A  }
0x1f4: {  	s0 =	stileid.u32;
	[bflag:$0x2] =	sbarrier.arrive $0xFFFF  }
0x1f5: {  	p0 =	sne.s32 s0, $0x0;
	s0 =	rddreg [dreg:$0x2]  }
0x1f6: {  	s0 =	sadd.s32 @!p0 $0x100000, s0  }
0x1f7: {  	[sflag:s0] =	ssyncadd.tile.s32 @!p0 $0x1;
	_ =	shalt  }
.Lfunc_end2:
_tile_overlayer_lowered:
.L_overlay_start_2:
0x1f8: {  	(tag) =	ssettag $0x2  }
0x1f9: {  	s0 =	rddreg [dreg:$0x0];
	s2 =	stileid.u32  }
0x1fa: {  	s1 =	rddreg [dreg:$0x1];
	p0 =	sne.s32 s2, $0x0  }
0x1fb: {  	s3 =	rddreg [dreg:$0x2];
	[bflag:$0x3] =	sbarrier.arrive $0xFFFF;
	s2 =	simm.s32 @!p0 $0x1C06  }
0x1fc: {  	[timem:s3], [sflag:s2] =	dma.local @!p0 [hbm:s0], s1  }
0x1fd: {  	s0 =	simm.s32 @!p0 $0x6  }
0x1fe: {  	_ =	swait.ge @!p0 [sflag:s0], s1  }
0x1ff: {  	s1 =	ssub.s32 @!p0 $0x0, s1;
	[sflag:s0] =	ssyncset.done @!p0 $0x0  }
0x200: {  	[sflag:s0] =	ssyncadd.s32 @!p0 s1  }
0x201: {  	[bflag:$0x3] =	sbarrier.arrive $0xFFFF  }
0x202: {  	_ =	shalt  }

// kernel: kernel.7.cloned.1.call-start
scs
__scs_entry_jumppad:
0x0: {  	(pc) =	sbr.rel $0x88, $3  }
0x1: {  	(tag) =	ssettag $0x0;
	lr =	simm.s32 $0x1  }
0x2: {  	[smem:$0x3F97] =	sst lr;
	_ =	strace $0xD0000000  }
0x3: {  	_ = 	snop  }
0x4: {  	_ = 	snop  }
0x5: {  	_ = 	snop  }
0x6: {  	_ = 	snop  }
0x7: {  	_ = 	snop  }
__scs_overlays_trampoline_lowered:
0x8: {  	[smem:$0x3FA6] =	sst s0  }
0x9: {  	[smem:$0x3FA7] =	sst s1  }
0xa: {  	[smem:$0x3FA8] =	sst s2  }
0xb: {  	[smem:$0x3FA9] =	sst s3  }
0xc: {  	[smem:$0x3FAA] =	sst s4  }
0xd: {  	[smem:$0x3FAB] =	sst s5  }
0xe: {  	[smem:$0x3FAC] =	sst s6  }
0xf: {  	[smem:$0x3FAD] =	sst s7  }
0x10: {  	[smem:$0x3FAE] =	sst s8  }
0x11: {  	[smem:$0x3FAF] =	sst s9;
	s0 =	simm.s32 @!p0 $0x0  }
0x12: {  	s1 =	sld [smem:$0x3F95];
	s0 =	simm.s32 @p0 $0x1  }
0x13: {  	[smem:$0x3FB0] =	sst s0;
	s0 =	simm.s32 @!p1 $0x0  }
0x14: {  	s2 =	sld [smem:$0x3F94];
	s0 =	simm.s32 @p1 $0x1  }
0x15: {  	[smem:$0x3FB1] =	sst s0;
	s0 =	simm.s32 @!p2 $0x0  }
0x16: {  	s3 =	sld [smem:$0x3FDB];
	s0 =	simm.s32 @p2 $0x1  }
0x17: {  	s4 =	simm.s32 $0x1BF5;
	[smem:$0x3FB3] =	sst s0  }
0x18: {  	s0 =	sld [smem:$0x3F96];
	_ =	swait.ge [sflag:s4], $0x0  }
0x19: {  	s7 =	sld [smem:$0x3F97]  }
0x1a: {  	s8 =	sadd.s32 $0xFFFFE003, lr  }
0x1b: {  	s9 =	sadd.s32 $0xFFFFFEF7, lr;
	s5 =	simm.s32 $0xFFFFFFFF;
	p2 =	slt.u32 s8, $0xFFFFF086  }
0x1c: {  	p1 =	slt.u32 s9, $0xF7A;
	s5 =	simm.s32 @!p2 $0x0  }
0x1d: {  	s5 =	simm.s32 @p1 $0x1;
	p0 =	seq.s32 s7, s2  }
0x1e: {  	s7 =	smul.u32 @!p0 $0xF7A, s2;
	p2 =	seq.s32 @!p0 s5, $0x0  }
0x1f: {  	s9 =	smul.u32 $0xF7A, s1;
	s8 =	simm.s32 @!p0 $0x1BF5;
	p2 =	por !p2, p0  }
0x20: {  	[sflag:s8] =	ssyncset.s32 @!p0 $0xFFFFF086;
	s6 =	sadd.s32 @!p0 s3, s7;
	s7 =	simm.s32 @!p0 $0x108  }
0x21: {  	s3 =	sadd.s32 s3, s9;
	s6 =	sadd.s32 @!p0 $0x88, s6;
	s7 =	simm.s32 @p2 $0x1082  }
0x22: {  	[simem:s7], [sflag:s8] =	dma.local @!p0 [hbm:s6], $0xF7A  }
0x23: {  	s9 =	sor.u32 $0xD0000000, s2;
	s6 =	simm.s32 $0x108;
	_ =	swait.ge @!p0 [sflag:s8], $0x0  }
0x24: {  	s3 =	sadd.s32 $0x88, s3;
	s6 =	simm.s32 @!p1 $0x1082;
	[sflag:s4] =	ssyncset.s32 $0xFFFFF086  }
0x25: {  	[simem:s6], [sflag:s4] =	dma.local [hbm:s3], $0xF7A  }
0x26: {  	[smem:$0x3F97] =	sst s1;
	(tag) =	ssettag s2;
	_ =	strace s9  }
0x27: {  	s1 =	sld [smem:$0x3FA7]  }
0x28: {  	s2 =	sld [smem:$0x3FA8]  }
0x29: {  	s4 =	sld [smem:$0x3FAA]  }
0x2a: {  	p0 =	seq.s32 s5, $0x0;
	s5 =	sld [smem:$0x3FAB]  }
0x2b: {  	s6 =	sld [smem:$0x3FAC]  }
0x2c: {  	s7 =	sld [smem:$0x3FAD]  }
0x2d: {  	s3 =	simm.s32 $0x108;
	s8 =	sld [smem:$0x3FAE]  }
0x2e: {  	s3 =	simm.s32 @!p0 $0x1082;
	s9 =	sld [smem:$0x3FAF]  }
0x2f: {  	lr =	sadd.s32 s0, s3;
	s0 =	sld [smem:$0x3FA6]  }
0x30: {  	s3 =	sld [smem:$0x3FA9]  }
0x31: {  	[smem:$0x3FB2] =	sst s10  }
0x32: {  	s10 =	sld [smem:$0x3FB0];
	_ =	sdelay $0x3  }
0x33: {  	p0 =	seq.s32 s10, $0x1;
	s10 =	sld [smem:$0x3FB2];
	_ =	sdelay $0x3  }
0x34: {  	[smem:$0x3FB2] =	sst s10  }
0x35: {  	s10 =	sld [smem:$0x3FB1];
	_ =	sdelay $0x3  }
0x36: {  	p1 =	seq.s32 s10, $0x1;
	s10 =	sld [smem:$0x3FB2];
	_ =	sdelay $0x3  }
0x37: {  	[smem:$0x3FB2] =	sst s10  }
0x38: {  	s10 =	sld [smem:$0x3FB3]  }
0x39: {  	_ = 	snop;
	(pc) =	sbr.ind lr, $3  }
0x3a: {  	_ = 	snop  }
0x3b: {  	_ = 	snop  }
0x3c: {  	p2 =	seq.s32 s10, $0x1;
	s10 =	sld [smem:$0x3FB2]  }
0x3d: {  	_ =	shalt  }
0x3e: {  	_ =	shalt  }
0x3f: {  	_ =	shalt  }
0x40: {  	_ =	shalt  }
0x41: {  	_ =	shalt  }
0x42: {  	_ =	shalt  }
0x43: {  	_ =	shalt  }
0x44: {  	_ =	shalt  }
0x45: {  	_ =	shalt  }
0x46: {  	_ =	shalt  }
0x47: {  	_ =	shalt  }
0x48: {  	_ =	shalt  }
0x49: {  	_ =	shalt  }
0x4a: {  	_ =	shalt  }
0x4b: {  	_ =	shalt  }
0x4c: {  	_ =	shalt  }
0x4d: {  	_ =	shalt  }
0x4e: {  	_ =	shalt  }
0x4f: {  	_ =	shalt  }
0x50: {  	_ =	shalt  }
0x51: {  	_ =	shalt  }
0x52: {  	_ =	shalt  }
0x53: {  	_ =	shalt  }
0x54: {  	_ =	shalt  }
0x55: {  	_ =	shalt  }
0x56: {  	_ =	shalt  }
0x57: {  	_ =	shalt  }
0x58: {  	_ =	shalt  }
0x59: {  	_ =	shalt  }
0x5a: {  	_ =	shalt  }
0x5b: {  	_ =	shalt  }
0x5c: {  	_ =	shalt  }
0x5d: {  	_ =	shalt  }
0x5e: {  	_ =	shalt  }
0x5f: {  	_ =	shalt  }
0x60: {  	_ =	shalt  }
0x61: {  	_ =	shalt  }
0x62: {  	_ =	shalt  }
0x63: {  	_ =	shalt  }
0x64: {  	_ =	shalt  }
0x65: {  	_ =	shalt  }
0x66: {  	_ =	shalt  }
0x67: {  	_ =	shalt  }
0x68: {  	_ =	shalt  }
0x69: {  	_ =	shalt  }
0x6a: {  	_ =	shalt  }
0x6b: {  	_ =	shalt  }
0x6c: {  	_ =	shalt  }
0x6d: {  	_ =	shalt  }
0x6e: {  	_ =	shalt  }
0x6f: {  	_ =	shalt  }
0x70: {  	_ =	shalt  }
0x71: {  	_ =	shalt  }
0x72: {  	_ =	shalt  }
0x73: {  	_ =	shalt  }
0x74: {  	_ =	shalt  }
0x75: {  	_ =	shalt  }
0x76: {  	_ =	shalt  }
0x77: {  	_ =	shalt  }
0x78: {  	_ =	shalt  }
0x79: {  	_ =	shalt  }
0x7a: {  	_ =	shalt  }
0x7b: {  	_ =	shalt  }
0x7c: {  	_ =	shalt  }
0x7d: {  	_ =	shalt  }
0x7e: {  	_ =	shalt  }
0x7f: {  	_ =	shalt  }
0x80: {  	_ =	shalt  }
0x81: {  	_ =	shalt  }
0x82: {  	_ =	shalt  }
0x83: {  	_ =	shalt  }
0x84: {  	_ =	shalt  }
0x85: {  	_ =	shalt  }
0x86: {  	_ =	shalt  }
0x87: {  	_ =	shalt  }
.Lfunc_end0:
.L_simem_size_0:
called_computation_lowered:
.L_overlay_start_0:
0x88: {  	s2 =	sld [smem:$0x3FD9]  }
0x89: {  	s3 =	sld [smem:$0x3FFE];
	_ =	sdelay $0x1  }
0x8a: {  	s1 =	srdreg.scid  }
0x8b: {  	s0 =	sand.u32 $0x1, s1  }
0x8c: {  	s17 =	sshll.u32 s0, $0xA;
	s2 =	sadd.s32 s3, s2  }
0x8d: {  	s2 =	sadd.s32 s2, s17  }
0x8e: {  	[smem:$0x3FBE] =	sst s2  }
0x8f: {  	_ = 	snop  }
0x90: {  	s2 =	sld [smem:$0x3FD0];
	(tm) =	ssettm $0x1  }
0x91: {  	s18 =	sld [smem:$0x3FFB];
	_ =	sdelay $0x3  }
0x92: {  	_ =	strace s18  }
0x93: {  	s3 =	sld [smem:$0x3FFC];
	_ =	sdelay $0x3  }
0x94: {  	_ =	strace s3  }
0x95: {  	s3 =	sld [smem:$0x3FFD];
	_ =	sdelay $0x3  }
0x96: {  	_ =	strace s3  }
0x97: {  	_ =	strace $0x8FFFFFFF  }
0x98: {  	s19 =	sld [smem:$0x3FDB];
	_ =	sdelay $0x1  }
0x99: {  	s4 =	simm.s32 $_scs_section_size  }
0x9a: {  	s5 =	simm.s32 $_size__tile_overlayer_lowered;
	s6 =	simm.s32 $_tile_overlayer_lowered  }
0x9b: {  	s22 =	simm.s32 $0x1BFF;
	s21 =	sshll.u32 s6, $0x1;
	s3 =	sadd.s32 s4, s19  }
0x9c: {  	s7 =	simm.s32 $0x0;
	s20 =	sshll.u32 s5, $0x1;
	s5 =	sadd.s32 s21, s3  }
0x9d: {  	[timem:s7], [sflag:s22] =	dma.local [hbm:s5], s20  }
0x9e: {  	_ =	swait.ge [sflag:s22], s20  }
0x9f: {  	s4 =	ssub.s32 $0x0, s20;
	[sflag:s22] =	ssyncset.done $0x0  }
0xa0: {  	[sflag:s22] =	ssyncadd.s32 s4;
	_ =	sdelay $0x1  }
0xa1: {  	s23 =	simm.s32 $0x1B8B  }
0xa2: {  	_ =	swait.ge [sflag:s23], $0x1  }
0xa3: {  	[sflag:s23] =	ssyncset.done $0x0  }
0xa4: {  	s25 =	simm.s32 $0x1B8E;
	s24 =	sld [smem:$0x3FFE];
	[sflag:s23] =	ssyncadd.s32 $0xFFFFFFFF  }
0xa5: {  	s26 =	simm.s32 $execute0_lowered;
	[smem:$0x3FD2] =	sst s25  }
0xa6: {  	s5 =	sshll.u32 s26, $0x1;
	_ =	strace $0x80000046;
	[dreg:$0x1] =	wrdreg $0xFFFFFFFF  }
0xa7: {  	s28 =	simm.s32 $_size_execute0_lowered;
	s3 =	sadd.s32 s3, s5;
	[dreg:$0x0] =	wrdreg $0x0  }
0xa8: {  	s5 =	sshll.u32 s28, $0x1;
	[dreg:$0x2] =	wrdreg s3  }
0xa9: {  	[dreg:$0x3] =	wrdreg s5  }
0xaa: {  	[dreg:$0x4] =	wrdreg $0xC0  }
0xab: {  	_ =	task [dreg:s7], $0x5FFFF  }
0xac: {  	[dreg:$0x1] =	wrdreg $0xFFFFFFFF  }
0xad: {  	[dreg:$0x0] =	wrdreg $0x60  }
0xae: {  	[dreg:$0x2] =	wrdreg s24  }
0xaf: {  	[dreg:$0x3] =	wrdreg s2  }
0xb0: {  	[dreg:$0x4] =	wrdreg $0x9  }
0xb1: {  	_ =	task.clear_ibuf [dreg:s7], $0x5FFFF;
	_ =	strace $0x90000046  }
0xb2: {  	s29 =	simm.s32 $0x9;
	_ =	strace $0x80000048  }
0xb3: {  	_ =	swait.ge [sflag:s29], $0x1  }
0xb4: {  	[sflag:s29] =	ssyncadd.s32 $0xFFFFFFFF  }
0xb5: {  	_ =	strace $0x90000048  }
0xb6: {  	_ =	sfence  }
0xb7: {  	s30 =	sld [smem:$0x0];
	_ =	sdelay $0x2  }
0xb8: {  	s31 =	sshll.u32 s1, $0xD;
	s1 =	sshrl.u32 s1, $0x2  }
0xb9: {  	s3 =	sand.u32 $0x4000, s31;
	s1 =	sadd.s32 s1, s30  }
0xba: {  	s0 =	sor.u32 s3, s0;
	s1 =	sshll.u32 s1, $0x11  }
0xbb: {  	s0 =	sor.u32 s1, s0  }
0xbc: {  	s0 =	sadd.s32 $0x8F2B, s0  }
0xbd: {  	[sflag:s0] =	ssyncadd.remote.s32 $0x1  }
0xbe: {  	_ =	sfence.sel $0xFFFF  }
0xbf: {  	[dreg:$0x0] =	wrdreg $0xFFFFFFFF;
	(pc) =	sbr.abs _section_cstart, $3  }
0xc0: {  	[dreg:$0x1] =	wrdreg $0xFFFFFFFF  }
0xc1: {  	_ =	task.clear_ibuf [dreg:s7], $0x2FFFF;
	_ =	strace $0x9FFFFFFF  }
0xc2: {  	(tm) =	ssettm $0x7FFFFFFF  }
0xc3: {  	_ =	shalt  }
tec
execute0_lowered:
.L_overlay_start_1:
0x0: {  	(tag) =	ssettag $0x1  }
0x1: {  	s0 =	rddreg [dreg:$0x0];
	s3 =	simm.s32 $0x0;
	s1 =	srdreg.scid  }
0x2: {  	s9 =	stileid.u32;
	[smem:$0x7FF] =	sst s3;
	s1 =	sand.u32 $0x1, s1  }
0x3: {  	s2 =	sshll.u32 s9, $0x1;
	s4 =	sadd.s32 $0x12C00, s0;
	s5 =	sadd.s32 $0x8C00, s0  }
0x4: {  	s8 =	sshrl.u32 s9, $0x2;
	s10 =	sadd.s32 $0x8600, s0;
	s15 =	sshrl.u32 s9, $0x1  }
0x5: {  	s9 =	sand.u32 $0x1, s9;
	_ =	strace $0x80000047;
	s2 =	sor.u32 s1, s2  }
0x6: {  	s6 =	sshll.u32 s1, $0x6;
	s8 =	smul.u32 $0x14000, s8;
	[dreg:$0x3] =	wrdreg s10  }
0x7: {  	s9 =	ssub.s32 $0x0, s9;
	s1 =	ssub.s32 $0x2, s1;
	s7 =	smul.u32 $0x1400, s2  }
0x8: {  	s6 =	sadd.s32 s6, s0;
	s2 =	sshll.u32 s2, $0x7;
	s17 =	sshrl.u32 s1, $0x1  }
0x9: {  	s16 =	sand.u32 $0x2800, s9;
	s2 =	sand.u32 $0x380, s2;
	s1 =	ssub.s32 s1, s17  }
0xa: {  	s7 =	sadd.s32 s7, s0;
	s2 =	sor.u32 s8, s2;
	s8 =	smul.u32 $0xA000, s15  }
0xb: {  	s21 =	smax.u32 s1, $0x1;
	s2 =	sshrl.u32 s2, $0x3;
	s7 =	sadd.s32 $0x1CC00, s7  }
0xc: {  	[dreg:$0xc] =	wrdreg s21;
	s0 =	sadd.s32 s2, s0;
	s2 =	sadd.s32 s16, s6  }
0xd: {  	[dreg:$0xa] =	wrdreg s7;
	s2 =	sadd.s32 $0x3600, s2  }
0xe: {  	s18 =	sshrl.u32 s8, $0x3;
	s0 =	sadd.s32 $0x44C00, s0;
	[dreg:$0x4] =	wrdreg s2  }
0xf: {  	s20 =	sadd.s32 s4, s18;
	[dreg:$0xb] =	wrdreg s0  }
0x10: {  	s6 =	sadd.s32 s5, s18;
	[dreg:$0x5] =	wrdreg s20  }
0x11: {  	s19 =	sor.u32 $0x100, s18;
	s18 =	sor.u32 $0x1000, s8;
	[dreg:$0x6] =	wrdreg s6  }
0x12: {  	s22 =	sadd.s32 $0x10, s20;
	[dreg:$0x9] =	wrdreg s18  }
0x13: {  	s23 =	sadd.s32 $0x20, s20;
	[dreg:$0xd] =	wrdreg s22  }
0x14: {  	s24 =	sadd.s32 $0x30, s20;
	[dreg:$0xe] =	wrdreg s23  }
0x15: {  	s25 =	sadd.s32 $0x40, s20;
	[dreg:$0xf] =	wrdreg s24  }
0x16: {  	s26 =	sadd.s32 $0x50, s20;
	[dreg:$0x10] =	wrdreg s25  }
0x17: {  	s1 =	sadd.s32 $0x60, s20;
	[dreg:$0x11] =	wrdreg s26  }
0x18: {  	s7 =	sadd.s32 $0x70, s20;
	[dreg:$0x12] =	wrdreg s1  }
0x19: {  	s13 =	sor.u32 $0x1800, s8;
	s8 =	sadd.s32 $0x80, s20;
	[dreg:$0x13] =	wrdreg s7  }
0x1a: {  	s11 =	sadd.s32 $0x90, s20;
	[dreg:$0x14] =	wrdreg s8  }
0x1b: {  	s12 =	sadd.s32 $0xA0, s20;
	[dreg:$0x15] =	wrdreg s11  }
0x1c: {  	s14 =	sadd.s32 $0xB0, s20;
	[dreg:$0x16] =	wrdreg s12  }
0x1d: {  	s15 =	sadd.s32 $0xC0, s20;
	[dreg:$0x17] =	wrdreg s14  }
0x1e: {  	s16 =	sadd.s32 $0xD0, s20;
	[dreg:$0x18] =	wrdreg s15  }
0x1f: {  	s10 =	sadd.s32 s4, s19;
	s17 =	sadd.s32 $0xE0, s20;
	[dreg:$0x19] =	wrdreg s16  }
0x20: {  	s2 =	sadd.s32 s5, s19;
	s19 =	sadd.s32 $0xF0, s20;
	[dreg:$0x1a] =	wrdreg s17  }
0x21: {  	s20 =	sadd.s32 $0x10, s6;
	[dreg:$0x1b] =	wrdreg s19  }
0x22: {  	s21 =	sadd.s32 $0x20, s6;
	[dreg:$0x1c] =	wrdreg s20  }
0x23: {  	s9 =	sadd.s32 $0xB0, s6;
	[dreg:$0x1d] =	wrdreg s21  }
0x24: {  	[smem:$0x7DB] =	sst s9  }
0x25: {  	[dreg:$0x7] =	wrdreg s10  }
0x26: {  	s22 =	sadd.s32 $0x30, s6;
	[dreg:$0x8] =	wrdreg s2  }
0x27: {  	s23 =	sadd.s32 $0x40, s6;
	[dreg:$0x1e] =	wrdreg s22  }
0x28: {  	s24 =	sadd.s32 $0x50, s6;
	[dreg:$0x1f] =	wrdreg s23  }
0x29: {  	s25 =	sadd.s32 $0x60, s6;
	[smem:$0x7D5] =	sst s24  }
0x2a: {  	s26 =	sadd.s32 $0x70, s6;
	[smem:$0x7D6] =	sst s25  }
0x2b: {  	s1 =	sadd.s32 $0x80, s6;
	[smem:$0x7D7] =	sst s26  }
0x2c: {  	s7 =	sadd.s32 $0x90, s6;
	[smem:$0x7D8] =	sst s1  }
0x2d: {  	s8 =	sadd.s32 $0xA0, s6;
	[smem:$0x7D9] =	sst s7  }
0x2e: {  	s11 =	sadd.s32 $0xC0, s6;
	[smem:$0x7DA] =	sst s8  }
0x2f: {  	s12 =	sadd.s32 $0xD0, s6;
	[smem:$0x7DC] =	sst s11  }
0x30: {  	s14 =	sadd.s32 $0xE0, s6;
	[smem:$0x7DD] =	sst s12  }
0x31: {  	s15 =	sadd.s32 $0xF0, s6;
	[smem:$0x7DE] =	sst s14  }
0x32: {  	s16 =	sadd.s32 $0x10, s10;
	[smem:$0x7DF] =	sst s15  }
0x33: {  	s17 =	sadd.s32 $0x20, s10;
	[smem:$0x7E0] =	sst s16  }
0x34: {  	s19 =	sadd.s32 $0x30, s10;
	[smem:$0x7E1] =	sst s17  }
0x35: {  	s20 =	sadd.s32 $0x40, s10;
	[smem:$0x7E2] =	sst s19  }
0x36: {  	s21 =	sadd.s32 $0x50, s10;
	[smem:$0x7E3] =	sst s20  }
0x37: {  	s6 =	sadd.s32 $0xC0, s10;
	[smem:$0x7E4] =	sst s21  }
0x38: {  	s9 =	sadd.s32 $0xF0, s10;
	[smem:$0x7EB] =	sst s6  }
0x39: {  	s22 =	sadd.s32 $0x60, s10;
	[smem:$0x7EE] =	sst s9  }
0x3a: {  	s23 =	sadd.s32 $0x70, s10;
	[smem:$0x7E5] =	sst s22  }
0x3b: {  	s24 =	sadd.s32 $0x80, s10;
	[smem:$0x7E6] =	sst s23  }
0x3c: {  	s25 =	sadd.s32 $0x90, s10;
	[smem:$0x7E7] =	sst s24  }
0x3d: {  	s26 =	sadd.s32 $0xA0, s10;
	[smem:$0x7E8] =	sst s25  }
0x3e: {  	s1 =	sadd.s32 $0xB0, s10;
	[smem:$0x7E9] =	sst s26  }
0x3f: {  	s7 =	sadd.s32 $0xD0, s10;
	[smem:$0x7EA] =	sst s1  }
0x40: {  	s8 =	sadd.s32 $0xE0, s10;
	[smem:$0x7EC] =	sst s7  }
0x41: {  	s10 =	sadd.s32 $0x10, s2;
	[smem:$0x7ED] =	sst s8  }
0x42: {  	s11 =	sadd.s32 $0x20, s2;
	[smem:$0x7EF] =	sst s10  }
0x43: {  	s12 =	sadd.s32 $0x30, s2;
	[smem:$0x7F0] =	sst s11  }
0x44: {  	s14 =	sadd.s32 $0x40, s2;
	[smem:$0x7F1] =	sst s12  }
0x45: {  	s15 =	sadd.s32 $0x50, s2;
	[smem:$0x7F2] =	sst s14  }
0x46: {  	s16 =	sadd.s32 $0x60, s2;
	[smem:$0x7F3] =	sst s15  }
0x47: {  	s28 =	simm.s32 $0x1D780;
	s17 =	sadd.s32 $0x70, s2;
	[smem:$0x7F4] =	sst s16  }
0x48: {  	s29 =	simm.s32 $0x2;
	s19 =	sadd.s32 $0x80, s2;
	[smem:$0x7F5] =	sst s17  }
0x49: {  	s30 =	simm.s32 $0x4;
	s20 =	sadd.s32 $0x90, s2;
	[smem:$0x7F6] =	sst s19  }
0x4a: {  	s31 =	simm.s32 $0x19000;
	s21 =	sadd.s32 $0xA0, s2;
	[smem:$0x7F7] =	sst s20  }
0x4b: {  	s0 =	simm.s32 $0xF000;
	s6 =	simm.s32 $0x5000;
	[smem:$0x7F8] =	sst s21  }
0x4c: {  	s22 =	sadd.s32 $0xB0, s2;
	s23 =	sadd.s32 $0xC0, s2;
	s24 =	sadd.s32 $0xD0, s2  }
0x4d: {  	s25 =	sadd.s32 $0xE0, s2;
	s26 =	sadd.s32 $0xF0, s2;
	s1 =	simm.s32 $0x2800  }
0x4e: {  	s10 =	simm.s32 $0x400;
	s19 =	simm.s32 $0x1B800;
	[smem:$0x7F9] =	sst s22  }
.Ltmp0:
0x4f: {  	s20 =	simm.s32 $0x1B900;
	[smem:$0x7FA] =	sst s23;
	(pc) =	sbr.rel .LBB2_1-.Ltmp0, $4  }
0x50: {  	s21 =	simm.s32 $0x1D180;
	s2 =	simm.s32 $0x3;
	[smem:$0x7FB] =	sst s24  }
0x51: {  	s8 =	simm.s32 $0x5;
	s11 =	simm.s32 $0x0;
	[smem:$0x7FC] =	sst s25  }
0x52: {  	[smem:$0x7FD] =	sst s26;
	s22 =	simm.s32 $0x1D280;
	s23 =	simm.s32 $0x1D380  }
0x53: {  	v0 =	vimm.f32 $0.0e+00;
	s24 =	simm.s32 $0x1D480;
	s25 =	simm.s32 $0x1D580;
	s26 =	simm.s32 $0x1D680  }
.LBB2_12:
0x54: {  	s7 =	rddreg [dreg:$0xa];
	s9 =	simm.s32 $0x6  }
0x55: {  	[hbm4b:s7+s3] =	stream.linear.scatter [tilespmem:s0], [sflag:$0x6], $0xA000, $0x38;
	[tilespmem:$0x1D800] =	vst v63  }
0x56: {  	_ =	swait.ge [sflag:s9], $0xA000  }
0x57: {  	s10 =	simm.s32 $0x400;
	[sflag:s9] =	ssyncset.done $0x0  }
0x58: {  	s11 =	simm.s32 $0x80;
	s16 =	rddreg [dreg:$0xb];
	[sflag:s9] =	ssyncadd.s32 $0xFFFF6000  }
0x59: {  	[hbm4b:s16+s11] =	stream.strided.scatter [tilespmem:s31], [sflag:$0x6], $0x2800, s10, s11, $0x38;
	[tilespmem:$0x1D800] =	vst v63  }
0x5a: {  	_ =	swait.ge [sflag:s9], $0x2800  }
0x5b: {  	s17 =	sld [smem:$0x7D4];
	_ =	sdelay $0x2  }
0x5c: {  	s18 =	rddreg [dreg:$0xc];
	s11 =	sadd.s32 $0x1, s17  }
0x5d: {  	p0 =	sne.s32 s11, s18  }
.Ltmp1:
0x5e: {  	_ = 	snop;
	(pc) =	sbr.rel @!p0 .LBB2_13-.Ltmp1, $3  }
0x5f: {  	_ =	sdelay $0x1  }
0x60: {  	[sflag:s9] =	ssyncset.done $0x0  }
0x61: {  	v0 =	vimm.f32 $0.0e+00;
	[sflag:s9] =	ssyncadd.s32 $0xFFFFD800  }
.LBB2_1:
0x62: {  	[smem:$0x7D4] =	sst s11  }
0x63: {  	s7 =	rddreg [dreg:$0x1]  }
0x64: {  	s16 =	rddreg [dreg:$0x3]  }
0x65: {  	[tilespmem:s3], [sflag:$0x1] =	stream.linear.gather [hbm4b:s7+s3], $0x2800, $0x38;
	[tilespmem:$0x1D800] =	vst v63  }
0x66: {  	s17 =	rddreg [dreg:$0x4]  }
0x67: {  	[tilespmem:s1], [sflag:$0x1] =	stream.linear.gather [hbm4b:s16+s3], $0x2800, $0x38;
	[tilespmem:$0x1D800] =	vst v63  }
0x68: {  	s9 =	simm.s32 $0x200;
	s18 =	rddreg [dreg:$0x5]  }
0x69: {  	[tilespmem:s6], [sflag:$0x1] =	stream.strided.gather [hbm4b:s17+s9], $0xA000, s10, s9, $0x38;
	[tilespmem:$0x1D800] =	vst v63  }
0x6a: {  	s12 =	rddreg [dreg:$0xf]  }
0x6b: {  	[tilespmem:s19], [sflag:$0x2] =	stream.linear.gather [hbm4b:s18+s3], $0x80, $0x38;
	[tilespmem:$0x1D800] =	vst v63  }
0x6c: {  	s9 =	rddreg [dreg:$0xd]  }
0x6d: {  	[tilespmem:s20], [sflag:$0x2] =	stream.linear.gather [hbm4b:s9+s3], $0x80, $0x38;
	[tilespmem:$0x1D800] =	vst v63  }
0x6e: {  	s11 =	simm.s32 $0x1BA00;
	s10 =	rddreg [dreg:$0xe]  }
0x6f: {  	[tilespmem:s11], [sflag:$0x2] =	stream.linear.gather [hbm4b:s10+s3], $0x80, $0x38;
	[tilespmem:$0x1D800] =	vst v63  }
0x70: {  	s14 =	simm.s32 $0x1BB00;
	s15 =	rddreg [dreg:$0x10]  }
0x71: {  	[tilespmem:s14], [sflag:$0x2] =	stream.linear.gather [hbm4b:s12+s3], $0x80, $0x38;
	[tilespmem:$0x1D800] =	vst v63  }
0x72: {  	s16 =	simm.s32 $0x1BC00;
	s17 =	rddreg [dreg:$0x11]  }
0x73: {  	[tilespmem:s16], [sflag:$0x2] =	stream.linear.gather [hbm4b:s15+s3], $0x80, $0x38;
	[tilespmem:$0x1D800] =	vst v63  }
0x74: {  	s18 =	simm.s32 $0x1BD00;
	s19 =	rddreg [dreg:$0x12]  }
0x75: {  	[tilespmem:s18], [sflag:$0x2] =	stream.linear.gather [hbm4b:s17+s3], $0x80, $0x38;
	[tilespmem:$0x1D800] =	vst v63  }
0x76: {  	s20 =	simm.s32 $0x1BE00;
	s10 =	rddreg [dreg:$0x13]  }
0x77: {  	[tilespmem:s20], [sflag:$0x2] =	stream.linear.gather [hbm4b:s19+s3], $0x80, $0x38;
	[tilespmem:$0x1D800] =	vst v63  }
0x78: {  	s11 =	simm.s32 $0x1BF00;
	s12 =	rddreg [dreg:$0x14]  }
0x79: {  	[tilespmem:s11], [sflag:$0x2] =	stream.linear.gather [hbm4b:s10+s3], $0x80, $0x38;
	[tilespmem:$0x1D800] =	vst v63  }
0x7a: {  	s14 =	simm.s32 $0x1C000;
	s15 =	rddreg [dreg:$0x15]  }
0x7b: {  	[tilespmem:s14], [sflag:$0x2] =	stream.linear.gather [hbm4b:s12+s3], $0x80, $0x38;
	[tilespmem:$0x1D800] =	vst v63  }
0x7c: {  	s16 =	simm.s32 $0x1C100;
	s17 =	rddreg [dreg:$0x16]  }
0x7d: {  	[tilespmem:s16], [sflag:$0x2] =	stream.linear.gather [hbm4b:s15+s3], $0x80, $0x38;
	[tilespmem:$0x1D800] =	vst v63  }
0x7e: {  	s18 =	simm.s32 $0x1C200;
	s19 =	rddreg [dreg:$0x17]  }
0x7f: {  	[tilespmem:s18], [sflag:$0x2] =	stream.linear.gather [hbm4b:s17+s3], $0x80, $0x38;
	[tilespmem:$0x1D800] =	vst v63  }
0x80: {  	s20 =	simm.s32 $0x1C300;
	s10 =	rddreg [dreg:$0x18]  }
0x81: {  	[tilespmem:s20], [sflag:$0x2] =	stream.linear.gather [hbm4b:s19+s3], $0x80, $0x38;
	[tilespmem:$0x1D800] =	vst v63  }
0x82: {  	s11 =	simm.s32 $0x1C400;
	s12 =	rddreg [dreg:$0x19]  }
0x83: {  	[tilespmem:s11], [sflag:$0x2] =	stream.linear.gather [hbm4b:s10+s3], $0x80, $0x38;
	[tilespmem:$0x1D800] =	vst v63  }
0x84: {  	s14 =	simm.s32 $0x1C500;
	s15 =	rddreg [dreg:$0x1a]  }
0x85: {  	[tilespmem:s14], [sflag:$0x2] =	stream.linear.gather [hbm4b:s12+s3], $0x80, $0x38;
	[tilespmem:$0x1D800] =	vst v63  }
0x86: {  	s16 =	simm.s32 $0x1C600;
	s17 =	rddreg [dreg:$0x1b]  }
0x87: {  	[tilespmem:s16], [sflag:$0x2] =	stream.linear.gather [hbm4b:s15+s3], $0x80, $0x38;
	[tilespmem:$0x1D800] =	vst v63  }
0x88: {  	s18 =	simm.s32 $0x1C700;
	s19 =	rddreg [dreg:$0x6]  }
0x89: {  	[tilespmem:s18], [sflag:$0x2] =	stream.linear.gather [hbm4b:s17+s3], $0x80, $0x38;
	[tilespmem:$0x1D800] =	vst v63  }
0x8a: {  	s20 =	simm.s32 $0x1C800;
	s10 =	rddreg [dreg:$0x1c]  }
0x8b: {  	[tilespmem:s20], [sflag:$0x4] =	stream.linear.gather [hbm4b:s19+s3], $0x80, $0x38;
	[tilespmem:$0x1D800] =	vst v63  }
0x8c: {  	s11 =	simm.s32 $0x1C900;
	s12 =	rddreg [dreg:$0x1d]  }
0x8d: {  	[tilespmem:s11], [sflag:$0x4] =	stream.linear.gather [hbm4b:s10+s3], $0x80, $0x38;
	[tilespmem:$0x1D800] =	vst v63  }
0x8e: {  	s14 =	simm.s32 $0x1CA00;
	s15 =	rddreg [dreg:$0x1e]  }
0x8f: {  	[tilespmem:s14], [sflag:$0x4] =	stream.linear.gather [hbm4b:s12+s3], $0x80, $0x38;
	[tilespmem:$0x1D800] =	vst v63  }
0x90: {  	s16 =	simm.s32 $0x1CB00;
	s17 =	rddreg [dreg:$0x1f]  }
0x91: {  	[tilespmem:s16], [sflag:$0x4] =	stream.linear.gather [hbm4b:s15+s3], $0x80, $0x38;
	[tilespmem:$0x1D800] =	vst v63  }
0x92: {  	s18 =	simm.s32 $0x1CC00;
	s19 =	sld [smem:$0x7D5]  }
0x93: {  	[tilespmem:s18], [sflag:$0x4] =	stream.linear.gather [hbm4b:s17+s3], $0x80, $0x38;
	[tilespmem:$0x1D800] =	vst v63  }
0x94: {  	s20 =	simm.s32 $0x1CD00;
	s10 =	sld [smem:$0x7D6]  }
0x95: {  	[tilespmem:s20], [sflag:$0x4] =	stream.linear.gather [hbm4b:s19+s3], $0x80, $0x38;
	[tilespmem:$0x1D800] =	vst v63  }
0x96: {  	s11 =	simm.s32 $0x1CE00;
	s12 =	sld [smem:$0x7D7]  }
0x97: {  	[tilespmem:s11], [sflag:$0x4] =	stream.linear.gather [hbm4b:s10+s3], $0x80, $0x38;
	[tilespmem:$0x1D800] =	vst v63  }
0x98: {  	s14 =	simm.s32 $0x1CF00;
	s15 =	sld [smem:$0x7D8]  }
0x99: {  	[tilespmem:s14], [sflag:$0x4] =	stream.linear.gather [hbm4b:s12+s3], $0x80, $0x38;
	[tilespmem:$0x1D800] =	vst v63  }
0x9a: {  	s16 =	simm.s32 $0x1D000;
	s17 =	sld [smem:$0x7D9]  }
0x9b: {  	[tilespmem:s16], [sflag:$0x4] =	stream.linear.gather [hbm4b:s15+s3], $0x80, $0x38;
	[tilespmem:$0x1D800] =	vst v63  }
0x9c: {  	s18 =	simm.s32 $0x1D100;
	s19 =	sld [smem:$0x7DA]  }
0x9d: {  	[tilespmem:s18], [sflag:$0x4] =	stream.linear.gather [hbm4b:s17+s3], $0x80, $0x38;
	[tilespmem:$0x1D800] =	vst v63  }
0x9e: {  	s20 =	simm.s32 $0x1D200;
	s10 =	sld [smem:$0x7DB]  }
0x9f: {  	[tilespmem:s20], [sflag:$0x4] =	stream.linear.gather [hbm4b:s19+s3], $0x80, $0x38;
	[tilespmem:$0x1D800] =	vst v63  }
0xa0: {  	s11 =	simm.s32 $0x1D300;
	s12 =	sld [smem:$0x7DC]  }
0xa1: {  	[tilespmem:s11], [sflag:$0x4] =	stream.linear.gather [hbm4b:s10+s3], $0x80, $0x38;
	[tilespmem:$0x1D800] =	vst v63  }
0xa2: {  	s14 =	simm.s32 $0x1D400;
	s15 =	sld [smem:$0x7DD]  }
0xa3: {  	[tilespmem:s14], [sflag:$0x4] =	stream.linear.gather [hbm4b:s12+s3], $0x80, $0x38;
	[tilespmem:$0x1D800] =	vst v63  }
0xa4: {  	s16 =	simm.s32 $0x1D500;
	s17 =	sld [smem:$0x7DE]  }
0xa5: {  	[tilespmem:s16], [sflag:$0x4] =	stream.linear.gather [hbm4b:s15+s3], $0x80, $0x38;
	[tilespmem:$0x1D800] =	vst v63  }
0xa6: {  	s18 =	simm.s32 $0x1D600;
	s19 =	sld [smem:$0x7DF]  }
0xa7: {  	[tilespmem:s18], [sflag:$0x4] =	stream.linear.gather [hbm4b:s17+s3], $0x80, $0x38;
	[tilespmem:$0x1D800] =	vst v63  }
0xa8: {  	s20 =	simm.s32 $0x1D700;
	s10 =	rddreg [dreg:$0x7]  }
0xa9: {  	[tilespmem:s20], [sflag:$0x4] =	stream.linear.gather [hbm4b:s19+s3], $0x80, $0x38;
	[tilespmem:$0x1D800] =	vst v63  }
0xaa: {  	s11 =	simm.s32 $0x1B880;
	s12 =	sld [smem:$0x7E0]  }
0xab: {  	[tilespmem:s11], [sflag:$0x3] =	stream.linear.gather [hbm4b:s10+s3], $0x80, $0x38;
	[tilespmem:$0x1D800] =	vst v63  }
0xac: {  	s14 =	simm.s32 $0x1B980;
	s15 =	sld [smem:$0x7E1]  }
0xad: {  	[tilespmem:s14], [sflag:$0x3] =	stream.linear.gather [hbm4b:s12+s3], $0x80, $0x38;
	[tilespmem:$0x1D800] =	vst v63  }
0xae: {  	s16 =	simm.s32 $0x1BA80;
	s17 =	sld [smem:$0x7E2]  }
0xaf: {  	[tilespmem:s16], [sflag:$0x3] =	stream.linear.gather [hbm4b:s15+s3], $0x80, $0x38;
	[tilespmem:$0x1D800] =	vst v63  }
0xb0: {  	s18 =	simm.s32 $0x1BB80;
	s19 =	sld [smem:$0x7E3]  }
0xb1: {  	[tilespmem:s18], [sflag:$0x3] =	stream.linear.gather [hbm4b:s17+s3], $0x80, $0x38;
	[tilespmem:$0x1D800] =	vst v63  }
0xb2: {  	s20 =	simm.s32 $0x1BC80;
	s10 =	sld [smem:$0x7E4]  }
0xb3: {  	[tilespmem:s20], [sflag:$0x3] =	stream.linear.gather [hbm4b:s19+s3], $0x80, $0x38;
	[tilespmem:$0x1D800] =	vst v63  }
0xb4: {  	s11 =	simm.s32 $0x1BD80;
	s12 =	sld [smem:$0x7E5]  }
0xb5: {  	[tilespmem:s11], [sflag:$0x3] =	stream.linear.gather [hbm4b:s10+s3], $0x80, $0x38;
	[tilespmem:$0x1D800] =	vst v63  }
0xb6: {  	s14 =	simm.s32 $0x1BE80;
	s15 =	sld [smem:$0x7E6]  }
0xb7: {  	[tilespmem:s14], [sflag:$0x3] =	stream.linear.gather [hbm4b:s12+s3], $0x80, $0x38;
	[tilespmem:$0x1D800] =	vst v63  }
0xb8: {  	s16 =	simm.s32 $0x1BF80;
	s17 =	sld [smem:$0x7E7]  }
0xb9: {  	[tilespmem:s16], [sflag:$0x3] =	stream.linear.gather [hbm4b:s15+s3], $0x80, $0x38;
	[tilespmem:$0x1D800] =	vst v63  }
0xba: {  	s18 =	simm.s32 $0x1C080;
	s19 =	sld [smem:$0x7E8]  }
0xbb: {  	[tilespmem:s18], [sflag:$0x3] =	stream.linear.gather [hbm4b:s17+s3], $0x80, $0x38;
	[tilespmem:$0x1D800] =	vst v63  }
0xbc: {  	s20 =	simm.s32 $0x1C180;
	s10 =	sld [smem:$0x7E9]  }
0xbd: {  	[tilespmem:s20], [sflag:$0x3] =	stream.linear.gather [hbm4b:s19+s3], $0x80, $0x38;
	[tilespmem:$0x1D800] =	vst v63  }
0xbe: {  	s11 =	simm.s32 $0x1C280;
	s12 =	sld [smem:$0x7EA]  }
0xbf: {  	[tilespmem:s11], [sflag:$0x3] =	stream.linear.gather [hbm4b:s10+s3], $0x80, $0x38;
	[tilespmem:$0x1D800] =	vst v63  }
0xc0: {  	s14 =	simm.s32 $0x1C380;
	s15 =	sld [smem:$0x7EB]  }
0xc1: {  	[tilespmem:s14], [sflag:$0x3] =	stream.linear.gather [hbm4b:s12+s3], $0x80, $0x38;
	[tilespmem:$0x1D800] =	vst v63  }
0xc2: {  	s16 =	simm.s32 $0x1C480;
	s17 =	sld [smem:$0x7EC]  }
0xc3: {  	[tilespmem:s16], [sflag:$0x3] =	stream.linear.gather [hbm4b:s15+s3], $0x80, $0x38;
	[tilespmem:$0x1D800] =	vst v63  }
0xc4: {  	s18 =	simm.s32 $0x1C580;
	s19 =	sld [smem:$0x7ED]  }
0xc5: {  	[tilespmem:s18], [sflag:$0x3] =	stream.linear.gather [hbm4b:s17+s3], $0x80, $0x38;
	[tilespmem:$0x1D800] =	vst v63  }
0xc6: {  	s20 =	simm.s32 $0x1C680;
	s10 =	sld [smem:$0x7EE]  }
0xc7: {  	[tilespmem:s20], [sflag:$0x3] =	stream.linear.gather [hbm4b:s19+s3], $0x80, $0x38;
	[tilespmem:$0x1D800] =	vst v63  }
0xc8: {  	s11 =	simm.s32 $0x1C780;
	s12 =	rddreg [dreg:$0x8]  }
0xc9: {  	[tilespmem:s11], [sflag:$0x3] =	stream.linear.gather [hbm4b:s10+s3], $0x80, $0x38;
	[tilespmem:$0x1D800] =	vst v63  }
0xca: {  	s14 =	simm.s32 $0x1C880;
	s15 =	sld [smem:$0x7EF]  }
0xcb: {  	[tilespmem:s14], [sflag:$0x5] =	stream.linear.gather [hbm4b:s12+s3], $0x80, $0x38;
	[tilespmem:$0x1D800] =	vst v63  }
0xcc: {  	s16 =	simm.s32 $0x1C980;
	s17 =	sld [smem:$0x7F0]  }
0xcd: {  	[tilespmem:s16], [sflag:$0x5] =	stream.linear.gather [hbm4b:s15+s3], $0x80, $0x38;
	[tilespmem:$0x1D800] =	vst v63  }
0xce: {  	s18 =	simm.s32 $0x1CA80;
	s19 =	sld [smem:$0x7F1]  }
0xcf: {  	[tilespmem:s18], [sflag:$0x5] =	stream.linear.gather [hbm4b:s17+s3], $0x80, $0x38;
	[tilespmem:$0x1D800] =	vst v63  }
0xd0: {  	s20 =	simm.s32 $0x1CB80;
	s10 =	sld [smem:$0x7F2]  }
0xd1: {  	[tilespmem:s20], [sflag:$0x5] =	stream.linear.gather [hbm4b:s19+s3], $0x80, $0x38;
	[tilespmem:$0x1D800] =	vst v63  }
0xd2: {  	s11 =	simm.s32 $0x1CC80;
	s12 =	sld [smem:$0x7F3]  }
0xd3: {  	[tilespmem:s11], [sflag:$0x5] =	stream.linear.gather [hbm4b:s10+s3], $0x80, $0x38;
	[tilespmem:$0x1D800] =	vst v63  }
0xd4: {  	s14 =	simm.s32 $0x1CD80;
	s15 =	sld [smem:$0x7F4]  }
0xd5: {  	[tilespmem:s14], [sflag:$0x5] =	stream.linear.gather [hbm4b:s12+s3], $0x80, $0x38;
	[tilespmem:$0x1D800] =	vst v63  }
0xd6: {  	s16 =	simm.s32 $0x1CE80;
	s17 =	sld [smem:$0x7F5]  }
0xd7: {  	[tilespmem:s16], [sflag:$0x5] =	stream.linear.gather [hbm4b:s15+s3], $0x80, $0x38;
	[tilespmem:$0x1D800] =	vst v63  }
0xd8: {  	s18 =	simm.s32 $0x1CF80;
	s19 =	sld [smem:$0x7F6]  }
0xd9: {  	[tilespmem:s18], [sflag:$0x5] =	stream.linear.gather [hbm4b:s17+s3], $0x80, $0x38;
	[tilespmem:$0x1D800] =	vst v63  }
0xda: {  	s20 =	simm.s32 $0x1D080;
	s10 =	sld [smem:$0x7F7]  }
0xdb: {  	[tilespmem:s20], [sflag:$0x5] =	stream.linear.gather [hbm4b:s19+s3], $0x80, $0x38;
	[tilespmem:$0x1D800] =	vst v63  }
0xdc: {  	s11 =	sld [smem:$0x7F8]  }
0xdd: {  	[tilespmem:s21], [sflag:$0x5] =	stream.linear.gather [hbm4b:s10+s3], $0x80, $0x38;
	[tilespmem:$0x1D800] =	vst v63  }
0xde: {  	s12 =	sld [smem:$0x7F9]  }
0xdf: {  	[tilespmem:s22], [sflag:$0x5] =	stream.linear.gather [hbm4b:s11+s3], $0x80, $0x38;
	[tilespmem:$0x1D800] =	vst v63  }
0xe0: {  	s14 =	sld [smem:$0x7FA]  }
0xe1: {  	[tilespmem:s23], [sflag:$0x5] =	stream.linear.gather [hbm4b:s12+s3], $0x80, $0x38;
	[tilespmem:$0x1D800] =	vst v63  }
0xe2: {  	s15 =	sld [smem:$0x7FB]  }
0xe3: {  	[tilespmem:s24], [sflag:$0x5] =	stream.linear.gather [hbm4b:s14+s3], $0x80, $0x38;
	[tilespmem:$0x1D800] =	vst v63  }
0xe4: {  	s16 =	sld [smem:$0x7FC]  }
0xe5: {  	[tilespmem:s25], [sflag:$0x5] =	stream.linear.gather [hbm4b:s15+s3], $0x80, $0x38;
	[tilespmem:$0x1D800] =	vst v63  }
0xe6: {  	s7 =	sand.u32 $0x40, s3;
	s17 =	sld [smem:$0x7FD];
	s18 =	sand.u32 $0x3F80, s3  }
0xe7: {  	[tilespmem:s26], [sflag:$0x5] =	stream.linear.gather [hbm4b:s16+s3], $0x80, $0x38;
	[tilespmem:$0x1D800] =	vst v63  }
0xe8: {  	s9 =	sadd.s32 $0x19000, s18;
	s19 =	simm.s32 $0x0;
	s11 =	sor.u32 $0x10, s7  }
0xe9: {  	[tilespmem:s28], [sflag:$0x5] =	stream.linear.gather [hbm4b:s17+s3], $0x80, $0x38;
	[tilespmem:$0x1D800] =	vst v63  }
0xea: {  	s20 =	sor.u32 s11, s9;
	s15 =	sor.u32 $0x20, s7;
	[tilespmem:s19+$0x19000] =	vst v0  }
0xeb: {  	s12 =	sor.u32 s15, s9;
	s16 =	sand.u32 $0xFE00, s3;
	s17 =	sor.u32 $0x30, s7;
	[tilespmem:s20+$0x0] =	vst v0  }
0xec: {  	s16 =	sadd.s32 $0xF000, s16;
	[tilespmem:s12+$0x0] =	vst v0;
	s9 =	sor.u32 s17, s9  }
0xed: {  	p0 =	por $0x0, $0x0;
	s14 =	simm.s32 $0x1;
	s7 =	sor.u32 s7, s16;
	[tilespmem:s9+$0x0] =	vst v0  }
0xee: {  	s14 =	simm.s32 @!p0 $0x0;
	[tilespmem:s7+$0x80] =	vst v0  }
0xef: {  	s18 =	sshll.u32 s14, $0x6;
	s14 =	sor.u32 s15, s16;
	[tilespmem:s7+$0x0] =	vst v0  }
0xf0: {  	s11 =	sor.u32 s11, s16;
	[tilespmem:s14+$0x0] =	vst v0  }
0xf1: {  	[tilespmem:s11+$0x80] =	vst v0  }
0xf2: {  	[tilespmem:s11+$0x0] =	vst v0  }
0xf3: {  	s10 =	sor.u32 s17, s16;
	[tilespmem:s14+$0x80] =	vst v0  }
0xf4: {  	s9 =	sadd.s32 $0x0, s18;
	[tilespmem:s10+$0x0] =	vst v0  }
0xf5: {  	s19 =	sor.u32 $0x100, s9;
	[tilespmem:s10+$0x80] =	vst v0  }
0xf6: {  	s20 =	sor.u32 $0x180, s9;
	s12 =	sadd.s32 $0x10, s9;
	[tilespmem:s19+$0xF000] =	vst v0  }
0xf7: {  	s17 =	sadd.s32 $0x30, s9;
	s15 =	sor.u32 $0x100, s12;
	[tilespmem:s20+$0xF000] =	vst v0  }
0xf8: {  	s18 =	sor.u32 $0x100, s17;
	[tilespmem:s15+$0xF000] =	vst v0  }
0xf9: {  	p0 =	por !p0, !p0;
	s7 =	simm.s32 $0x0;
	s16 =	sor.u32 $0x180, s12;
	[tilespmem:s18+$0xF000] =	vst v0  }
0xfa: {  	s10 =	simm.s32 $0x40;
	s19 =	sadd.s32 $0x20, s9;
	s20 =	sor.u32 $0x180, s17;
	[tilespmem:s16+$0xF000] =	vst v0  }
0xfb: {  	s9 =	simm.s32 $0x100;
	s11 =	sor.u32 $0x100, s19;
	s14 =	sor.u32 $0x180, s19;
	[tilespmem:s20+$0xF000] =	vst v0  }
.LBB2_2:
0xfc: {  	s15 =	simm.s32 $0x1  }
0xfd: {  	s16 =	sand.u32 $0x40, s10;
	s17 =	sand.u32 $0x3F80, s10;
	[tilespmem:s11+$0xF000] =	vst v0;
	s15 =	simm.s32 @!p0 $0x0  }
0xfe: {  	s11 =	sshra.s32 s9, $0x2;
	s18 =	sor.u32 $0x10, s16;
	s17 =	sadd.s32 $0x19000, s17;
	[tilespmem:s14+$0xF000] =	vst v0  }
0xff: {  	s19 =	sor.u32 $0x20, s16;
	s14 =	sor.u32 s18, s17;
	[tilespmem:s11+$0x19000] =	vst v0;
	s11 =	sand.u32 $0xFE00, s9  }
0x100: {  	s20 =	sor.u32 $0x30, s16;
	s11 =	sadd.s32 $0xF000, s11;
	[tilespmem:s14+$0x0] =	vst v0;
	s14 =	sor.u32 s19, s17  }
0x101: {  	s17 =	sor.u32 s20, s17;
	s18 =	sor.u32 s18, s11;
	[tilespmem:s14+$0x0] =	vst v0;
	s14 =	sor.u32 s19, s11  }
0x102: {  	s7 =	sadd.s32 $0x4, s7;
	s15 =	sshll.u32 s15, $0x6;
	s16 =	sor.u32 s16, s11;
	[tilespmem:s17+$0x0] =	vst v0  }
0x103: {  	p1 =	slt.u32 s7, $0x27C;
	s15 =	sadd.s32 s15, s9;
	[tilespmem:s16+$0x80] =	vst v0  }
0x104: {  	s19 =	sadd.s32 $0x20, s15;
	s17 =	sadd.s32 $0x10, s15;
	[tilespmem:s14+$0x0] =	vst v0  }
0x105: {  	s12 =	sor.u32 $0x100, s17;
	[tilespmem:s16+$0x0] =	vst v0;
	s16 =	sor.u32 $0x100, s15  }
0x106: {  	[tilespmem:s16+$0xF000] =	vst v0;
	s16 =	sor.u32 $0x180, s15  }
0x107: {  	s11 =	sor.u32 s20, s11;
	[tilespmem:s16+$0xF000] =	vst v0  }
0x108: {  	[tilespmem:s18+$0x80] =	vst v0  }
0x109: {  	s15 =	sadd.s32 $0x30, s15;
	[tilespmem:s18+$0x0] =	vst v0  }
0x10a: {  	s16 =	sor.u32 $0x100, s15;
	[tilespmem:s11+$0x0] =	vst v0  }
0x10b: {  	s15 =	sor.u32 $0x180, s15;
	[tilespmem:s12+$0xF000] =	vst v0;
	s12 =	sor.u32 $0x180, s17  }
.Ltmp2:
0x10c: {  	[tilespmem:s12+$0xF000] =	vst v0;
	(pc) =	sbr.rel @p1 .LBB2_2-.Ltmp2, $4  }
0x10d: {  	[tilespmem:s11+$0x80] =	vst v0  }
0x10e: {  	[tilespmem:s16+$0xF000] =	vst v0  }
0x10f: {  	s9 =	sadd.s32 $0x100, s9;
	s11 =	sor.u32 $0x100, s19;
	[tilespmem:s15+$0xF000] =	vst v0  }
0x110: {  	s10 =	sadd.s32 $0x40, s10;
	p0 =	por !p0, !p0;
	[tilespmem:s14+$0x80] =	vst v0;
	s14 =	sor.u32 $0x180, s19  }
0x111: {  	[tilespmem:s11+$0xF000] =	vst v0  }
0x112: {  	s7 =	simm.s32 $0x1;
	[tilespmem:s14+$0xF000] =	vst v0  }
0x113: {  	_ =	swait.ge [sflag:s7], $0x2800  }
0x114: {  	[sflag:s7] =	ssyncset.done $0x0  }
0x115: {  	[sflag:s7] =	ssyncadd.s32 $0xFFFFD800  }
0x116: {  	_ =	swait.ge [sflag:s7], $0x2800  }
0x117: {  	[sflag:s7] =	ssyncset.done $0x0  }
0x118: {  	[sflag:s7] =	ssyncadd.s32 $0xFFFFD800  }
0x119: {  	s9 =	simm.s32 $0x0;
	_ =	swait.ge [sflag:s7], $0xA000  }
0x11a: {  	s10 =	simm.s32 $0x0;
	s19 =	simm.s32 $0x1B800;
	[sflag:s7] =	ssyncset.done $0x0  }
0x11b: {  	s20 =	simm.s32 $0x1B900;
	s18 =	rddreg [dreg:$0x9];
	[sflag:s7] =	ssyncadd.s32 $0xFFFF6000  }
.LBB2_4:
0x11c: {  	_ =	swait.ge [sflag:s29], $0x800  }
0x11d: {  	[sflag:s29] =	ssyncset.done $0x0  }
0x11e: {  	[sflag:s29] =	ssyncadd.s32 $0xFFFFF800  }
0x11f: {  	_ =	swait.ge [sflag:s30], $0x800  }
0x120: {  	s7 =	sand.u32 $0x40, s9;
	s11 =	sand.u32 $0xF00, s9;
	[sflag:s30] =	ssyncset.done $0x0  }
0x121: {  	s7 =	sor.u32 s7, s11;
	[sflag:s30] =	ssyncadd.s32 $0xFFFFF800  }
0x122: {  	v1 =	vld [tilespmem:s7+$0x1B830]  }
0x123: {  	v2 =	vld [tilespmem:s7+$0x1C830];
	_ =	sdelay $0x2  }
0x124: {  	v3 =	vld [tilespmem:s7+$0x1B800]  }
0x125: {  	v6 =	vld [tilespmem:s7+$0x1C800]  }
0x126: {  	v5 =	vld [tilespmem:s7+$0x1B810]  }
0x127: {  	v10 =	vld [tilespmem:s7+$0x1C810]  }
0x128: {  	v4 =	vld.idx.msk [tilespmem:v1+s3+$0x0], $0xffff  }
0x129: {  	v7 =	vld.idx.msk [tilespmem:v2+s1+$0x0], $0xffff;
	_ =	sdelay $0x1  }
0x12a: {  	v11 =	vld [tilespmem:s7+$0x1C820]  }
0x12b: {  	v8 =	vld [tilespmem:s7+$0x1B820]  }
0x12c: {  	v9 =	vld.idx.msk [tilespmem:v3+s3+$0x0], $0xffff  }
0x12d: {  	v12 =	vld.idx.msk [tilespmem:v6+s1+$0x0], $0xffff;
	v4 =	vadd.f32 v7, v4  }
0x12e: {  	v13 =	vld.idx.msk [tilespmem:v5+s3+$0x0], $0xffff  }
0x12f: {  	v53 =	vld.idx.msk [tilespmem:v10+s1+$0x0], $0xffff;
	v14 =	vmul.f32 $2.000000030e-01, v4  }
0x130: {  	vm0 =	vgt.f32 v4, $0.0e+00  }
0x131: {  	v4 =	vsel vm0, v4, v14  }
0x132: {  	v9 =	vadd.f32 v12, v9;
	v12 =	vld.idx.msk [tilespmem:v11+s1+$0x0], $0xffff;
	v4 =	vmul.f32 $1.442695020e+00, v4  }
0x133: {  	v14 =	vld.idx.msk [tilespmem:v8+s3+$0x0], $0xffff  }
0x134: {  	v7 =	vadd.f32 v53, v13;
	v13 =	vmul.f32 $2.000000030e-01, v9;
	(erf) = vpow2.f32 v4  }
0x135: {  	vm6 =	vgt.f32 v9, $0.0e+00  }
0x136: {  	v9 =	vsel vm6, v9, v13  }
0x137: {  	v9 =	vmul.f32 $1.442695020e+00, v9  }
0x138: {  	v4 =	vmul.f32 $2.000000030e-01, v7;
	v54 =	vadd.f32 v12, v14;
	v12 =	vshll.u32 v1, $0x2  }
0x139: {  	vm1 =	vgt.f32 v7, $0.0e+00;
	v1 =	vand.u32 $0x7F, v1;
	v12 =	vand.u32 $0xFFFFFE00, v12  }
0x13a: {  	s14 =	simm.s32 $0x80;
	s15 =	simm.s32 $0x40;
	(erf) = vpow2.f32 v9;
	v4 =	vsel vm1, v7, v4;
	v1 =	vor.u32 v1, v12  }
0x13b: {  	s11 =	sand.u32 $0x40, s15;
	s7 =	sand.u32 $0xF00, s14;
	v4 =	vmul.f32 $1.442695020e+00, v4;
	v9 =	vmul.f32 $2.000000030e-01, v54  }
0x13c: {  	s7 =	sor.u32 s11, s7;
	vm7 =	vgt.f32 v54, $0.0e+00  }
0x13d: {  	v19 =	vld [tilespmem:s7+$0x1B830];
	v55 =	vshll.u32 v3, $0x2;
	(erf) = vpow2.f32 v4;
	v4 =	vsel vm7, v54, v9;
	v12 =	vpop (erf)  }
0x13e: {  	v3 =	vand.u32 $0x7F, v3;
	v9 =	vmul.f32 $1.442695020e+00, v4;
	v4 =	vand.u32 $0xFFFFFE00, v55;
	[tilespmem:v2+s31+$0x0] =	vst.idx.add.f32.msk $0xffff, v12  }
0x13f: {  	v56 =	vshll.u32 v2, $0x2;
	v4 =	vor.u32 v3, v4;
	v3 =	vld.idx.msk [tilespmem:v1+s6+$0x0], $0xffff  }
0x140: {  	v20 =	vld [tilespmem:s7+$0x1C830];
	v7 =	vand.u32 $0xFFFFFE00, v56;
	v2 =	vand.u32 $0x7F, v2  }
0x141: {  	v21 =	vld [tilespmem:s7+$0x1C800];
	(erf) = vpow2.f32 v9;
	v9 =	vshll.u32 v5, $0x2;
	v2 =	vor.u32 v2, v7  }
0x142: {  	v22 =	vld [tilespmem:s7+$0x1B810];
	v57 =	vand.u32 $0xFFFFFE00, v9;
	v9 =	vor.u32 $0x80, v1  }
0x143: {  	v25 =	vld [tilespmem:s7+$0x1B820]  }
0x144: {  	v3 =	vmul.f32 v12, v3  }
0x145: {  	v23 =	vld.idx.msk [tilespmem:v19+s3+$0x0], $0xffff  }
0x146: {  	[tilespmem:v2+s0+$0x0] =	vst.idx.add.f32.msk $0xffff, v3  }
0x147: {  	v3 =	vld.idx.msk [tilespmem:v9+s6+$0x0], $0xffff  }
0x148: {  	v24 =	vld.idx.msk [tilespmem:v20+s1+$0x0], $0xffff  }
0x149: {  	v29 =	vld.idx.msk [tilespmem:v21+s1+$0x0], $0xffff;
	v9 =	vor.u32 $0x80, v2  }
0x14a: {  	v30 =	vld.idx.msk [tilespmem:v22+s3+$0x0], $0xffff;
	v18 =	vor.u32 $0x100, v1  }
0x14b: {  	v35 =	vld.idx.msk [tilespmem:v25+s3+$0x0], $0xffff;
	v14 =	vpop (erf)  }
0x14c: {  	[tilespmem:v6+s31+$0x0] =	vst.idx.add.f32.msk $0xffff, v14;
	v3 =	vmul.f32 v12, v3  }
0x14d: {  	v58 =	vshll.u32 v8, $0x2;
	v16 =	vld.idx.msk [tilespmem:v4+s6+$0x0], $0xffff  }
0x14e: {  	v13 =	vshll.u32 v6, $0x2;
	v8 =	vand.u32 $0x7F, v8;
	v7 =	vand.u32 $0xFFFFFE00, v58;
	[tilespmem:v9+s0+$0x0] =	vst.idx.add.f32.msk $0xffff, v3  }
0x14f: {  	v17 =	vand.u32 $0x7F, v6;
	v13 =	vand.u32 $0xFFFFFE00, v13;
	v59 =	vor.u32 v8, v7;
	v3 =	vld.idx.msk [tilespmem:v18+s6+$0x0], $0xffff  }
0x150: {  	v60 =	vor.u32 v17, v13;
	v15 =	vpop (erf);
	v18 =	vld [tilespmem:s7+$0x1B800]  }
0x151: {  	v5 =	vand.u32 $0x7F, v5;
	[tilespmem:v10+s31+$0x0] =	vst.idx.add.f32.msk $0xffff, v15  }
0x152: {  	v5 =	vor.u32 v5, v57;
	v17 =	vpop (erf);
	v9 =	vld [tilespmem:s7+$0x1C810]  }
0x153: {  	v8 =	vmul.f32 v14, v16;
	[tilespmem:v11+s31+$0x0] =	vst.idx.add.f32.msk $0xffff, v17  }
0x154: {  	v23 =	vadd.f32 v24, v23;
	v24 =	vor.u32 $0x80, v4;
	v16 =	vld.idx.msk [tilespmem:v59+s6+$0x0], $0xffff  }
0x155: {  	[tilespmem:v60+s0+$0x0] =	vst.idx.add.f32.msk $0xffff, v8  }
0x156: {  	v34 =	vshll.u32 v11, $0x2;
	v26 =	vor.u32 $0x100, v2;
	v8 =	vld [tilespmem:s7+$0x1C820]  }
0x157: {  	v34 =	vand.u32 $0xFFFFFE00, v34;
	v1 =	vor.u32 $0x180, v1;
	v13 =	vld.idx.msk [tilespmem:v5+s6+$0x0], $0xffff;
	v11 =	vand.u32 $0x7F, v11  }
0x158: {  	v11 =	vor.u32 v11, v34;
	v27 =	vld.idx.msk [tilespmem:v18+s3+$0x0], $0xffff  }
0x159: {  	v28 =	vand.u32 $0x7F, v10;
	v10 =	vshll.u32 v10, $0x2;
	v24 =	vld.idx.msk [tilespmem:v24+s6+$0x0], $0xffff;
	v3 =	vmul.f32 v3, v12  }
0x15a: {  	vm8 =	vgt.f32 v23, $0.0e+00;
	v33 =	vor.u32 $0x80, v60;
	v10 =	vand.u32 $0xFFFFFE00, v10;
	v31 =	vld.idx.msk [tilespmem:v9+s1+$0x0], $0xffff  }
0x15b: {  	v10 =	vor.u32 v28, v10;
	v16 =	vmul.f32 v17, v16;
	[tilespmem:v26+s0+$0x0] =	vst.idx.add.f32.msk $0xffff, v3;
	v3 =	vmul.f32 $2.000000030e-01, v23  }
0x15c: {  	v32 =	vor.u32 $0x80, v59;
	v28 =	vor.u32 $0x80, v5;
	v13 =	vmul.f32 v15, v13;
	v1 =	vld.idx.msk [tilespmem:v1+s6+$0x0], $0xffff  }
0x15d: {  	v2 =	vor.u32 $0x180, v2;
	[tilespmem:v11+s0+$0x0] =	vst.idx.add.f32.msk $0xffff, v16;
	v3 =	vsel vm8, v23, v3;
	v23 =	vadd.f32 v29, v27  }
0x15e: {  	v16 =	vmul.f32 v14, v24;
	v24 =	vshll.u32 v19, $0x2;
	v3 =	vmul.f32 $1.442695020e+00, v3;
	v27 =	vld.idx.msk [tilespmem:v8+s1+$0x0], $0xffff  }
0x15f: {  	v19 =	vand.u32 $0x7F, v19;
	v29 =	vadd.f32 v31, v30;
	v31 =	vmul.f32 $2.000000030e-01, v23  }
0x160: {  	[tilespmem:v10+s0+$0x0] =	vst.idx.add.f32.msk $0xffff, v13;
	v24 =	vand.u32 $0xFFFFFE00, v24;
	(erf) = vpow2.f32 v3;
	vm9 =	vgt.f32 v23, $0.0e+00  }
0x161: {  	v1 =	vmul.f32 v1, v12;
	v12 =	vld.idx.msk [tilespmem:v28+s6+$0x0], $0xffff;
	v3 =	vmul.f32 $2.000000030e-01, v29;
	v13 =	vsel vm9, v23, v31  }
0x162: {  	v26 =	vor.u32 $0x80, v10;
	vm10 =	vgt.f32 v29, $0.0e+00;
	v13 =	vmul.f32 $1.442695020e+00, v13  }
0x163: {  	v30 =	vor.u32 $0x100, v4;
	[tilespmem:v2+s0+$0x0] =	vst.idx.add.f32.msk $0xffff, v1;
	v3 =	vsel vm10, v29, v3;
	v23 =	vadd.f32 v27, v35  }
0x164: {  	v2 =	vor.u32 $0x80, v11;
	v3 =	vmul.f32 $1.442695020e+00, v3;
	v27 =	vld.idx.msk [tilespmem:v32+s6+$0x0], $0xffff;
	(erf) = vpow2.f32 v13  }
0x165: {  	v1 =	vmul.f32 $2.000000030e-01, v23;
	v13 =	vor.u32 v19, v24;
	vm11 =	vgt.f32 v23, $0.0e+00  }
0x166: {  	v19 =	vor.u32 $0x100, v59;
	(erf) = vpow2.f32 v3;
	v3 =	vmul.f32 v15, v12  }
0x167: {  	[tilespmem:v33+s0+$0x0] =	vst.idx.add.f32.msk $0xffff, v16;
	v12 =	vor.u32 $0x100, v5;
	v1 =	vsel vm11, v23, v1;
	v23 =	vshll.u32 v18, $0x2  }
0x168: {  	v1 =	vmul.f32 $1.442695020e+00, v1;
	[tilespmem:v26+s0+$0x0] =	vst.idx.add.f32.msk $0xffff, v3;
	v3 =	vand.u32 $0x7F, v18;
	v18 =	vand.u32 $0xFFFFFE00, v23  }
0x169: {  	v16 =	vld.idx.msk [tilespmem:v30+s6+$0x0], $0xffff;
	v28 =	vpop (erf);
	v23 =	vmul.f32 v17, v27;
	v26 =	vor.u32 v3, v18;
	v3 =	vshll.u32 v22, $0x2  }
0x16a: {  	[tilespmem:v20+s31+$0x0] =	vst.idx.add.f32.msk $0xffff, v28;
	(erf) = vpow2.f32 v1;
	v1 =	vand.u32 $0x7F, v22;
	v22 =	vshll.u32 v20, $0x2  }
0x16b: {  	v3 =	vand.u32 $0xFFFFFE00, v3;
	[tilespmem:v2+s0+$0x0] =	vst.idx.add.f32.msk $0xffff, v23;
	v2 =	vand.u32 $0xFFFFFE00, v22  }
0x16c: {  	v18 =	vld.idx.msk [tilespmem:v13+s6+$0x0], $0xffff;
	v23 =	vor.u32 v1, v3;
	v1 =	vand.u32 $0x7F, v20  }
0x16d: {  	v12 =	vld.idx.msk [tilespmem:v12+s6+$0x0], $0xffff  }
0x16e: {  	v19 =	vld.idx.msk [tilespmem:v19+s6+$0x0], $0xffff;
	v20 =	vor.u32 v1, v2;
	v2 =	vpop (erf)  }
0x16f: {  	v3 =	vshll.u32 v25, $0x2;
	v22 =	vor.u32 $0x80, v13;
	[tilespmem:v21+s31+$0x0] =	vst.idx.add.f32.msk $0xffff, v2;
	v1 =	vpop (erf)  }
0x170: {  	v30 =	vor.u32 $0x100, v10;
	v24 =	vand.u32 $0x7F, v25;
	v3 =	vand.u32 $0xFFFFFE00, v3;
	[tilespmem:v9+s31+$0x0] =	vst.idx.add.f32.msk $0xffff, v1  }
0x171: {  	v25 =	vor.u32 v24, v3;
	v3 =	vmul.f32 v28, v18;
	v24 =	vld.idx.msk [tilespmem:v26+s6+$0x0], $0xffff  }
0x172: {  	v18 =	vor.u32 $0x100, v60;
	v29 =	vld.idx.msk [tilespmem:v23+s6+$0x0], $0xffff  }
0x173: {  	v27 =	vshll.u32 v21, $0x2;
	v12 =	vmul.f32 v12, v15;
	[tilespmem:v20+s0+$0x0] =	vst.idx.add.f32.msk $0xffff, v3  }
0x174: {  	v27 =	vand.u32 $0xFFFFFE00, v27;
	v21 =	vand.u32 $0x7F, v21;
	v22 =	vld.idx.msk [tilespmem:v22+s6+$0x0], $0xffff  }
0x175: {  	s16 =	simm.s32 $0x100;
	s17 =	simm.s32 $0x80;
	v16 =	vmul.f32 v16, v14;
	v21 =	vor.u32 v21, v27;
	[tilespmem:v30+s0+$0x0] =	vst.idx.add.f32.msk $0xffff, v12;
	v3 =	vpop (erf)  }
0x176: {  	s11 =	sand.u32 $0x40, s17;
	s7 =	sand.u32 $0xF00, s16;
	[tilespmem:v8+s31+$0x0] =	vst.idx.add.f32.msk $0xffff, v3  }
0x177: {  	s7 =	sor.u32 s11, s7;
	v31 =	vor.u32 $0x80, v20;
	[tilespmem:v18+s0+$0x0] =	vst.idx.add.f32.msk $0xffff, v16  }
0x178: {  	v16 =	vor.u32 $0x100, v13;
	v18 =	vld [tilespmem:s7+$0x1C800];
	v24 =	vmul.f32 v2, v24  }
0x179: {  	v27 =	vld.idx.msk [tilespmem:v25+s6+$0x0], $0xffff  }
0x17a: {  	[tilespmem:v21+s0+$0x0] =	vst.idx.add.f32.msk $0xffff, v24;
	v12 =	vmul.f32 v28, v22  }
0x17b: {  	v22 =	vld [tilespmem:s7+$0x1B830]  }
0x17c: {  	[tilespmem:v31+s0+$0x0] =	vst.idx.add.f32.msk $0xffff, v12  }
0x17d: {  	v12 =	vld.idx.msk [tilespmem:v16+s6+$0x0], $0xffff  }
0x17e: {  	v0 =	vor.u32 $0x180, v60;
	v16 =	vld [tilespmem:s7+$0x1C830]  }
0x17f: {  	v31 =	vld [tilespmem:s7+$0x1B800];
	[tilespmem:$0x1FFB0] =	vst v0  }
0x180: {  	v61 =	vor.u32 $0x100, v20;
	v36 =	vld [tilespmem:s7+$0x1B810]  }
0x181: {  	v58 =	vor.u32 $0x180, v10;
	v62 =	vshll.u32 v9, $0x2;
	v24 =	vld [tilespmem:s7+$0x1C810]  }
0x182: {  	v57 =	vor.u32 $0x180, v11;
	v7 =	vand.u32 $0xFFFFFE00, v62;
	v10 =	vor.u32 $0x180, v13;
	v37 =	vld [tilespmem:s7+$0x1B820]  }
0x183: {  	v32 =	vor.u32 $0x100, v11;
	v9 =	vand.u32 $0x7F, v9;
	v52 =	vld [tilespmem:s7+$0x1C820];
	v11 =	vmul.f32 v12, v28  }
0x184: {  	v33 =	vor.u32 $0x180, v5;
	v38 =	vor.u32 v9, v7;
	v9 =	vshll.u32 v8, $0x2;
	v63 =	vld.idx.msk [tilespmem:v22+s3+$0x0], $0xffff  }
0x185: {  	v35 =	vor.u32 $0x180, v59;
	v9 =	vand.u32 $0xFFFFFE00, v9;
	v8 =	vand.u32 $0x7F, v8;
	[tilespmem:v61+s0+$0x0] =	vst.idx.add.f32.msk $0xffff, v11  }
0x186: {  	v39 =	vor.u32 $0x80, v26;
	v48 =	vor.u32 v8, v9;
	v0 =	vor.u32 $0x180, v26;
	v42 =	vld.idx.msk [tilespmem:v16+s1+$0x0], $0xffff  }
0x187: {  	v46 =	vor.u32 $0x100, v26;
	v40 =	vor.u32 $0x80, v23;
	v49 =	vld.idx.msk [tilespmem:v10+s6+$0x0], $0xffff;
	[tilespmem:$0x1FFC0] =	vst v0;
	v0 =	vor.u32 $0x100, v48  }
0x188: {  	v47 =	vor.u32 $0x100, v23;
	v41 =	vor.u32 $0x80, v25;
	[tilespmem:$0x1FFD0] =	vst v0;
	v0 =	vor.u32 $0x180, v23  }
0x189: {  	v50 =	vor.u32 $0x100, v25;
	v19 =	vmul.f32 v19, v17;
	v26 =	vld.idx.msk [tilespmem:v31+s3+$0x0], $0xffff;
	[tilespmem:$0x1FFE0] =	vst v0;
	v0 =	vor.u32 $0x180, v25  }
0x18a: {  	v45 =	vor.u32 $0x80, v21;
	v44 =	vor.u32 $0x100, v21;
	v20 =	vor.u32 $0x180, v20;
	[tilespmem:$0x1FFF0] =	vst v0  }
0x18b: {  	v30 =	vor.u32 $0x180, v4;
	v34 =	vor.u32 $0x80, v38;
	v43 =	vor.u32 $0x100, v38;
	v23 =	vld.idx.msk [tilespmem:v18+s1+$0x0], $0xffff  }
0x18c: {  	v13 =	vor.u32 $0x180, v21;
	v9 =	vor.u32 $0x180, v38;
	v21 =	vmul.f32 v1, v29;
	v25 =	vld.idx.msk [tilespmem:v36+s3+$0x0], $0xffff  }
0x18d: {  	v51 =	vor.u32 $0x80, v48;
	v53 =	vand.u32 $0x7F, v18;
	v27 =	vmul.f32 v3, v27;
	v6 =	vld.idx.msk [tilespmem:v24+s1+$0x0], $0xffff  }
0x18e: {  	v7 =	vand.u32 $0x7F, v31;
	[tilespmem:v38+s0+$0x0] =	vst.idx.add.f32.msk $0xffff, v21;
	v29 =	vadd.f32 v42, v63;
	v21 =	vmul.f32 v49, v28  }
0x18f: {  	v12 =	vor.u32 $0x180, v48;
	v61 =	vand.u32 $0x7F, v24;
	v31 =	vshll.u32 v31, $0x2;
	v56 =	vld.idx.msk [tilespmem:v37+s3+$0x0], $0xffff  }
0x190: {  	v31 =	vand.u32 $0xFFFFFE00, v31;
	v28 =	vmul.f32 $2.000000030e-01, v29;
	[tilespmem:v20+s0+$0x0] =	vst.idx.add.f32.msk $0xffff, v21;
	v21 =	vshll.u32 v18, $0x2  }
0x191: {  	v31 =	vor.u32 v7, v31;
	v59 =	vld.idx.msk [tilespmem:v40+s6+$0x0], $0xffff;
	vm12 =	vgt.f32 v29, $0.0e+00;
	v21 =	vand.u32 $0xFFFFFE00, v21  }
0x192: {  	v20 =	vsel vm12, v29, v28;
	v23 =	vadd.f32 v23, v26;
	v26 =	vld.idx.msk [tilespmem:v52+s1+$0x0], $0xffff;
	v25 =	vadd.f32 v6, v25  }
0x193: {  	v28 =	vld.idx.msk [tilespmem:v39+s6+$0x0], $0xffff;
	v29 =	vand.u32 $0x7F, v36;
	v40 =	vor.u32 v53, v21;
	v20 =	vmul.f32 $1.442695020e+00, v20  }
0x194: {  	[tilespmem:v48+s0+$0x0] =	vst.idx.add.f32.msk $0xffff, v27;
	v27 =	vmul.f32 $2.000000030e-01, v23;
	vm13 =	vgt.f32 v23, $0.0e+00;
	v60 =	vmul.f32 $2.000000030e-01, v25  }
0x195: {  	[tilespmem:v32+s0+$0x0] =	vst.idx.add.f32.msk $0xffff, v19;
	vm14 =	vgt.f32 v25, $0.0e+00;
	(erf) = vpow2.f32 v20;
	v20 =	vshll.u32 v36, $0x2  }
0x196: {  	v62 =	vld.idx.msk [tilespmem:v41+s6+$0x0], $0xffff;
	v23 =	vsel vm13, v23, v27;
	v27 =	vshll.u32 v22, $0x2;
	v22 =	vand.u32 $0x7F, v22  }
0x197: {  	v63 =	vld.idx.msk [tilespmem:v30+s6+$0x0], $0xffff;
	v19 =	vmul.f32 $1.442695020e+00, v23;
	v23 =	vsel vm14, v25, v60;
	v25 =	vadd.f32 v26, v56  }
0x198: {  	v7 =	vld.idx.msk [tilespmem:v35+s6+$0x0], $0xffff;
	v26 =	vmul.f32 v2, v28;
	v27 =	vand.u32 $0xFFFFFE00, v27;
	v23 =	vmul.f32 $1.442695020e+00, v23  }
0x199: {  	v6 =	vld.idx.msk [tilespmem:v33+s6+$0x0], $0xffff;
	v42 =	vor.u32 v22, v27;
	(erf) = vpow2.f32 v19;
	v19 =	vmul.f32 $2.000000030e-01, v25  }
0x19a: {  	v22 =	vmul.f32 v1, v59;
	vm15 =	vgt.f32 v25, $0.0e+00;
	[tilespmem:v45+s0+$0x0] =	vst.idx.add.f32.msk $0xffff, v26;
	(erf) = vpow2.f32 v23  }
0x19b: {  	v23 =	vshll.u32 v24, $0x2;
	v45 =	vld.idx.msk [tilespmem:v46+s6+$0x0], $0xffff;
	v19 =	vsel vm15, v25, v19;
	v25 =	vshll.u32 v37, $0x2  }
0x19c: {  	[tilespmem:v34+s0+$0x0] =	vst.idx.add.f32.msk $0xffff, v22;
	v22 =	vand.u32 $0xFFFFFE00, v23;
	v23 =	vand.u32 $0xFFFFFE00, v25;
	v25 =	vmul.f32 v3, v62  }
0x19d: {  	v38 =	vmul.f32 v63, v14;
	v20 =	vand.u32 $0xFFFFFE00, v20;
	v47 =	vld.idx.msk [tilespmem:v47+s6+$0x0], $0xffff;
	v19 =	vmul.f32 $1.442695020e+00, v19  }
0x19e: {  	v17 =	vmul.f32 v7, v17;
	v30 =	vor.u32 v29, v20;
	v20 =	vand.u32 $0x7F, v37;
	v41 =	vpop (erf);
	[tilespmem:v51+s0+$0x0] =	vst.idx.add.f32.msk $0xffff, v25  }
0x19f: {  	(erf) = vpow2.f32 v19;
	v19 =	vshll.u32 v16, $0x2;
	[tilespmem:v16+s31+$0x0] =	vst.idx.add.f32.msk $0xffff, v41;
	v16 =	vand.u32 $0x7F, v16  }
0x1a0: {  	v29 =	vor.u32 $0x100, v31;
	v21 =	vor.u32 $0x80, v30;
	v56 =	vmul.f32 v45, v2;
	v26 =	vld.idx.msk [tilespmem:v42+s6+$0x0], $0xffff  }
0x1a1: {  	v27 =	vand.u32 $0x7F, v52;
	v39 =	vor.u32 v61, v22;
	v22 =	vand.u32 $0xFFFFFE00, v19;
	v50 =	vld.idx.msk [tilespmem:v50+s6+$0x0], $0xffff  }
0x1a2: {  	v28 =	vor.u32 $0x100, v30;
	v33 =	vor.u32 $0x180, v30;
	v51 =	vor.u32 v16, v22;
	[tilespmem:v44+s0+$0x0] =	vst.idx.add.f32.msk $0xffff, v56;
	v16 =	vpop (erf)  }
0x1a3: {  	v37 =	vmul.f32 v6, v15;
	v61 =	vor.u32 $0x80, v42;
	v60 =	vor.u32 v20, v23;
	[tilespmem:v18+s31+$0x0] =	vst.idx.add.f32.msk $0xffff, v16;
	v18 =	vpop (erf)  }
0x1a4: {  	v20 =	vor.u32 $0x80, v31;
	v14 =	vor.u32 $0x180, v39;
	v23 =	vor.u32 $0x80, v60;
	[tilespmem:v24+s31+$0x0] =	vst.idx.add.f32.msk $0xffff, v18  }
0x1a5: {  	v25 =	vshll.u32 v52, $0x2;
	v32 =	vor.u32 $0x100, v60;
	v54 =	vld.idx.msk [tilespmem:v31+s6+$0x0], $0xffff;
	v62 =	vmul.f32 v41, v26  }
0x1a6: {  	v19 =	vor.u32 $0x80, v40;
	v25 =	vand.u32 $0xFFFFFE00, v25;
	v22 =	vor.u32 $0x80, v39;
	v55 =	vld.idx.msk [tilespmem:v30+s6+$0x0], $0xffff  }
0x1a7: {  	v36 =	vor.u32 v27, v25;
	v25 =	vor.u32 $0x100, v40;
	v63 =	vmul.f32 v47, v1;
	[tilespmem:v51+s0+$0x0] =	vst.idx.add.f32.msk $0xffff, v62  }
0x1a8: {  	v34 =	vor.u32 $0x80, v36;
	v27 =	vor.u32 $0x100, v36;
	v15 =	vor.u32 $0x180, v36;
	v46 =	vld.idx.msk [tilespmem:v61+s6+$0x0], $0xffff  }
0x1a9: {  	v44 =	vor.u32 $0x80, v51;
	[tilespmem:v43+s0+$0x0] =	vst.idx.add.f32.msk $0xffff, v63;
	v24 =	vor.u32 $0x180, v31;
	v31 =	vor.u32 $0x180, v40;
	v35 =	vpop (erf)  }
0x1aa: {  	v48 =	vmul.f32 v50, v3;
	v50 =	vor.u32 $0x100, v42;
	v26 =	vor.u32 $0x100, v39;
	[tilespmem:v52+s31+$0x0] =	vst.idx.add.f32.msk $0xffff, v35  }
0x1ab: {  	s14 =	simm.s32 $0xC0;
	s11 =	simm.s32 $0x180;
	s7 =	simm.s32 $0x8;
	v30 =	vor.u32 $0x180, v60;
	v45 =	vld.idx.msk [tilespmem:v60+s6+$0x0], $0xffff;
	v47 =	vmul.f32 v16, v54;
	v49 =	vmul.f32 v18, v55  }
.LBB2_5:
0x1ac: {  	s12 =	sand.u32 $0x40, s14;
	s15 =	sand.u32 $0xF00, s11  }
0x1ad: {  	s12 =	sor.u32 s12, s15;
	[tilespmem:v39+s0+$0x0] =	vst.idx.add.f32.msk $0xffff, v49;
	v63 =	vmul.f32 v41, v46  }
0x1ae: {  	v53 =	vld [tilespmem:s12+$0x1B830]  }
0x1af: {  	[tilespmem:v44+s0+$0x0] =	vst.idx.add.f32.msk $0xffff, v63  }
0x1b0: {  	v39 =	vld.idx.msk [tilespmem:v50+s6+$0x0], $0xffff  }
0x1b1: {  	v52 =	vmul.f32 v35, v45;
	v45 =	vld [tilespmem:s12+$0x1C830]  }
0x1b2: {  	v6 =	vor.u32 $0x100, v51  }
0x1b3: {  	v42 =	vor.u32 $0x180, v42;
	_ =	sdelay $0x1  }
0x1b4: {  	v39 =	vmul.f32 v39, v41  }
0x1b5: {  	v56 =	vld.idx.msk [tilespmem:v53+s3+$0x0], $0xffff  }
0x1b6: {  	[tilespmem:v6+s0+$0x0] =	vst.idx.add.f32.msk $0xffff, v39  }
0x1b7: {  	v42 =	vld.idx.msk [tilespmem:v42+s6+$0x0], $0xffff  }
0x1b8: {  	v59 =	vld.idx.msk [tilespmem:v45+s1+$0x0], $0xffff  }
0x1b9: {  	[tilespmem:v40+s0+$0x0] =	vst.idx.add.f32.msk $0xffff, v47  }
0x1ba: {  	v51 =	vor.u32 $0x180, v51;
	v40 =	vld [tilespmem:s12+$0x1B800]  }
0x1bb: {  	v54 =	vld [tilespmem:s12+$0x1B810];
	_ =	sdelay $0x1  }
0x1bc: {  	v43 =	vld [tilespmem:s12+$0x1C800];
	v41 =	vmul.f32 v42, v41;
	v56 =	vadd.f32 v59, v56  }
0x1bd: {  	v44 =	vld [tilespmem:s12+$0x1C810]  }
0x1be: {  	v7 =	vand.u32 $0x7F, v40;
	[tilespmem:v51+s0+$0x0] =	vst.idx.add.f32.msk $0xffff, v41;
	v41 =	vmul.f32 $2.000000030e-01, v56  }
0x1bf: {  	v55 =	vld [tilespmem:s12+$0x1B820];
	v60 =	vshll.u32 v40, $0x2;
	v62 =	vand.u32 $0x7F, v54;
	vm0 =	vgt.f32 v56, $0.0e+00  }
0x1c0: {  	v63 =	vshll.u32 v54, $0x2;
	v49 =	vand.u32 $0xFFFFFE00, v60;
	v41 =	vsel vm0, v56, v41  }
0x1c1: {  	v47 =	vld [tilespmem:s12+$0x1C820];
	v46 =	vor.u32 v7, v49;
	v49 =	vand.u32 $0xFFFFFE00, v63;
	v41 =	vmul.f32 $1.442695020e+00, v41  }
0x1c2: {  	v49 =	vor.u32 v62, v49;
	v62 =	vld.idx.msk [tilespmem:v40+s3+$0x0], $0xffff  }
0x1c3: {  	(erf) = vpow2.f32 v41;
	v41 =	vld [tilespmem:$0x1FFD0]  }
0x1c4: {  	v50 =	vand.u32 $0x7F, v43;
	v61 =	vshll.u32 v43, $0x2;
	v63 =	vld.idx.msk [tilespmem:v43+s1+$0x0], $0xffff;
	v7 =	vshll.u32 v44, $0x2  }
0x1c5: {  	v10 =	vmovc v58;
	v58 =	vand.u32 $0xFFFFFE00, v7;
	v39 =	vand.u32 $0xFFFFFE00, v61;
	v6 =	vand.u32 $0x7F, v44;
	v4 =	vld.idx.msk [tilespmem:v44+s1+$0x0], $0xffff  }
0x1c6: {  	v40 =	vor.u32 v50, v39;
	v39 =	vor.u32 v6, v58;
	v58 =	vld.idx.msk [tilespmem:v54+s3+$0x0], $0xffff  }
0x1c7: {  	v42 =	vld.idx.msk [tilespmem:v55+s3+$0x0], $0xffff  }
0x1c8: {  	v60 =	vand.u32 $0x7F, v55;
	v61 =	vshll.u32 v55, $0x2;
	v55 =	vshll.u32 v47, $0x2;
	[tilespmem:v36+s0+$0x0] =	vst.idx.add.f32.msk $0xffff, v52  }
0x1c9: {  	v54 =	vand.u32 $0x7F, v47;
	v55 =	vand.u32 $0xFFFFFE00, v55;
	v8 =	vld.idx.msk [tilespmem:v23+s6+$0x0], $0xffff  }
0x1ca: {  	v36 =	vor.u32 v54, v55;
	v55 =	vld.idx.msk [tilespmem:v47+s1+$0x0], $0xffff  }
0x1cb: {  	v51 =	vadd.f32 v63, v62;
	v63 =	vor.u32 $0x100, v36;
	[tilespmem:v41+s0+$0x0] =	vst.idx.add.f32.msk $0xffff, v48  }
0x1cc: {  	v48 =	vmov v27;
	v27 =	vmov v63;
	v63 =	vld [tilespmem:$0x1FFC0]  }
0x1cd: {  	v61 =	vand.u32 $0xFFFFFE00, v61  }
0x1ce: {  	v50 =	vor.u32 v60, v61;
	v4 =	vadd.f32 v4, v58  }
0x1cf: {  	v61 =	vor.u32 $0x80, v50  }
0x1d0: {  	v23 =	vmov v61;
	v61 =	vmul.f32 $2.000000030e-01, v4  }
0x1d1: {  	v11 =	vmovc v9;
	v9 =	vmov v57;
	v57 =	vor.u32 $0x80, v46;
	vm1 =	vgt.f32 v4, $0.0e+00;
	v56 =	vld.idx.msk [tilespmem:v20+s6+$0x0], $0xffff  }
0x1d2: {  	v20 =	vmov v57;
	v57 =	vmul.f32 $2.000000030e-01, v51;
	v4 =	vsel vm1, v4, v61;
	v61 =	vld [tilespmem:$0x1FFF0]  }
0x1d3: {  	vm14 =	vgt.f32 v51, $0.0e+00  }
0x1d4: {  	v60 =	vor.u32 $0x80, v49;
	v41 =	vsel vm14, v51, v57;
	v57 =	vld.idx.msk [tilespmem:v63+s6+$0x0], $0xffff;
	v63 =	vmov v24  }
0x1d5: {  	v58 =	vld.idx.msk [tilespmem:v21+s6+$0x0], $0xffff;
	v21 =	vmov v60;
	v60 =	vor.u32 $0x180, v46  }
0x1d6: {  	v24 =	vmov v60;
	v60 =	vld [tilespmem:$0x1FFE0]  }
0x1d7: {  	v41 =	vmul.f32 $1.442695020e+00, v41;
	[tilespmem:$0x1FFC0] =	vst v63;
	v63 =	vmov v30;
	v30 =	vld [tilespmem:$0x1FFB0];
	_ =	sdelay $0x1  }
0x1d8: {  	(erf) = vpow2.f32 v41  }
0x1d9: {  	v8 =	vmul.f32 v35, v8;
	[tilespmem:$0x1FFD0] =	vst v48;
	v61 =	vld.idx.msk [tilespmem:v61+s6+$0x0], $0xffff  }
0x1da: {  	[tilespmem:v9+s0+$0x0] =	vst.idx.add.f32.msk $0xffff, v17  }
0x1db: {  	v4 =	vmul.f32 $1.442695020e+00, v4;
	v42 =	vadd.f32 v55, v42;
	[tilespmem:v34+s0+$0x0] =	vst.idx.add.f32.msk $0xffff, v8;
	v41 =	vpop (erf)  }
0x1dc: {  	v0 =	vor.u32 $0x80, v40;
	v56 =	vmul.f32 v16, v56;
	v48 =	vor.u32 $0x180, v49;
	[tilespmem:v45+s31+$0x0] =	vst.idx.add.f32.msk $0xffff, v41  }
0x1dd: {  	(erf) = vpow2.f32 v4;
	[tilespmem:$0x1FFF0] =	vst v63;
	v63 =	vshll.u32 v53, $0x2;
	v55 =	vld.idx.msk [tilespmem:v60+s6+$0x0], $0xffff;
	v60 =	vmovc v33;
	v33 =	vmovc v48;
	v48 =	vmul.f32 $2.000000030e-01, v42  }
0x1de: {  	vm15 =	vgt.f32 v42, $0.0e+00;
	v63 =	vand.u32 $0xFFFFFE00, v63;
	[tilespmem:v30+s0+$0x0] =	vst.idx.add.f32.msk $0xffff, v38;
	v38 =	vand.u32 $0x7F, v53  }
0x1df: {  	[tilespmem:v19+s0+$0x0] =	vst.idx.add.f32.msk $0xffff, v56;
	v19 =	vmov v0;
	v0 =	vsel vm15, v42, v48;
	v42 =	vor.u32 v38, v63  }
0x1e0: {  	v59 =	vor.u32 $0x100, v46;
	[tilespmem:v10+s0+$0x0] =	vst.idx.add.f32.msk $0xffff, v37;
	v38 =	vmul.f32 v57, v2;
	v2 =	vmov v16  }
0x1e1: {  	v16 =	vpop (erf);
	v4 =	vld.idx.msk [tilespmem:v29+s6+$0x0], $0xffff;
	v29 =	vmov v59;
	v0 =	vmul.f32 $1.442695020e+00, v0;
	v59 =	vmul.f32 v18, v58  }
0x1e2: {  	v51 =	vor.u32 $0x180, v50;
	[tilespmem:v43+s31+$0x0] =	vst.idx.add.f32.msk $0xffff, v16  }
0x1e3: {  	v5 =	vor.u32 $0x80, v39;
	v62 =	vor.u32 $0x80, v36;
	(erf) = vpow2.f32 v0;
	[tilespmem:v22+s0+$0x0] =	vst.idx.add.f32.msk $0xffff, v59  }
0x1e4: {  	v9 =	vmovc v14;
	v8 =	vand.u32 $0x7F, v45;
	v63 =	vor.u32 $0x180, v39;
	v22 =	vmovc v5;
	v5 =	vshll.u32 v45, $0x2;
	v0 =	vld.idx.msk [tilespmem:v42+s6+$0x0], $0xffff  }
0x1e5: {  	v17 =	vmul.f32 v61, v3;
	v30 =	vmovc v51;
	v51 =	vmovc v13;
	v14 =	vmov v63;
	v63 =	vld.idx.msk [tilespmem:v46+s6+$0x0], $0xffff;
	v5 =	vand.u32 $0xFFFFFE00, v5  }
0x1e6: {  	[tilespmem:$0x1FFB0] =	vst v51;
	v37 =	vmul.f32 v55, v1;
	v1 =	vmov v18;
	v18 =	vpop (erf);
	v61 =	vld.idx.msk [tilespmem:v28+s6+$0x0], $0xffff;
	v51 =	vor.u32 v8, v5  }
0x1e7: {  	v34 =	vmov v62;
	v62 =	vor.u32 $0x80, v42;
	[tilespmem:v44+s31+$0x0] =	vst.idx.add.f32.msk $0xffff, v18  }
0x1e8: {  	v5 =	vld.idx.msk [tilespmem:v32+s6+$0x0], $0xffff;
	v4 =	vmul.f32 v4, v2  }
0x1e9: {  	s7 =	sadd.s32 $0x4, s7;
	[tilespmem:$0x1FFE0] =	vst v60;
	v8 =	vld.idx.msk [tilespmem:v49+s6+$0x0], $0xffff;
	v0 =	vmul.f32 v41, v0  }
0x1ea: {  	p0 =	slt.u32 s7, $0x7C;
	v6 =	vor.u32 $0x100, v49;
	v7 =	vor.u32 $0x100, v50;
	v60 =	vor.u32 $0x180, v40;
	[tilespmem:v25+s0+$0x0] =	vst.idx.add.f32.msk $0xffff, v4  }
.Ltmp3:
0x1eb: {  	v52 =	vor.u32 $0x100, v39;
	v54 =	vor.u32 $0x100, v40;
	v3 =	vmovc v35;
	v13 =	vmovc v31;
	v31 =	vmov v60;
	[tilespmem:v51+s0+$0x0] =	vst.idx.add.f32.msk $0xffff, v0;
	(pc) =	sbr.rel @p0 .LBB2_5-.Ltmp3, $4  }
0x1ec: {  	v60 =	vor.u32 $0x180, v36;
	v57 =	vmov v12;
	v12 =	vmov v15;
	v35 =	vpop (erf);
	v46 =	vld.idx.msk [tilespmem:v62+s6+$0x0], $0xffff  }
0x1ed: {  	v15 =	vmovc v60;
	v58 =	vmov v11;
	v28 =	vmov v6;
	v0 =	vmul.f32 v61, v1;
	[tilespmem:v47+s31+$0x0] =	vst.idx.add.f32.msk $0xffff, v35  }
0x1ee: {  	v32 =	vmovc v7;
	v44 =	vor.u32 $0x80, v51;
	v48 =	vmul.f32 v5, v3;
	v49 =	vmul.f32 v18, v8;
	v45 =	vld.idx.msk [tilespmem:v50+s6+$0x0], $0xffff  }
0x1ef: {  	s11 =	sadd.s32 $0x80, s11;
	s14 =	sadd.s32 $0x40, s14;
	v25 =	vmovc v54;
	v47 =	vmul.f32 v16, v63;
	v50 =	vor.u32 $0x100, v42;
	[tilespmem:v26+s0+$0x0] =	vst.idx.add.f32.msk $0xffff, v0;
	v26 =	vmov v52  }
0x1f0: {  	_ =	sdelay $0x1  }
0x1f1: {  	v0 =	vmul.f32 v41, v46;
	_ =	sdelay $0x1  }
0x1f2: {  	[tilespmem:v44+s0+$0x0] =	vst.idx.add.f32.msk $0xffff, v0  }
0x1f3: {  	v0 =	vld.idx.msk [tilespmem:v50+s6+$0x0], $0xffff;
	_ =	sdelay $0x1  }
0x1f4: {  	v4 =	vor.u32 $0x100, v51  }
0x1f5: {  	v5 =	vor.u32 $0x180, v42;
	_ =	sdelay $0x1  }
0x1f6: {  	v0 =	vmul.f32 v0, v41;
	_ =	sdelay $0x1  }
0x1f7: {  	[tilespmem:v4+s0+$0x0] =	vst.idx.add.f32.msk $0xffff, v0  }
0x1f8: {  	v0 =	vld.idx.msk [tilespmem:v5+s6+$0x0], $0xffff;
	_ =	sdelay $0x1  }
0x1f9: {  	v50 =	vor.u32 $0x180, v51;
	_ =	sdelay $0x1  }
0x1fa: {  	[tilespmem:v39+s0+$0x0] =	vst.idx.add.f32.msk $0xffff, v49;
	v49 =	vmul.f32 v35, v45  }
0x1fb: {  	[tilespmem:v40+s0+$0x0] =	vst.idx.add.f32.msk $0xffff, v47;
	v0 =	vmul.f32 v0, v41  }
0x1fc: {  	[tilespmem:v36+s0+$0x0] =	vst.idx.add.f32.msk $0xffff, v49  }
0x1fd: {  	[tilespmem:v50+s0+$0x0] =	vst.idx.add.f32.msk $0xffff, v0  }
0x1fe: {  	v0 =	vld [tilespmem:$0x1FFD0];
	_ =	sdelay $0x2  }
0x1ff: {  	v6 =	vld.idx.msk [tilespmem:v20+s6+$0x0], $0xffff  }
0x200: {  	v51 =	vld.idx.msk [tilespmem:v21+s6+$0x0], $0xffff  }
0x201: {  	v7 =	vld.idx.msk [tilespmem:v23+s6+$0x0], $0xffff;
	_ =	sdelay $0x2  }
0x202: {  	v52 =	vmul.f32 v16, v6;
	[tilespmem:v0+s0+$0x0] =	vst.idx.add.f32.msk $0xffff, v48  }
0x203: {  	v53 =	vmul.f32 v18, v51;
	v5 =	vld [tilespmem:$0x1FFC0]  }
0x204: {  	v55 =	vmul.f32 v35, v7;
	[tilespmem:v19+s0+$0x0] =	vst.idx.add.f32.msk $0xffff, v52  }
0x205: {  	[tilespmem:v22+s0+$0x0] =	vst.idx.add.f32.msk $0xffff, v53  }
0x206: {  	[tilespmem:v34+s0+$0x0] =	vst.idx.add.f32.msk $0xffff, v55  }
0x207: {  	v54 =	vld.idx.msk [tilespmem:v29+s6+$0x0], $0xffff  }
0x208: {  	v0 =	vld.idx.msk [tilespmem:v28+s6+$0x0], $0xffff  }
0x209: {  	v6 =	vld.idx.msk [tilespmem:v32+s6+$0x0], $0xffff  }
0x20a: {  	v56 =	vld [tilespmem:$0x1FFE0]  }
0x20b: {  	v8 =	vld [tilespmem:$0x1FFF0]  }
0x20c: {  	v10 =	vld [tilespmem:$0x1FFB0]  }
0x20d: {  	[tilespmem:v58+s0+$0x0] =	vst.idx.add.f32.msk $0xffff, v37  }
0x20e: {  	[tilespmem:v57+s0+$0x0] =	vst.idx.add.f32.msk $0xffff, v17;
	v4 =	vmul.f32 v54, v16  }
0x20f: {  	v0 =	vmul.f32 v0, v18;
	v5 =	vld.idx.msk [tilespmem:v5+s6+$0x0], $0xffff  }
0x210: {  	v6 =	vmul.f32 v6, v35;
	[tilespmem:v25+s0+$0x0] =	vst.idx.add.f32.msk $0xffff, v4  }
0x211: {  	[tilespmem:v26+s0+$0x0] =	vst.idx.add.f32.msk $0xffff, v0  }
0x212: {  	[tilespmem:v27+s0+$0x0] =	vst.idx.add.f32.msk $0xffff, v6  }
0x213: {  	v7 =	vld.idx.msk [tilespmem:v56+s6+$0x0], $0xffff  }
0x214: {  	v8 =	vld.idx.msk [tilespmem:v8+s6+$0x0], $0xffff  }
0x215: {  	v59 =	vld.idx.msk [tilespmem:v24+s6+$0x0], $0xffff  }
0x216: {  	v60 =	vld.idx.msk [tilespmem:v33+s6+$0x0], $0xffff  }
0x217: {  	v61 =	vld.idx.msk [tilespmem:v30+s6+$0x0], $0xffff;
	v2 =	vmul.f32 v5, v2  }
0x218: {  	[tilespmem:v10+s0+$0x0] =	vst.idx.add.f32.msk $0xffff, v38;
	v1 =	vmul.f32 v7, v1  }
0x219: {  	p0 =	seq.s32 s10, $0x9;
	v3 =	vmul.f32 v8, v3;
	[tilespmem:v13+s0+$0x0] =	vst.idx.add.f32.msk $0xffff, v2  }
.Ltmp4:
0x21a: {  	v0 =	vmul.f32 v59, v16;
	[tilespmem:v9+s0+$0x0] =	vst.idx.add.f32.msk $0xffff, v1;
	(pc) =	sbr.rel @p0 .LBB2_8-.Ltmp4, $4  }
0x21b: {  	v62 =	vmul.f32 v60, v18;
	[tilespmem:v12+s0+$0x0] =	vst.idx.add.f32.msk $0xffff, v3  }
0x21c: {  	v63 =	vmul.f32 v61, v35;
	[tilespmem:v31+s0+$0x0] =	vst.idx.add.f32.msk $0xffff, v0  }
0x21d: {  	[tilespmem:v14+s0+$0x0] =	vst.idx.add.f32.msk $0xffff, v62  }
0x21e: {  	s11 =	sshll.u32 s10, $0xC;
	[tilespmem:v15+s0+$0x0] =	vst.idx.add.f32.msk $0xffff, v63  }
0x21f: {  	s7 =	sadd.s32 s11, s18  }
0x220: {  	s7 =	sshrl.u32 s7, $0x3  }
0x221: {  	s12 =	sadd.s32 s4, s7  }
0x222: {  	[tilespmem:s19], [sflag:$0x2] =	stream.linear.gather [hbm4b:s12+s3], $0x80, $0x38;
	[tilespmem:$0x1D800] =	vst v63  }
0x223: {  	s14 =	sadd.s32 $0x10, s12  }
0x224: {  	[tilespmem:s20], [sflag:$0x2] =	stream.linear.gather [hbm4b:s14+s3], $0x80, $0x38;
	[tilespmem:$0x1D800] =	vst v63  }
0x225: {  	s15 =	simm.s32 $0x1BA00;
	s17 =	sadd.s32 $0x20, s12  }
0x226: {  	[tilespmem:s15], [sflag:$0x2] =	stream.linear.gather [hbm4b:s17+s3], $0x80, $0x38;
	[tilespmem:$0x1D800] =	vst v63  }
0x227: {  	s16 =	sadd.s32 $0x30, s12;
	s17 =	simm.s32 $0x1BB00  }
0x228: {  	[tilespmem:s17], [sflag:$0x2] =	stream.linear.gather [hbm4b:s16+s3], $0x80, $0x38;
	[tilespmem:$0x1D800] =	vst v63  }
0x229: {  	s16 =	sadd.s32 $0x40, s12;
	s17 =	simm.s32 $0x1BC00  }
0x22a: {  	[tilespmem:s17], [sflag:$0x2] =	stream.linear.gather [hbm4b:s16+s3], $0x80, $0x38;
	[tilespmem:$0x1D800] =	vst v63  }
0x22b: {  	s16 =	sadd.s32 $0x50, s12;
	s17 =	simm.s32 $0x1BD00  }
0x22c: {  	[tilespmem:s17], [sflag:$0x2] =	stream.linear.gather [hbm4b:s16+s3], $0x80, $0x38;
	[tilespmem:$0x1D800] =	vst v63  }
0x22d: {  	s16 =	sadd.s32 $0x60, s12;
	s17 =	simm.s32 $0x1BE00  }
0x22e: {  	[tilespmem:s17], [sflag:$0x2] =	stream.linear.gather [hbm4b:s16+s3], $0x80, $0x38;
	[tilespmem:$0x1D800] =	vst v63  }
0x22f: {  	s16 =	sadd.s32 $0x70, s12;
	s17 =	simm.s32 $0x1BF00  }
0x230: {  	[tilespmem:s17], [sflag:$0x2] =	stream.linear.gather [hbm4b:s16+s3], $0x80, $0x38;
	[tilespmem:$0x1D800] =	vst v63  }
0x231: {  	s16 =	sadd.s32 $0x80, s12;
	s17 =	simm.s32 $0x1C000  }
0x232: {  	[tilespmem:s17], [sflag:$0x2] =	stream.linear.gather [hbm4b:s16+s3], $0x80, $0x38;
	[tilespmem:$0x1D800] =	vst v63  }
0x233: {  	s16 =	sadd.s32 $0x90, s12;
	s17 =	simm.s32 $0x1C100  }
0x234: {  	[tilespmem:s17], [sflag:$0x2] =	stream.linear.gather [hbm4b:s16+s3], $0x80, $0x38;
	[tilespmem:$0x1D800] =	vst v63  }
0x235: {  	s16 =	sadd.s32 $0xA0, s12;
	s17 =	simm.s32 $0x1C200  }
0x236: {  	[tilespmem:s17], [sflag:$0x2] =	stream.linear.gather [hbm4b:s16+s3], $0x80, $0x38;
	[tilespmem:$0x1D800] =	vst v63  }
0x237: {  	s16 =	sadd.s32 $0xB0, s12;
	s17 =	simm.s32 $0x1C300  }
0x238: {  	[tilespmem:s17], [sflag:$0x2] =	stream.linear.gather [hbm4b:s16+s3], $0x80, $0x38;
	[tilespmem:$0x1D800] =	vst v63  }
0x239: {  	s16 =	sadd.s32 $0xC0, s12;
	s17 =	simm.s32 $0x1C400  }
0x23a: {  	[tilespmem:s17], [sflag:$0x2] =	stream.linear.gather [hbm4b:s16+s3], $0x80, $0x38;
	[tilespmem:$0x1D800] =	vst v63  }
0x23b: {  	s16 =	sadd.s32 $0xD0, s12;
	s17 =	simm.s32 $0x1C500  }
0x23c: {  	[tilespmem:s17], [sflag:$0x2] =	stream.linear.gather [hbm4b:s16+s3], $0x80, $0x38;
	[tilespmem:$0x1D800] =	vst v63  }
0x23d: {  	s15 =	sadd.s32 $0xE0, s12;
	s16 =	simm.s32 $0x1C600  }
0x23e: {  	[tilespmem:s16], [sflag:$0x2] =	stream.linear.gather [hbm4b:s15+s3], $0x80, $0x38;
	[tilespmem:$0x1D800] =	vst v63  }
0x23f: {  	s12 =	sadd.s32 $0xF0, s12;
	s17 =	simm.s32 $0x1C700  }
0x240: {  	[tilespmem:s17], [sflag:$0x2] =	stream.linear.gather [hbm4b:s12+s3], $0x80, $0x38;
	[tilespmem:$0x1D800] =	vst v63  }
0x241: {  	s7 =	sadd.s32 s5, s7;
	s15 =	simm.s32 $0x1C800  }
0x242: {  	[tilespmem:s15], [sflag:$0x4] =	stream.linear.gather [hbm4b:s7+s3], $0x80, $0x38;
	[tilespmem:$0x1D800] =	vst v63  }
0x243: {  	s16 =	sadd.s32 $0x10, s7;
	s17 =	simm.s32 $0x1C900  }
0x244: {  	[tilespmem:s17], [sflag:$0x4] =	stream.linear.gather [hbm4b:s16+s3], $0x80, $0x38;
	[tilespmem:$0x1D800] =	vst v63  }
0x245: {  	s14 =	sadd.s32 $0x20, s7;
	s15 =	simm.s32 $0x1CA00  }
0x246: {  	[tilespmem:s15], [sflag:$0x4] =	stream.linear.gather [hbm4b:s14+s3], $0x80, $0x38;
	[tilespmem:$0x1D800] =	vst v63  }
0x247: {  	s16 =	sadd.s32 $0x30, s7;
	s17 =	simm.s32 $0x1CB00  }
0x248: {  	[tilespmem:s17], [sflag:$0x4] =	stream.linear.gather [hbm4b:s16+s3], $0x80, $0x38;
	[tilespmem:$0x1D800] =	vst v63  }
0x249: {  	s14 =	sadd.s32 $0x40, s7;
	s15 =	simm.s32 $0x1CC00  }
0x24a: {  	[tilespmem:s15], [sflag:$0x4] =	stream.linear.gather [hbm4b:s14+s3], $0x80, $0x38;
	[tilespmem:$0x1D800] =	vst v63  }
0x24b: {  	s16 =	sadd.s32 $0x50, s7;
	s17 =	simm.s32 $0x1CD00  }
0x24c: {  	[tilespmem:s17], [sflag:$0x4] =	stream.linear.gather [hbm4b:s16+s3], $0x80, $0x38;
	[tilespmem:$0x1D800] =	vst v63  }
0x24d: {  	s14 =	sadd.s32 $0x60, s7;
	s15 =	simm.s32 $0x1CE00  }
0x24e: {  	[tilespmem:s15], [sflag:$0x4] =	stream.linear.gather [hbm4b:s14+s3], $0x80, $0x38;
	[tilespmem:$0x1D800] =	vst v63  }
0x24f: {  	s16 =	sadd.s32 $0x70, s7;
	s17 =	simm.s32 $0x1CF00  }
0x250: {  	[tilespmem:s17], [sflag:$0x4] =	stream.linear.gather [hbm4b:s16+s3], $0x80, $0x38;
	[tilespmem:$0x1D800] =	vst v63  }
0x251: {  	s14 =	sadd.s32 $0x80, s7;
	s15 =	simm.s32 $0x1D000  }
0x252: {  	[tilespmem:s15], [sflag:$0x4] =	stream.linear.gather [hbm4b:s14+s3], $0x80, $0x38;
	[tilespmem:$0x1D800] =	vst v63  }
0x253: {  	s16 =	sadd.s32 $0x90, s7;
	s17 =	simm.s32 $0x1D100  }
0x254: {  	[tilespmem:s17], [sflag:$0x4] =	stream.linear.gather [hbm4b:s16+s3], $0x80, $0x38;
	[tilespmem:$0x1D800] =	vst v63  }
0x255: {  	s14 =	sadd.s32 $0xA0, s7;
	s15 =	simm.s32 $0x1D200  }
0x256: {  	[tilespmem:s15], [sflag:$0x4] =	stream.linear.gather [hbm4b:s14+s3], $0x80, $0x38;
	[tilespmem:$0x1D800] =	vst v63  }
0x257: {  	s16 =	sadd.s32 $0xB0, s7;
	s17 =	simm.s32 $0x1D300  }
0x258: {  	[tilespmem:s17], [sflag:$0x4] =	stream.linear.gather [hbm4b:s16+s3], $0x80, $0x38;
	[tilespmem:$0x1D800] =	vst v63  }
0x259: {  	s14 =	sadd.s32 $0xC0, s7;
	s15 =	simm.s32 $0x1D400  }
0x25a: {  	[tilespmem:s15], [sflag:$0x4] =	stream.linear.gather [hbm4b:s14+s3], $0x80, $0x38;
	[tilespmem:$0x1D800] =	vst v63  }
0x25b: {  	s16 =	sadd.s32 $0xD0, s7;
	s17 =	simm.s32 $0x1D500  }
0x25c: {  	[tilespmem:s17], [sflag:$0x4] =	stream.linear.gather [hbm4b:s16+s3], $0x80, $0x38;
	[tilespmem:$0x1D800] =	vst v63  }
0x25d: {  	s15 =	sadd.s32 $0xE0, s7;
	s16 =	simm.s32 $0x1D600  }
0x25e: {  	[tilespmem:s16], [sflag:$0x4] =	stream.linear.gather [hbm4b:s15+s3], $0x80, $0x38;
	[tilespmem:$0x1D800] =	vst v63  }
0x25f: {  	s7 =	sadd.s32 $0xF0, s7;
	s17 =	simm.s32 $0x1D700  }
0x260: {  	[tilespmem:s17], [sflag:$0x4] =	stream.linear.gather [hbm4b:s7+s3], $0x80, $0x38;
	[tilespmem:$0x1D800] =	vst v63  }
.LBB2_8:
0x261: {  	_ =	swait.ge [sflag:s2], $0x800  }
0x262: {  	p1 =	por $0x0, $0x0;
	s7 =	simm.s32 $0x1;
	[sflag:s2] =	ssyncset.done $0x0  }
0x263: {  	s7 =	simm.s32 @!p1 $0x0;
	[sflag:s2] =	ssyncadd.s32 $0xFFFFF800  }
0x264: {  	s7 =	sshll.u32 s7, $0x6;
	_ =	swait.ge [sflag:s8], $0x800  }
0x265: {  	s7 =	sadd.s32 $0x0, s7;
	[sflag:s8] =	ssyncset.done $0x0  }
0x266: {  	s12 =	sor.u32 $0xB0, s7;
	[sflag:s8] =	ssyncadd.s32 $0xFFFFF800  }
0x267: {  	v0 =	vld [tilespmem:s12+$0x1B800]  }
0x268: {  	v1 =	vld [tilespmem:s12+$0x1C800];
	_ =	sdelay $0x1  }
0x269: {  	s17 =	sor.u32 $0x80, s7  }
0x26a: {  	v2 =	vld [tilespmem:s17+$0x1B800]  }
0x26b: {  	s14 =	sor.u32 $0x90, s7;
	v3 =	vld [tilespmem:s17+$0x1C800]  }
0x26c: {  	v5 =	vld [tilespmem:s14+$0x1B800]  }
0x26d: {  	v10 =	vld [tilespmem:s14+$0x1C800]  }
0x26e: {  	v4 =	vld.idx.msk [tilespmem:v0+s3+$0x0], $0xffff  }
0x26f: {  	v6 =	vld.idx.msk [tilespmem:v1+s1+$0x0], $0xffff  }
0x270: {  	s7 =	sor.u32 $0xA0, s7  }
0x271: {  	v11 =	vld [tilespmem:s7+$0x1C800]  }
0x272: {  	v7 =	vld [tilespmem:s7+$0x1B800]  }
0x273: {  	v8 =	vld.idx.msk [tilespmem:v2+s3+$0x0], $0xffff  }
0x274: {  	v9 =	vld.idx.msk [tilespmem:v3+s1+$0x0], $0xffff;
	v4 =	vadd.f32 v6, v4  }
0x275: {  	v12 =	vld.idx.msk [tilespmem:v5+s3+$0x0], $0xffff  }
0x276: {  	v53 =	vld.idx.msk [tilespmem:v10+s1+$0x0], $0xffff;
	v13 =	vmul.f32 $2.000000030e-01, v4  }
0x277: {  	vm0 =	vgt.f32 v4, $0.0e+00  }
0x278: {  	v4 =	vsel vm0, v4, v13  }
0x279: {  	v8 =	vadd.f32 v9, v8;
	v9 =	vld.idx.msk [tilespmem:v11+s1+$0x0], $0xffff;
	v4 =	vmul.f32 $1.442695020e+00, v4  }
0x27a: {  	v13 =	vld.idx.msk [tilespmem:v7+s3+$0x0], $0xffff  }
0x27b: {  	v6 =	vadd.f32 v53, v12;
	v12 =	vmul.f32 $2.000000030e-01, v8;
	(erf) = vpow2.f32 v4  }
0x27c: {  	vm6 =	vgt.f32 v8, $0.0e+00  }
0x27d: {  	v8 =	vsel vm6, v8, v12  }
0x27e: {  	p1 =	por !p1, !p1;
	s7 =	simm.s32 $0x1;
	v8 =	vmul.f32 $1.442695020e+00, v8  }
0x27f: {  	s7 =	simm.s32 @!p1 $0x0;
	v4 =	vmul.f32 $2.000000030e-01, v6;
	v54 =	vadd.f32 v9, v13;
	v9 =	vshll.u32 v0, $0x2  }
0x280: {  	s7 =	sshll.u32 s7, $0x6;
	vm1 =	vgt.f32 v6, $0.0e+00;
	v0 =	vand.u32 $0x7F, v0;
	v9 =	vand.u32 $0xFFFFFE00, v9  }
0x281: {  	s7 =	sadd.s32 $0x80, s7;
	(erf) = vpow2.f32 v8;
	v4 =	vsel vm1, v6, v4;
	v0 =	vor.u32 v0, v9  }
0x282: {  	s15 =	sor.u32 $0xB0, s7;
	v4 =	vmul.f32 $1.442695020e+00, v4;
	v8 =	vmul.f32 $2.000000030e-01, v54  }
0x283: {  	v15 =	vld [tilespmem:s15+$0x1B800];
	vm7 =	vgt.f32 v54, $0.0e+00  }
0x284: {  	v55 =	vshll.u32 v2, $0x2;
	v18 =	vld [tilespmem:s15+$0x1C800];
	(erf) = vpow2.f32 v4;
	v4 =	vsel vm7, v54, v8;
	v12 =	vpop (erf)  }
0x285: {  	v2 =	vand.u32 $0x7F, v2;
	v8 =	vmul.f32 $1.442695020e+00, v4;
	v4 =	vand.u32 $0xFFFFFE00, v55;
	[tilespmem:v1+s31+$0x0] =	vst.idx.add.f32.msk $0xffff, v12  }
0x286: {  	v56 =	vshll.u32 v1, $0x2;
	v4 =	vor.u32 v2, v4;
	v2 =	vld.idx.msk [tilespmem:v0+s6+$0x0], $0xffff  }
0x287: {  	s16 =	sor.u32 $0x80, s7;
	v6 =	vand.u32 $0xFFFFFE00, v56;
	v1 =	vand.u32 $0x7F, v1  }
0x288: {  	s17 =	sor.u32 $0x90, s7;
	v20 =	vld [tilespmem:s16+$0x1C800];
	(erf) = vpow2.f32 v8;
	v8 =	vshll.u32 v5, $0x2;
	v1 =	vor.u32 v1, v6  }
0x289: {  	s7 =	sor.u32 $0xA0, s7;
	v21 =	vld [tilespmem:s17+$0x1B800];
	v57 =	vand.u32 $0xFFFFFE00, v8;
	v8 =	vor.u32 $0x80, v0  }
0x28a: {  	v24 =	vld [tilespmem:s7+$0x1B800]  }
0x28b: {  	v22 =	vld.idx.msk [tilespmem:v15+s3+$0x0], $0xffff;
	v2 =	vmul.f32 v12, v2  }
0x28c: {  	v23 =	vld.idx.msk [tilespmem:v18+s1+$0x0], $0xffff  }
0x28d: {  	[tilespmem:v1+s0+$0x0] =	vst.idx.add.f32.msk $0xffff, v2  }
0x28e: {  	v9 =	vshll.u32 v3, $0x2;
	v16 =	vpop (erf);
	v2 =	vld.idx.msk [tilespmem:v8+s6+$0x0], $0xffff  }
0x28f: {  	v9 =	vand.u32 $0xFFFFFE00, v9;
	[tilespmem:v3+s31+$0x0] =	vst.idx.add.f32.msk $0xffff, v16;
	v3 =	vand.u32 $0x7F, v3  }
0x290: {  	v28 =	vld.idx.msk [tilespmem:v20+s1+$0x0], $0xffff;
	v59 =	vor.u32 v3, v9;
	v9 =	vor.u32 $0x80, v1  }
0x291: {  	v29 =	vld.idx.msk [tilespmem:v21+s3+$0x0], $0xffff;
	v14 =	vor.u32 $0x100, v0  }
0x292: {  	v34 =	vld.idx.msk [tilespmem:v24+s3+$0x0], $0xffff  }
0x293: {  	v58 =	vshll.u32 v7, $0x2;
	v13 =	vld.idx.msk [tilespmem:v4+s6+$0x0], $0xffff;
	v17 =	vpop (erf);
	v2 =	vmul.f32 v12, v2  }
0x294: {  	v7 =	vand.u32 $0x7F, v7;
	v6 =	vand.u32 $0xFFFFFE00, v58;
	[tilespmem:v10+s31+$0x0] =	vst.idx.add.f32.msk $0xffff, v17  }
0x295: {  	v6 =	vor.u32 v7, v6;
	[tilespmem:v9+s0+$0x0] =	vst.idx.add.f32.msk $0xffff, v2  }
0x296: {  	v2 =	vld.idx.msk [tilespmem:v14+s6+$0x0], $0xffff  }
0x297: {  	v5 =	vand.u32 $0x7F, v5;
	v14 =	vld [tilespmem:s16+$0x1B800]  }
0x298: {  	v5 =	vor.u32 v5, v57;
	v19 =	vpop (erf);
	v9 =	vld [tilespmem:s17+$0x1C800]  }
0x299: {  	v22 =	vadd.f32 v23, v22;
	v23 =	vor.u32 $0x80, v4;
	[tilespmem:v11+s31+$0x0] =	vst.idx.add.f32.msk $0xffff, v19;
	v8 =	vmul.f32 v16, v13  }
0x29a: {  	v13 =	vld.idx.msk [tilespmem:v6+s6+$0x0], $0xffff  }
0x29b: {  	[tilespmem:v59+s0+$0x0] =	vst.idx.add.f32.msk $0xffff, v8  }
0x29c: {  	v33 =	vshll.u32 v11, $0x2;
	v25 =	vor.u32 $0x100, v1;
	v8 =	vld [tilespmem:s7+$0x1C800]  }
0x29d: {  	v33 =	vand.u32 $0xFFFFFE00, v33;
	v0 =	vor.u32 $0x180, v0;
	v3 =	vld.idx.msk [tilespmem:v5+s6+$0x0], $0xffff;
	v11 =	vand.u32 $0x7F, v11  }
0x29e: {  	v11 =	vor.u32 v11, v33;
	v23 =	vld.idx.msk [tilespmem:v23+s6+$0x0], $0xffff  }
0x29f: {  	v27 =	vand.u32 $0x7F, v10;
	v10 =	vshll.u32 v10, $0x2;
	v2 =	vmul.f32 v2, v12;
	v26 =	vld.idx.msk [tilespmem:v14+s3+$0x0], $0xffff  }
0x2a0: {  	vm8 =	vgt.f32 v22, $0.0e+00;
	v10 =	vand.u32 $0xFFFFFE00, v10;
	v30 =	vld.idx.msk [tilespmem:v9+s1+$0x0], $0xffff  }
0x2a1: {  	v10 =	vor.u32 v27, v10;
	v13 =	vmul.f32 v19, v13;
	[tilespmem:v25+s0+$0x0] =	vst.idx.add.f32.msk $0xffff, v2;
	v2 =	vmul.f32 $2.000000030e-01, v22  }
0x2a2: {  	v31 =	vor.u32 $0x80, v6;
	v32 =	vor.u32 $0x80, v59;
	v27 =	vor.u32 $0x80, v5;
	v0 =	vld.idx.msk [tilespmem:v0+s6+$0x0], $0xffff  }
0x2a3: {  	v1 =	vor.u32 $0x180, v1;
	v3 =	vmul.f32 v17, v3;
	[tilespmem:v11+s0+$0x0] =	vst.idx.add.f32.msk $0xffff, v13;
	v2 =	vsel vm8, v22, v2  }
0x2a4: {  	v13 =	vmul.f32 v16, v23;
	v2 =	vmul.f32 $1.442695020e+00, v2;
	v22 =	vadd.f32 v28, v26;
	v26 =	vld.idx.msk [tilespmem:v8+s1+$0x0], $0xffff  }
0x2a5: {  	v23 =	vshll.u32 v15, $0x2;
	v15 =	vand.u32 $0x7F, v15;
	v28 =	vadd.f32 v30, v29  }
0x2a6: {  	p1 =	por !p1, !p1;
	s7 =	simm.s32 $0x1;
	[tilespmem:v10+s0+$0x0] =	vst.idx.add.f32.msk $0xffff, v3;
	v25 =	vor.u32 $0x80, v10;
	(erf) = vpow2.f32 v2;
	v30 =	vmul.f32 $2.000000030e-01, v22  }
0x2a7: {  	s7 =	simm.s32 @!p1 $0x0;
	v3 =	vld.idx.msk [tilespmem:v27+s6+$0x0], $0xffff;
	v0 =	vmul.f32 v0, v12;
	vm9 =	vgt.f32 v22, $0.0e+00;
	v2 =	vmul.f32 $2.000000030e-01, v28  }
0x2a8: {  	s7 =	sshll.u32 s7, $0x6;
	v29 =	vor.u32 $0x100, v4;
	vm10 =	vgt.f32 v28, $0.0e+00;
	v12 =	vsel vm9, v22, v30  }
0x2a9: {  	s7 =	sadd.s32 $0x100, s7;
	[tilespmem:v1+s0+$0x0] =	vst.idx.add.f32.msk $0xffff, v0;
	v2 =	vsel vm10, v28, v2;
	v12 =	vmul.f32 $1.442695020e+00, v12;
	v22 =	vadd.f32 v26, v34  }
0x2aa: {  	s16 =	sor.u32 $0x80, s7;
	v23 =	vand.u32 $0xFFFFFE00, v23;
	v1 =	vor.u32 $0x80, v11;
	v2 =	vmul.f32 $1.442695020e+00, v2;
	v26 =	vld.idx.msk [tilespmem:v31+s6+$0x0], $0xffff  }
0x2ab: {  	v60 =	vld [tilespmem:s16+$0x1B800];
	(erf) = vpow2.f32 v12;
	v0 =	vmul.f32 $2.000000030e-01, v22;
	v12 =	vor.u32 v15, v23  }
0x2ac: {  	[tilespmem:v32+s0+$0x0] =	vst.idx.add.f32.msk $0xffff, v13;
	vm11 =	vgt.f32 v22, $0.0e+00;
	(erf) = vpow2.f32 v2;
	v2 =	vmul.f32 v17, v3  }
0x2ad: {  	v13 =	vld.idx.msk [tilespmem:v29+s6+$0x0], $0xffff;
	v15 =	vor.u32 $0x100, v6;
	v3 =	vor.u32 $0x100, v5;
	v0 =	vsel vm11, v22, v0  }
0x2ae: {  	s15 =	sor.u32 $0xB0, s7;
	v22 =	vshll.u32 v14, $0x2;
	v0 =	vmul.f32 $1.442695020e+00, v0;
	[tilespmem:v25+s0+$0x0] =	vst.idx.add.f32.msk $0xffff, v2;
	v2 =	vand.u32 $0x7F, v14  }
0x2af: {  	v31 =	vld [tilespmem:s15+$0x1B800];
	v23 =	vpop (erf);
	v14 =	vand.u32 $0xFFFFFE00, v22;
	v22 =	vmul.f32 v19, v26;
	v25 =	vor.u32 $0x100, v59  }
0x2b0: {  	[tilespmem:v18+s31+$0x0] =	vst.idx.add.f32.msk $0xffff, v23;
	v27 =	vor.u32 v2, v14;
	v2 =	vshll.u32 v21, $0x2;
	v14 =	vand.u32 $0x7F, v21  }
0x2b1: {  	v21 =	vshll.u32 v18, $0x2;
	(erf) = vpow2.f32 v0;
	v0 =	vld.idx.msk [tilespmem:v12+s6+$0x0], $0xffff;
	v2 =	vand.u32 $0xFFFFFE00, v2  }
0x2b2: {  	[tilespmem:v1+s0+$0x0] =	vst.idx.add.f32.msk $0xffff, v22;
	v22 =	vor.u32 v14, v2;
	v2 =	vand.u32 $0xFFFFFE00, v21  }
0x2b3: {  	v13 =	vmul.f32 v13, v16;
	v1 =	vand.u32 $0x7F, v18;
	v14 =	vld.idx.msk [tilespmem:v3+s6+$0x0], $0xffff  }
0x2b4: {  	v28 =	vld.idx.msk [tilespmem:v15+s6+$0x0], $0xffff;
	v21 =	vor.u32 v1, v2  }
0x2b5: {  	v15 =	vor.u32 $0x80, v12;
	[tilespmem:v25+s0+$0x0] =	vst.idx.add.f32.msk $0xffff, v13;
	v2 =	vpop (erf)  }
0x2b6: {  	v26 =	vor.u32 $0x100, v10;
	v3 =	vshll.u32 v24, $0x2;
	[tilespmem:v20+s31+$0x0] =	vst.idx.add.f32.msk $0xffff, v2;
	v1 =	vpop (erf)  }
0x2b7: {  	v18 =	vand.u32 $0x7F, v24;
	v3 =	vand.u32 $0xFFFFFE00, v3;
	v0 =	vmul.f32 v23, v0;
	[tilespmem:v9+s31+$0x0] =	vst.idx.add.f32.msk $0xffff, v1  }
0x2b8: {  	v24 =	vor.u32 v18, v3;
	v3 =	vshll.u32 v20, $0x2;
	v18 =	vld.idx.msk [tilespmem:v27+s6+$0x0], $0xffff  }
0x2b9: {  	v3 =	vand.u32 $0xFFFFFE00, v3;
	v20 =	vand.u32 $0x7F, v20;
	[tilespmem:v21+s0+$0x0] =	vst.idx.add.f32.msk $0xffff, v0  }
0x2ba: {  	v14 =	vmul.f32 v14, v17;
	v0 =	vor.u32 v20, v3;
	v15 =	vld.idx.msk [tilespmem:v15+s6+$0x0], $0xffff  }
0x2bb: {  	v29 =	vld.idx.msk [tilespmem:v22+s6+$0x0], $0xffff  }
0x2bc: {  	v30 =	vor.u32 $0x80, v21;
	[tilespmem:v26+s0+$0x0] =	vst.idx.add.f32.msk $0xffff, v14;
	v3 =	vpop (erf)  }
0x2bd: {  	v13 =	vor.u32 $0x100, v12;
	[tilespmem:v8+s31+$0x0] =	vst.idx.add.f32.msk $0xffff, v3;
	v18 =	vmul.f32 v2, v18  }
0x2be: {  	v20 =	vld.idx.msk [tilespmem:v24+s6+$0x0], $0xffff  }
0x2bf: {  	[tilespmem:v0+s0+$0x0] =	vst.idx.add.f32.msk $0xffff, v18;
	v14 =	vmul.f32 v23, v15  }
0x2c0: {  	v18 =	vld [tilespmem:s15+$0x1C800]  }
0x2c1: {  	[tilespmem:v30+s0+$0x0] =	vst.idx.add.f32.msk $0xffff, v14;
	v30 =	vor.u32 $0x180, v4;
	v4 =	vor.u32 $0x180, v59  }
0x2c2: {  	v13 =	vld.idx.msk [tilespmem:v13+s6+$0x0], $0xffff;
	[tilespmem:$0x1FF60] =	vst v4  }
0x2c3: {  	s17 =	sor.u32 $0x90, s7;
	v25 =	vld [tilespmem:s16+$0x1C800]  }
0x2c4: {  	v58 =	vor.u32 $0x180, v10;
	v57 =	vor.u32 $0x180, v11;
	v61 =	vor.u32 $0x100, v21;
	v36 =	vld [tilespmem:s17+$0x1B800]  }
0x2c5: {  	s7 =	sor.u32 $0xA0, s7;
	v32 =	vor.u32 $0x100, v11;
	v11 =	vor.u32 $0x180, v12;
	v10 =	vshll.u32 v9, $0x2;
	v26 =	vld [tilespmem:s17+$0x1C800]  }
0x2c6: {  	v10 =	vand.u32 $0xFFFFFE00, v10;
	v9 =	vand.u32 $0x7F, v9;
	v39 =	vld [tilespmem:s7+$0x1B800]  }
0x2c7: {  	v37 =	vor.u32 v9, v10;
	v10 =	vshll.u32 v8, $0x2;
	v42 =	vld.idx.msk [tilespmem:v31+s3+$0x0], $0xffff;
	v9 =	vmul.f32 v13, v23  }
0x2c8: {  	v10 =	vand.u32 $0xFFFFFE00, v10;
	v8 =	vand.u32 $0x7F, v8;
	v47 =	vld.idx.msk [tilespmem:v18+s1+$0x0], $0xffff  }
0x2c9: {  	v44 =	vor.u32 v8, v10;
	v4 =	vor.u32 $0x180, v27;
	[tilespmem:v61+s0+$0x0] =	vst.idx.add.f32.msk $0xffff, v9  }
0x2ca: {  	v51 =	vld.idx.msk [tilespmem:v11+s6+$0x0], $0xffff;
	[tilespmem:$0x1FF70] =	vst v4;
	v4 =	vor.u32 $0x100, v44  }
0x2cb: {  	v53 =	vld [tilespmem:s7+$0x1C800];
	[tilespmem:$0x1FF80] =	vst v4;
	v4 =	vor.u32 $0x180, v22  }
0x2cc: {  	v35 =	vor.u32 $0x180, v6;
	[tilespmem:$0x1FF90] =	vst v4;
	v4 =	vor.u32 $0x180, v24  }
0x2cd: {  	v33 =	vor.u32 $0x180, v5;
	v38 =	vor.u32 $0x80, v27;
	v46 =	vor.u32 $0x100, v27;
	[tilespmem:$0x1FFA0] =	vst v4  }
0x2ce: {  	v40 =	vor.u32 $0x80, v22;
	v48 =	vor.u32 $0x100, v22;
	v43 =	vor.u32 $0x80, v0;
	v22 =	vld.idx.msk [tilespmem:v60+s3+$0x0], $0xffff  }
0x2cf: {  	v15 =	vor.u32 $0x100, v0;
	v13 =	vor.u32 $0x180, v0;
	v0 =	vor.u32 $0x180, v21;
	v21 =	vld.idx.msk [tilespmem:v25+s1+$0x0], $0xffff  }
0x2d0: {  	v41 =	vor.u32 $0x80, v24;
	v49 =	vor.u32 $0x100, v24;
	v24 =	vmul.f32 v1, v29;
	v27 =	vld.idx.msk [tilespmem:v36+s3+$0x0], $0xffff  }
0x2d1: {  	v62 =	vand.u32 $0x7F, v60;
	v28 =	vmul.f32 v28, v19;
	v45 =	vor.u32 $0x80, v37;
	v63 =	vld.idx.msk [tilespmem:v26+s1+$0x0], $0xffff  }
0x2d2: {  	v50 =	vor.u32 $0x80, v44;
	v12 =	vor.u32 $0x180, v44;
	v29 =	vadd.f32 v47, v42;
	[tilespmem:v37+s0+$0x0] =	vst.idx.add.f32.msk $0xffff, v24  }
0x2d3: {  	v14 =	vor.u32 $0x100, v37;
	v20 =	vmul.f32 v3, v20;
	v59 =	vand.u32 $0x7F, v26;
	v7 =	vld.idx.msk [tilespmem:v39+s3+$0x0], $0xffff  }
0x2d4: {  	v9 =	vor.u32 $0x180, v37;
	v6 =	vmul.f32 $2.000000030e-01, v29;
	v56 =	vld.idx.msk [tilespmem:v38+s6+$0x0], $0xffff;
	v23 =	vmul.f32 v51, v23  }
0x2d5: {  	v24 =	vshll.u32 v60, $0x2;
	v37 =	vand.u32 $0x7F, v25;
	vm12 =	vgt.f32 v29, $0.0e+00;
	[tilespmem:v32+s0+$0x0] =	vst.idx.add.f32.msk $0xffff, v28  }
0x2d6: {  	v28 =	vshll.u32 v31, $0x2;
	v24 =	vand.u32 $0xFFFFFE00, v24;
	[tilespmem:v0+s0+$0x0] =	vst.idx.add.f32.msk $0xffff, v23;
	v0 =	vsel vm12, v29, v6  }
0x2d7: {  	v28 =	vand.u32 $0xFFFFFE00, v28;
	v61 =	vld.idx.msk [tilespmem:v35+s6+$0x0], $0xffff;
	v0 =	vmul.f32 $1.442695020e+00, v0;
	v21 =	vadd.f32 v21, v22  }
0x2d8: {  	v54 =	vor.u32 v62, v24;
	v24 =	vshll.u32 v25, $0x2;
	v22 =	vld.idx.msk [tilespmem:v53+s1+$0x0], $0xffff;
	v27 =	vadd.f32 v63, v27  }
0x2d9: {  	[tilespmem:v44+s0+$0x0] =	vst.idx.add.f32.msk $0xffff, v20;
	v23 =	vand.u32 $0xFFFFFE00, v24;
	(erf) = vpow2.f32 v0;
	v20 =	vmul.f32 $2.000000030e-01, v21  }
0x2da: {  	v29 =	vshll.u32 v36, $0x2;
	vm13 =	vgt.f32 v21, $0.0e+00;
	v62 =	vmul.f32 $2.000000030e-01, v27  }
0x2db: {  	v0 =	vand.u32 $0xFFFFFE00, v29;
	v29 =	vld.idx.msk [tilespmem:v40+s6+$0x0], $0xffff;
	vm14 =	vgt.f32 v27, $0.0e+00;
	v20 =	vsel vm13, v21, v20  }
0x2dc: {  	v24 =	vand.u32 $0x7F, v36;
	v21 =	vsel vm14, v27, v62;
	v20 =	vmul.f32 $1.442695020e+00, v20  }
0x2dd: {  	v60 =	vld.idx.msk [tilespmem:v33+s6+$0x0], $0xffff;
	v19 =	vmul.f32 v61, v19;
	v22 =	vadd.f32 v22, v7;
	v21 =	vmul.f32 $1.442695020e+00, v21  }
0x2de: {  	v6 =	vld.idx.msk [tilespmem:v41+s6+$0x0], $0xffff;
	v32 =	vor.u32 $0x100, v54;
	v27 =	vmul.f32 v2, v56;
	(erf) = vpow2.f32 v20  }
0x2df: {  	v7 =	vld.idx.msk [tilespmem:v30+s6+$0x0], $0xffff;
	v30 =	vand.u32 $0x7F, v31;
	v20 =	vmul.f32 $2.000000030e-01, v22;
	(erf) = vpow2.f32 v21  }
0x2e0: {  	v44 =	vor.u32 v30, v28;
	[tilespmem:v43+s0+$0x0] =	vst.idx.add.f32.msk $0xffff, v27;
	vm15 =	vgt.f32 v22, $0.0e+00;
	v21 =	vmul.f32 v1, v29  }
0x2e1: {  	v0 =	vor.u32 v24, v0;
	v27 =	vshll.u32 v39, $0x2;
	v55 =	vld.idx.msk [tilespmem:v46+s6+$0x0], $0xffff;
	v20 =	vsel vm15, v22, v20  }
0x2e2: {  	v24 =	vand.u32 $0x7F, v39;
	v20 =	vmul.f32 $1.442695020e+00, v20;
	v41 =	vpop (erf);
	[tilespmem:v45+s0+$0x0] =	vst.idx.add.f32.msk $0xffff, v21;
	v21 =	vand.u32 $0xFFFFFE00, v27  }
0x2e3: {  	v63 =	vshll.u32 v26, $0x2;
	v27 =	vmul.f32 v3, v6;
	[tilespmem:v18+s31+$0x0] =	vst.idx.add.f32.msk $0xffff, v41;
	v56 =	vor.u32 v24, v21  }
0x2e4: {  	v21 =	vshll.u32 v18, $0x2;
	v18 =	vand.u32 $0x7F, v18;
	v62 =	vld.idx.msk [tilespmem:v48+s6+$0x0], $0xffff;
	(erf) = vpow2.f32 v20  }
0x2e5: {  	v33 =	vor.u32 $0x180, v0;
	v39 =	vor.u32 v37, v23;
	v23 =	vor.u32 $0x80, v0;
	v29 =	vld.idx.msk [tilespmem:v44+s6+$0x0], $0xffff  }
0x2e6: {  	v28 =	vshll.u32 v53, $0x2;
	v37 =	vmul.f32 v60, v17;
	[tilespmem:v50+s0+$0x0] =	vst.idx.add.f32.msk $0xffff, v27;
	v27 =	vand.u32 $0xFFFFFE00, v21  }
0x2e7: {  	v30 =	vand.u32 $0xFFFFFE00, v28;
	v28 =	vor.u32 $0x100, v0;
	v52 =	vor.u32 v18, v27;
	v49 =	vld.idx.msk [tilespmem:v49+s6+$0x0], $0xffff;
	v18 =	vpop (erf)  }
0x2e8: {  	v43 =	vor.u32 $0x100, v39;
	v22 =	vand.u32 $0xFFFFFE00, v63;
	v63 =	vor.u32 $0x80, v44;
	[tilespmem:v25+s31+$0x0] =	vst.idx.add.f32.msk $0xffff, v18;
	v25 =	vpop (erf)  }
0x2e9: {  	v40 =	vor.u32 v59, v22;
	v22 =	vor.u32 $0x80, v54;
	v38 =	vmul.f32 v7, v16;
	[tilespmem:v26+s31+$0x0] =	vst.idx.add.f32.msk $0xffff, v25  }
0x2ea: {  	v42 =	vor.u32 $0x100, v40;
	v16 =	vor.u32 $0x180, v40;
	v29 =	vmul.f32 v41, v29;
	v45 =	vld.idx.msk [tilespmem:v54+s6+$0x0], $0xffff  }
0x2eb: {  	v24 =	vor.u32 $0x80, v56;
	v20 =	vor.u32 $0x80, v39;
	v27 =	vand.u32 $0x7F, v53;
	v46 =	vld.idx.msk [tilespmem:v0+s6+$0x0], $0xffff  }
0x2ec: {  	v21 =	vor.u32 $0x80, v40;
	v31 =	vor.u32 $0x180, v56;
	v36 =	vor.u32 v27, v30;
	[tilespmem:v52+s0+$0x0] =	vst.idx.add.f32.msk $0xffff, v29  }
0x2ed: {  	v30 =	vor.u32 $0x100, v56;
	v34 =	vor.u32 $0x80, v36;
	v27 =	vor.u32 $0x100, v36;
	v48 =	vld.idx.msk [tilespmem:v63+s6+$0x0], $0xffff;
	v35 =	vpop (erf)  }
0x2ee: {  	v17 =	vor.u32 $0x180, v36;
	v51 =	vmul.f32 v62, v1;
	v26 =	vor.u32 $0x180, v54;
	[tilespmem:v53+s31+$0x0] =	vst.idx.add.f32.msk $0xffff, v35  }
0x2ef: {  	s14 =	simm.s32 $0x8;
	p1 =	por !p1, !p1;
	s7 =	simm.s32 $0x100;
	v54 =	vmul.f32 v55, v2;
	v50 =	vmul.f32 v49, v3;
	v29 =	vor.u32 $0x180, v39;
	v47 =	vld.idx.msk [tilespmem:v56+s6+$0x0], $0xffff  }
.LBB2_9:
0x2f0: {  	s12 =	simm.s32 $0x1  }
0x2f1: {  	v61 =	vor.u32 $0x80, v52;
	s12 =	simm.s32 @!p1 $0x0  }
0x2f2: {  	[tilespmem:v15+s0+$0x0] =	vst.idx.add.f32.msk $0xffff, v54;
	v63 =	vor.u32 $0x100, v44;
	s7 =	sadd.s32 $0x80, s7;
	s12 =	sshll.u32 s12, $0x6;
	v0 =	vmul.f32 v18, v45  }
0x2f3: {  	[tilespmem:v14+s0+$0x0] =	vst.idx.add.f32.msk $0xffff, v51;
	s12 =	sadd.s32 s12, s7  }
0x2f4: {  	s17 =	sor.u32 $0xB0, s12;
	[tilespmem:v39+s0+$0x0] =	vst.idx.add.f32.msk $0xffff, v0;
	v0 =	vmul.f32 v41, v48  }
0x2f5: {  	v54 =	vld [tilespmem:s17+$0x1B800]  }
0x2f6: {  	[tilespmem:v61+s0+$0x0] =	vst.idx.add.f32.msk $0xffff, v0  }
0x2f7: {  	v0 =	vld.idx.msk [tilespmem:v63+s6+$0x0], $0xffff  }
0x2f8: {  	v14 =	vmov v42;
	v62 =	vmul.f32 v25, v46;
	v42 =	vmul.f32 v35, v47;
	v47 =	vld [tilespmem:s17+$0x1C800]  }
0x2f9: {  	v6 =	vor.u32 $0x100, v52  }
0x2fa: {  	v7 =	vor.u32 $0x180, v44;
	s15 =	sor.u32 $0x80, s12;
	[tilespmem:v40+s0+$0x0] =	vst.idx.add.f32.msk $0xffff, v62  }
0x2fb: {  	s16 =	sor.u32 $0x90, s12;
	v39 =	vld [tilespmem:s15+$0x1B800]  }
0x2fc: {  	v15 =	vmov v43;
	v43 =	vld [tilespmem:s16+$0x1B800];
	v0 =	vmul.f32 v0, v41  }
0x2fd: {  	v56 =	vld.idx.msk [tilespmem:v54+s3+$0x0], $0xffff  }
0x2fe: {  	[tilespmem:v6+s0+$0x0] =	vst.idx.add.f32.msk $0xffff, v0  }
0x2ff: {  	v44 =	vld.idx.msk [tilespmem:v7+s6+$0x0], $0xffff  }
0x300: {  	v59 =	vld.idx.msk [tilespmem:v47+s1+$0x0], $0xffff  }
0x301: {  	v46 =	vld [tilespmem:s16+$0x1C800]  }
0x302: {  	v52 =	vor.u32 $0x180, v52;
	_ =	sdelay $0x1  }
0x303: {  	v60 =	vand.u32 $0x7F, v39  }
0x304: {  	s12 =	sor.u32 $0xA0, s12;
	v45 =	vld [tilespmem:s15+$0x1C800];
	v49 =	vshll.u32 v39, $0x2;
	v41 =	vmul.f32 v44, v41;
	v56 =	vadd.f32 v59, v56  }
0x305: {  	v55 =	vld [tilespmem:s12+$0x1B800];
	v62 =	vand.u32 $0x7F, v43;
	v63 =	vshll.u32 v43, $0x2;
	v49 =	vand.u32 $0xFFFFFE00, v49  }
0x306: {  	v48 =	vor.u32 v60, v49;
	v49 =	vand.u32 $0xFFFFFE00, v63;
	[tilespmem:v52+s0+$0x0] =	vst.idx.add.f32.msk $0xffff, v41;
	v41 =	vmul.f32 $2.000000030e-01, v56  }
0x307: {  	v11 =	vmovc v9;
	v51 =	vor.u32 v62, v49;
	v49 =	vld [tilespmem:s12+$0x1C800];
	v6 =	vshll.u32 v46, $0x2;
	vm0 =	vgt.f32 v56, $0.0e+00  }
0x308: {  	v9 =	vmovc v57;
	v10 =	vmovc v58;
	v57 =	vand.u32 $0x7F, v46;
	v4 =	vld.idx.msk [tilespmem:v46+s1+$0x0], $0xffff;
	v58 =	vand.u32 $0xFFFFFE00, v6;
	v41 =	vsel vm0, v56, v41  }
0x309: {  	v40 =	vor.u32 v57, v58;
	v57 =	vld.idx.msk [tilespmem:v43+s3+$0x0], $0xffff;
	v41 =	vmul.f32 $1.442695020e+00, v41;
	_ =	sdelay $0x1  }
0x30a: {  	(erf) = vpow2.f32 v41;
	v41 =	vld [tilespmem:$0x1FF80]  }
0x30b: {  	v53 =	vand.u32 $0x7F, v45;
	v61 =	vshll.u32 v45, $0x2;
	v63 =	vld.idx.msk [tilespmem:v45+s1+$0x0], $0xffff;
	v7 =	vshll.u32 v55, $0x2  }
0x30c: {  	v60 =	vand.u32 $0x7F, v55;
	v0 =	vand.u32 $0xFFFFFE00, v61;
	v61 =	vld.idx.msk [tilespmem:v39+s3+$0x0], $0xffff;
	v62 =	vand.u32 $0xFFFFFE00, v7  }
0x30d: {  	v39 =	vor.u32 v53, v0;
	v53 =	vor.u32 v60, v62;
	v44 =	vld.idx.msk [tilespmem:v55+s3+$0x0], $0xffff;
	v4 =	vadd.f32 v4, v57  }
0x30e: {  	v60 =	vor.u32 $0x80, v53;
	v55 =	vshll.u32 v49, $0x2;
	[tilespmem:v36+s0+$0x0] =	vst.idx.add.f32.msk $0xffff, v42  }
0x30f: {  	v43 =	vand.u32 $0x7F, v49;
	v55 =	vand.u32 $0xFFFFFE00, v55;
	v8 =	vld.idx.msk [tilespmem:v24+s6+$0x0], $0xffff;
	v24 =	vmovc v60;
	v60 =	vmul.f32 $2.000000030e-01, v4  }
0x310: {  	v36 =	vor.u32 v43, v55;
	v55 =	vld.idx.msk [tilespmem:v49+s1+$0x0], $0xffff;
	vm1 =	vgt.f32 v4, $0.0e+00  }
0x311: {  	v4 =	vsel vm1, v4, v60;
	v60 =	vld [tilespmem:$0x1FF90]  }
0x312: {  	v52 =	vadd.f32 v63, v61;
	v63 =	vor.u32 $0x100, v36;
	[tilespmem:v41+s0+$0x0] =	vst.idx.add.f32.msk $0xffff, v50  }
0x313: {  	v50 =	vmov v27;
	v27 =	vmov v63;
	v63 =	vld [tilespmem:$0x1FF70];
	_ =	sdelay $0x4  }
0x314: {  	v0 =	vor.u32 $0x80, v48  }
0x315: {  	v56 =	vld.idx.msk [tilespmem:v22+s6+$0x0], $0xffff;
	v22 =	vmov v0;
	v0 =	vmul.f32 $2.000000030e-01, v52  }
0x316: {  	vm14 =	vgt.f32 v52, $0.0e+00;
	v44 =	vadd.f32 v55, v44;
	v55 =	vld.idx.msk [tilespmem:v60+s6+$0x0], $0xffff  }
0x317: {  	v0 =	vsel vm14, v52, v0;
	v52 =	vld.idx.msk [tilespmem:v63+s6+$0x0], $0xffff;
	v63 =	vmov v26  }
0x318: {  	v60 =	vld [tilespmem:$0x1FFA0];
	_ =	sdelay $0x1  }
0x319: {  	[tilespmem:$0x1FF70] =	vst v63;
	v63 =	vmov v33;
	_ =	sdelay $0x1  }
0x31a: {  	v0 =	vmul.f32 $1.442695020e+00, v0  }
0x31b: {  	[tilespmem:$0x1FF90] =	vst v63;
	v63 =	vmov v31;
	v31 =	vld [tilespmem:$0x1FF60]  }
0x31c: {  	v57 =	vld.idx.msk [tilespmem:v23+s6+$0x0], $0xffff;
	(erf) = vpow2.f32 v0;
	v41 =	vor.u32 $0x180, v51  }
0x31d: {  	[tilespmem:v10+s0+$0x0] =	vst.idx.add.f32.msk $0xffff, v37;
	v33 =	vmov v41;
	v41 =	vmul.f32 $2.000000030e-01, v44  }
0x31e: {  	v8 =	vmul.f32 v35, v8;
	v60 =	vld.idx.msk [tilespmem:v60+s6+$0x0], $0xffff  }
0x31f: {  	v4 =	vmul.f32 $1.442695020e+00, v4;
	[tilespmem:v9+s0+$0x0] =	vst.idx.add.f32.msk $0xffff, v19  }
0x320: {  	vm15 =	vgt.f32 v44, $0.0e+00;
	[tilespmem:v34+s0+$0x0] =	vst.idx.add.f32.msk $0xffff, v8  }
0x321: {  	(erf) = vpow2.f32 v4;
	v0 =	vsel vm15, v44, v41;
	[tilespmem:$0x1FFA0] =	vst v63;
	v41 =	vpop (erf)  }
0x322: {  	v56 =	vmul.f32 v18, v56;
	v0 =	vmul.f32 $1.442695020e+00, v0;
	v63 =	vshll.u32 v54, $0x2;
	[tilespmem:v47+s31+$0x0] =	vst.idx.add.f32.msk $0xffff, v41  }
0x323: {  	v62 =	vor.u32 $0x80, v39;
	[tilespmem:v31+s0+$0x0] =	vst.idx.add.f32.msk $0xffff, v38;
	v38 =	vand.u32 $0x7F, v54;
	v54 =	vand.u32 $0xFFFFFE00, v63  }
0x324: {  	(erf) = vpow2.f32 v0;
	[tilespmem:v20+s0+$0x0] =	vst.idx.add.f32.msk $0xffff, v56;
	v20 =	vmov v62;
	v44 =	vor.u32 v38, v54  }
0x325: {  	v62 =	vmul.f32 v25, v57;
	v38 =	vmul.f32 v52, v2;
	v2 =	vmov v18;
	v18 =	vpop (erf);
	v4 =	vld.idx.msk [tilespmem:v32+s6+$0x0], $0xffff  }
0x326: {  	[tilespmem:v45+s31+$0x0] =	vst.idx.add.f32.msk $0xffff, v18  }
0x327: {  	v6 =	vor.u32 $0x100, v51;
	v58 =	vor.u32 $0x80, v51;
	v5 =	vor.u32 $0x80, v40;
	[tilespmem:v21+s0+$0x0] =	vst.idx.add.f32.msk $0xffff, v62  }
0x328: {  	v7 =	vor.u32 $0x100, v53;
	v59 =	vor.u32 $0x100, v48;
	v42 =	vor.u32 $0x100, v40;
	v23 =	vmovc v58;
	v45 =	vld.idx.msk [tilespmem:v48+s6+$0x0], $0xffff  }
0x329: {  	v58 =	vor.u32 $0x180, v48;
	v37 =	vmul.f32 v55, v1;
	v1 =	vmovc v25;
	v21 =	vmovc v5;
	v5 =	vshll.u32 v47, $0x2;
	v0 =	vld.idx.msk [tilespmem:v44+s6+$0x0], $0xffff  }
0x32a: {  	[tilespmem:$0x1FF80] =	vst v50;
	v25 =	vpop (erf);
	v5 =	vand.u32 $0xFFFFFE00, v5;
	v8 =	vld.idx.msk [tilespmem:v28+s6+$0x0], $0xffff;
	v54 =	vmul.f32 v4, v2;
	v4 =	vand.u32 $0x7F, v47  }
0x32b: {  	s14 =	sadd.s32 $0x4, s14;
	v43 =	vor.u32 $0x100, v39;
	v50 =	vor.u32 $0x180, v53;
	[tilespmem:v46+s31+$0x0] =	vst.idx.add.f32.msk $0xffff, v25;
	v52 =	vor.u32 v4, v5  }
0x32c: {  	p2 =	slt.u32 s14, $0x7C;
	v61 =	vor.u32 $0x80, v36;
	v26 =	vmovc v58;
	v58 =	vor.u32 $0x180, v39;
	v4 =	vld.idx.msk [tilespmem:v30+s6+$0x0], $0xffff;
	v5 =	vor.u32 $0x80, v44  }
.Ltmp5:
0x32d: {  	v9 =	vmov v16;
	v19 =	vmul.f32 v60, v3;
	v3 =	vmov v35;
	v35 =	vpop (erf);
	v46 =	vld.idx.msk [tilespmem:v51+s6+$0x0], $0xffff;
	(pc) =	sbr.rel @p2 .LBB2_9-.Ltmp5, $4  }
0x32e: {  	v34 =	vmovc v61;
	v31 =	vmov v50;
	v50 =	vmov v13;
	[tilespmem:v49+s31+$0x0] =	vst.idx.add.f32.msk $0xffff, v35;
	v0 =	vmul.f32 v41, v0  }
0x32f: {  	v13 =	vmovc v29;
	v29 =	vmovc v58;
	v63 =	vor.u32 $0x180, v36;
	v58 =	vmov v11;
	[tilespmem:$0x1FF60] =	vst v50;
	v50 =	vor.u32 $0x180, v40;
	v47 =	vld.idx.msk [tilespmem:v53+s6+$0x0], $0xffff  }
0x330: {  	v57 =	vmovc v12;
	v12 =	vmovc v17;
	v17 =	vmov v63;
	v32 =	vmov v59;
	v16 =	vmov v50;
	[tilespmem:v52+s0+$0x0] =	vst.idx.add.f32.msk $0xffff, v0  }
0x331: {  	p1 =	por !p1, !p1;
	v28 =	vmovc v6;
	v30 =	vmov v7;
	v51 =	vmul.f32 v8, v1;
	v50 =	vmul.f32 v4, v3;
	v48 =	vld.idx.msk [tilespmem:v5+s6+$0x0], $0xffff  }
0x332: {  	_ = 	snop  }
0x333: {  	v0 =	vor.u32 $0x80, v52  }
0x334: {  	v4 =	vor.u32 $0x100, v44;
	_ =	sdelay $0x1  }
0x335: {  	v5 =	vmul.f32 v41, v48;
	_ =	sdelay $0x1  }
0x336: {  	[tilespmem:v0+s0+$0x0] =	vst.idx.add.f32.msk $0xffff, v5  }
0x337: {  	v0 =	vld.idx.msk [tilespmem:v4+s6+$0x0], $0xffff;
	_ =	sdelay $0x1  }
0x338: {  	v11 =	vor.u32 $0x100, v52  }
0x339: {  	v44 =	vor.u32 $0x180, v44;
	_ =	sdelay $0x1  }
0x33a: {  	v0 =	vmul.f32 v0, v41;
	_ =	sdelay $0x1  }
0x33b: {  	[tilespmem:v11+s0+$0x0] =	vst.idx.add.f32.msk $0xffff, v0  }
0x33c: {  	v4 =	vld.idx.msk [tilespmem:v44+s6+$0x0], $0xffff;
	_ =	sdelay $0x1  }
0x33d: {  	[tilespmem:v15+s0+$0x0] =	vst.idx.add.f32.msk $0xffff, v54;
	v6 =	vmul.f32 v18, v45;
	v48 =	vor.u32 $0x180, v52  }
0x33e: {  	v46 =	vmul.f32 v25, v46;
	[tilespmem:v14+s0+$0x0] =	vst.idx.add.f32.msk $0xffff, v51  }
0x33f: {  	[tilespmem:v39+s0+$0x0] =	vst.idx.add.f32.msk $0xffff, v6;
	v47 =	vmul.f32 v35, v47  }
0x340: {  	[tilespmem:v40+s0+$0x0] =	vst.idx.add.f32.msk $0xffff, v46;
	v49 =	vmul.f32 v4, v41  }
0x341: {  	[tilespmem:v36+s0+$0x0] =	vst.idx.add.f32.msk $0xffff, v47  }
0x342: {  	[tilespmem:v48+s0+$0x0] =	vst.idx.add.f32.msk $0xffff, v49  }
0x343: {  	v0 =	vld [tilespmem:$0x1FF80];
	_ =	sdelay $0x2  }
0x344: {  	v6 =	vld.idx.msk [tilespmem:v22+s6+$0x0], $0xffff  }
0x345: {  	v51 =	vld.idx.msk [tilespmem:v23+s6+$0x0], $0xffff  }
0x346: {  	v7 =	vld.idx.msk [tilespmem:v24+s6+$0x0], $0xffff;
	_ =	sdelay $0x2  }
0x347: {  	v52 =	vmul.f32 v18, v6;
	[tilespmem:v0+s0+$0x0] =	vst.idx.add.f32.msk $0xffff, v50  }
0x348: {  	v53 =	vmul.f32 v25, v51;
	v5 =	vld [tilespmem:$0x1FF70]  }
0x349: {  	v55 =	vmul.f32 v35, v7;
	[tilespmem:v20+s0+$0x0] =	vst.idx.add.f32.msk $0xffff, v52  }
0x34a: {  	[tilespmem:v21+s0+$0x0] =	vst.idx.add.f32.msk $0xffff, v53  }
0x34b: {  	[tilespmem:v34+s0+$0x0] =	vst.idx.add.f32.msk $0xffff, v55  }
0x34c: {  	v54 =	vld.idx.msk [tilespmem:v32+s6+$0x0], $0xffff  }
0x34d: {  	v0 =	vld.idx.msk [tilespmem:v28+s6+$0x0], $0xffff  }
0x34e: {  	v6 =	vld.idx.msk [tilespmem:v30+s6+$0x0], $0xffff  }
0x34f: {  	v56 =	vld [tilespmem:$0x1FF90]  }
0x350: {  	v8 =	vld [tilespmem:$0x1FFA0]  }
0x351: {  	v10 =	vld [tilespmem:$0x1FF60]  }
0x352: {  	[tilespmem:v58+s0+$0x0] =	vst.idx.add.f32.msk $0xffff, v37  }
0x353: {  	[tilespmem:v57+s0+$0x0] =	vst.idx.add.f32.msk $0xffff, v19;
	v4 =	vmul.f32 v54, v18  }
0x354: {  	v0 =	vmul.f32 v0, v25;
	v5 =	vld.idx.msk [tilespmem:v5+s6+$0x0], $0xffff  }
0x355: {  	v6 =	vmul.f32 v6, v35;
	[tilespmem:v43+s0+$0x0] =	vst.idx.add.f32.msk $0xffff, v4  }
0x356: {  	[tilespmem:v42+s0+$0x0] =	vst.idx.add.f32.msk $0xffff, v0  }
0x357: {  	[tilespmem:v27+s0+$0x0] =	vst.idx.add.f32.msk $0xffff, v6  }
0x358: {  	v7 =	vld.idx.msk [tilespmem:v56+s6+$0x0], $0xffff  }
0x359: {  	v8 =	vld.idx.msk [tilespmem:v8+s6+$0x0], $0xffff  }
0x35a: {  	v59 =	vld.idx.msk [tilespmem:v26+s6+$0x0], $0xffff  }
0x35b: {  	v60 =	vld.idx.msk [tilespmem:v33+s6+$0x0], $0xffff  }
0x35c: {  	v61 =	vld.idx.msk [tilespmem:v31+s6+$0x0], $0xffff;
	v2 =	vmul.f32 v5, v2  }
0x35d: {  	[tilespmem:v10+s0+$0x0] =	vst.idx.add.f32.msk $0xffff, v38;
	v1 =	vmul.f32 v7, v1  }
0x35e: {  	v3 =	vmul.f32 v8, v3;
	[tilespmem:v13+s0+$0x0] =	vst.idx.add.f32.msk $0xffff, v2  }
.Ltmp6:
0x35f: {  	v0 =	vmul.f32 v59, v18;
	[tilespmem:v9+s0+$0x0] =	vst.idx.add.f32.msk $0xffff, v1;
	(pc) =	sbr.rel @p0 .LBB2_12-.Ltmp6, $4  }
0x360: {  	v62 =	vmul.f32 v60, v25;
	[tilespmem:v12+s0+$0x0] =	vst.idx.add.f32.msk $0xffff, v3  }
0x361: {  	v63 =	vmul.f32 v61, v35;
	[tilespmem:v29+s0+$0x0] =	vst.idx.add.f32.msk $0xffff, v0  }
0x362: {  	[tilespmem:v16+s0+$0x0] =	vst.idx.add.f32.msk $0xffff, v62  }
0x363: {  	[tilespmem:v17+s0+$0x0] =	vst.idx.add.f32.msk $0xffff, v63  }
0x364: {  	s7 =	sadd.s32 s11, s13  }
0x365: {  	s7 =	sshrl.u32 s7, $0x3  }
0x366: {  	s12 =	simm.s32 $0x1B880;
	s11 =	sadd.s32 s4, s7  }
0x367: {  	[tilespmem:s12], [sflag:$0x3] =	stream.linear.gather [hbm4b:s11+s3], $0x80, $0x38;
	[tilespmem:$0x1D800] =	vst v63  }
0x368: {  	s14 =	simm.s32 $0x1B980;
	s17 =	sadd.s32 $0x10, s11  }
0x369: {  	[tilespmem:s14], [sflag:$0x3] =	stream.linear.gather [hbm4b:s17+s3], $0x80, $0x38;
	[tilespmem:$0x1D800] =	vst v63  }
0x36a: {  	s15 =	simm.s32 $0x1BA80;
	s14 =	sadd.s32 $0x20, s11  }
0x36b: {  	[tilespmem:s15], [sflag:$0x3] =	stream.linear.gather [hbm4b:s14+s3], $0x80, $0x38;
	[tilespmem:$0x1D800] =	vst v63  }
0x36c: {  	s16 =	sadd.s32 $0x30, s11;
	s17 =	simm.s32 $0x1BB80  }
0x36d: {  	[tilespmem:s17], [sflag:$0x3] =	stream.linear.gather [hbm4b:s16+s3], $0x80, $0x38;
	[tilespmem:$0x1D800] =	vst v63  }
0x36e: {  	s14 =	sadd.s32 $0x40, s11;
	s15 =	simm.s32 $0x1BC80  }
0x36f: {  	[tilespmem:s15], [sflag:$0x3] =	stream.linear.gather [hbm4b:s14+s3], $0x80, $0x38;
	[tilespmem:$0x1D800] =	vst v63  }
0x370: {  	s16 =	sadd.s32 $0x50, s11;
	s17 =	simm.s32 $0x1BD80  }
0x371: {  	[tilespmem:s17], [sflag:$0x3] =	stream.linear.gather [hbm4b:s16+s3], $0x80, $0x38;
	[tilespmem:$0x1D800] =	vst v63  }
0x372: {  	s14 =	sadd.s32 $0x60, s11;
	s15 =	simm.s32 $0x1BE80  }
0x373: {  	[tilespmem:s15], [sflag:$0x3] =	stream.linear.gather [hbm4b:s14+s3], $0x80, $0x38;
	[tilespmem:$0x1D800] =	vst v63  }
0x374: {  	s16 =	sadd.s32 $0x70, s11;
	s17 =	simm.s32 $0x1BF80  }
0x375: {  	[tilespmem:s17], [sflag:$0x3] =	stream.linear.gather [hbm4b:s16+s3], $0x80, $0x38;
	[tilespmem:$0x1D800] =	vst v63  }
0x376: {  	s14 =	sadd.s32 $0x80, s11;
	s15 =	simm.s32 $0x1C080  }
0x377: {  	[tilespmem:s15], [sflag:$0x3] =	stream.linear.gather [hbm4b:s14+s3], $0x80, $0x38;
	[tilespmem:$0x1D800] =	vst v63  }
0x378: {  	s16 =	sadd.s32 $0x90, s11;
	s17 =	simm.s32 $0x1C180  }
0x379: {  	[tilespmem:s17], [sflag:$0x3] =	stream.linear.gather [hbm4b:s16+s3], $0x80, $0x38;
	[tilespmem:$0x1D800] =	vst v63  }
0x37a: {  	s14 =	sadd.s32 $0xA0, s11;
	s15 =	simm.s32 $0x1C280  }
0x37b: {  	[tilespmem:s15], [sflag:$0x3] =	stream.linear.gather [hbm4b:s14+s3], $0x80, $0x38;
	[tilespmem:$0x1D800] =	vst v63  }
0x37c: {  	s16 =	sadd.s32 $0xB0, s11;
	s17 =	simm.s32 $0x1C380  }
0x37d: {  	[tilespmem:s17], [sflag:$0x3] =	stream.linear.gather [hbm4b:s16+s3], $0x80, $0x38;
	[tilespmem:$0x1D800] =	vst v63  }
0x37e: {  	s14 =	sadd.s32 $0xC0, s11;
	s15 =	simm.s32 $0x1C480  }
0x37f: {  	[tilespmem:s15], [sflag:$0x3] =	stream.linear.gather [hbm4b:s14+s3], $0x80, $0x38;
	[tilespmem:$0x1D800] =	vst v63  }
0x380: {  	s16 =	sadd.s32 $0xD0, s11;
	s17 =	simm.s32 $0x1C580  }
0x381: {  	[tilespmem:s17], [sflag:$0x3] =	stream.linear.gather [hbm4b:s16+s3], $0x80, $0x38;
	[tilespmem:$0x1D800] =	vst v63  }
0x382: {  	s15 =	sadd.s32 $0xE0, s11;
	s16 =	simm.s32 $0x1C680  }
0x383: {  	[tilespmem:s16], [sflag:$0x3] =	stream.linear.gather [hbm4b:s15+s3], $0x80, $0x38;
	[tilespmem:$0x1D800] =	vst v63  }
0x384: {  	s11 =	sadd.s32 $0xF0, s11;
	s17 =	simm.s32 $0x1C780  }
0x385: {  	[tilespmem:s17], [sflag:$0x3] =	stream.linear.gather [hbm4b:s11+s3], $0x80, $0x38;
	[tilespmem:$0x1D800] =	vst v63  }
0x386: {  	s7 =	sadd.s32 s5, s7;
	s12 =	simm.s32 $0x1C880  }
0x387: {  	[tilespmem:s12], [sflag:$0x5] =	stream.linear.gather [hbm4b:s7+s3], $0x80, $0x38;
	[tilespmem:$0x1D800] =	vst v63  }
0x388: {  	s14 =	sadd.s32 $0x10, s7;
	s15 =	simm.s32 $0x1C980  }
0x389: {  	[tilespmem:s15], [sflag:$0x5] =	stream.linear.gather [hbm4b:s14+s3], $0x80, $0x38;
	[tilespmem:$0x1D800] =	vst v63  }
0x38a: {  	s16 =	sadd.s32 $0x20, s7;
	s17 =	simm.s32 $0x1CA80  }
0x38b: {  	[tilespmem:s17], [sflag:$0x5] =	stream.linear.gather [hbm4b:s16+s3], $0x80, $0x38;
	[tilespmem:$0x1D800] =	vst v63  }
0x38c: {  	s14 =	sadd.s32 $0x30, s7;
	s15 =	simm.s32 $0x1CB80  }
0x38d: {  	[tilespmem:s15], [sflag:$0x5] =	stream.linear.gather [hbm4b:s14+s3], $0x80, $0x38;
	[tilespmem:$0x1D800] =	vst v63  }
0x38e: {  	s16 =	sadd.s32 $0x40, s7;
	s17 =	simm.s32 $0x1CC80  }
0x38f: {  	[tilespmem:s17], [sflag:$0x5] =	stream.linear.gather [hbm4b:s16+s3], $0x80, $0x38;
	[tilespmem:$0x1D800] =	vst v63  }
0x390: {  	s14 =	sadd.s32 $0x50, s7;
	s15 =	simm.s32 $0x1CD80  }
0x391: {  	[tilespmem:s15], [sflag:$0x5] =	stream.linear.gather [hbm4b:s14+s3], $0x80, $0x38;
	[tilespmem:$0x1D800] =	vst v63  }
0x392: {  	s16 =	sadd.s32 $0x60, s7;
	s17 =	simm.s32 $0x1CE80  }
0x393: {  	[tilespmem:s17], [sflag:$0x5] =	stream.linear.gather [hbm4b:s16+s3], $0x80, $0x38;
	[tilespmem:$0x1D800] =	vst v63  }
0x394: {  	s12 =	sadd.s32 $0x70, s7;
	s14 =	simm.s32 $0x1CF80  }
0x395: {  	[tilespmem:s14], [sflag:$0x5] =	stream.linear.gather [hbm4b:s12+s3], $0x80, $0x38;
	[tilespmem:$0x1D800] =	vst v63  }
0x396: {  	s15 =	sadd.s32 $0x80, s7;
	s16 =	simm.s32 $0x1D080  }
0x397: {  	[tilespmem:s16], [sflag:$0x5] =	stream.linear.gather [hbm4b:s15+s3], $0x80, $0x38;
	[tilespmem:$0x1D800] =	vst v63  }
0x398: {  	s17 =	sadd.s32 $0x90, s7  }
0x399: {  	[tilespmem:s21], [sflag:$0x5] =	stream.linear.gather [hbm4b:s17+s3], $0x80, $0x38;
	[tilespmem:$0x1D800] =	vst v63  }
0x39a: {  	s12 =	sadd.s32 $0xA0, s7  }
0x39b: {  	[tilespmem:s22], [sflag:$0x5] =	stream.linear.gather [hbm4b:s12+s3], $0x80, $0x38;
	[tilespmem:$0x1D800] =	vst v63  }
0x39c: {  	s14 =	sadd.s32 $0xB0, s7  }
0x39d: {  	[tilespmem:s23], [sflag:$0x5] =	stream.linear.gather [hbm4b:s14+s3], $0x80, $0x38;
	[tilespmem:$0x1D800] =	vst v63  }
0x39e: {  	s15 =	sadd.s32 $0xC0, s7  }
0x39f: {  	[tilespmem:s24], [sflag:$0x5] =	stream.linear.gather [hbm4b:s15+s3], $0x80, $0x38;
	[tilespmem:$0x1D800] =	vst v63  }
0x3a0: {  	s16 =	sadd.s32 $0xD0, s7  }
0x3a1: {  	[tilespmem:s25], [sflag:$0x5] =	stream.linear.gather [hbm4b:s16+s3], $0x80, $0x38;
	[tilespmem:$0x1D800] =	vst v63  }
.Ltmp7:
0x3a2: {  	_ = 	snop;
	(pc) =	sbr.rel .LBB2_4-.Ltmp7, $4  }
0x3a3: {  	s17 =	sadd.s32 $0xE0, s7  }
0x3a4: {  	[tilespmem:s26], [sflag:$0x5] =	stream.linear.gather [hbm4b:s17+s3], $0x80, $0x38;
	[tilespmem:$0x1D800] =	vst v63  }
0x3a5: {  	s10 =	sadd.s32 $0x1, s10;
	s7 =	sadd.s32 $0xF0, s7  }
0x3a6: {  	[tilespmem:s28], [sflag:$0x5] =	stream.linear.gather [hbm4b:s7+s3], $0x80, $0x38;
	[tilespmem:$0x1D800] =	vst v63  }
.LBB2_13:
0x3a7: {  	_ =	sfence.sel $0x180000  }
0x3a8: {  	[bflag:$0x0] =	sbarrier.arrive $0xFFFF  }
0x3a9: {  	_ =	strace $0x90000047  }
0x3aa: {  	s0 =	stileid.u32;
	[bflag:$0x2] =	sbarrier.arrive $0xFFFF  }
0x3ab: {  	p0 =	sne.s32 s0, $0x0;
	s0 =	rddreg [dreg:$0x2]  }
0x3ac: {  	s0 =	sadd.s32 @!p0 $0x100000, s0  }
0x3ad: {  	[sflag:s0] =	ssyncadd.tile.s32 @!p0 $0x1;
	_ =	shalt  }
.Lfunc_end2:
_tile_overlayer_lowered:
.L_overlay_start_2:
0x3ae: {  	(tag) =	ssettag $0x2  }
0x3af: {  	s0 =	rddreg [dreg:$0x0];
	s2 =	stileid.u32  }
0x3b0: {  	s1 =	rddreg [dreg:$0x1];
	p0 =	sne.s32 s2, $0x0  }
0x3b1: {  	s3 =	rddreg [dreg:$0x2];
	[bflag:$0x3] =	sbarrier.arrive $0xFFFF;
	s2 =	simm.s32 @!p0 $0x1C06  }
0x3b2: {  	[timem:s3], [sflag:s2] =	dma.local @!p0 [hbm:s0], s1  }
0x3b3: {  	s0 =	simm.s32 @!p0 $0x6  }
0x3b4: {  	_ =	swait.ge @!p0 [sflag:s0], s1  }
0x3b5: {  	s1 =	ssub.s32 @!p0 $0x0, s1;
	[sflag:s0] =	ssyncset.done @!p0 $0x0  }
0x3b6: {  	[sflag:s0] =	ssyncadd.s32 @!p0 s1  }
0x3b7: {  	[bflag:$0x3] =	sbarrier.arrive $0xFFFF  }
0x3b8: {  	_ =	shalt  }

</sc_bundles>
